<compile_context>
chip_gen: v7x
topology: tpu7x:2x2x1
jax: 0.10.2.dev20260603
libtpu: 0.0.44.dev20260713+nightly
codegen_flags: <defaults>
</compile_context>

<pallas_src>
import functools

import jax
import jax.numpy as jnp
from jax import lax
from jax.experimental import pallas as pl
from jax.experimental.pallas import tpu as pltpu
from jax.experimental.pallas import tpu_sc as plsc

N_NODES = 10000
N_EDGES = 320000
N_GRAPHS = 64

NW = 32
B_EDGE = 128
N_IT = 80
E_PER_W = N_IT * B_EDGE
N_EDGES_PAD = NW * E_PER_W
N_EDGE_PAD = N_EDGES_PAD - N_EDGES
N_SUB = 16
N_PAD = 10240
ROWS_PER_SUB = N_PAD // N_SUB
DEG_D = 16

R_BLK = 2000
NB = N_NODES // R_BLK


def _mesh():
    return plsc.VectorSubcoreMesh(core_axis_name="c", subcore_axis_name="s")


@functools.lru_cache(maxsize=None)
def _make_agg(D):
    be = 256 if D <= 64 else 128
    n_it = E_PER_W // be
    params = (pltpu.CompilerParams(use_tc_tiling_on_sc=False)
              if D <= 64 else pltpu.CompilerParams())

    @functools.partial(
        pl.kernel,
        out_type=jax.ShapeDtypeStruct((2, N_PAD, D), jnp.float32),
        mesh=_mesh(),
        compiler_params=params,
        scratch_types=[
            pltpu.VMEM((n_it // 2, be), jnp.int32),
            pltpu.VMEM((n_it // 2, be), jnp.int32),
            pltpu.VMEM((be, D), jnp.float32),
            pltpu.VMEM((be, D), jnp.float32),
            pltpu.VMEM_SHARED((N_PAD, D), jnp.float32),
            pltpu.SemaphoreType.DMA,
        ],
    )
    def agg(z_hbm, src_hbm, dst_hbm, zeros_hbm, out_hbm, src_v, dst_v,
            rows0, rows1, acc, sem0):
        cid = lax.axis_index("c")
        sid = lax.axis_index("s")
        wid = sid * 2 + cid
        half = n_it // 2
        pltpu.sync_copy(zeros_hbm, acc.at[pl.ds(sid * ROWS_PER_SUB, ROWS_PER_SUB)])
        plsc.subcore_barrier()

        for ph in range(2):
            pltpu.sync_copy(src_hbm.at[wid, pl.ds(ph * half, half)], src_v)
            pltpu.sync_copy(dst_hbm.at[wid, pl.ds(ph * half, half)], dst_v)
            pltpu.async_copy(z_hbm.at[src_v.at[0]], rows0, sem0)

            def body(j, carry):
                i0 = 2 * j
                i1 = i0 + 1
                i2 = jnp.minimum(i0 + 2, half - 1)
                pltpu.make_async_copy(z_hbm.at[src_v.at[i0]], rows0, sem0).wait()
                pltpu.async_copy(z_hbm.at[src_v.at[i1]], rows1, sem0)
                pltpu.sync_copy(rows0, acc.at[dst_v.at[i0]], add=True)
                pltpu.make_async_copy(z_hbm.at[src_v.at[i1]], rows1, sem0).wait()
                pltpu.async_copy(z_hbm.at[src_v.at[i2]], rows0, sem0)
                pltpu.sync_copy(rows1, acc.at[dst_v.at[i1]], add=True)
                return carry

            lax.fori_loop(0, half // 2, body, 0)
            pltpu.make_async_copy(z_hbm.at[src_v.at[half - 1]], rows0, sem0).wait()

        plsc.subcore_barrier()
        pltpu.sync_copy(acc.at[pl.ds(sid * ROWS_PER_SUB, ROWS_PER_SUB)],
                        out_hbm.at[cid, pl.ds(sid * ROWS_PER_SUB, ROWS_PER_SUB)])

    return agg


@functools.lru_cache(maxsize=None)
def _make_deg():

    @functools.partial(
        pl.kernel,
        out_type=jax.ShapeDtypeStruct((2, N_PAD, DEG_D), jnp.float32),
        mesh=_mesh(),
        compiler_params=pltpu.CompilerParams(use_tc_tiling_on_sc=False),
        scratch_types=[
            pltpu.VMEM((E_PER_W // 256, 256), jnp.int32),
            pltpu.VMEM((256, DEG_D), jnp.float32),
            pltpu.VMEM_SHARED((N_PAD, DEG_D), jnp.float32),
        ],
    )
    def degk(dst_hbm, ones_hbm, zeros_hbm, out_hbm, dst_v, ones_v, acc):
        cid = lax.axis_index("c")
        sid = lax.axis_index("s")
        wid = sid * 2 + cid
        pltpu.sync_copy(zeros_hbm, acc.at[pl.ds(sid * ROWS_PER_SUB, ROWS_PER_SUB)])
        pltpu.sync_copy(ones_hbm, ones_v)
        pltpu.sync_copy(dst_hbm.at[wid], dst_v)
        plsc.subcore_barrier()

        def body(i, carry):
            pltpu.sync_copy(ones_v, acc.at[dst_v.at[i]], add=True)
            return carry

        lax.fori_loop(0, E_PER_W // 256, body, 0)
        plsc.subcore_barrier()
        pltpu.sync_copy(acc.at[pl.ds(sid * ROWS_PER_SUB, ROWS_PER_SUB)],
                        out_hbm.at[cid, pl.ds(sid * ROWS_PER_SUB, ROWS_PER_SUB)])

    return degk


def _dinv(dp_ref):
    deg = dp_ref[0, :, 0:1] + dp_ref[1, :, 0:1] + 1.0
    return lax.rsqrt(deg)


def _scale_matmul_body(x_ref, w_ref, dp_ref, o_ref):
    dinv = _dinv(dp_ref)
    o_ref[...] = jnp.dot(x_ref[...], w_ref[...],
                         preferred_element_type=jnp.float32) * dinv


def _combine_body(u0_ref, u1_ref, z_ref, dp_ref, b_ref, w_ref, o_ref):
    dinv = _dinv(dp_ref)
    h = (u0_ref[0] + u1_ref[0] + z_ref[...]) * dinv + b_ref[...]
    h = jnp.maximum(h, 0.0)
    o_ref[...] = jnp.dot(h, w_ref[...],
                         preferred_element_type=jnp.float32) * dinv


def _final_body(u0_ref, u1_ref, z_ref, dp_ref, b_ref, bt_ref,
                wl_ref, bl_ref, o_ref, s_acc, c_acc):
    i = pl.program_id(0)

    @pl.when(i == 0)
    def _():
        s_acc[...] = jnp.zeros_like(s_acc)
        c_acc[...] = jnp.zeros_like(c_acc)

    dinv = _dinv(dp_ref)
    h = (u0_ref[0] + u1_ref[0] + z_ref[...]) * dinv + b_ref[...]
    bt = bt_ref[0, 0, :]
    gids = lax.broadcasted_iota(jnp.int32, (N_GRAPHS, R_BLK), 0)
    mask = jnp.where(bt[None, :] == gids, 1.0, 0.0)
    s_acc[...] += jnp.dot(mask, h, preferred_element_type=jnp.float32)
    c_acc[...] += jnp.sum(mask, axis=1, keepdims=True)

    @pl.when(i == NB - 1)
    def _():
        g = s_acc[...] / jnp.maximum(c_acc[:, 0:1], 1.0)
        o_ref[...] = jnp.dot(g, wl_ref[...],
                             preferred_element_type=jnp.float32) + bl_ref[...]


def _scale_matmul(x, w, degp):
    din, dout = w.shape
    return pl.pallas_call(
        _scale_matmul_body,
        grid=(NB,),
        in_specs=[
            pl.BlockSpec((R_BLK, din), lambda i: (i, 0)),
            pl.BlockSpec((din, dout), lambda i: (0, 0)),
            pl.BlockSpec((2, R_BLK, DEG_D), lambda i: (0, i, 0)),
        ],
        out_specs=pl.BlockSpec((R_BLK, dout), lambda i: (i, 0)),
        out_shape=jax.ShapeDtypeStruct((N_NODES, dout), jnp.float32),
    )(x, w, degp)


def _combine(u, z, degp, b, w):
    din, dout = w.shape
    return pl.pallas_call(
        _combine_body,
        grid=(NB,),
        in_specs=[
            pl.BlockSpec((1, R_BLK, din), lambda i: (0, i, 0)),
            pl.BlockSpec((1, R_BLK, din), lambda i: (1, i, 0)),
            pl.BlockSpec((R_BLK, din), lambda i: (i, 0)),
            pl.BlockSpec((2, R_BLK, DEG_D), lambda i: (0, i, 0)),
            pl.BlockSpec((1, din), lambda i: (0, 0)),
            pl.BlockSpec((din, dout), lambda i: (0, 0)),
        ],
        out_specs=pl.BlockSpec((R_BLK, dout), lambda i: (i, 0)),
        out_shape=jax.ShapeDtypeStruct((N_NODES, dout), jnp.float32),
    )(u, u, z, degp, b, w)


def _final(u, z, degp, b, bt, wl, bl):
    din = z.shape[1]
    return pl.pallas_call(
        _final_body,
        grid=(NB,),
        in_specs=[
            pl.BlockSpec((1, R_BLK, din), lambda i: (0, i, 0)),
            pl.BlockSpec((1, R_BLK, din), lambda i: (1, i, 0)),
            pl.BlockSpec((R_BLK, din), lambda i: (i, 0)),
            pl.BlockSpec((2, R_BLK, DEG_D), lambda i: (0, i, 0)),
            pl.BlockSpec((1, din), lambda i: (0, 0)),
            pl.BlockSpec((1, 1, R_BLK), lambda i: (i, 0, 0)),
            pl.BlockSpec((din, 2), lambda i: (0, 0)),
            pl.BlockSpec((1, 2), lambda i: (0, 0)),
        ],
        out_specs=pl.BlockSpec((N_GRAPHS, 2), lambda i: (0, 0)),
        out_shape=jax.ShapeDtypeStruct((N_GRAPHS, 2), jnp.float32),
        scratch_shapes=[
            pltpu.VMEM((N_GRAPHS, 32), jnp.float32),
            pltpu.VMEM((N_GRAPHS, 128), jnp.float32),
        ],
    )(u, u, z, degp, b, bt, wl, bl)


def _deg_partials(dst3):
    ones = jnp.ones((256, DEG_D), jnp.float32)
    zeros = jnp.zeros((ROWS_PER_SUB, DEG_D), jnp.float32)
    return _make_deg()(dst3.reshape(NW, -1, 256), ones, zeros)



def _agg_call(z, src3, dst3):
    D = z.shape[1]
    be = 256 if D <= 64 else 128
    zeros = jnp.zeros((ROWS_PER_SUB, D), jnp.float32)
    return _make_agg(D)(z, src3.reshape(NW, -1, be), dst3.reshape(NW, -1, be),
                        zeros)


def kernel(x, edge_index, batch, W1, b1, W2, b2, W3, b3, Wl, bl):
    e = jnp.arange(N_EDGE_PAD, dtype=jnp.int32)
    pad_src = e & 8191
    pad_dst = N_NODES + (e & 127)
    src3 = jnp.concatenate([edge_index[0].astype(jnp.int32), pad_src]
                           ).reshape(NW, N_IT, B_EDGE)
    dst3 = jnp.concatenate([edge_index[1].astype(jnp.int32), pad_dst]
                           ).reshape(NW, N_IT, B_EDGE)

    degp = _deg_partials(dst3)

    z1 = _scale_matmul(x, W1, degp)
    u1 = _agg_call(z1, src3, dst3)
    z2 = _combine(u1, z1, degp, b1.reshape(1, -1), W2)
    u2 = _agg_call(z2, src3, dst3)
    z3 = _combine(u2, z2, degp, b2.reshape(1, -1), W3)
    u3 = _agg_call(z3, src3, dst3)
    out = _final(u3, z3, degp, b3.reshape(1, -1),
                 batch.astype(jnp.int32).reshape(NB, 1, R_BLK),
                 Wl, bl.reshape(1, 2))
    return out

# --- scband reference (transcript-rebuilt; emitter-appended) ---
"""Pipeline reference for scband-gcn-61770219651386 (READ-ONLY COPY).

The authoritative reference and input builder live on the scoring server;
editing this copy changes nothing except your own understanding.
"""

import jax, jax.numpy as jnp
import numpy as np

N_NODES = 10000
N_EDGES = 320000
N_GRAPHS = 64

def gcn_conv(x, W, b, src, dst, num_nodes):
    # PyG GCNConv: linear transform, add self-loops, symmetric normalization, sum aggregate, bias
    x = x @ W
    loop = jnp.arange(num_nodes, dtype=src.dtype)
    src2 = jnp.concatenate([src, loop])
    dst2 = jnp.concatenate([dst, loop])
    deg = jax.ops.segment_sum(jnp.ones_like(dst2, dtype=x.dtype), dst2, num_segments=num_nodes)
    dinv = jnp.where(deg > 0, deg ** -0.5, 0.0)
    norm = dinv[src2] * dinv[dst2]
    msg = x[src2] * norm[:, None]
    out = jax.ops.segment_sum(msg, dst2, num_segments=num_nodes)
    return out + b

def global_mean_pool(x, batch, num_graphs):
    s = jax.ops.segment_sum(x, batch, num_segments=num_graphs)
    cnt = jax.ops.segment_sum(jnp.ones((x.shape[0],), dtype=x.dtype), batch, num_segments=num_graphs)
    return s / jnp.maximum(cnt, 1.0)[:, None]

def setup_inputs(seed: int = 0):
    key = jax.random.key(seed)
    k = jax.random.split(key, 12)
    d_in, h = 128, 128
    x = jax.random.normal(k[0], (N_NODES, d_in), dtype=jnp.float32)
    edge_index = jax.random.randint(k[1], (2, N_EDGES), 0, N_NODES, dtype=jnp.int64 if jax.config.jax_enable_x64 else jnp.int32)
    batch = jnp.sort(jax.random.randint(k[2], (N_NODES,), 0, N_GRAPHS))
    def glorot(key, fan_in, fan_out):
        lim = (6.0 / (fan_in + fan_out)) ** 0.5
        return jax.random.uniform(key, (fan_in, fan_out), minval=-lim, maxval=lim, dtype=jnp.float32)
    W1 = glorot(k[3], d_in, h);      b1 = jnp.zeros((h,), jnp.float32)
    W2 = glorot(k[4], h, h // 2);    b2 = jnp.zeros((h // 2,), jnp.float32)
    W3 = glorot(k[5], h // 2, h // 4); b3 = jnp.zeros((h // 4,), jnp.float32)
    Wl = glorot(k[6], h // 4, 2);    bl = jnp.zeros((2,), jnp.float32)
    return {"x": x, "edge_index": edge_index, "batch": batch,
            "W1": W1, "b1": b1, "W2": W2, "b2": b2, "W3": W3, "b3": b3, "Wl": Wl, "bl": bl}

def reference(x, edge_index, batch, W1, b1, W2, b2, W3, b3, Wl, bl):
    src, dst = edge_index[0], edge_index[1]
    h = gcn_conv(x, W1, b1, src, dst, N_NODES)
    h = jax.nn.relu(h)
    h = gcn_conv(h, W2, b2, src, dst, N_NODES)
    h = jax.nn.relu(h)
    h = gcn_conv(h, W3, b3, src, dst, N_NODES)
    g = global_mean_pool(h, batch, N_GRAPHS)
    # F.dropout with training=False is identity (eval mode)
    out = g @ Wl + bl
    return out

if __name__ == "__main__":
    import jax
    _d = setup_inputs()
    print(jax.jit(kernel)(*tuple(_d.values())))

</pallas_src>

<mosaic_0001>
#map = affine_map<(d0, d1) -> (0, 0)>
#map1 = affine_map<(d0, d1) -> (0, 0, 0)>
module attributes {stable_mosaic.version = 14 : i64} {
  func.func @agg(%arg0: i32, %arg1: i32, %arg2: memref<10000x32xf32, #tpu.memory_space<hbm>>, %arg3: memref<32x40x256xi32, #tpu.memory_space<hbm>>, %arg4: memref<32x40x256xi32, #tpu.memory_space<hbm>>, %arg5: memref<640x32xf32, #tpu.memory_space<hbm>>, %arg6: memref<2x10240x32xf32, #tpu.memory_space<hbm>>, %arg7: memref<20x256xi32, #tpu.memory_space<vmem>>, %arg8: memref<20x256xi32, #tpu.memory_space<vmem>>, %arg9: memref<256x32xf32, #tpu.memory_space<vmem>>, %arg10: memref<256x32xf32, #tpu.memory_space<vmem>>, %arg11: memref<10240x32xf32, #tpu.memory_space<vmem_shared>>, %arg12: memref<!tpu.dma_semaphore, #tpu.memory_space<semaphore_mem>>) attributes {dimension_semantics = [#tpu.dimension_semantics<core_parallel>, #tpu.dimension_semantics<subcore_parallel>], iteration_bounds = array<i64: 2, 16>, scalar_prefetch = 0 : i64, scratch_operands = 6 : i64, tpu.core_type = #tpu.core_type<sc_vector_subcore>, window_params = [{transform_indices = #map}, {transform_indices = #map1}, {transform_indices = #map1}, {transform_indices = #map}, {transform_indices = #map1}]} {
    %mul3A = arith.constant 2 : i32
    %mul3A_0 = arith.muli %arg1, %mul3A : i32
    %add3A = arith.addi %mul3A_0, %arg0 : i32
    %mul3A_1 = arith.constant 640 : i32
    %mul3A_2 = arith.muli %arg1, %mul3A_1 : i32
    "tpu.region"() ({
      %run_scoped3A = tpu.sem_alloc : memref<!tpu.dma_semaphore, #tpu.memory_space<semaphore_mem>>
      %dma_start3A_45 = arith.constant 0 : i32
      %dma_start3A_46 = tpu.memref_slice %arg11[%mul3A_2, %dma_start3A_45] : memref<10240x32xf32, #tpu.memory_space<vmem_shared>> -> memref<640x32xf32, #tpu.memory_space<vmem_shared>>
      tpu.enqueue_dma source(%arg5 : memref<640x32xf32, #tpu.memory_space<hbm>>) target(%dma_start3A_46 : memref<640x32xf32, #tpu.memory_space<vmem_shared>>) target_semaphore(%run_scoped3A : memref<!tpu.dma_semaphore, #tpu.memory_space<semaphore_mem>>)
      %dma_wait3A_47 = arith.constant 0 : i32
      %dma_wait3A_48 = tpu.memref_slice %arg11[%mul3A_2, %dma_wait3A_47] : memref<10240x32xf32, #tpu.memory_space<vmem_shared>> -> memref<640x32xf32, #tpu.memory_space<vmem_shared>>
      tpu.wait_dma2 semaphore(%run_scoped3A : memref<!tpu.dma_semaphore, #tpu.memory_space<semaphore_mem>>) src(%arg5 : memref<640x32xf32, #tpu.memory_space<hbm>>) dst(%dma_wait3A_48 : memref<640x32xf32, #tpu.memory_space<vmem_shared>>)
      tpu.yield
    }) : () -> ()
    %barrier3A = arith.constant 0 : index
    tpu.barrier barrier_id(%barrier3A)
    "tpu.region"() ({
      %run_scoped3A = tpu.sem_alloc : memref<!tpu.dma_semaphore, #tpu.memory_space<semaphore_mem>>
      %dma_start3A_45 = arith.constant 0 : i32
      %dma_start3A_46 = arith.constant 0 : i32
      %dma_start3A_47 = tpu.memref_slice %arg3[%add3A, %dma_start3A_45, %dma_start3A_46] : memref<32x40x256xi32, #tpu.memory_space<hbm>> -> memref<1x20x256xi32, #tpu.memory_space<hbm>>
      %dma_start3A_48 = tpu.memref_squeeze %dma_start3A_47 : memref<1x20x256xi32, #tpu.memory_space<hbm>> -> memref<20x256xi32, #tpu.memory_space<hbm>>
      %dma_start3A_49 = arith.constant 0 : i32
      %dma_start3A_50 = arith.constant 0 : i32
      %dma_start3A_51 = tpu.memref_slice %arg3[%add3A, %dma_start3A_49, %dma_start3A_50] : memref<32x40x256xi32, #tpu.memory_space<hbm>> -> memref<1x20x256xi32, #tpu.memory_space<hbm>>
      %dma_start3A_52 = tpu.memref_squeeze %dma_start3A_51 : memref<1x20x256xi32, #tpu.memory_space<hbm>> -> memref<20x256xi32, #tpu.memory_space<hbm>>
      tpu.enqueue_dma source(%dma_start3A_52 : memref<20x256xi32, #tpu.memory_space<hbm>>) target(%arg7 : memref<20x256xi32, #tpu.memory_space<vmem>>) target_semaphore(%run_scoped3A : memref<!tpu.dma_semaphore, #tpu.memory_space<semaphore_mem>>)
      %dma_wait3A_53 = arith.constant 0 : i32
      %dma_wait3A_54 = arith.constant 0 : i32
      %dma_wait3A_55 = tpu.memref_slice %arg3[%add3A, %dma_wait3A_53, %dma_wait3A_54] : memref<32x40x256xi32, #tpu.memory_space<hbm>> -> memref<1x20x256xi32, #tpu.memory_space<hbm>>
      %dma_wait3A_56 = tpu.memref_squeeze %dma_wait3A_55 : memref<1x20x256xi32, #tpu.memory_space<hbm>> -> memref<20x256xi32, #tpu.memory_space<hbm>>
      %dma_wait3A_57 = arith.constant 0 : i32
      %dma_wait3A_58 = arith.constant 0 : i32
      %dma_wait3A_59 = tpu.memref_slice %arg3[%add3A, %dma_wait3A_57, %dma_wait3A_58] : memref<32x40x256xi32, #tpu.memory_space<hbm>> -> memref<1x20x256xi32, #tpu.memory_space<hbm>>
      %dma_wait3A_60 = tpu.memref_squeeze %dma_wait3A_59 : memref<1x20x256xi32, #tpu.memory_space<hbm>> -> memref<20x256xi32, #tpu.memory_space<hbm>>
      tpu.wait_dma2 semaphore(%run_scoped3A : memref<!tpu.dma_semaphore, #tpu.memory_space<semaphore_mem>>) src(%dma_wait3A_60 : memref<20x256xi32, #tpu.memory_space<hbm>>) dst(%arg7 : memref<20x256xi32, #tpu.memory_space<vmem>>)
      tpu.yield
    }) : () -> ()
    "tpu.region"() ({
      %run_scoped3A = tpu.sem_alloc : memref<!tpu.dma_semaphore, #tpu.memory_space<semaphore_mem>>
      %dma_start3A_45 = arith.constant 0 : i32
      %dma_start3A_46 = arith.constant 0 : i32
      %dma_start3A_47 = tpu.memref_slice %arg4[%add3A, %dma_start3A_45, %dma_start3A_46] : memref<32x40x256xi32, #tpu.memory_space<hbm>> -> memref<1x20x256xi32, #tpu.memory_space<hbm>>
      %dma_start3A_48 = tpu.memref_squeeze %dma_start3A_47 : memref<1x20x256xi32, #tpu.memory_space<hbm>> -> memref<20x256xi32, #tpu.memory_space<hbm>>
      %dma_start3A_49 = arith.constant 0 : i32
      %dma_start3A_50 = arith.constant 0 : i32
      %dma_start3A_51 = tpu.memref_slice %arg4[%add3A, %dma_start3A_49, %dma_start3A_50] : memref<32x40x256xi32, #tpu.memory_space<hbm>> -> memref<1x20x256xi32, #tpu.memory_space<hbm>>
      %dma_start3A_52 = tpu.memref_squeeze %dma_start3A_51 : memref<1x20x256xi32, #tpu.memory_space<hbm>> -> memref<20x256xi32, #tpu.memory_space<hbm>>
      tpu.enqueue_dma source(%dma_start3A_52 : memref<20x256xi32, #tpu.memory_space<hbm>>) target(%arg8 : memref<20x256xi32, #tpu.memory_space<vmem>>) target_semaphore(%run_scoped3A : memref<!tpu.dma_semaphore, #tpu.memory_space<semaphore_mem>>)
      %dma_wait3A_53 = arith.constant 0 : i32
      %dma_wait3A_54 = arith.constant 0 : i32
      %dma_wait3A_55 = tpu.memref_slice %arg4[%add3A, %dma_wait3A_53, %dma_wait3A_54] : memref<32x40x256xi32, #tpu.memory_space<hbm>> -> memref<1x20x256xi32, #tpu.memory_space<hbm>>
      %dma_wait3A_56 = tpu.memref_squeeze %dma_wait3A_55 : memref<1x20x256xi32, #tpu.memory_space<hbm>> -> memref<20x256xi32, #tpu.memory_space<hbm>>
      %dma_wait3A_57 = arith.constant 0 : i32
      %dma_wait3A_58 = arith.constant 0 : i32
      %dma_wait3A_59 = tpu.memref_slice %arg4[%add3A, %dma_wait3A_57, %dma_wait3A_58] : memref<32x40x256xi32, #tpu.memory_space<hbm>> -> memref<1x20x256xi32, #tpu.memory_space<hbm>>
      %dma_wait3A_60 = tpu.memref_squeeze %dma_wait3A_59 : memref<1x20x256xi32, #tpu.memory_space<hbm>> -> memref<20x256xi32, #tpu.memory_space<hbm>>
      tpu.wait_dma2 semaphore(%run_scoped3A : memref<!tpu.dma_semaphore, #tpu.memory_space<semaphore_mem>>) src(%dma_wait3A_60 : memref<20x256xi32, #tpu.memory_space<hbm>>) dst(%arg8 : memref<20x256xi32, #tpu.memory_space<vmem>>)
      tpu.yield
    }) : () -> ()
    %dma_start3A = arith.constant 0 : i32
    %dma_start3A_3 = arith.constant 0 : i32
    %dma_start3A_4 = tpu.memref_slice %arg7[%dma_start3A, %dma_start3A_3] : memref<20x256xi32, #tpu.memory_space<vmem>> -> memref<1x256xi32, #tpu.memory_space<vmem>>
    %dma_start3A_5 = tpu.memref_squeeze %dma_start3A_4 : memref<1x256xi32, #tpu.memory_space<vmem>> -> memref<256xi32, #tpu.memory_space<vmem>>
    %dma_start3A_6 = arith.constant 0 : i32
    %dma_start3A_7 = arith.constant 0 : i32
    %dma_start3A_8 = tpu.memref_slice %arg2[%dma_start3A_6, %dma_start3A_7] : memref<10000x32xf32, #tpu.memory_space<hbm>> -> memref<10000x32xf32, #tpu.memory_space<hbm>>
    tpu.enqueue_indirect_dma source(%dma_start3A_8 : memref<10000x32xf32, #tpu.memory_space<hbm>>) target(%arg9 : memref<256x32xf32, #tpu.memory_space<vmem>>) offsets(%dma_start3A_5 : memref<256xi32, #tpu.memory_space<vmem>>) semaphore(%arg12 : memref<!tpu.dma_semaphore, #tpu.memory_space<semaphore_mem>>)
    %scan3A = arith.constant 0 : i32
    %scan3A_9 = arith.constant 0 : i32
    %scan3A_10 = arith.constant 10 : i32
    %scan3A_11 = arith.addi %scan3A_9, %scan3A_10 : i32
    %scan3A_12 = arith.constant 1 : i32
    scf.for %scan3A_45 = %scan3A_9 to %scan3A_11 step %scan3A_12  : i32 {
      %mul3A_46 = arith.constant 2 : i32
      %mul3A_47 = arith.muli %mul3A_46, %scan3A_45 : i32
      %add3A_48 = arith.constant 1 : i32
      %add3A_49 = arith.addi %mul3A_47, %add3A_48 : i32
      %add3A_50 = arith.constant 2 : i32
      %add3A_51 = arith.addi %mul3A_47, %add3A_50 : i32
      %min3A = arith.constant 19 : i32
      %min3A_52 = arith.minsi %add3A_51, %min3A : i32
      %dma_wait3A_53 = arith.constant 0 : i32
      %dma_wait3A_54 = tpu.memref_slice %arg7[%mul3A_47, %dma_wait3A_53] : memref<20x256xi32, #tpu.memory_space<vmem>> -> memref<1x256xi32, #tpu.memory_space<vmem>>
      %dma_wait3A_55 = tpu.memref_squeeze %dma_wait3A_54 : memref<1x256xi32, #tpu.memory_space<vmem>> -> memref<256xi32, #tpu.memory_space<vmem>>
      %dma_wait3A_56 = arith.constant 0 : i32
      %dma_wait3A_57 = arith.constant 0 : i32
      %dma_wait3A_58 = tpu.memref_slice %arg2[%dma_wait3A_56, %dma_wait3A_57] : memref<10000x32xf32, #tpu.memory_space<hbm>> -> memref<10000x32xf32, #tpu.memory_space<hbm>>
      tpu.wait_indirect_dma semaphore(%arg12 : memref<!tpu.dma_semaphore, #tpu.memory_space<semaphore_mem>>) src(%dma_wait3A_58 : memref<10000x32xf32, #tpu.memory_space<hbm>>) dst(%arg9 : memref<256x32xf32, #tpu.memory_space<vmem>>)
      %dma_start3A_59 = arith.constant 0 : i32
      %dma_start3A_60 = tpu.memref_slice %arg7[%add3A_49, %dma_start3A_59] : memref<20x256xi32, #tpu.memory_space<vmem>> -> memref<1x256xi32, #tpu.memory_space<vmem>>
      %dma_start3A_61 = tpu.memref_squeeze %dma_start3A_60 : memref<1x256xi32, #tpu.memory_space<vmem>> -> memref<256xi32, #tpu.memory_space<vmem>>
      %dma_start3A_62 = arith.constant 0 : i32
      %dma_start3A_63 = arith.constant 0 : i32
      %dma_start3A_64 = tpu.memref_slice %arg2[%dma_start3A_62, %dma_start3A_63] : memref<10000x32xf32, #tpu.memory_space<hbm>> -> memref<10000x32xf32, #tpu.memory_space<hbm>>
      tpu.enqueue_indirect_dma source(%dma_start3A_64 : memref<10000x32xf32, #tpu.memory_space<hbm>>) target(%arg10 : memref<256x32xf32, #tpu.memory_space<vmem>>) offsets(%dma_start3A_61 : memref<256xi32, #tpu.memory_space<vmem>>) semaphore(%arg12 : memref<!tpu.dma_semaphore, #tpu.memory_space<semaphore_mem>>)
      "tpu.region"() ({
        %run_scoped3A = tpu.sem_alloc : memref<!tpu.dma_semaphore, #tpu.memory_space<semaphore_mem>>
        %dma_start3A_77 = arith.constant 0 : i32
        %dma_start3A_78 = tpu.memref_slice %arg8[%mul3A_47, %dma_start3A_77] : memref<20x256xi32, #tpu.memory_space<vmem>> -> memref<1x256xi32, #tpu.memory_space<vmem>>
        %dma_start3A_79 = tpu.memref_squeeze %dma_start3A_78 : memref<1x256xi32, #tpu.memory_space<vmem>> -> memref<256xi32, #tpu.memory_space<vmem>>
        %dma_start3A_80 = arith.constant 0 : i32
        %dma_start3A_81 = arith.constant 0 : i32
        %dma_start3A_82 = tpu.memref_slice %arg11[%dma_start3A_80, %dma_start3A_81] : memref<10240x32xf32, #tpu.memory_space<vmem_shared>> -> memref<10240x32xf32, #tpu.memory_space<vmem_shared>>
        tpu.enqueue_indirect_dma source(%arg9 : memref<256x32xf32, #tpu.memory_space<vmem>>) target(%dma_start3A_82 : memref<10240x32xf32, #tpu.memory_space<vmem_shared>>) offsets(%dma_start3A_79 : memref<256xi32, #tpu.memory_space<vmem>>) semaphore(%run_scoped3A : memref<!tpu.dma_semaphore, #tpu.memory_space<semaphore_mem>>) {add = true}
        %dma_wait3A_83 = arith.constant 0 : i32
        %dma_wait3A_84 = tpu.memref_slice %arg8[%mul3A_47, %dma_wait3A_83] : memref<20x256xi32, #tpu.memory_space<vmem>> -> memref<1x256xi32, #tpu.memory_space<vmem>>
        %dma_wait3A_85 = tpu.memref_squeeze %dma_wait3A_84 : memref<1x256xi32, #tpu.memory_space<vmem>> -> memref<256xi32, #tpu.memory_space<vmem>>
        %dma_wait3A_86 = arith.constant 0 : i32
        %dma_wait3A_87 = arith.constant 0 : i32
        %dma_wait3A_88 = tpu.memref_slice %arg11[%dma_wait3A_86, %dma_wait3A_87] : memref<10240x32xf32, #tpu.memory_space<vmem_shared>> -> memref<10240x32xf32, #tpu.memory_space<vmem_shared>>
        tpu.wait_indirect_dma semaphore(%run_scoped3A : memref<!tpu.dma_semaphore, #tpu.memory_space<semaphore_mem>>) src(%arg9 : memref<256x32xf32, #tpu.memory_space<vmem>>) dst(%dma_wait3A_88 : memref<10240x32xf32, #tpu.memory_space<vmem_shared>>)
        tpu.yield
      }) : () -> ()
      %dma_wait3A_65 = arith.constant 0 : i32
      %dma_wait3A_66 = tpu.memref_slice %arg7[%add3A_49, %dma_wait3A_65] : memref<20x256xi32, #tpu.memory_space<vmem>> -> memref<1x256xi32, #tpu.memory_space<vmem>>
      %dma_wait3A_67 = tpu.memref_squeeze %dma_wait3A_66 : memref<1x256xi32, #tpu.memory_space<vmem>> -> memref<256xi32, #tpu.memory_space<vmem>>
      %dma_wait3A_68 = arith.constant 0 : i32
      %dma_wait3A_69 = arith.constant 0 : i32
      %dma_wait3A_70 = tpu.memref_slice %arg2[%dma_wait3A_68, %dma_wait3A_69] : memref<10000x32xf32, #tpu.memory_space<hbm>> -> memref<10000x32xf32, #tpu.memory_space<hbm>>
      tpu.wait_indirect_dma semaphore(%arg12 : memref<!tpu.dma_semaphore, #tpu.memory_space<semaphore_mem>>) src(%dma_wait3A_70 : memref<10000x32xf32, #tpu.memory_space<hbm>>) dst(%arg10 : memref<256x32xf32, #tpu.memory_space<vmem>>)
      %dma_start3A_71 = arith.constant 0 : i32
      %dma_start3A_72 = tpu.memref_slice %arg7[%min3A_52, %dma_start3A_71] : memref<20x256xi32, #tpu.memory_space<vmem>> -> memref<1x256xi32, #tpu.memory_space<vmem>>
      %dma_start3A_73 = tpu.memref_squeeze %dma_start3A_72 : memref<1x256xi32, #tpu.memory_space<vmem>> -> memref<256xi32, #tpu.memory_space<vmem>>
      %dma_start3A_74 = arith.constant 0 : i32
      %dma_start3A_75 = arith.constant 0 : i32
      %dma_start3A_76 = tpu.memref_slice %arg2[%dma_start3A_74, %dma_start3A_75] : memref<10000x32xf32, #tpu.memory_space<hbm>> -> memref<10000x32xf32, #tpu.memory_space<hbm>>
      tpu.enqueue_indirect_dma source(%dma_start3A_76 : memref<10000x32xf32, #tpu.memory_space<hbm>>) target(%arg9 : memref<256x32xf32, #tpu.memory_space<vmem>>) offsets(%dma_start3A_73 : memref<256xi32, #tpu.memory_space<vmem>>) semaphore(%arg12 : memref<!tpu.dma_semaphore, #tpu.memory_space<semaphore_mem>>)
      "tpu.region"() ({
        %run_scoped3A = tpu.sem_alloc : memref<!tpu.dma_semaphore, #tpu.memory_space<semaphore_mem>>
        %dma_start3A_77 = arith.constant 0 : i32
        %dma_start3A_78 = tpu.memref_slice %arg8[%add3A_49, %dma_start3A_77] : memref<20x256xi32, #tpu.memory_space<vmem>> -> memref<1x256xi32, #tpu.memory_space<vmem>>
        %dma_start3A_79 = tpu.memref_squeeze %dma_start3A_78 : memref<1x256xi32, #tpu.memory_space<vmem>> -> memref<256xi32, #tpu.memory_space<vmem>>
        %dma_start3A_80 = arith.constant 0 : i32
        %dma_start3A_81 = arith.constant 0 : i32
        %dma_start3A_82 = tpu.memref_slice %arg11[%dma_start3A_80, %dma_start3A_81] : memref<10240x32xf32, #tpu.memory_space<vmem_shared>> -> memref<10240x32xf32, #tpu.memory_space<vmem_shared>>
        tpu.enqueue_indirect_dma source(%arg10 : memref<256x32xf32, #tpu.memory_space<vmem>>) target(%dma_start3A_82 : memref<10240x32xf32, #tpu.memory_space<vmem_shared>>) offsets(%dma_start3A_79 : memref<256xi32, #tpu.memory_space<vmem>>) semaphore(%run_scoped3A : memref<!tpu.dma_semaphore, #tpu.memory_space<semaphore_mem>>) {add = true}
        %dma_wait3A_83 = arith.constant 0 : i32
        %dma_wait3A_84 = tpu.memref_slice %arg8[%add3A_49, %dma_wait3A_83] : memref<20x256xi32, #tpu.memory_space<vmem>> -> memref<1x256xi32, #tpu.memory_space<vmem>>
        %dma_wait3A_85 = tpu.memref_squeeze %dma_wait3A_84 : memref<1x256xi32, #tpu.memory_space<vmem>> -> memref<256xi32, #tpu.memory_space<vmem>>
        %dma_wait3A_86 = arith.constant 0 : i32
        %dma_wait3A_87 = arith.constant 0 : i32
        %dma_wait3A_88 = tpu.memref_slice %arg11[%dma_wait3A_86, %dma_wait3A_87] : memref<10240x32xf32, #tpu.memory_space<vmem_shared>> -> memref<10240x32xf32, #tpu.memory_space<vmem_shared>>
        tpu.wait_indirect_dma semaphore(%run_scoped3A : memref<!tpu.dma_semaphore, #tpu.memory_space<semaphore_mem>>) src(%arg10 : memref<256x32xf32, #tpu.memory_space<vmem>>) dst(%dma_wait3A_88 : memref<10240x32xf32, #tpu.memory_space<vmem_shared>>)
        tpu.yield
      }) : () -> ()
    }
    %scan3A_13 = arith.constant 10 : i32
    %dma_wait3A = arith.constant 19 : i32
    %dma_wait3A_14 = arith.constant 0 : i32
    %dma_wait3A_15 = tpu.memref_slice %arg7[%dma_wait3A, %dma_wait3A_14] : memref<20x256xi32, #tpu.memory_space<vmem>> -> memref<1x256xi32, #tpu.memory_space<vmem>>
    %dma_wait3A_16 = tpu.memref_squeeze %dma_wait3A_15 : memref<1x256xi32, #tpu.memory_space<vmem>> -> memref<256xi32, #tpu.memory_space<vmem>>
    %dma_wait3A_17 = arith.constant 0 : i32
    %dma_wait3A_18 = arith.constant 0 : i32
    %dma_wait3A_19 = tpu.memref_slice %arg2[%dma_wait3A_17, %dma_wait3A_18] : memref<10000x32xf32, #tpu.memory_space<hbm>> -> memref<10000x32xf32, #tpu.memory_space<hbm>>
    tpu.wait_indirect_dma semaphore(%arg12 : memref<!tpu.dma_semaphore, #tpu.memory_space<semaphore_mem>>) src(%dma_wait3A_19 : memref<10000x32xf32, #tpu.memory_space<hbm>>) dst(%arg9 : memref<256x32xf32, #tpu.memory_space<vmem>>)
    "tpu.region"() ({
      %run_scoped3A = tpu.sem_alloc : memref<!tpu.dma_semaphore, #tpu.memory_space<semaphore_mem>>
      %dma_start3A_45 = arith.constant 20 : i32
      %dma_start3A_46 = arith.constant 0 : i32
      %dma_start3A_47 = tpu.memref_slice %arg3[%add3A, %dma_start3A_45, %dma_start3A_46] : memref<32x40x256xi32, #tpu.memory_space<hbm>> -> memref<1x20x256xi32, #tpu.memory_space<hbm>>
      %dma_start3A_48 = tpu.memref_squeeze %dma_start3A_47 : memref<1x20x256xi32, #tpu.memory_space<hbm>> -> memref<20x256xi32, #tpu.memory_space<hbm>>
      %dma_start3A_49 = arith.constant 20 : i32
      %dma_start3A_50 = arith.constant 0 : i32
      %dma_start3A_51 = tpu.memref_slice %arg3[%add3A, %dma_start3A_49, %dma_start3A_50] : memref<32x40x256xi32, #tpu.memory_space<hbm>> -> memref<1x20x256xi32, #tpu.memory_space<hbm>>
      %dma_start3A_52 = tpu.memref_squeeze %dma_start3A_51 : memref<1x20x256xi32, #tpu.memory_space<hbm>> -> memref<20x256xi32, #tpu.memory_space<hbm>>
      tpu.enqueue_dma source(%dma_start3A_52 : memref<20x256xi32, #tpu.memory_space<hbm>>) target(%arg7 : memref<20x256xi32, #tpu.memory_space<vmem>>) target_semaphore(%run_scoped3A : memref<!tpu.dma_semaphore, #tpu.memory_space<semaphore_mem>>)
      %dma_wait3A_53 = arith.constant 20 : i32
      %dma_wait3A_54 = arith.constant 0 : i32
      %dma_wait3A_55 = tpu.memref_slice %arg3[%add3A, %dma_wait3A_53, %dma_wait3A_54] : memref<32x40x256xi32, #tpu.memory_space<hbm>> -> memref<1x20x256xi32, #tpu.memory_space<hbm>>
      %dma_wait3A_56 = tpu.memref_squeeze %dma_wait3A_55 : memref<1x20x256xi32, #tpu.memory_space<hbm>> -> memref<20x256xi32, #tpu.memory_space<hbm>>
      %dma_wait3A_57 = arith.constant 20 : i32
      %dma_wait3A_58 = arith.constant 0 : i32
      %dma_wait3A_59 = tpu.memref_slice %arg3[%add3A, %dma_wait3A_57, %dma_wait3A_58] : memref<32x40x256xi32, #tpu.memory_space<hbm>> -> memref<1x20x256xi32, #tpu.memory_space<hbm>>
      %dma_wait3A_60 = tpu.memref_squeeze %dma_wait3A_59 : memref<1x20x256xi32, #tpu.memory_space<hbm>> -> memref<20x256xi32, #tpu.memory_space<hbm>>
      tpu.wait_dma2 semaphore(%run_scoped3A : memref<!tpu.dma_semaphore, #tpu.memory_space<semaphore_mem>>) src(%dma_wait3A_60 : memref<20x256xi32, #tpu.memory_space<hbm>>) dst(%arg7 : memref<20x256xi32, #tpu.memory_space<vmem>>)
      tpu.yield
    }) : () -> ()
    "tpu.region"() ({
      %run_scoped3A = tpu.sem_alloc : memref<!tpu.dma_semaphore, #tpu.memory_space<semaphore_mem>>
      %dma_start3A_45 = arith.constant 20 : i32
      %dma_start3A_46 = arith.constant 0 : i32
      %dma_start3A_47 = tpu.memref_slice %arg4[%add3A, %dma_start3A_45, %dma_start3A_46] : memref<32x40x256xi32, #tpu.memory_space<hbm>> -> memref<1x20x256xi32, #tpu.memory_space<hbm>>
      %dma_start3A_48 = tpu.memref_squeeze %dma_start3A_47 : memref<1x20x256xi32, #tpu.memory_space<hbm>> -> memref<20x256xi32, #tpu.memory_space<hbm>>
      %dma_start3A_49 = arith.constant 20 : i32
      %dma_start3A_50 = arith.constant 0 : i32
      %dma_start3A_51 = tpu.memref_slice %arg4[%add3A, %dma_start3A_49, %dma_start3A_50] : memref<32x40x256xi32, #tpu.memory_space<hbm>> -> memref<1x20x256xi32, #tpu.memory_space<hbm>>
      %dma_start3A_52 = tpu.memref_squeeze %dma_start3A_51 : memref<1x20x256xi32, #tpu.memory_space<hbm>> -> memref<20x256xi32, #tpu.memory_space<hbm>>
      tpu.enqueue_dma source(%dma_start3A_52 : memref<20x256xi32, #tpu.memory_space<hbm>>) target(%arg8 : memref<20x256xi32, #tpu.memory_space<vmem>>) target_semaphore(%run_scoped3A : memref<!tpu.dma_semaphore, #tpu.memory_space<semaphore_mem>>)
      %dma_wait3A_53 = arith.constant 20 : i32
      %dma_wait3A_54 = arith.constant 0 : i32
      %dma_wait3A_55 = tpu.memref_slice %arg4[%add3A, %dma_wait3A_53, %dma_wait3A_54] : memref<32x40x256xi32, #tpu.memory_space<hbm>> -> memref<1x20x256xi32, #tpu.memory_space<hbm>>
      %dma_wait3A_56 = tpu.memref_squeeze %dma_wait3A_55 : memref<1x20x256xi32, #tpu.memory_space<hbm>> -> memref<20x256xi32, #tpu.memory_space<hbm>>
      %dma_wait3A_57 = arith.constant 20 : i32
      %dma_wait3A_58 = arith.constant 0 : i32
      %dma_wait3A_59 = tpu.memref_slice %arg4[%add3A, %dma_wait3A_57, %dma_wait3A_58] : memref<32x40x256xi32, #tpu.memory_space<hbm>> -> memref<1x20x256xi32, #tpu.memory_space<hbm>>
      %dma_wait3A_60 = tpu.memref_squeeze %dma_wait3A_59 : memref<1x20x256xi32, #tpu.memory_space<hbm>> -> memref<20x256xi32, #tpu.memory_space<hbm>>
      tpu.wait_dma2 semaphore(%run_scoped3A : memref<!tpu.dma_semaphore, #tpu.memory_space<semaphore_mem>>) src(%dma_wait3A_60 : memref<20x256xi32, #tpu.memory_space<hbm>>) dst(%arg8 : memref<20x256xi32, #tpu.memory_space<vmem>>)
      tpu.yield
    }) : () -> ()
    %dma_start3A_20 = arith.constant 0 : i32
    %dma_start3A_21 = arith.constant 0 : i32
    %dma_start3A_22 = tpu.memref_slice %arg7[%dma_start3A_20, %dma_start3A_21] : memref<20x256xi32, #tpu.memory_space<vmem>> -> memref<1x256xi32, #tpu.memory_space<vmem>>
    %dma_start3A_23 = tpu.memref_squeeze %dma_start3A_22 : memref<1x256xi32, #tpu.memory_space<vmem>> -> memref<256xi32, #tpu.memory_space<vmem>>
    %dma_start3A_24 = arith.constant 0 : i32
    %dma_start3A_25 = arith.constant 0 : i32
    %dma_start3A_26 = tpu.memref_slice %arg2[%dma_start3A_24, %dma_start3A_25] : memref<10000x32xf32, #tpu.memory_space<hbm>> -> memref<10000x32xf32, #tpu.memory_space<hbm>>
    tpu.enqueue_indirect_dma source(%dma_start3A_26 : memref<10000x32xf32, #tpu.memory_space<hbm>>) target(%arg9 : memref<256x32xf32, #tpu.memory_space<vmem>>) offsets(%dma_start3A_23 : memref<256xi32, #tpu.memory_space<vmem>>) semaphore(%arg12 : memref<!tpu.dma_semaphore, #tpu.memory_space<semaphore_mem>>)
    %scan3A_27 = arith.constant 0 : i32
    %scan3A_28 = arith.constant 0 : i32
    %scan3A_29 = arith.constant 10 : i32
    %scan3A_30 = arith.addi %scan3A_28, %scan3A_29 : i32
    %scan3A_31 = arith.constant 1 : i32
    scf.for %scan3A_45 = %scan3A_28 to %scan3A_30 step %scan3A_31  : i32 {
      %mul3A_46 = arith.constant 2 : i32
      %mul3A_47 = arith.muli %mul3A_46, %scan3A_45 : i32
      %add3A_48 = arith.constant 1 : i32
      %add3A_49 = arith.addi %mul3A_47, %add3A_48 : i32
      %add3A_50 = arith.constant 2 : i32
      %add3A_51 = arith.addi %mul3A_47, %add3A_50 : i32
      %min3A = arith.constant 19 : i32
      %min3A_52 = arith.minsi %add3A_51, %min3A : i32
      %dma_wait3A_53 = arith.constant 0 : i32
      %dma_wait3A_54 = tpu.memref_slice %arg7[%mul3A_47, %dma_wait3A_53] : memref<20x256xi32, #tpu.memory_space<vmem>> -> memref<1x256xi32, #tpu.memory_space<vmem>>
      %dma_wait3A_55 = tpu.memref_squeeze %dma_wait3A_54 : memref<1x256xi32, #tpu.memory_space<vmem>> -> memref<256xi32, #tpu.memory_space<vmem>>
      %dma_wait3A_56 = arith.constant 0 : i32
      %dma_wait3A_57 = arith.constant 0 : i32
      %dma_wait3A_58 = tpu.memref_slice %arg2[%dma_wait3A_56, %dma_wait3A_57] : memref<10000x32xf32, #tpu.memory_space<hbm>> -> memref<10000x32xf32, #tpu.memory_space<hbm>>
      tpu.wait_indirect_dma semaphore(%arg12 : memref<!tpu.dma_semaphore, #tpu.memory_space<semaphore_mem>>) src(%dma_wait3A_58 : memref<10000x32xf32, #tpu.memory_space<hbm>>) dst(%arg9 : memref<256x32xf32, #tpu.memory_space<vmem>>)
      %dma_start3A_59 = arith.constant 0 : i32
      %dma_start3A_60 = tpu.memref_slice %arg7[%add3A_49, %dma_start3A_59] : memref<20x256xi32, #tpu.memory_space<vmem>> -> memref<1x256xi32, #tpu.memory_space<vmem>>
      %dma_start3A_61 = tpu.memref_squeeze %dma_start3A_60 : memref<1x256xi32, #tpu.memory_space<vmem>> -> memref<256xi32, #tpu.memory_space<vmem>>
      %dma_start3A_62 = arith.constant 0 : i32
      %dma_start3A_63 = arith.constant 0 : i32
      %dma_start3A_64 = tpu.memref_slice %arg2[%dma_start3A_62, %dma_start3A_63] : memref<10000x32xf32, #tpu.memory_space<hbm>> -> memref<10000x32xf32, #tpu.memory_space<hbm>>
      tpu.enqueue_indirect_dma source(%dma_start3A_64 : memref<10000x32xf32, #tpu.memory_space<hbm>>) target(%arg10 : memref<256x32xf32, #tpu.memory_space<vmem>>) offsets(%dma_start3A_61 : memref<256xi32, #tpu.memory_space<vmem>>) semaphore(%arg12 : memref<!tpu.dma_semaphore, #tpu.memory_space<semaphore_mem>>)
      "tpu.region"() ({
        %run_scoped3A = tpu.sem_alloc : memref<!tpu.dma_semaphore, #tpu.memory_space<semaphore_mem>>
        %dma_start3A_77 = arith.constant 0 : i32
        %dma_start3A_78 = tpu.memref_slice %arg8[%mul3A_47, %dma_start3A_77] : memref<20x256xi32, #tpu.memory_space<vmem>> -> memref<1x256xi32, #tpu.memory_space<vmem>>
        %dma_start3A_79 = tpu.memref_squeeze %dma_start3A_78 : memref<1x256xi32, #tpu.memory_space<vmem>> -> memref<256xi32, #tpu.memory_space<vmem>>
        %dma_start3A_80 = arith.constant 0 : i32
        %dma_start3A_81 = arith.constant 0 : i32
        %dma_start3A_82 = tpu.memref_slice %arg11[%dma_start3A_80, %dma_start3A_81] : memref<10240x32xf32, #tpu.memory_space<vmem_shared>> -> memref<10240x32xf32, #tpu.memory_space<vmem_shared>>
        tpu.enqueue_indirect_dma source(%arg9 : memref<256x32xf32, #tpu.memory_space<vmem>>) target(%dma_start3A_82 : memref<10240x32xf32, #tpu.memory_space<vmem_shared>>) offsets(%dma_start3A_79 : memref<256xi32, #tpu.memory_space<vmem>>) semaphore(%run_scoped3A : memref<!tpu.dma_semaphore, #tpu.memory_space<semaphore_mem>>) {add = true}
        %dma_wait3A_83 = arith.constant 0 : i32
        %dma_wait3A_84 = tpu.memref_slice %arg8[%mul3A_47, %dma_wait3A_83] : memref<20x256xi32, #tpu.memory_space<vmem>> -> memref<1x256xi32, #tpu.memory_space<vmem>>
        %dma_wait3A_85 = tpu.memref_squeeze %dma_wait3A_84 : memref<1x256xi32, #tpu.memory_space<vmem>> -> memref<256xi32, #tpu.memory_space<vmem>>
        %dma_wait3A_86 = arith.constant 0 : i32
        %dma_wait3A_87 = arith.constant 0 : i32
        %dma_wait3A_88 = tpu.memref_slice %arg11[%dma_wait3A_86, %dma_wait3A_87] : memref<10240x32xf32, #tpu.memory_space<vmem_shared>> -> memref<10240x32xf32, #tpu.memory_space<vmem_shared>>
        tpu.wait_indirect_dma semaphore(%run_scoped3A : memref<!tpu.dma_semaphore, #tpu.memory_space<semaphore_mem>>) src(%arg9 : memref<256x32xf32, #tpu.memory_space<vmem>>) dst(%dma_wait3A_88 : memref<10240x32xf32, #tpu.memory_space<vmem_shared>>)
        tpu.yield
      }) : () -> ()
      %dma_wait3A_65 = arith.constant 0 : i32
      %dma_wait3A_66 = tpu.memref_slice %arg7[%add3A_49, %dma_wait3A_65] : memref<20x256xi32, #tpu.memory_space<vmem>> -> memref<1x256xi32, #tpu.memory_space<vmem>>
      %dma_wait3A_67 = tpu.memref_squeeze %dma_wait3A_66 : memref<1x256xi32, #tpu.memory_space<vmem>> -> memref<256xi32, #tpu.memory_space<vmem>>
      %dma_wait3A_68 = arith.constant 0 : i32
      %dma_wait3A_69 = arith.constant 0 : i32
      %dma_wait3A_70 = tpu.memref_slice %arg2[%dma_wait3A_68, %dma_wait3A_69] : memref<10000x32xf32, #tpu.memory_space<hbm>> -> memref<10000x32xf32, #tpu.memory_space<hbm>>
      tpu.wait_indirect_dma semaphore(%arg12 : memref<!tpu.dma_semaphore, #tpu.memory_space<semaphore_mem>>) src(%dma_wait3A_70 : memref<10000x32xf32, #tpu.memory_space<hbm>>) dst(%arg10 : memref<256x32xf32, #tpu.memory_space<vmem>>)
      %dma_start3A_71 = arith.constant 0 : i32
      %dma_start3A_72 = tpu.memref_slice %arg7[%min3A_52, %dma_start3A_71] : memref<20x256xi32, #tpu.memory_space<vmem>> -> memref<1x256xi32, #tpu.memory_space<vmem>>
      %dma_start3A_73 = tpu.memref_squeeze %dma_start3A_72 : memref<1x256xi32, #tpu.memory_space<vmem>> -> memref<256xi32, #tpu.memory_space<vmem>>
      %dma_start3A_74 = arith.constant 0 : i32
      %dma_start3A_75 = arith.constant 0 : i32
      %dma_start3A_76 = tpu.memref_slice %arg2[%dma_start3A_74, %dma_start3A_75] : memref<10000x32xf32, #tpu.memory_space<hbm>> -> memref<10000x32xf32, #tpu.memory_space<hbm>>
      tpu.enqueue_indirect_dma source(%dma_start3A_76 : memref<10000x32xf32, #tpu.memory_space<hbm>>) target(%arg9 : memref<256x32xf32, #tpu.memory_space<vmem>>) offsets(%dma_start3A_73 : memref<256xi32, #tpu.memory_space<vmem>>) semaphore(%arg12 : memref<!tpu.dma_semaphore, #tpu.memory_space<semaphore_mem>>)
      "tpu.region"() ({
        %run_scoped3A = tpu.sem_alloc : memref<!tpu.dma_semaphore, #tpu.memory_space<semaphore_mem>>
        %dma_start3A_77 = arith.constant 0 : i32
        %dma_start3A_78 = tpu.memref_slice %arg8[%add3A_49, %dma_start3A_77] : memref<20x256xi32, #tpu.memory_space<vmem>> -> memref<1x256xi32, #tpu.memory_space<vmem>>
        %dma_start3A_79 = tpu.memref_squeeze %dma_start3A_78 : memref<1x256xi32, #tpu.memory_space<vmem>> -> memref<256xi32, #tpu.memory_space<vmem>>
        %dma_start3A_80 = arith.constant 0 : i32
        %dma_start3A_81 = arith.constant 0 : i32
        %dma_start3A_82 = tpu.memref_slice %arg11[%dma_start3A_80, %dma_start3A_81] : memref<10240x32xf32, #tpu.memory_space<vmem_shared>> -> memref<10240x32xf32, #tpu.memory_space<vmem_shared>>
        tpu.enqueue_indirect_dma source(%arg10 : memref<256x32xf32, #tpu.memory_space<vmem>>) target(%dma_start3A_82 : memref<10240x32xf32, #tpu.memory_space<vmem_shared>>) offsets(%dma_start3A_79 : memref<256xi32, #tpu.memory_space<vmem>>) semaphore(%run_scoped3A : memref<!tpu.dma_semaphore, #tpu.memory_space<semaphore_mem>>) {add = true}
        %dma_wait3A_83 = arith.constant 0 : i32
        %dma_wait3A_84 = tpu.memref_slice %arg8[%add3A_49, %dma_wait3A_83] : memref<20x256xi32, #tpu.memory_space<vmem>> -> memref<1x256xi32, #tpu.memory_space<vmem>>
        %dma_wait3A_85 = tpu.memref_squeeze %dma_wait3A_84 : memref<1x256xi32, #tpu.memory_space<vmem>> -> memref<256xi32, #tpu.memory_space<vmem>>
        %dma_wait3A_86 = arith.constant 0 : i32
        %dma_wait3A_87 = arith.constant 0 : i32
        %dma_wait3A_88 = tpu.memref_slice %arg11[%dma_wait3A_86, %dma_wait3A_87] : memref<10240x32xf32, #tpu.memory_space<vmem_shared>> -> memref<10240x32xf32, #tpu.memory_space<vmem_shared>>
        tpu.wait_indirect_dma semaphore(%run_scoped3A : memref<!tpu.dma_semaphore, #tpu.memory_space<semaphore_mem>>) src(%arg10 : memref<256x32xf32, #tpu.memory_space<vmem>>) dst(%dma_wait3A_88 : memref<10240x32xf32, #tpu.memory_space<vmem_shared>>)
        tpu.yield
      }) : () -> ()
    }
    %scan3A_32 = arith.constant 10 : i32
    %dma_wait3A_33 = arith.constant 19 : i32
    %dma_wait3A_34 = arith.constant 0 : i32
    %dma_wait3A_35 = tpu.memref_slice %arg7[%dma_wait3A_33, %dma_wait3A_34] : memref<20x256xi32, #tpu.memory_space<vmem>> -> memref<1x256xi32, #tpu.memory_space<vmem>>
    %dma_wait3A_36 = tpu.memref_squeeze %dma_wait3A_35 : memref<1x256xi32, #tpu.memory_space<vmem>> -> memref<256xi32, #tpu.memory_space<vmem>>
    %dma_wait3A_37 = arith.constant 0 : i32
    %dma_wait3A_38 = arith.constant 0 : i32
    %dma_wait3A_39 = tpu.memref_slice %arg2[%dma_wait3A_37, %dma_wait3A_38] : memref<10000x32xf32, #tpu.memory_space<hbm>> -> memref<10000x32xf32, #tpu.memory_space<hbm>>
    tpu.wait_indirect_dma semaphore(%arg12 : memref<!tpu.dma_semaphore, #tpu.memory_space<semaphore_mem>>) src(%dma_wait3A_39 : memref<10000x32xf32, #tpu.memory_space<hbm>>) dst(%arg9 : memref<256x32xf32, #tpu.memory_space<vmem>>)
    %barrier3A_40 = arith.constant 0 : index
    tpu.barrier barrier_id(%barrier3A_40)
    %mul3A_41 = arith.constant 640 : i32
    %mul3A_42 = arith.muli %arg1, %mul3A_41 : i32
    %mul3A_43 = arith.constant 640 : i32
    %mul3A_44 = arith.muli %arg1, %mul3A_43 : i32
    "tpu.region"() ({
      %run_scoped3A = tpu.sem_alloc : memref<!tpu.dma_semaphore, #tpu.memory_space<semaphore_mem>>
      %dma_start3A_45 = arith.constant 0 : i32
      %dma_start3A_46 = tpu.memref_slice %arg6[%arg0, %mul3A_44, %dma_start3A_45] : memref<2x10240x32xf32, #tpu.memory_space<hbm>> -> memref<1x640x32xf32, #tpu.memory_space<hbm>>
      %dma_start3A_47 = tpu.memref_squeeze %dma_start3A_46 : memref<1x640x32xf32, #tpu.memory_space<hbm>> -> memref<640x32xf32, #tpu.memory_space<hbm>>
      %dma_start3A_48 = arith.constant 0 : i32
      %dma_start3A_49 = tpu.memref_slice %arg11[%mul3A_42, %dma_start3A_48] : memref<10240x32xf32, #tpu.memory_space<vmem_shared>> -> memref<640x32xf32, #tpu.memory_space<vmem_shared>>
      tpu.enqueue_dma source(%dma_start3A_49 : memref<640x32xf32, #tpu.memory_space<vmem_shared>>) target(%dma_start3A_47 : memref<640x32xf32, #tpu.memory_space<hbm>>) target_semaphore(%run_scoped3A : memref<!tpu.dma_semaphore, #tpu.memory_space<semaphore_mem>>)
      %dma_wait3A_50 = arith.constant 0 : i32
      %dma_wait3A_51 = tpu.memref_slice %arg6[%arg0, %mul3A_44, %dma_wait3A_50] : memref<2x10240x32xf32, #tpu.memory_space<hbm>> -> memref<1x640x32xf32, #tpu.memory_space<hbm>>
      %dma_wait3A_52 = tpu.memref_squeeze %dma_wait3A_51 : memref<1x640x32xf32, #tpu.memory_space<hbm>> -> memref<640x32xf32, #tpu.memory_space<hbm>>
      %dma_wait3A_53 = arith.constant 0 : i32
      %dma_wait3A_54 = tpu.memref_slice %arg11[%mul3A_42, %dma_wait3A_53] : memref<10240x32xf32, #tpu.memory_space<vmem_shared>> -> memref<640x32xf32, #tpu.memory_space<vmem_shared>>
      tpu.wait_dma2 semaphore(%run_scoped3A : memref<!tpu.dma_semaphore, #tpu.memory_space<semaphore_mem>>) src(%dma_wait3A_54 : memref<640x32xf32, #tpu.memory_space<vmem_shared>>) dst(%dma_wait3A_52 : memref<640x32xf32, #tpu.memory_space<hbm>>)
      tpu.yield
    }) : () -> ()
    return
  }
}

#map = affine_map<(d0, d1) -> (0, 0, 0)>
#map1 = affine_map<(d0, d1) -> (0, 0)>
module attributes {stable_mosaic.version = 14 : i64} {
  func.func @degk(%arg0: i32, %arg1: i32, %arg2: memref<32x40x256xi32, #tpu.memory_space<hbm>>, %arg3: memref<256x16xf32, #tpu.memory_space<hbm>>, %arg4: memref<640x16xf32, #tpu.memory_space<hbm>>, %arg5: memref<2x10240x16xf32, #tpu.memory_space<hbm>>, %arg6: memref<40x256xi32, #tpu.memory_space<vmem>>, %arg7: memref<256x16xf32, #tpu.memory_space<vmem>>, %arg8: memref<10240x16xf32, #tpu.memory_space<vmem_shared>>) attributes {dimension_semantics = [#tpu.dimension_semantics<core_parallel>, #tpu.dimension_semantics<subcore_parallel>], iteration_bounds = array<i64: 2, 16>, scalar_prefetch = 0 : i64, scratch_operands = 3 : i64, tpu.core_type = #tpu.core_type<sc_vector_subcore>, window_params = [{transform_indices = #map}, {transform_indices = #map1}, {transform_indices = #map1}, {transform_indices = #map}]} {
    %mul3A = arith.constant 2 : i32
    %mul3A_0 = arith.muli %arg1, %mul3A : i32
    %add3A = arith.addi %mul3A_0, %arg0 : i32
    %mul3A_1 = arith.constant 640 : i32
    %mul3A_2 = arith.muli %arg1, %mul3A_1 : i32
    "tpu.region"() ({
      %run_scoped3A = tpu.sem_alloc : memref<!tpu.dma_semaphore, #tpu.memory_space<semaphore_mem>>
      %dma_start3A = arith.constant 0 : i32
      %dma_start3A_13 = tpu.memref_slice %arg8[%mul3A_2, %dma_start3A] : memref<10240x16xf32, #tpu.memory_space<vmem_shared>> -> memref<640x16xf32, #tpu.memory_space<vmem_shared>>
      tpu.enqueue_dma source(%arg4 : memref<640x16xf32, #tpu.memory_space<hbm>>) target(%dma_start3A_13 : memref<640x16xf32, #tpu.memory_space<vmem_shared>>) target_semaphore(%run_scoped3A : memref<!tpu.dma_semaphore, #tpu.memory_space<semaphore_mem>>)
      %dma_wait3A = arith.constant 0 : i32
      %dma_wait3A_14 = tpu.memref_slice %arg8[%mul3A_2, %dma_wait3A] : memref<10240x16xf32, #tpu.memory_space<vmem_shared>> -> memref<640x16xf32, #tpu.memory_space<vmem_shared>>
      tpu.wait_dma2 semaphore(%run_scoped3A : memref<!tpu.dma_semaphore, #tpu.memory_space<semaphore_mem>>) src(%arg4 : memref<640x16xf32, #tpu.memory_space<hbm>>) dst(%dma_wait3A_14 : memref<640x16xf32, #tpu.memory_space<vmem_shared>>)
      tpu.yield
    }) : () -> ()
    "tpu.region"() ({
      %run_scoped3A = tpu.sem_alloc : memref<!tpu.dma_semaphore, #tpu.memory_space<semaphore_mem>>
      tpu.enqueue_dma source(%arg3 : memref<256x16xf32, #tpu.memory_space<hbm>>) target(%arg7 : memref<256x16xf32, #tpu.memory_space<vmem>>) target_semaphore(%run_scoped3A : memref<!tpu.dma_semaphore, #tpu.memory_space<semaphore_mem>>)
      tpu.wait_dma2 semaphore(%run_scoped3A : memref<!tpu.dma_semaphore, #tpu.memory_space<semaphore_mem>>) src(%arg3 : memref<256x16xf32, #tpu.memory_space<hbm>>) dst(%arg7 : memref<256x16xf32, #tpu.memory_space<vmem>>)
      tpu.yield
    }) : () -> ()
    "tpu.region"() ({
      %run_scoped3A = tpu.sem_alloc : memref<!tpu.dma_semaphore, #tpu.memory_space<semaphore_mem>>
      %dma_start3A = arith.constant 0 : i32
      %dma_start3A_13 = arith.constant 0 : i32
      %dma_start3A_14 = tpu.memref_slice %arg2[%add3A, %dma_start3A, %dma_start3A_13] : memref<32x40x256xi32, #tpu.memory_space<hbm>> -> memref<1x40x256xi32, #tpu.memory_space<hbm>>
      %dma_start3A_15 = tpu.memref_squeeze %dma_start3A_14 : memref<1x40x256xi32, #tpu.memory_space<hbm>> -> memref<40x256xi32, #tpu.memory_space<hbm>>
      %dma_start3A_16 = arith.constant 0 : i32
      %dma_start3A_17 = arith.constant 0 : i32
      %dma_start3A_18 = tpu.memref_slice %arg2[%add3A, %dma_start3A_16, %dma_start3A_17] : memref<32x40x256xi32, #tpu.memory_space<hbm>> -> memref<1x40x256xi32, #tpu.memory_space<hbm>>
      %dma_start3A_19 = tpu.memref_squeeze %dma_start3A_18 : memref<1x40x256xi32, #tpu.memory_space<hbm>> -> memref<40x256xi32, #tpu.memory_space<hbm>>
      tpu.enqueue_dma source(%dma_start3A_19 : memref<40x256xi32, #tpu.memory_space<hbm>>) target(%arg6 : memref<40x256xi32, #tpu.memory_space<vmem>>) target_semaphore(%run_scoped3A : memref<!tpu.dma_semaphore, #tpu.memory_space<semaphore_mem>>)
      %dma_wait3A = arith.constant 0 : i32
      %dma_wait3A_20 = arith.constant 0 : i32
      %dma_wait3A_21 = tpu.memref_slice %arg2[%add3A, %dma_wait3A, %dma_wait3A_20] : memref<32x40x256xi32, #tpu.memory_space<hbm>> -> memref<1x40x256xi32, #tpu.memory_space<hbm>>
      %dma_wait3A_22 = tpu.memref_squeeze %dma_wait3A_21 : memref<1x40x256xi32, #tpu.memory_space<hbm>> -> memref<40x256xi32, #tpu.memory_space<hbm>>
      %dma_wait3A_23 = arith.constant 0 : i32
      %dma_wait3A_24 = arith.constant 0 : i32
      %dma_wait3A_25 = tpu.memref_slice %arg2[%add3A, %dma_wait3A_23, %dma_wait3A_24] : memref<32x40x256xi32, #tpu.memory_space<hbm>> -> memref<1x40x256xi32, #tpu.memory_space<hbm>>
      %dma_wait3A_26 = tpu.memref_squeeze %dma_wait3A_25 : memref<1x40x256xi32, #tpu.memory_space<hbm>> -> memref<40x256xi32, #tpu.memory_space<hbm>>
      tpu.wait_dma2 semaphore(%run_scoped3A : memref<!tpu.dma_semaphore, #tpu.memory_space<semaphore_mem>>) src(%dma_wait3A_26 : memref<40x256xi32, #tpu.memory_space<hbm>>) dst(%arg6 : memref<40x256xi32, #tpu.memory_space<vmem>>)
      tpu.yield
    }) : () -> ()
    %barrier3A = arith.constant 0 : index
    tpu.barrier barrier_id(%barrier3A)
    %scan3A = arith.constant 0 : i32
    %scan3A_3 = arith.constant 0 : i32
    %scan3A_4 = arith.constant 40 : i32
    %scan3A_5 = arith.addi %scan3A_3, %scan3A_4 : i32
    %scan3A_6 = arith.constant 1 : i32
    scf.for %scan3A_13 = %scan3A_3 to %scan3A_5 step %scan3A_6  : i32 {
      "tpu.region"() ({
        %run_scoped3A = tpu.sem_alloc : memref<!tpu.dma_semaphore, #tpu.memory_space<semaphore_mem>>
        %dma_start3A = arith.constant 0 : i32
        %dma_start3A_14 = tpu.memref_slice %arg6[%scan3A_13, %dma_start3A] : memref<40x256xi32, #tpu.memory_space<vmem>> -> memref<1x256xi32, #tpu.memory_space<vmem>>
        %dma_start3A_15 = tpu.memref_squeeze %dma_start3A_14 : memref<1x256xi32, #tpu.memory_space<vmem>> -> memref<256xi32, #tpu.memory_space<vmem>>
        %dma_start3A_16 = arith.constant 0 : i32
        %dma_start3A_17 = arith.constant 0 : i32
        %dma_start3A_18 = tpu.memref_slice %arg8[%dma_start3A_16, %dma_start3A_17] : memref<10240x16xf32, #tpu.memory_space<vmem_shared>> -> memref<10240x16xf32, #tpu.memory_space<vmem_shared>>
        tpu.enqueue_indirect_dma source(%arg7 : memref<256x16xf32, #tpu.memory_space<vmem>>) target(%dma_start3A_18 : memref<10240x16xf32, #tpu.memory_space<vmem_shared>>) offsets(%dma_start3A_15 : memref<256xi32, #tpu.memory_space<vmem>>) semaphore(%run_scoped3A : memref<!tpu.dma_semaphore, #tpu.memory_space<semaphore_mem>>) {add = true}
        %dma_wait3A = arith.constant 0 : i32
        %dma_wait3A_19 = tpu.memref_slice %arg6[%scan3A_13, %dma_wait3A] : memref<40x256xi32, #tpu.memory_space<vmem>> -> memref<1x256xi32, #tpu.memory_space<vmem>>
        %dma_wait3A_20 = tpu.memref_squeeze %dma_wait3A_19 : memref<1x256xi32, #tpu.memory_space<vmem>> -> memref<256xi32, #tpu.memory_space<vmem>>
        %dma_wait3A_21 = arith.constant 0 : i32
        %dma_wait3A_22 = arith.constant 0 : i32
        %dma_wait3A_23 = tpu.memref_slice %arg8[%dma_wait3A_21, %dma_wait3A_22] : memref<10240x16xf32, #tpu.memory_space<vmem_shared>> -> memref<10240x16xf32, #tpu.memory_space<vmem_shared>>
        tpu.wait_indirect_dma semaphore(%run_scoped3A : memref<!tpu.dma_semaphore, #tpu.memory_space<semaphore_mem>>) src(%arg7 : memref<256x16xf32, #tpu.memory_space<vmem>>) dst(%dma_wait3A_23 : memref<10240x16xf32, #tpu.memory_space<vmem_shared>>)
        tpu.yield
      }) : () -> ()
    }
    %scan3A_7 = arith.constant 40 : i32
    %barrier3A_8 = arith.constant 0 : index
    tpu.barrier barrier_id(%barrier3A_8)
    %mul3A_9 = arith.constant 640 : i32
    %mul3A_10 = arith.muli %arg1, %mul3A_9 : i32
    %mul3A_11 = arith.constant 640 : i32
    %mul3A_12 = arith.muli %arg1, %mul3A_11 : i32
    "tpu.region"() ({
      %run_scoped3A = tpu.sem_alloc : memref<!tpu.dma_semaphore, #tpu.memory_space<semaphore_mem>>
      %dma_start3A = arith.constant 0 : i32
      %dma_start3A_13 = tpu.memref_slice %arg5[%arg0, %mul3A_12, %dma_start3A] : memref<2x10240x16xf32, #tpu.memory_space<hbm>> -> memref<1x640x16xf32, #tpu.memory_space<hbm>>
      %dma_start3A_14 = tpu.memref_squeeze %dma_start3A_13 : memref<1x640x16xf32, #tpu.memory_space<hbm>> -> memref<640x16xf32, #tpu.memory_space<hbm>>
      %dma_start3A_15 = arith.constant 0 : i32
      %dma_start3A_16 = tpu.memref_slice %arg8[%mul3A_10, %dma_start3A_15] : memref<10240x16xf32, #tpu.memory_space<vmem_shared>> -> memref<640x16xf32, #tpu.memory_space<vmem_shared>>
      tpu.enqueue_dma source(%dma_start3A_16 : memref<640x16xf32, #tpu.memory_space<vmem_shared>>) target(%dma_start3A_14 : memref<640x16xf32, #tpu.memory_space<hbm>>) target_semaphore(%run_scoped3A : memref<!tpu.dma_semaphore, #tpu.memory_space<semaphore_mem>>)
      %dma_wait3A = arith.constant 0 : i32
      %dma_wait3A_17 = tpu.memref_slice %arg5[%arg0, %mul3A_12, %dma_wait3A] : memref<2x10240x16xf32, #tpu.memory_space<hbm>> -> memref<1x640x16xf32, #tpu.memory_space<hbm>>
      %dma_wait3A_18 = tpu.memref_squeeze %dma_wait3A_17 : memref<1x640x16xf32, #tpu.memory_space<hbm>> -> memref<640x16xf32, #tpu.memory_space<hbm>>
      %dma_wait3A_19 = arith.constant 0 : i32
      %dma_wait3A_20 = tpu.memref_slice %arg8[%mul3A_10, %dma_wait3A_19] : memref<10240x16xf32, #tpu.memory_space<vmem_shared>> -> memref<640x16xf32, #tpu.memory_space<vmem_shared>>
      tpu.wait_dma2 semaphore(%run_scoped3A : memref<!tpu.dma_semaphore, #tpu.memory_space<semaphore_mem>>) src(%dma_wait3A_20 : memref<640x16xf32, #tpu.memory_space<vmem_shared>>) dst(%dma_wait3A_18 : memref<640x16xf32, #tpu.memory_space<hbm>>)
      tpu.yield
    }) : () -> ()
    return
  }
}

#map = affine_map<(d0, d1) -> (0, 0)>
#map1 = affine_map<(d0, d1) -> (0, 0, 0)>
module attributes {stable_mosaic.version = 14 : i64} {
  func.func @agg(%arg0: i32, %arg1: i32, %arg2: memref<10000x128xf32, #tpu.memory_space<hbm>>, %arg3: memref<32x80x128xi32, #tpu.memory_space<hbm>>, %arg4: memref<32x80x128xi32, #tpu.memory_space<hbm>>, %arg5: memref<640x128xf32, #tpu.memory_space<hbm>>, %arg6: memref<2x10240x128xf32, #tpu.memory_space<hbm>>, %arg7: memref<40x128xi32, #tpu.memory_space<vmem>>, %arg8: memref<40x128xi32, #tpu.memory_space<vmem>>, %arg9: memref<128x128xf32, #tpu.memory_space<vmem>>, %arg10: memref<128x128xf32, #tpu.memory_space<vmem>>, %arg11: memref<10240x128xf32, #tpu.memory_space<vmem_shared>>, %arg12: memref<!tpu.dma_semaphore, #tpu.memory_space<semaphore_mem>>) attributes {dimension_semantics = [#tpu.dimension_semantics<core_parallel>, #tpu.dimension_semantics<subcore_parallel>], iteration_bounds = array<i64: 2, 16>, scalar_prefetch = 0 : i64, scratch_operands = 6 : i64, tpu.core_type = #tpu.core_type<sc_vector_subcore>, window_params = [{transform_indices = #map}, {transform_indices = #map1}, {transform_indices = #map1}, {transform_indices = #map}, {transform_indices = #map1}]} {
    %mul3A = arith.constant 2 : i32
    %mul3A_0 = arith.muli %arg1, %mul3A : i32
    %add3A = arith.addi %mul3A_0, %arg0 : i32
    %mul3A_1 = arith.constant 640 : i32
    %mul3A_2 = arith.muli %arg1, %mul3A_1 : i32
    "tpu.region"() ({
      %run_scoped3A = tpu.sem_alloc : memref<!tpu.dma_semaphore, #tpu.memory_space<semaphore_mem>>
      %dma_start3A_45 = arith.constant 0 : i32
      %dma_start3A_46 = tpu.memref_slice %arg11[%mul3A_2, %dma_start3A_45] : memref<10240x128xf32, #tpu.memory_space<vmem_shared>> -> memref<640x128xf32, #tpu.memory_space<vmem_shared>>
      tpu.enqueue_dma source(%arg5 : memref<640x128xf32, #tpu.memory_space<hbm>>) target(%dma_start3A_46 : memref<640x128xf32, #tpu.memory_space<vmem_shared>>) target_semaphore(%run_scoped3A : memref<!tpu.dma_semaphore, #tpu.memory_space<semaphore_mem>>)
      %dma_wait3A_47 = arith.constant 0 : i32
      %dma_wait3A_48 = tpu.memref_slice %arg11[%mul3A_2, %dma_wait3A_47] : memref<10240x128xf32, #tpu.memory_space<vmem_shared>> -> memref<640x128xf32, #tpu.memory_space<vmem_shared>>
      tpu.wait_dma2 semaphore(%run_scoped3A : memref<!tpu.dma_semaphore, #tpu.memory_space<semaphore_mem>>) src(%arg5 : memref<640x128xf32, #tpu.memory_space<hbm>>) dst(%dma_wait3A_48 : memref<640x128xf32, #tpu.memory_space<vmem_shared>>)
      tpu.yield
    }) : () -> ()
    %barrier3A = arith.constant 0 : index
    tpu.barrier barrier_id(%barrier3A)
    "tpu.region"() ({
      %run_scoped3A = tpu.sem_alloc : memref<!tpu.dma_semaphore, #tpu.memory_space<semaphore_mem>>
      %dma_start3A_45 = arith.constant 0 : i32
      %dma_start3A_46 = arith.constant 0 : i32
      %dma_start3A_47 = tpu.memref_slice %arg3[%add3A, %dma_start3A_45, %dma_start3A_46] : memref<32x80x128xi32, #tpu.memory_space<hbm>> -> memref<1x40x128xi32, #tpu.memory_space<hbm>>
      %dma_start3A_48 = tpu.memref_squeeze %dma_start3A_47 : memref<1x40x128xi32, #tpu.memory_space<hbm>> -> memref<40x128xi32, #tpu.memory_space<hbm>>
      %dma_start3A_49 = arith.constant 0 : i32
      %dma_start3A_50 = arith.constant 0 : i32
      %dma_start3A_51 = tpu.memref_slice %arg3[%add3A, %dma_start3A_49, %dma_start3A_50] : memref<32x80x128xi32, #tpu.memory_space<hbm>> -> memref<1x40x128xi32, #tpu.memory_space<hbm>>
      %dma_start3A_52 = tpu.memref_squeeze %dma_start3A_51 : memref<1x40x128xi32, #tpu.memory_space<hbm>> -> memref<40x128xi32, #tpu.memory_space<hbm>>
      tpu.enqueue_dma source(%dma_start3A_52 : memref<40x128xi32, #tpu.memory_space<hbm>>) target(%arg7 : memref<40x128xi32, #tpu.memory_space<vmem>>) target_semaphore(%run_scoped3A : memref<!tpu.dma_semaphore, #tpu.memory_space<semaphore_mem>>)
      %dma_wait3A_53 = arith.constant 0 : i32
      %dma_wait3A_54 = arith.constant 0 : i32
      %dma_wait3A_55 = tpu.memref_slice %arg3[%add3A, %dma_wait3A_53, %dma_wait3A_54] : memref<32x80x128xi32, #tpu.memory_space<hbm>> -> memref<1x40x128xi32, #tpu.memory_space<hbm>>
      %dma_wait3A_56 = tpu.memref_squeeze %dma_wait3A_55 : memref<1x40x128xi32, #tpu.memory_space<hbm>> -> memref<40x128xi32, #tpu.memory_space<hbm>>
      %dma_wait3A_57 = arith.constant 0 : i32
      %dma_wait3A_58 = arith.constant 0 : i32
      %dma_wait3A_59 = tpu.memref_slice %arg3[%add3A, %dma_wait3A_57, %dma_wait3A_58] : memref<32x80x128xi32, #tpu.memory_space<hbm>> -> memref<1x40x128xi32, #tpu.memory_space<hbm>>
      %dma_wait3A_60 = tpu.memref_squeeze %dma_wait3A_59 : memref<1x40x128xi32, #tpu.memory_space<hbm>> -> memref<40x128xi32, #tpu.memory_space<hbm>>
      tpu.wait_dma2 semaphore(%run_scoped3A : memref<!tpu.dma_semaphore, #tpu.memory_space<semaphore_mem>>) src(%dma_wait3A_60 : memref<40x128xi32, #tpu.memory_space<hbm>>) dst(%arg7 : memref<40x128xi32, #tpu.memory_space<vmem>>)
      tpu.yield
    }) : () -> ()
    "tpu.region"() ({
      %run_scoped3A = tpu.sem_alloc : memref<!tpu.dma_semaphore, #tpu.memory_space<semaphore_mem>>
      %dma_start3A_45 = arith.constant 0 : i32
      %dma_start3A_46 = arith.constant 0 : i32
      %dma_start3A_47 = tpu.memref_slice %arg4[%add3A, %dma_start3A_45, %dma_start3A_46] : memref<32x80x128xi32, #tpu.memory_space<hbm>> -> memref<1x40x128xi32, #tpu.memory_space<hbm>>
      %dma_start3A_48 = tpu.memref_squeeze %dma_start3A_47 : memref<1x40x128xi32, #tpu.memory_space<hbm>> -> memref<40x128xi32, #tpu.memory_space<hbm>>
      %dma_start3A_49 = arith.constant 0 : i32
      %dma_start3A_50 = arith.constant 0 : i32
      %dma_start3A_51 = tpu.memref_slice %arg4[%add3A, %dma_start3A_49, %dma_start3A_50] : memref<32x80x128xi32, #tpu.memory_space<hbm>> -> memref<1x40x128xi32, #tpu.memory_space<hbm>>
      %dma_start3A_52 = tpu.memref_squeeze %dma_start3A_51 : memref<1x40x128xi32, #tpu.memory_space<hbm>> -> memref<40x128xi32, #tpu.memory_space<hbm>>
      tpu.enqueue_dma source(%dma_start3A_52 : memref<40x128xi32, #tpu.memory_space<hbm>>) target(%arg8 : memref<40x128xi32, #tpu.memory_space<vmem>>) target_semaphore(%run_scoped3A : memref<!tpu.dma_semaphore, #tpu.memory_space<semaphore_mem>>)
      %dma_wait3A_53 = arith.constant 0 : i32
      %dma_wait3A_54 = arith.constant 0 : i32
      %dma_wait3A_55 = tpu.memref_slice %arg4[%add3A, %dma_wait3A_53, %dma_wait3A_54] : memref<32x80x128xi32, #tpu.memory_space<hbm>> -> memref<1x40x128xi32, #tpu.memory_space<hbm>>
      %dma_wait3A_56 = tpu.memref_squeeze %dma_wait3A_55 : memref<1x40x128xi32, #tpu.memory_space<hbm>> -> memref<40x128xi32, #tpu.memory_space<hbm>>
      %dma_wait3A_57 = arith.constant 0 : i32
      %dma_wait3A_58 = arith.constant 0 : i32
      %dma_wait3A_59 = tpu.memref_slice %arg4[%add3A, %dma_wait3A_57, %dma_wait3A_58] : memref<32x80x128xi32, #tpu.memory_space<hbm>> -> memref<1x40x128xi32, #tpu.memory_space<hbm>>
      %dma_wait3A_60 = tpu.memref_squeeze %dma_wait3A_59 : memref<1x40x128xi32, #tpu.memory_space<hbm>> -> memref<40x128xi32, #tpu.memory_space<hbm>>
      tpu.wait_dma2 semaphore(%run_scoped3A : memref<!tpu.dma_semaphore, #tpu.memory_space<semaphore_mem>>) src(%dma_wait3A_60 : memref<40x128xi32, #tpu.memory_space<hbm>>) dst(%arg8 : memref<40x128xi32, #tpu.memory_space<vmem>>)
      tpu.yield
    }) : () -> ()
    %dma_start3A = arith.constant 0 : i32
    %dma_start3A_3 = arith.constant 0 : i32
    %dma_start3A_4 = tpu.memref_slice %arg7[%dma_start3A, %dma_start3A_3] : memref<40x128xi32, #tpu.memory_space<vmem>> -> memref<1x128xi32, #tpu.memory_space<vmem>>
    %dma_start3A_5 = tpu.memref_squeeze %dma_start3A_4 : memref<1x128xi32, #tpu.memory_space<vmem>> -> memref<128xi32, #tpu.memory_space<vmem>>
    %dma_start3A_6 = arith.constant 0 : i32
    %dma_start3A_7 = arith.constant 0 : i32
    %dma_start3A_8 = tpu.memref_slice %arg2[%dma_start3A_6, %dma_start3A_7] : memref<10000x128xf32, #tpu.memory_space<hbm>> -> memref<10000x128xf32, #tpu.memory_space<hbm>>
    tpu.enqueue_indirect_dma source(%dma_start3A_8 : memref<10000x128xf32, #tpu.memory_space<hbm>>) target(%arg9 : memref<128x128xf32, #tpu.memory_space<vmem>>) offsets(%dma_start3A_5 : memref<128xi32, #tpu.memory_space<vmem>>) semaphore(%arg12 : memref<!tpu.dma_semaphore, #tpu.memory_space<semaphore_mem>>)
    %scan3A = arith.constant 0 : i32
    %scan3A_9 = arith.constant 0 : i32
    %scan3A_10 = arith.constant 20 : i32
    %scan3A_11 = arith.addi %scan3A_9, %scan3A_10 : i32
    %scan3A_12 = arith.constant 1 : i32
    scf.for %scan3A_45 = %scan3A_9 to %scan3A_11 step %scan3A_12  : i32 {
      %mul3A_46 = arith.constant 2 : i32
      %mul3A_47 = arith.muli %mul3A_46, %scan3A_45 : i32
      %add3A_48 = arith.constant 1 : i32
      %add3A_49 = arith.addi %mul3A_47, %add3A_48 : i32
      %add3A_50 = arith.constant 2 : i32
      %add3A_51 = arith.addi %mul3A_47, %add3A_50 : i32
      %min3A = arith.constant 39 : i32
      %min3A_52 = arith.minsi %add3A_51, %min3A : i32
      %dma_wait3A_53 = arith.constant 0 : i32
      %dma_wait3A_54 = tpu.memref_slice %arg7[%mul3A_47, %dma_wait3A_53] : memref<40x128xi32, #tpu.memory_space<vmem>> -> memref<1x128xi32, #tpu.memory_space<vmem>>
      %dma_wait3A_55 = tpu.memref_squeeze %dma_wait3A_54 : memref<1x128xi32, #tpu.memory_space<vmem>> -> memref<128xi32, #tpu.memory_space<vmem>>
      %dma_wait3A_56 = arith.constant 0 : i32
      %dma_wait3A_57 = arith.constant 0 : i32
      %dma_wait3A_58 = tpu.memref_slice %arg2[%dma_wait3A_56, %dma_wait3A_57] : memref<10000x128xf32, #tpu.memory_space<hbm>> -> memref<10000x128xf32, #tpu.memory_space<hbm>>
      tpu.wait_indirect_dma semaphore(%arg12 : memref<!tpu.dma_semaphore, #tpu.memory_space<semaphore_mem>>) src(%dma_wait3A_58 : memref<10000x128xf32, #tpu.memory_space<hbm>>) dst(%arg9 : memref<128x128xf32, #tpu.memory_space<vmem>>)
      %dma_start3A_59 = arith.constant 0 : i32
      %dma_start3A_60 = tpu.memref_slice %arg7[%add3A_49, %dma_start3A_59] : memref<40x128xi32, #tpu.memory_space<vmem>> -> memref<1x128xi32, #tpu.memory_space<vmem>>
      %dma_start3A_61 = tpu.memref_squeeze %dma_start3A_60 : memref<1x128xi32, #tpu.memory_space<vmem>> -> memref<128xi32, #tpu.memory_space<vmem>>
      %dma_start3A_62 = arith.constant 0 : i32
      %dma_start3A_63 = arith.constant 0 : i32
      %dma_start3A_64 = tpu.memref_slice %arg2[%dma_start3A_62, %dma_start3A_63] : memref<10000x128xf32, #tpu.memory_space<hbm>> -> memref<10000x128xf32, #tpu.memory_space<hbm>>
      tpu.enqueue_indirect_dma source(%dma_start3A_64 : memref<10000x128xf32, #tpu.memory_space<hbm>>) target(%arg10 : memref<128x128xf32, #tpu.memory_space<vmem>>) offsets(%dma_start3A_61 : memref<128xi32, #tpu.memory_space<vmem>>) semaphore(%arg12 : memref<!tpu.dma_semaphore, #tpu.memory_space<semaphore_mem>>)
      "tpu.region"() ({
        %run_scoped3A = tpu.sem_alloc : memref<!tpu.dma_semaphore, #tpu.memory_space<semaphore_mem>>
        %dma_start3A_77 = arith.constant 0 : i32
        %dma_start3A_78 = tpu.memref_slice %arg8[%mul3A_47, %dma_start3A_77] : memref<40x128xi32, #tpu.memory_space<vmem>> -> memref<1x128xi32, #tpu.memory_space<vmem>>
        %dma_start3A_79 = tpu.memref_squeeze %dma_start3A_78 : memref<1x128xi32, #tpu.memory_space<vmem>> -> memref<128xi32, #tpu.memory_space<vmem>>
        %dma_start3A_80 = arith.constant 0 : i32
        %dma_start3A_81 = arith.constant 0 : i32
        %dma_start3A_82 = tpu.memref_slice %arg11[%dma_start3A_80, %dma_start3A_81] : memref<10240x128xf32, #tpu.memory_space<vmem_shared>> -> memref<10240x128xf32, #tpu.memory_space<vmem_shared>>
        tpu.enqueue_indirect_dma source(%arg9 : memref<128x128xf32, #tpu.memory_space<vmem>>) target(%dma_start3A_82 : memref<10240x128xf32, #tpu.memory_space<vmem_shared>>) offsets(%dma_start3A_79 : memref<128xi32, #tpu.memory_space<vmem>>) semaphore(%run_scoped3A : memref<!tpu.dma_semaphore, #tpu.memory_space<semaphore_mem>>) {add = true}
        %dma_wait3A_83 = arith.constant 0 : i32
        %dma_wait3A_84 = tpu.memref_slice %arg8[%mul3A_47, %dma_wait3A_83] : memref<40x128xi32, #tpu.memory_space<vmem>> -> memref<1x128xi32, #tpu.memory_space<vmem>>
        %dma_wait3A_85 = tpu.memref_squeeze %dma_wait3A_84 : memref<1x128xi32, #tpu.memory_space<vmem>> -> memref<128xi32, #tpu.memory_space<vmem>>
        %dma_wait3A_86 = arith.constant 0 : i32
        %dma_wait3A_87 = arith.constant 0 : i32
        %dma_wait3A_88 = tpu.memref_slice %arg11[%dma_wait3A_86, %dma_wait3A_87] : memref<10240x128xf32, #tpu.memory_space<vmem_shared>> -> memref<10240x128xf32, #tpu.memory_space<vmem_shared>>
        tpu.wait_indirect_dma semaphore(%run_scoped3A : memref<!tpu.dma_semaphore, #tpu.memory_space<semaphore_mem>>) src(%arg9 : memref<128x128xf32, #tpu.memory_space<vmem>>) dst(%dma_wait3A_88 : memref<10240x128xf32, #tpu.memory_space<vmem_shared>>)
        tpu.yield
      }) : () -> ()
      %dma_wait3A_65 = arith.constant 0 : i32
      %dma_wait3A_66 = tpu.memref_slice %arg7[%add3A_49, %dma_wait3A_65] : memref<40x128xi32, #tpu.memory_space<vmem>> -> memref<1x128xi32, #tpu.memory_space<vmem>>
      %dma_wait3A_67 = tpu.memref_squeeze %dma_wait3A_66 : memref<1x128xi32, #tpu.memory_space<vmem>> -> memref<128xi32, #tpu.memory_space<vmem>>
      %dma_wait3A_68 = arith.constant 0 : i32
      %dma_wait3A_69 = arith.constant 0 : i32
      %dma_wait3A_70 = tpu.memref_slice %arg2[%dma_wait3A_68, %dma_wait3A_69] : memref<10000x128xf32, #tpu.memory_space<hbm>> -> memref<10000x128xf32, #tpu.memory_space<hbm>>
      tpu.wait_indirect_dma semaphore(%arg12 : memref<!tpu.dma_semaphore, #tpu.memory_space<semaphore_mem>>) src(%dma_wait3A_70 : memref<10000x128xf32, #tpu.memory_space<hbm>>) dst(%arg10 : memref<128x128xf32, #tpu.memory_space<vmem>>)
      %dma_start3A_71 = arith.constant 0 : i32
      %dma_start3A_72 = tpu.memref_slice %arg7[%min3A_52, %dma_start3A_71] : memref<40x128xi32, #tpu.memory_space<vmem>> -> memref<1x128xi32, #tpu.memory_space<vmem>>
      %dma_start3A_73 = tpu.memref_squeeze %dma_start3A_72 : memref<1x128xi32, #tpu.memory_space<vmem>> -> memref<128xi32, #tpu.memory_space<vmem>>
      %dma_start3A_74 = arith.constant 0 : i32
      %dma_start3A_75 = arith.constant 0 : i32
      %dma_start3A_76 = tpu.memref_slice %arg2[%dma_start3A_74, %dma_start3A_75] : memref<10000x128xf32, #tpu.memory_space<hbm>> -> memref<10000x128xf32, #tpu.memory_space<hbm>>
      tpu.enqueue_indirect_dma source(%dma_start3A_76 : memref<10000x128xf32, #tpu.memory_space<hbm>>) target(%arg9 : memref<128x128xf32, #tpu.memory_space<vmem>>) offsets(%dma_start3A_73 : memref<128xi32, #tpu.memory_space<vmem>>) semaphore(%arg12 : memref<!tpu.dma_semaphore, #tpu.memory_space<semaphore_mem>>)
      "tpu.region"() ({
        %run_scoped3A = tpu.sem_alloc : memref<!tpu.dma_semaphore, #tpu.memory_space<semaphore_mem>>
        %dma_start3A_77 = arith.constant 0 : i32
        %dma_start3A_78 = tpu.memref_slice %arg8[%add3A_49, %dma_start3A_77] : memref<40x128xi32, #tpu.memory_space<vmem>> -> memref<1x128xi32, #tpu.memory_space<vmem>>
        %dma_start3A_79 = tpu.memref_squeeze %dma_start3A_78 : memref<1x128xi32, #tpu.memory_space<vmem>> -> memref<128xi32, #tpu.memory_space<vmem>>
        %dma_start3A_80 = arith.constant 0 : i32
        %dma_start3A_81 = arith.constant 0 : i32
        %dma_start3A_82 = tpu.memref_slice %arg11[%dma_start3A_80, %dma_start3A_81] : memref<10240x128xf32, #tpu.memory_space<vmem_shared>> -> memref<10240x128xf32, #tpu.memory_space<vmem_shared>>
        tpu.enqueue_indirect_dma source(%arg10 : memref<128x128xf32, #tpu.memory_space<vmem>>) target(%dma_start3A_82 : memref<10240x128xf32, #tpu.memory_space<vmem_shared>>) offsets(%dma_start3A_79 : memref<128xi32, #tpu.memory_space<vmem>>) semaphore(%run_scoped3A : memref<!tpu.dma_semaphore, #tpu.memory_space<semaphore_mem>>) {add = true}
        %dma_wait3A_83 = arith.constant 0 : i32
        %dma_wait3A_84 = tpu.memref_slice %arg8[%add3A_49, %dma_wait3A_83] : memref<40x128xi32, #tpu.memory_space<vmem>> -> memref<1x128xi32, #tpu.memory_space<vmem>>
        %dma_wait3A_85 = tpu.memref_squeeze %dma_wait3A_84 : memref<1x128xi32, #tpu.memory_space<vmem>> -> memref<128xi32, #tpu.memory_space<vmem>>
        %dma_wait3A_86 = arith.constant 0 : i32
        %dma_wait3A_87 = arith.constant 0 : i32
        %dma_wait3A_88 = tpu.memref_slice %arg11[%dma_wait3A_86, %dma_wait3A_87] : memref<10240x128xf32, #tpu.memory_space<vmem_shared>> -> memref<10240x128xf32, #tpu.memory_space<vmem_shared>>
        tpu.wait_indirect_dma semaphore(%run_scoped3A : memref<!tpu.dma_semaphore, #tpu.memory_space<semaphore_mem>>) src(%arg10 : memref<128x128xf32, #tpu.memory_space<vmem>>) dst(%dma_wait3A_88 : memref<10240x128xf32, #tpu.memory_space<vmem_shared>>)
        tpu.yield
      }) : () -> ()
    }
    %scan3A_13 = arith.constant 20 : i32
    %dma_wait3A = arith.constant 39 : i32
    %dma_wait3A_14 = arith.constant 0 : i32
    %dma_wait3A_15 = tpu.memref_slice %arg7[%dma_wait3A, %dma_wait3A_14] : memref<40x128xi32, #tpu.memory_space<vmem>> -> memref<1x128xi32, #tpu.memory_space<vmem>>
    %dma_wait3A_16 = tpu.memref_squeeze %dma_wait3A_15 : memref<1x128xi32, #tpu.memory_space<vmem>> -> memref<128xi32, #tpu.memory_space<vmem>>
    %dma_wait3A_17 = arith.constant 0 : i32
    %dma_wait3A_18 = arith.constant 0 : i32
    %dma_wait3A_19 = tpu.memref_slice %arg2[%dma_wait3A_17, %dma_wait3A_18] : memref<10000x128xf32, #tpu.memory_space<hbm>> -> memref<10000x128xf32, #tpu.memory_space<hbm>>
    tpu.wait_indirect_dma semaphore(%arg12 : memref<!tpu.dma_semaphore, #tpu.memory_space<semaphore_mem>>) src(%dma_wait3A_19 : memref<10000x128xf32, #tpu.memory_space<hbm>>) dst(%arg9 : memref<128x128xf32, #tpu.memory_space<vmem>>)
    "tpu.region"() ({
      %run_scoped3A = tpu.sem_alloc : memref<!tpu.dma_semaphore, #tpu.memory_space<semaphore_mem>>
      %dma_start3A_45 = arith.constant 40 : i32
      %dma_start3A_46 = arith.constant 0 : i32
      %dma_start3A_47 = tpu.memref_slice %arg3[%add3A, %dma_start3A_45, %dma_start3A_46] : memref<32x80x128xi32, #tpu.memory_space<hbm>> -> memref<1x40x128xi32, #tpu.memory_space<hbm>>
      %dma_start3A_48 = tpu.memref_squeeze %dma_start3A_47 : memref<1x40x128xi32, #tpu.memory_space<hbm>> -> memref<40x128xi32, #tpu.memory_space<hbm>>
      %dma_start3A_49 = arith.constant 40 : i32
      %dma_start3A_50 = arith.constant 0 : i32
      %dma_start3A_51 = tpu.memref_slice %arg3[%add3A, %dma_start3A_49, %dma_start3A_50] : memref<32x80x128xi32, #tpu.memory_space<hbm>> -> memref<1x40x128xi32, #tpu.memory_space<hbm>>
      %dma_start3A_52 = tpu.memref_squeeze %dma_start3A_51 : memref<1x40x128xi32, #tpu.memory_space<hbm>> -> memref<40x128xi32, #tpu.memory_space<hbm>>
      tpu.enqueue_dma source(%dma_start3A_52 : memref<40x128xi32, #tpu.memory_space<hbm>>) target(%arg7 : memref<40x128xi32, #tpu.memory_space<vmem>>) target_semaphore(%run_scoped3A : memref<!tpu.dma_semaphore, #tpu.memory_space<semaphore_mem>>)
      %dma_wait3A_53 = arith.constant 40 : i32
      %dma_wait3A_54 = arith.constant 0 : i32
      %dma_wait3A_55 = tpu.memref_slice %arg3[%add3A, %dma_wait3A_53, %dma_wait3A_54] : memref<32x80x128xi32, #tpu.memory_space<hbm>> -> memref<1x40x128xi32, #tpu.memory_space<hbm>>
      %dma_wait3A_56 = tpu.memref_squeeze %dma_wait3A_55 : memref<1x40x128xi32, #tpu.memory_space<hbm>> -> memref<40x128xi32, #tpu.memory_space<hbm>>
      %dma_wait3A_57 = arith.constant 40 : i32
      %dma_wait3A_58 = arith.constant 0 : i32
      %dma_wait3A_59 = tpu.memref_slice %arg3[%add3A, %dma_wait3A_57, %dma_wait3A_58] : memref<32x80x128xi32, #tpu.memory_space<hbm>> -> memref<1x40x128xi32, #tpu.memory_space<hbm>>
      %dma_wait3A_60 = tpu.memref_squeeze %dma_wait3A_59 : memref<1x40x128xi32, #tpu.memory_space<hbm>> -> memref<40x128xi32, #tpu.memory_space<hbm>>
      tpu.wait_dma2 semaphore(%run_scoped3A : memref<!tpu.dma_semaphore, #tpu.memory_space<semaphore_mem>>) src(%dma_wait3A_60 : memref<40x128xi32, #tpu.memory_space<hbm>>) dst(%arg7 : memref<40x128xi32, #tpu.memory_space<vmem>>)
      tpu.yield
    }) : () -> ()
    "tpu.region"() ({
      %run_scoped3A = tpu.sem_alloc : memref<!tpu.dma_semaphore, #tpu.memory_space<semaphore_mem>>
      %dma_start3A_45 = arith.constant 40 : i32
      %dma_start3A_46 = arith.constant 0 : i32
      %dma_start3A_47 = tpu.memref_slice %arg4[%add3A, %dma_start3A_45, %dma_start3A_46] : memref<32x80x128xi32, #tpu.memory_space<hbm>> -> memref<1x40x128xi32, #tpu.memory_space<hbm>>
      %dma_start3A_48 = tpu.memref_squeeze %dma_start3A_47 : memref<1x40x128xi32, #tpu.memory_space<hbm>> -> memref<40x128xi32, #tpu.memory_space<hbm>>
      %dma_start3A_49 = arith.constant 40 : i32
      %dma_start3A_50 = arith.constant 0 : i32
      %dma_start3A_51 = tpu.memref_slice %arg4[%add3A, %dma_start3A_49, %dma_start3A_50] : memref<32x80x128xi32, #tpu.memory_space<hbm>> -> memref<1x40x128xi32, #tpu.memory_space<hbm>>
      %dma_start3A_52 = tpu.memref_squeeze %dma_start3A_51 : memref<1x40x128xi32, #tpu.memory_space<hbm>> -> memref<40x128xi32, #tpu.memory_space<hbm>>
      tpu.enqueue_dma source(%dma_start3A_52 : memref<40x128xi32, #tpu.memory_space<hbm>>) target(%arg8 : memref<40x128xi32, #tpu.memory_space<vmem>>) target_semaphore(%run_scoped3A : memref<!tpu.dma_semaphore, #tpu.memory_space<semaphore_mem>>)
      %dma_wait3A_53 = arith.constant 40 : i32
      %dma_wait3A_54 = arith.constant 0 : i32
      %dma_wait3A_55 = tpu.memref_slice %arg4[%add3A, %dma_wait3A_53, %dma_wait3A_54] : memref<32x80x128xi32, #tpu.memory_space<hbm>> -> memref<1x40x128xi32, #tpu.memory_space<hbm>>
      %dma_wait3A_56 = tpu.memref_squeeze %dma_wait3A_55 : memref<1x40x128xi32, #tpu.memory_space<hbm>> -> memref<40x128xi32, #tpu.memory_space<hbm>>
      %dma_wait3A_57 = arith.constant 40 : i32
      %dma_wait3A_58 = arith.constant 0 : i32
      %dma_wait3A_59 = tpu.memref_slice %arg4[%add3A, %dma_wait3A_57, %dma_wait3A_58] : memref<32x80x128xi32, #tpu.memory_space<hbm>> -> memref<1x40x128xi32, #tpu.memory_space<hbm>>
      %dma_wait3A_60 = tpu.memref_squeeze %dma_wait3A_59 : memref<1x40x128xi32, #tpu.memory_space<hbm>> -> memref<40x128xi32, #tpu.memory_space<hbm>>
      tpu.wait_dma2 semaphore(%run_scoped3A : memref<!tpu.dma_semaphore, #tpu.memory_space<semaphore_mem>>) src(%dma_wait3A_60 : memref<40x128xi32, #tpu.memory_space<hbm>>) dst(%arg8 : memref<40x128xi32, #tpu.memory_space<vmem>>)
      tpu.yield
    }) : () -> ()
    %dma_start3A_20 = arith.constant 0 : i32
    %dma_start3A_21 = arith.constant 0 : i32
    %dma_start3A_22 = tpu.memref_slice %arg7[%dma_start3A_20, %dma_start3A_21] : memref<40x128xi32, #tpu.memory_space<vmem>> -> memref<1x128xi32, #tpu.memory_space<vmem>>
    %dma_start3A_23 = tpu.memref_squeeze %dma_start3A_22 : memref<1x128xi32, #tpu.memory_space<vmem>> -> memref<128xi32, #tpu.memory_space<vmem>>
    %dma_start3A_24 = arith.constant 0 : i32
    %dma_start3A_25 = arith.constant 0 : i32
    %dma_start3A_26 = tpu.memref_slice %arg2[%dma_start3A_24, %dma_start3A_25] : memref<10000x128xf32, #tpu.memory_space<hbm>> -> memref<10000x128xf32, #tpu.memory_space<hbm>>
    tpu.enqueue_indirect_dma source(%dma_start3A_26 : memref<10000x128xf32, #tpu.memory_space<hbm>>) target(%arg9 : memref<128x128xf32, #tpu.memory_space<vmem>>) offsets(%dma_start3A_23 : memref<128xi32, #tpu.memory_space<vmem>>) semaphore(%arg12 : memref<!tpu.dma_semaphore, #tpu.memory_space<semaphore_mem>>)
    %scan3A_27 = arith.constant 0 : i32
    %scan3A_28 = arith.constant 0 : i32
    %scan3A_29 = arith.constant 20 : i32
    %scan3A_30 = arith.addi %scan3A_28, %scan3A_29 : i32
    %scan3A_31 = arith.constant 1 : i32
    scf.for %scan3A_45 = %scan3A_28 to %scan3A_30 step %scan3A_31  : i32 {
      %mul3A_46 = arith.constant 2 : i32
      %mul3A_47 = arith.muli %mul3A_46, %scan3A_45 : i32
      %add3A_48 = arith.constant 1 : i32
      %add3A_49 = arith.addi %mul3A_47, %add3A_48 : i32
      %add3A_50 = arith.constant 2 : i32
      %add3A_51 = arith.addi %mul3A_47, %add3A_50 : i32
      %min3A = arith.constant 39 : i32
      %min3A_52 = arith.minsi %add3A_51, %min3A : i32
      %dma_wait3A_53 = arith.constant 0 : i32
      %dma_wait3A_54 = tpu.memref_slice %arg7[%mul3A_47, %dma_wait3A_53] : memref<40x128xi32, #tpu.memory_space<vmem>> -> memref<1x128xi32, #tpu.memory_space<vmem>>
      %dma_wait3A_55 = tpu.memref_squeeze %dma_wait3A_54 : memref<1x128xi32, #tpu.memory_space<vmem>> -> memref<128xi32, #tpu.memory_space<vmem>>
      %dma_wait3A_56 = arith.constant 0 : i32
      %dma_wait3A_57 = arith.constant 0 : i32
      %dma_wait3A_58 = tpu.memref_slice %arg2[%dma_wait3A_56, %dma_wait3A_57] : memref<10000x128xf32, #tpu.memory_space<hbm>> -> memref<10000x128xf32, #tpu.memory_space<hbm>>
      tpu.wait_indirect_dma semaphore(%arg12 : memref<!tpu.dma_semaphore, #tpu.memory_space<semaphore_mem>>) src(%dma_wait3A_58 : memref<10000x128xf32, #tpu.memory_space<hbm>>) dst(%arg9 : memref<128x128xf32, #tpu.memory_space<vmem>>)
      %dma_start3A_59 = arith.constant 0 : i32
      %dma_start3A_60 = tpu.memref_slice %arg7[%add3A_49, %dma_start3A_59] : memref<40x128xi32, #tpu.memory_space<vmem>> -> memref<1x128xi32, #tpu.memory_space<vmem>>
      %dma_start3A_61 = tpu.memref_squeeze %dma_start3A_60 : memref<1x128xi32, #tpu.memory_space<vmem>> -> memref<128xi32, #tpu.memory_space<vmem>>
      %dma_start3A_62 = arith.constant 0 : i32
      %dma_start3A_63 = arith.constant 0 : i32
      %dma_start3A_64 = tpu.memref_slice %arg2[%dma_start3A_62, %dma_start3A_63] : memref<10000x128xf32, #tpu.memory_space<hbm>> -> memref<10000x128xf32, #tpu.memory_space<hbm>>
      tpu.enqueue_indirect_dma source(%dma_start3A_64 : memref<10000x128xf32, #tpu.memory_space<hbm>>) target(%arg10 : memref<128x128xf32, #tpu.memory_space<vmem>>) offsets(%dma_start3A_61 : memref<128xi32, #tpu.memory_space<vmem>>) semaphore(%arg12 : memref<!tpu.dma_semaphore, #tpu.memory_space<semaphore_mem>>)
      "tpu.region"() ({
        %run_scoped3A = tpu.sem_alloc : memref<!tpu.dma_semaphore, #tpu.memory_space<semaphore_mem>>
        %dma_start3A_77 = arith.constant 0 : i32
        %dma_start3A_78 = tpu.memref_slice %arg8[%mul3A_47, %dma_start3A_77] : memref<40x128xi32, #tpu.memory_space<vmem>> -> memref<1x128xi32, #tpu.memory_space<vmem>>
        %dma_start3A_79 = tpu.memref_squeeze %dma_start3A_78 : memref<1x128xi32, #tpu.memory_space<vmem>> -> memref<128xi32, #tpu.memory_space<vmem>>
        %dma_start3A_80 = arith.constant 0 : i32
        %dma_start3A_81 = arith.constant 0 : i32
        %dma_start3A_82 = tpu.memref_slice %arg11[%dma_start3A_80, %dma_start3A_81] : memref<10240x128xf32, #tpu.memory_space<vmem_shared>> -> memref<10240x128xf32, #tpu.memory_space<vmem_shared>>
        tpu.enqueue_indirect_dma source(%arg9 : memref<128x128xf32, #tpu.memory_space<vmem>>) target(%dma_start3A_82 : memref<10240x128xf32, #tpu.memory_space<vmem_shared>>) offsets(%dma_start3A_79 : memref<128xi32, #tpu.memory_space<vmem>>) semaphore(%run_scoped3A : memref<!tpu.dma_semaphore, #tpu.memory_space<semaphore_mem>>) {add = true}
        %dma_wait3A_83 = arith.constant 0 : i32
        %dma_wait3A_84 = tpu.memref_slice %arg8[%mul3A_47, %dma_wait3A_83] : memref<40x128xi32, #tpu.memory_space<vmem>> -> memref<1x128xi32, #tpu.memory_space<vmem>>
        %dma_wait3A_85 = tpu.memref_squeeze %dma_wait3A_84 : memref<1x128xi32, #tpu.memory_space<vmem>> -> memref<128xi32, #tpu.memory_space<vmem>>
        %dma_wait3A_86 = arith.constant 0 : i32
        %dma_wait3A_87 = arith.constant 0 : i32
        %dma_wait3A_88 = tpu.memref_slice %arg11[%dma_wait3A_86, %dma_wait3A_87] : memref<10240x128xf32, #tpu.memory_space<vmem_shared>> -> memref<10240x128xf32, #tpu.memory_space<vmem_shared>>
        tpu.wait_indirect_dma semaphore(%run_scoped3A : memref<!tpu.dma_semaphore, #tpu.memory_space<semaphore_mem>>) src(%arg9 : memref<128x128xf32, #tpu.memory_space<vmem>>) dst(%dma_wait3A_88 : memref<10240x128xf32, #tpu.memory_space<vmem_shared>>)
        tpu.yield
      }) : () -> ()
      %dma_wait3A_65 = arith.constant 0 : i32
      %dma_wait3A_66 = tpu.memref_slice %arg7[%add3A_49, %dma_wait3A_65] : memref<40x128xi32, #tpu.memory_space<vmem>> -> memref<1x128xi32, #tpu.memory_space<vmem>>
      %dma_wait3A_67 = tpu.memref_squeeze %dma_wait3A_66 : memref<1x128xi32, #tpu.memory_space<vmem>> -> memref<128xi32, #tpu.memory_space<vmem>>
      %dma_wait3A_68 = arith.constant 0 : i32
      %dma_wait3A_69 = arith.constant 0 : i32
      %dma_wait3A_70 = tpu.memref_slice %arg2[%dma_wait3A_68, %dma_wait3A_69] : memref<10000x128xf32, #tpu.memory_space<hbm>> -> memref<10000x128xf32, #tpu.memory_space<hbm>>
      tpu.wait_indirect_dma semaphore(%arg12 : memref<!tpu.dma_semaphore, #tpu.memory_space<semaphore_mem>>) src(%dma_wait3A_70 : memref<10000x128xf32, #tpu.memory_space<hbm>>) dst(%arg10 : memref<128x128xf32, #tpu.memory_space<vmem>>)
      %dma_start3A_71 = arith.constant 0 : i32
      %dma_start3A_72 = tpu.memref_slice %arg7[%min3A_52, %dma_start3A_71] : memref<40x128xi32, #tpu.memory_space<vmem>> -> memref<1x128xi32, #tpu.memory_space<vmem>>
      %dma_start3A_73 = tpu.memref_squeeze %dma_start3A_72 : memref<1x128xi32, #tpu.memory_space<vmem>> -> memref<128xi32, #tpu.memory_space<vmem>>
      %dma_start3A_74 = arith.constant 0 : i32
      %dma_start3A_75 = arith.constant 0 : i32
      %dma_start3A_76 = tpu.memref_slice %arg2[%dma_start3A_74, %dma_start3A_75] : memref<10000x128xf32, #tpu.memory_space<hbm>> -> memref<10000x128xf32, #tpu.memory_space<hbm>>
      tpu.enqueue_indirect_dma source(%dma_start3A_76 : memref<10000x128xf32, #tpu.memory_space<hbm>>) target(%arg9 : memref<128x128xf32, #tpu.memory_space<vmem>>) offsets(%dma_start3A_73 : memref<128xi32, #tpu.memory_space<vmem>>) semaphore(%arg12 : memref<!tpu.dma_semaphore, #tpu.memory_space<semaphore_mem>>)
      "tpu.region"() ({
        %run_scoped3A = tpu.sem_alloc : memref<!tpu.dma_semaphore, #tpu.memory_space<semaphore_mem>>
        %dma_start3A_77 = arith.constant 0 : i32
        %dma_start3A_78 = tpu.memref_slice %arg8[%add3A_49, %dma_start3A_77] : memref<40x128xi32, #tpu.memory_space<vmem>> -> memref<1x128xi32, #tpu.memory_space<vmem>>
        %dma_start3A_79 = tpu.memref_squeeze %dma_start3A_78 : memref<1x128xi32, #tpu.memory_space<vmem>> -> memref<128xi32, #tpu.memory_space<vmem>>
        %dma_start3A_80 = arith.constant 0 : i32
        %dma_start3A_81 = arith.constant 0 : i32
        %dma_start3A_82 = tpu.memref_slice %arg11[%dma_start3A_80, %dma_start3A_81] : memref<10240x128xf32, #tpu.memory_space<vmem_shared>> -> memref<10240x128xf32, #tpu.memory_space<vmem_shared>>
        tpu.enqueue_indirect_dma source(%arg10 : memref<128x128xf32, #tpu.memory_space<vmem>>) target(%dma_start3A_82 : memref<10240x128xf32, #tpu.memory_space<vmem_shared>>) offsets(%dma_start3A_79 : memref<128xi32, #tpu.memory_space<vmem>>) semaphore(%run_scoped3A : memref<!tpu.dma_semaphore, #tpu.memory_space<semaphore_mem>>) {add = true}
        %dma_wait3A_83 = arith.constant 0 : i32
        %dma_wait3A_84 = tpu.memref_slice %arg8[%add3A_49, %dma_wait3A_83] : memref<40x128xi32, #tpu.memory_space<vmem>> -> memref<1x128xi32, #tpu.memory_space<vmem>>
        %dma_wait3A_85 = tpu.memref_squeeze %dma_wait3A_84 : memref<1x128xi32, #tpu.memory_space<vmem>> -> memref<128xi32, #tpu.memory_space<vmem>>
        %dma_wait3A_86 = arith.constant 0 : i32
        %dma_wait3A_87 = arith.constant 0 : i32
        %dma_wait3A_88 = tpu.memref_slice %arg11[%dma_wait3A_86, %dma_wait3A_87] : memref<10240x128xf32, #tpu.memory_space<vmem_shared>> -> memref<10240x128xf32, #tpu.memory_space<vmem_shared>>
        tpu.wait_indirect_dma semaphore(%run_scoped3A : memref<!tpu.dma_semaphore, #tpu.memory_space<semaphore_mem>>) src(%arg10 : memref<128x128xf32, #tpu.memory_space<vmem>>) dst(%dma_wait3A_88 : memref<10240x128xf32, #tpu.memory_space<vmem_shared>>)
        tpu.yield
      }) : () -> ()
    }
    %scan3A_32 = arith.constant 20 : i32
    %dma_wait3A_33 = arith.constant 39 : i32
    %dma_wait3A_34 = arith.constant 0 : i32
    %dma_wait3A_35 = tpu.memref_slice %arg7[%dma_wait3A_33, %dma_wait3A_34] : memref<40x128xi32, #tpu.memory_space<vmem>> -> memref<1x128xi32, #tpu.memory_space<vmem>>
    %dma_wait3A_36 = tpu.memref_squeeze %dma_wait3A_35 : memref<1x128xi32, #tpu.memory_space<vmem>> -> memref<128xi32, #tpu.memory_space<vmem>>
    %dma_wait3A_37 = arith.constant 0 : i32
    %dma_wait3A_38 = arith.constant 0 : i32
    %dma_wait3A_39 = tpu.memref_slice %arg2[%dma_wait3A_37, %dma_wait3A_38] : memref<10000x128xf32, #tpu.memory_space<hbm>> -> memref<10000x128xf32, #tpu.memory_space<hbm>>
    tpu.wait_indirect_dma semaphore(%arg12 : memref<!tpu.dma_semaphore, #tpu.memory_space<semaphore_mem>>) src(%dma_wait3A_39 : memref<10000x128xf32, #tpu.memory_space<hbm>>) dst(%arg9 : memref<128x128xf32, #tpu.memory_space<vmem>>)
    %barrier3A_40 = arith.constant 0 : index
    tpu.barrier barrier_id(%barrier3A_40)
    %mul3A_41 = arith.constant 640 : i32
    %mul3A_42 = arith.muli %arg1, %mul3A_41 : i32
    %mul3A_43 = arith.constant 640 : i32
    %mul3A_44 = arith.muli %arg1, %mul3A_43 : i32
    "tpu.region"() ({
      %run_scoped3A = tpu.sem_alloc : memref<!tpu.dma_semaphore, #tpu.memory_space<semaphore_mem>>
      %dma_start3A_45 = arith.constant 0 : i32
      %dma_start3A_46 = tpu.memref_slice %arg6[%arg0, %mul3A_44, %dma_start3A_45] : memref<2x10240x128xf32, #tpu.memory_space<hbm>> -> memref<1x640x128xf32, #tpu.memory_space<hbm>>
      %dma_start3A_47 = tpu.memref_squeeze %dma_start3A_46 : memref<1x640x128xf32, #tpu.memory_space<hbm>> -> memref<640x128xf32, #tpu.memory_space<hbm>>
      %dma_start3A_48 = arith.constant 0 : i32
      %dma_start3A_49 = tpu.memref_slice %arg11[%mul3A_42, %dma_start3A_48] : memref<10240x128xf32, #tpu.memory_space<vmem_shared>> -> memref<640x128xf32, #tpu.memory_space<vmem_shared>>
      tpu.enqueue_dma source(%dma_start3A_49 : memref<640x128xf32, #tpu.memory_space<vmem_shared>>) target(%dma_start3A_47 : memref<640x128xf32, #tpu.memory_space<hbm>>) target_semaphore(%run_scoped3A : memref<!tpu.dma_semaphore, #tpu.memory_space<semaphore_mem>>)
      %dma_wait3A_50 = arith.constant 0 : i32
      %dma_wait3A_51 = tpu.memref_slice %arg6[%arg0, %mul3A_44, %dma_wait3A_50] : memref<2x10240x128xf32, #tpu.memory_space<hbm>> -> memref<1x640x128xf32, #tpu.memory_space<hbm>>
      %dma_wait3A_52 = tpu.memref_squeeze %dma_wait3A_51 : memref<1x640x128xf32, #tpu.memory_space<hbm>> -> memref<640x128xf32, #tpu.memory_space<hbm>>
      %dma_wait3A_53 = arith.constant 0 : i32
      %dma_wait3A_54 = tpu.memref_slice %arg11[%mul3A_42, %dma_wait3A_53] : memref<10240x128xf32, #tpu.memory_space<vmem_shared>> -> memref<640x128xf32, #tpu.memory_space<vmem_shared>>
      tpu.wait_dma2 semaphore(%run_scoped3A : memref<!tpu.dma_semaphore, #tpu.memory_space<semaphore_mem>>) src(%dma_wait3A_54 : memref<640x128xf32, #tpu.memory_space<vmem_shared>>) dst(%dma_wait3A_52 : memref<640x128xf32, #tpu.memory_space<hbm>>)
      tpu.yield
    }) : () -> ()
    return
  }
}

#map = affine_map<(d0, d1) -> (0, 0)>
#map1 = affine_map<(d0, d1) -> (0, 0, 0)>
module attributes {stable_mosaic.version = 14 : i64} {
  func.func @agg(%arg0: i32, %arg1: i32, %arg2: memref<10000x64xf32, #tpu.memory_space<hbm>>, %arg3: memref<32x40x256xi32, #tpu.memory_space<hbm>>, %arg4: memref<32x40x256xi32, #tpu.memory_space<hbm>>, %arg5: memref<640x64xf32, #tpu.memory_space<hbm>>, %arg6: memref<2x10240x64xf32, #tpu.memory_space<hbm>>, %arg7: memref<20x256xi32, #tpu.memory_space<vmem>>, %arg8: memref<20x256xi32, #tpu.memory_space<vmem>>, %arg9: memref<256x64xf32, #tpu.memory_space<vmem>>, %arg10: memref<256x64xf32, #tpu.memory_space<vmem>>, %arg11: memref<10240x64xf32, #tpu.memory_space<vmem_shared>>, %arg12: memref<!tpu.dma_semaphore, #tpu.memory_space<semaphore_mem>>) attributes {dimension_semantics = [#tpu.dimension_semantics<core_parallel>, #tpu.dimension_semantics<subcore_parallel>], iteration_bounds = array<i64: 2, 16>, scalar_prefetch = 0 : i64, scratch_operands = 6 : i64, tpu.core_type = #tpu.core_type<sc_vector_subcore>, window_params = [{transform_indices = #map}, {transform_indices = #map1}, {transform_indices = #map1}, {transform_indices = #map}, {transform_indices = #map1}]} {
    %mul3A = arith.constant 2 : i32
    %mul3A_0 = arith.muli %arg1, %mul3A : i32
    %add3A = arith.addi %mul3A_0, %arg0 : i32
    %mul3A_1 = arith.constant 640 : i32
    %mul3A_2 = arith.muli %arg1, %mul3A_1 : i32
    "tpu.region"() ({
      %run_scoped3A = tpu.sem_alloc : memref<!tpu.dma_semaphore, #tpu.memory_space<semaphore_mem>>
      %dma_start3A_45 = arith.constant 0 : i32
      %dma_start3A_46 = tpu.memref_slice %arg11[%mul3A_2, %dma_start3A_45] : memref<10240x64xf32, #tpu.memory_space<vmem_shared>> -> memref<640x64xf32, #tpu.memory_space<vmem_shared>>
      tpu.enqueue_dma source(%arg5 : memref<640x64xf32, #tpu.memory_space<hbm>>) target(%dma_start3A_46 : memref<640x64xf32, #tpu.memory_space<vmem_shared>>) target_semaphore(%run_scoped3A : memref<!tpu.dma_semaphore, #tpu.memory_space<semaphore_mem>>)
      %dma_wait3A_47 = arith.constant 0 : i32
      %dma_wait3A_48 = tpu.memref_slice %arg11[%mul3A_2, %dma_wait3A_47] : memref<10240x64xf32, #tpu.memory_space<vmem_shared>> -> memref<640x64xf32, #tpu.memory_space<vmem_shared>>
      tpu.wait_dma2 semaphore(%run_scoped3A : memref<!tpu.dma_semaphore, #tpu.memory_space<semaphore_mem>>) src(%arg5 : memref<640x64xf32, #tpu.memory_space<hbm>>) dst(%dma_wait3A_48 : memref<640x64xf32, #tpu.memory_space<vmem_shared>>)
      tpu.yield
    }) : () -> ()
    %barrier3A = arith.constant 0 : index
    tpu.barrier barrier_id(%barrier3A)
    "tpu.region"() ({
      %run_scoped3A = tpu.sem_alloc : memref<!tpu.dma_semaphore, #tpu.memory_space<semaphore_mem>>
      %dma_start3A_45 = arith.constant 0 : i32
      %dma_start3A_46 = arith.constant 0 : i32
      %dma_start3A_47 = tpu.memref_slice %arg3[%add3A, %dma_start3A_45, %dma_start3A_46] : memref<32x40x256xi32, #tpu.memory_space<hbm>> -> memref<1x20x256xi32, #tpu.memory_space<hbm>>
      %dma_start3A_48 = tpu.memref_squeeze %dma_start3A_47 : memref<1x20x256xi32, #tpu.memory_space<hbm>> -> memref<20x256xi32, #tpu.memory_space<hbm>>
      %dma_start3A_49 = arith.constant 0 : i32
      %dma_start3A_50 = arith.constant 0 : i32
      %dma_start3A_51 = tpu.memref_slice %arg3[%add3A, %dma_start3A_49, %dma_start3A_50] : memref<32x40x256xi32, #tpu.memory_space<hbm>> -> memref<1x20x256xi32, #tpu.memory_space<hbm>>
      %dma_start3A_52 = tpu.memref_squeeze %dma_start3A_51 : memref<1x20x256xi32, #tpu.memory_space<hbm>> -> memref<20x256xi32, #tpu.memory_space<hbm>>
      tpu.enqueue_dma source(%dma_start3A_52 : memref<20x256xi32, #tpu.memory_space<hbm>>) target(%arg7 : memref<20x256xi32, #tpu.memory_space<vmem>>) target_semaphore(%run_scoped3A : memref<!tpu.dma_semaphore, #tpu.memory_space<semaphore_mem>>)
      %dma_wait3A_53 = arith.constant 0 : i32
      %dma_wait3A_54 = arith.constant 0 : i32
      %dma_wait3A_55 = tpu.memref_slice %arg3[%add3A, %dma_wait3A_53, %dma_wait3A_54] : memref<32x40x256xi32, #tpu.memory_space<hbm>> -> memref<1x20x256xi32, #tpu.memory_space<hbm>>
      %dma_wait3A_56 = tpu.memref_squeeze %dma_wait3A_55 : memref<1x20x256xi32, #tpu.memory_space<hbm>> -> memref<20x256xi32, #tpu.memory_space<hbm>>
      %dma_wait3A_57 = arith.constant 0 : i32
      %dma_wait3A_58 = arith.constant 0 : i32
      %dma_wait3A_59 = tpu.memref_slice %arg3[%add3A, %dma_wait3A_57, %dma_wait3A_58] : memref<32x40x256xi32, #tpu.memory_space<hbm>> -> memref<1x20x256xi32, #tpu.memory_space<hbm>>
      %dma_wait3A_60 = tpu.memref_squeeze %dma_wait3A_59 : memref<1x20x256xi32, #tpu.memory_space<hbm>> -> memref<20x256xi32, #tpu.memory_space<hbm>>
      tpu.wait_dma2 semaphore(%run_scoped3A : memref<!tpu.dma_semaphore, #tpu.memory_space<semaphore_mem>>) src(%dma_wait3A_60 : memref<20x256xi32, #tpu.memory_space<hbm>>) dst(%arg7 : memref<20x256xi32, #tpu.memory_space<vmem>>)
      tpu.yield
    }) : () -> ()
    "tpu.region"() ({
      %run_scoped3A = tpu.sem_alloc : memref<!tpu.dma_semaphore, #tpu.memory_space<semaphore_mem>>
      %dma_start3A_45 = arith.constant 0 : i32
      %dma_start3A_46 = arith.constant 0 : i32
      %dma_start3A_47 = tpu.memref_slice %arg4[%add3A, %dma_start3A_45, %dma_start3A_46] : memref<32x40x256xi32, #tpu.memory_space<hbm>> -> memref<1x20x256xi32, #tpu.memory_space<hbm>>
      %dma_start3A_48 = tpu.memref_squeeze %dma_start3A_47 : memref<1x20x256xi32, #tpu.memory_space<hbm>> -> memref<20x256xi32, #tpu.memory_space<hbm>>
      %dma_start3A_49 = arith.constant 0 : i32
      %dma_start3A_50 = arith.constant 0 : i32
      %dma_start3A_51 = tpu.memref_slice %arg4[%add3A, %dma_start3A_49, %dma_start3A_50] : memref<32x40x256xi32, #tpu.memory_space<hbm>> -> memref<1x20x256xi32, #tpu.memory_space<hbm>>
      %dma_start3A_52 = tpu.memref_squeeze %dma_start3A_51 : memref<1x20x256xi32, #tpu.memory_space<hbm>> -> memref<20x256xi32, #tpu.memory_space<hbm>>
      tpu.enqueue_dma source(%dma_start3A_52 : memref<20x256xi32, #tpu.memory_space<hbm>>) target(%arg8 : memref<20x256xi32, #tpu.memory_space<vmem>>) target_semaphore(%run_scoped3A : memref<!tpu.dma_semaphore, #tpu.memory_space<semaphore_mem>>)
      %dma_wait3A_53 = arith.constant 0 : i32
      %dma_wait3A_54 = arith.constant 0 : i32
      %dma_wait3A_55 = tpu.memref_slice %arg4[%add3A, %dma_wait3A_53, %dma_wait3A_54] : memref<32x40x256xi32, #tpu.memory_space<hbm>> -> memref<1x20x256xi32, #tpu.memory_space<hbm>>
      %dma_wait3A_56 = tpu.memref_squeeze %dma_wait3A_55 : memref<1x20x256xi32, #tpu.memory_space<hbm>> -> memref<20x256xi32, #tpu.memory_space<hbm>>
      %dma_wait3A_57 = arith.constant 0 : i32
      %dma_wait3A_58 = arith.constant 0 : i32
      %dma_wait3A_59 = tpu.memref_slice %arg4[%add3A, %dma_wait3A_57, %dma_wait3A_58] : memref<32x40x256xi32, #tpu.memory_space<hbm>> -> memref<1x20x256xi32, #tpu.memory_space<hbm>>
      %dma_wait3A_60 = tpu.memref_squeeze %dma_wait3A_59 : memref<1x20x256xi32, #tpu.memory_space<hbm>> -> memref<20x256xi32, #tpu.memory_space<hbm>>
      tpu.wait_dma2 semaphore(%run_scoped3A : memref<!tpu.dma_semaphore, #tpu.memory_space<semaphore_mem>>) src(%dma_wait3A_60 : memref<20x256xi32, #tpu.memory_space<hbm>>) dst(%arg8 : memref<20x256xi32, #tpu.memory_space<vmem>>)
      tpu.yield
    }) : () -> ()
    %dma_start3A = arith.constant 0 : i32
    %dma_start3A_3 = arith.constant 0 : i32
    %dma_start3A_4 = tpu.memref_slice %arg7[%dma_start3A, %dma_start3A_3] : memref<20x256xi32, #tpu.memory_space<vmem>> -> memref<1x256xi32, #tpu.memory_space<vmem>>
    %dma_start3A_5 = tpu.memref_squeeze %dma_start3A_4 : memref<1x256xi32, #tpu.memory_space<vmem>> -> memref<256xi32, #tpu.memory_space<vmem>>
    %dma_start3A_6 = arith.constant 0 : i32
    %dma_start3A_7 = arith.constant 0 : i32
    %dma_start3A_8 = tpu.memref_slice %arg2[%dma_start3A_6, %dma_start3A_7] : memref<10000x64xf32, #tpu.memory_space<hbm>> -> memref<10000x64xf32, #tpu.memory_space<hbm>>
    tpu.enqueue_indirect_dma source(%dma_start3A_8 : memref<10000x64xf32, #tpu.memory_space<hbm>>) target(%arg9 : memref<256x64xf32, #tpu.memory_space<vmem>>) offsets(%dma_start3A_5 : memref<256xi32, #tpu.memory_space<vmem>>) semaphore(%arg12 : memref<!tpu.dma_semaphore, #tpu.memory_space<semaphore_mem>>)
    %scan3A = arith.constant 0 : i32
    %scan3A_9 = arith.constant 0 : i32
    %scan3A_10 = arith.constant 10 : i32
    %scan3A_11 = arith.addi %scan3A_9, %scan3A_10 : i32
    %scan3A_12 = arith.constant 1 : i32
    scf.for %scan3A_45 = %scan3A_9 to %scan3A_11 step %scan3A_12  : i32 {
      %mul3A_46 = arith.constant 2 : i32
      %mul3A_47 = arith.muli %mul3A_46, %scan3A_45 : i32
      %add3A_48 = arith.constant 1 : i32
      %add3A_49 = arith.addi %mul3A_47, %add3A_48 : i32
      %add3A_50 = arith.constant 2 : i32
      %add3A_51 = arith.addi %mul3A_47, %add3A_50 : i32
      %min3A = arith.constant 19 : i32
      %min3A_52 = arith.minsi %add3A_51, %min3A : i32
      %dma_wait3A_53 = arith.constant 0 : i32
      %dma_wait3A_54 = tpu.memref_slice %arg7[%mul3A_47, %dma_wait3A_53] : memref<20x256xi32, #tpu.memory_space<vmem>> -> memref<1x256xi32, #tpu.memory_space<vmem>>
      %dma_wait3A_55 = tpu.memref_squeeze %dma_wait3A_54 : memref<1x256xi32, #tpu.memory_space<vmem>> -> memref<256xi32, #tpu.memory_space<vmem>>
      %dma_wait3A_56 = arith.constant 0 : i32
      %dma_wait3A_57 = arith.constant 0 : i32
      %dma_wait3A_58 = tpu.memref_slice %arg2[%dma_wait3A_56, %dma_wait3A_57] : memref<10000x64xf32, #tpu.memory_space<hbm>> -> memref<10000x64xf32, #tpu.memory_space<hbm>>
      tpu.wait_indirect_dma semaphore(%arg12 : memref<!tpu.dma_semaphore, #tpu.memory_space<semaphore_mem>>) src(%dma_wait3A_58 : memref<10000x64xf32, #tpu.memory_space<hbm>>) dst(%arg9 : memref<256x64xf32, #tpu.memory_space<vmem>>)
      %dma_start3A_59 = arith.constant 0 : i32
      %dma_start3A_60 = tpu.memref_slice %arg7[%add3A_49, %dma_start3A_59] : memref<20x256xi32, #tpu.memory_space<vmem>> -> memref<1x256xi32, #tpu.memory_space<vmem>>
      %dma_start3A_61 = tpu.memref_squeeze %dma_start3A_60 : memref<1x256xi32, #tpu.memory_space<vmem>> -> memref<256xi32, #tpu.memory_space<vmem>>
      %dma_start3A_62 = arith.constant 0 : i32
      %dma_start3A_63 = arith.constant 0 : i32
      %dma_start3A_64 = tpu.memref_slice %arg2[%dma_start3A_62, %dma_start3A_63] : memref<10000x64xf32, #tpu.memory_space<hbm>> -> memref<10000x64xf32, #tpu.memory_space<hbm>>
      tpu.enqueue_indirect_dma source(%dma_start3A_64 : memref<10000x64xf32, #tpu.memory_space<hbm>>) target(%arg10 : memref<256x64xf32, #tpu.memory_space<vmem>>) offsets(%dma_start3A_61 : memref<256xi32, #tpu.memory_space<vmem>>) semaphore(%arg12 : memref<!tpu.dma_semaphore, #tpu.memory_space<semaphore_mem>>)
      "tpu.region"() ({
        %run_scoped3A = tpu.sem_alloc : memref<!tpu.dma_semaphore, #tpu.memory_space<semaphore_mem>>
        %dma_start3A_77 = arith.constant 0 : i32
        %dma_start3A_78 = tpu.memref_slice %arg8[%mul3A_47, %dma_start3A_77] : memref<20x256xi32, #tpu.memory_space<vmem>> -> memref<1x256xi32, #tpu.memory_space<vmem>>
        %dma_start3A_79 = tpu.memref_squeeze %dma_start3A_78 : memref<1x256xi32, #tpu.memory_space<vmem>> -> memref<256xi32, #tpu.memory_space<vmem>>
        %dma_start3A_80 = arith.constant 0 : i32
        %dma_start3A_81 = arith.constant 0 : i32
        %dma_start3A_82 = tpu.memref_slice %arg11[%dma_start3A_80, %dma_start3A_81] : memref<10240x64xf32, #tpu.memory_space<vmem_shared>> -> memref<10240x64xf32, #tpu.memory_space<vmem_shared>>
        tpu.enqueue_indirect_dma source(%arg9 : memref<256x64xf32, #tpu.memory_space<vmem>>) target(%dma_start3A_82 : memref<10240x64xf32, #tpu.memory_space<vmem_shared>>) offsets(%dma_start3A_79 : memref<256xi32, #tpu.memory_space<vmem>>) semaphore(%run_scoped3A : memref<!tpu.dma_semaphore, #tpu.memory_space<semaphore_mem>>) {add = true}
        %dma_wait3A_83 = arith.constant 0 : i32
        %dma_wait3A_84 = tpu.memref_slice %arg8[%mul3A_47, %dma_wait3A_83] : memref<20x256xi32, #tpu.memory_space<vmem>> -> memref<1x256xi32, #tpu.memory_space<vmem>>
        %dma_wait3A_85 = tpu.memref_squeeze %dma_wait3A_84 : memref<1x256xi32, #tpu.memory_space<vmem>> -> memref<256xi32, #tpu.memory_space<vmem>>
        %dma_wait3A_86 = arith.constant 0 : i32
        %dma_wait3A_87 = arith.constant 0 : i32
        %dma_wait3A_88 = tpu.memref_slice %arg11[%dma_wait3A_86, %dma_wait3A_87] : memref<10240x64xf32, #tpu.memory_space<vmem_shared>> -> memref<10240x64xf32, #tpu.memory_space<vmem_shared>>
        tpu.wait_indirect_dma semaphore(%run_scoped3A : memref<!tpu.dma_semaphore, #tpu.memory_space<semaphore_mem>>) src(%arg9 : memref<256x64xf32, #tpu.memory_space<vmem>>) dst(%dma_wait3A_88 : memref<10240x64xf32, #tpu.memory_space<vmem_shared>>)
        tpu.yield
      }) : () -> ()
      %dma_wait3A_65 = arith.constant 0 : i32
      %dma_wait3A_66 = tpu.memref_slice %arg7[%add3A_49, %dma_wait3A_65] : memref<20x256xi32, #tpu.memory_space<vmem>> -> memref<1x256xi32, #tpu.memory_space<vmem>>
      %dma_wait3A_67 = tpu.memref_squeeze %dma_wait3A_66 : memref<1x256xi32, #tpu.memory_space<vmem>> -> memref<256xi32, #tpu.memory_space<vmem>>
      %dma_wait3A_68 = arith.constant 0 : i32
      %dma_wait3A_69 = arith.constant 0 : i32
      %dma_wait3A_70 = tpu.memref_slice %arg2[%dma_wait3A_68, %dma_wait3A_69] : memref<10000x64xf32, #tpu.memory_space<hbm>> -> memref<10000x64xf32, #tpu.memory_space<hbm>>
      tpu.wait_indirect_dma semaphore(%arg12 : memref<!tpu.dma_semaphore, #tpu.memory_space<semaphore_mem>>) src(%dma_wait3A_70 : memref<10000x64xf32, #tpu.memory_space<hbm>>) dst(%arg10 : memref<256x64xf32, #tpu.memory_space<vmem>>)
      %dma_start3A_71 = arith.constant 0 : i32
      %dma_start3A_72 = tpu.memref_slice %arg7[%min3A_52, %dma_start3A_71] : memref<20x256xi32, #tpu.memory_space<vmem>> -> memref<1x256xi32, #tpu.memory_space<vmem>>
      %dma_start3A_73 = tpu.memref_squeeze %dma_start3A_72 : memref<1x256xi32, #tpu.memory_space<vmem>> -> memref<256xi32, #tpu.memory_space<vmem>>
      %dma_start3A_74 = arith.constant 0 : i32
      %dma_start3A_75 = arith.constant 0 : i32
      %dma_start3A_76 = tpu.memref_slice %arg2[%dma_start3A_74, %dma_start3A_75] : memref<10000x64xf32, #tpu.memory_space<hbm>> -> memref<10000x64xf32, #tpu.memory_space<hbm>>
      tpu.enqueue_indirect_dma source(%dma_start3A_76 : memref<10000x64xf32, #tpu.memory_space<hbm>>) target(%arg9 : memref<256x64xf32, #tpu.memory_space<vmem>>) offsets(%dma_start3A_73 : memref<256xi32, #tpu.memory_space<vmem>>) semaphore(%arg12 : memref<!tpu.dma_semaphore, #tpu.memory_space<semaphore_mem>>)
      "tpu.region"() ({
        %run_scoped3A = tpu.sem_alloc : memref<!tpu.dma_semaphore, #tpu.memory_space<semaphore_mem>>
        %dma_start3A_77 = arith.constant 0 : i32
        %dma_start3A_78 = tpu.memref_slice %arg8[%add3A_49, %dma_start3A_77] : memref<20x256xi32, #tpu.memory_space<vmem>> -> memref<1x256xi32, #tpu.memory_space<vmem>>
        %dma_start3A_79 = tpu.memref_squeeze %dma_start3A_78 : memref<1x256xi32, #tpu.memory_space<vmem>> -> memref<256xi32, #tpu.memory_space<vmem>>
        %dma_start3A_80 = arith.constant 0 : i32
        %dma_start3A_81 = arith.constant 0 : i32
        %dma_start3A_82 = tpu.memref_slice %arg11[%dma_start3A_80, %dma_start3A_81] : memref<10240x64xf32, #tpu.memory_space<vmem_shared>> -> memref<10240x64xf32, #tpu.memory_space<vmem_shared>>
        tpu.enqueue_indirect_dma source(%arg10 : memref<256x64xf32, #tpu.memory_space<vmem>>) target(%dma_start3A_82 : memref<10240x64xf32, #tpu.memory_space<vmem_shared>>) offsets(%dma_start3A_79 : memref<256xi32, #tpu.memory_space<vmem>>) semaphore(%run_scoped3A : memref<!tpu.dma_semaphore, #tpu.memory_space<semaphore_mem>>) {add = true}
        %dma_wait3A_83 = arith.constant 0 : i32
        %dma_wait3A_84 = tpu.memref_slice %arg8[%add3A_49, %dma_wait3A_83] : memref<20x256xi32, #tpu.memory_space<vmem>> -> memref<1x256xi32, #tpu.memory_space<vmem>>
        %dma_wait3A_85 = tpu.memref_squeeze %dma_wait3A_84 : memref<1x256xi32, #tpu.memory_space<vmem>> -> memref<256xi32, #tpu.memory_space<vmem>>
        %dma_wait3A_86 = arith.constant 0 : i32
        %dma_wait3A_87 = arith.constant 0 : i32
        %dma_wait3A_88 = tpu.memref_slice %arg11[%dma_wait3A_86, %dma_wait3A_87] : memref<10240x64xf32, #tpu.memory_space<vmem_shared>> -> memref<10240x64xf32, #tpu.memory_space<vmem_shared>>
        tpu.wait_indirect_dma semaphore(%run_scoped3A : memref<!tpu.dma_semaphore, #tpu.memory_space<semaphore_mem>>) src(%arg10 : memref<256x64xf32, #tpu.memory_space<vmem>>) dst(%dma_wait3A_88 : memref<10240x64xf32, #tpu.memory_space<vmem_shared>>)
        tpu.yield
      }) : () -> ()
    }
    %scan3A_13 = arith.constant 10 : i32
    %dma_wait3A = arith.constant 19 : i32
    %dma_wait3A_14 = arith.constant 0 : i32
    %dma_wait3A_15 = tpu.memref_slice %arg7[%dma_wait3A, %dma_wait3A_14] : memref<20x256xi32, #tpu.memory_space<vmem>> -> memref<1x256xi32, #tpu.memory_space<vmem>>
    %dma_wait3A_16 = tpu.memref_squeeze %dma_wait3A_15 : memref<1x256xi32, #tpu.memory_space<vmem>> -> memref<256xi32, #tpu.memory_space<vmem>>
    %dma_wait3A_17 = arith.constant 0 : i32
    %dma_wait3A_18 = arith.constant 0 : i32
    %dma_wait3A_19 = tpu.memref_slice %arg2[%dma_wait3A_17, %dma_wait3A_18] : memref<10000x64xf32, #tpu.memory_space<hbm>> -> memref<10000x64xf32, #tpu.memory_space<hbm>>
    tpu.wait_indirect_dma semaphore(%arg12 : memref<!tpu.dma_semaphore, #tpu.memory_space<semaphore_mem>>) src(%dma_wait3A_19 : memref<10000x64xf32, #tpu.memory_space<hbm>>) dst(%arg9 : memref<256x64xf32, #tpu.memory_space<vmem>>)
    "tpu.region"() ({
      %run_scoped3A = tpu.sem_alloc : memref<!tpu.dma_semaphore, #tpu.memory_space<semaphore_mem>>
      %dma_start3A_45 = arith.constant 20 : i32
      %dma_start3A_46 = arith.constant 0 : i32
      %dma_start3A_47 = tpu.memref_slice %arg3[%add3A, %dma_start3A_45, %dma_start3A_46] : memref<32x40x256xi32, #tpu.memory_space<hbm>> -> memref<1x20x256xi32, #tpu.memory_space<hbm>>
      %dma_start3A_48 = tpu.memref_squeeze %dma_start3A_47 : memref<1x20x256xi32, #tpu.memory_space<hbm>> -> memref<20x256xi32, #tpu.memory_space<hbm>>
      %dma_start3A_49 = arith.constant 20 : i32
      %dma_start3A_50 = arith.constant 0 : i32
      %dma_start3A_51 = tpu.memref_slice %arg3[%add3A, %dma_start3A_49, %dma_start3A_50] : memref<32x40x256xi32, #tpu.memory_space<hbm>> -> memref<1x20x256xi32, #tpu.memory_space<hbm>>
      %dma_start3A_52 = tpu.memref_squeeze %dma_start3A_51 : memref<1x20x256xi32, #tpu.memory_space<hbm>> -> memref<20x256xi32, #tpu.memory_space<hbm>>
      tpu.enqueue_dma source(%dma_start3A_52 : memref<20x256xi32, #tpu.memory_space<hbm>>) target(%arg7 : memref<20x256xi32, #tpu.memory_space<vmem>>) target_semaphore(%run_scoped3A : memref<!tpu.dma_semaphore, #tpu.memory_space<semaphore_mem>>)
      %dma_wait3A_53 = arith.constant 20 : i32
      %dma_wait3A_54 = arith.constant 0 : i32
      %dma_wait3A_55 = tpu.memref_slice %arg3[%add3A, %dma_wait3A_53, %dma_wait3A_54] : memref<32x40x256xi32, #tpu.memory_space<hbm>> -> memref<1x20x256xi32, #tpu.memory_space<hbm>>
      %dma_wait3A_56 = tpu.memref_squeeze %dma_wait3A_55 : memref<1x20x256xi32, #tpu.memory_space<hbm>> -> memref<20x256xi32, #tpu.memory_space<hbm>>
      %dma_wait3A_57 = arith.constant 20 : i32
      %dma_wait3A_58 = arith.constant 0 : i32
      %dma_wait3A_59 = tpu.memref_slice %arg3[%add3A, %dma_wait3A_57, %dma_wait3A_58] : memref<32x40x256xi32, #tpu.memory_space<hbm>> -> memref<1x20x256xi32, #tpu.memory_space<hbm>>
      %dma_wait3A_60 = tpu.memref_squeeze %dma_wait3A_59 : memref<1x20x256xi32, #tpu.memory_space<hbm>> -> memref<20x256xi32, #tpu.memory_space<hbm>>
      tpu.wait_dma2 semaphore(%run_scoped3A : memref<!tpu.dma_semaphore, #tpu.memory_space<semaphore_mem>>) src(%dma_wait3A_60 : memref<20x256xi32, #tpu.memory_space<hbm>>) dst(%arg7 : memref<20x256xi32, #tpu.memory_space<vmem>>)
      tpu.yield
    }) : () -> ()
    "tpu.region"() ({
      %run_scoped3A = tpu.sem_alloc : memref<!tpu.dma_semaphore, #tpu.memory_space<semaphore_mem>>
      %dma_start3A_45 = arith.constant 20 : i32
      %dma_start3A_46 = arith.constant 0 : i32
      %dma_start3A_47 = tpu.memref_slice %arg4[%add3A, %dma_start3A_45, %dma_start3A_46] : memref<32x40x256xi32, #tpu.memory_space<hbm>> -> memref<1x20x256xi32, #tpu.memory_space<hbm>>
      %dma_start3A_48 = tpu.memref_squeeze %dma_start3A_47 : memref<1x20x256xi32, #tpu.memory_space<hbm>> -> memref<20x256xi32, #tpu.memory_space<hbm>>
      %dma_start3A_49 = arith.constant 20 : i32
      %dma_start3A_50 = arith.constant 0 : i32
      %dma_start3A_51 = tpu.memref_slice %arg4[%add3A, %dma_start3A_49, %dma_start3A_50] : memref<32x40x256xi32, #tpu.memory_space<hbm>> -> memref<1x20x256xi32, #tpu.memory_space<hbm>>
      %dma_start3A_52 = tpu.memref_squeeze %dma_start3A_51 : memref<1x20x256xi32, #tpu.memory_space<hbm>> -> memref<20x256xi32, #tpu.memory_space<hbm>>
      tpu.enqueue_dma source(%dma_start3A_52 : memref<20x256xi32, #tpu.memory_space<hbm>>) target(%arg8 : memref<20x256xi32, #tpu.memory_space<vmem>>) target_semaphore(%run_scoped3A : memref<!tpu.dma_semaphore, #tpu.memory_space<semaphore_mem>>)
      %dma_wait3A_53 = arith.constant 20 : i32
      %dma_wait3A_54 = arith.constant 0 : i32
      %dma_wait3A_55 = tpu.memref_slice %arg4[%add3A, %dma_wait3A_53, %dma_wait3A_54] : memref<32x40x256xi32, #tpu.memory_space<hbm>> -> memref<1x20x256xi32, #tpu.memory_space<hbm>>
      %dma_wait3A_56 = tpu.memref_squeeze %dma_wait3A_55 : memref<1x20x256xi32, #tpu.memory_space<hbm>> -> memref<20x256xi32, #tpu.memory_space<hbm>>
      %dma_wait3A_57 = arith.constant 20 : i32
      %dma_wait3A_58 = arith.constant 0 : i32
      %dma_wait3A_59 = tpu.memref_slice %arg4[%add3A, %dma_wait3A_57, %dma_wait3A_58] : memref<32x40x256xi32, #tpu.memory_space<hbm>> -> memref<1x20x256xi32, #tpu.memory_space<hbm>>
      %dma_wait3A_60 = tpu.memref_squeeze %dma_wait3A_59 : memref<1x20x256xi32, #tpu.memory_space<hbm>> -> memref<20x256xi32, #tpu.memory_space<hbm>>
      tpu.wait_dma2 semaphore(%run_scoped3A : memref<!tpu.dma_semaphore, #tpu.memory_space<semaphore_mem>>) src(%dma_wait3A_60 : memref<20x256xi32, #tpu.memory_space<hbm>>) dst(%arg8 : memref<20x256xi32, #tpu.memory_space<vmem>>)
      tpu.yield
    }) : () -> ()
    %dma_start3A_20 = arith.constant 0 : i32
    %dma_start3A_21 = arith.constant 0 : i32
    %dma_start3A_22 = tpu.memref_slice %arg7[%dma_start3A_20, %dma_start3A_21] : memref<20x256xi32, #tpu.memory_space<vmem>> -> memref<1x256xi32, #tpu.memory_space<vmem>>
    %dma_start3A_23 = tpu.memref_squeeze %dma_start3A_22 : memref<1x256xi32, #tpu.memory_space<vmem>> -> memref<256xi32, #tpu.memory_space<vmem>>
    %dma_start3A_24 = arith.constant 0 : i32
    %dma_start3A_25 = arith.constant 0 : i32
    %dma_start3A_26 = tpu.memref_slice %arg2[%dma_start3A_24, %dma_start3A_25] : memref<10000x64xf32, #tpu.memory_space<hbm>> -> memref<10000x64xf32, #tpu.memory_space<hbm>>
    tpu.enqueue_indirect_dma source(%dma_start3A_26 : memref<10000x64xf32, #tpu.memory_space<hbm>>) target(%arg9 : memref<256x64xf32, #tpu.memory_space<vmem>>) offsets(%dma_start3A_23 : memref<256xi32, #tpu.memory_space<vmem>>) semaphore(%arg12 : memref<!tpu.dma_semaphore, #tpu.memory_space<semaphore_mem>>)
    %scan3A_27 = arith.constant 0 : i32
    %scan3A_28 = arith.constant 0 : i32
    %scan3A_29 = arith.constant 10 : i32
    %scan3A_30 = arith.addi %scan3A_28, %scan3A_29 : i32
    %scan3A_31 = arith.constant 1 : i32
    scf.for %scan3A_45 = %scan3A_28 to %scan3A_30 step %scan3A_31  : i32 {
      %mul3A_46 = arith.constant 2 : i32
      %mul3A_47 = arith.muli %mul3A_46, %scan3A_45 : i32
      %add3A_48 = arith.constant 1 : i32
      %add3A_49 = arith.addi %mul3A_47, %add3A_48 : i32
      %add3A_50 = arith.constant 2 : i32
      %add3A_51 = arith.addi %mul3A_47, %add3A_50 : i32
      %min3A = arith.constant 19 : i32
      %min3A_52 = arith.minsi %add3A_51, %min3A : i32
      %dma_wait3A_53 = arith.constant 0 : i32
      %dma_wait3A_54 = tpu.memref_slice %arg7[%mul3A_47, %dma_wait3A_53] : memref<20x256xi32, #tpu.memory_space<vmem>> -> memref<1x256xi32, #tpu.memory_space<vmem>>
      %dma_wait3A_55 = tpu.memref_squeeze %dma_wait3A_54 : memref<1x256xi32, #tpu.memory_space<vmem>> -> memref<256xi32, #tpu.memory_space<vmem>>
      %dma_wait3A_56 = arith.constant 0 : i32
      %dma_wait3A_57 = arith.constant 0 : i32
      %dma_wait3A_58 = tpu.memref_slice %arg2[%dma_wait3A_56, %dma_wait3A_57] : memref<10000x64xf32, #tpu.memory_space<hbm>> -> memref<10000x64xf32, #tpu.memory_space<hbm>>
      tpu.wait_indirect_dma semaphore(%arg12 : memref<!tpu.dma_semaphore, #tpu.memory_space<semaphore_mem>>) src(%dma_wait3A_58 : memref<10000x64xf32, #tpu.memory_space<hbm>>) dst(%arg9 : memref<256x64xf32, #tpu.memory_space<vmem>>)
      %dma_start3A_59 = arith.constant 0 : i32
      %dma_start3A_60 = tpu.memref_slice %arg7[%add3A_49, %dma_start3A_59] : memref<20x256xi32, #tpu.memory_space<vmem>> -> memref<1x256xi32, #tpu.memory_space<vmem>>
      %dma_start3A_61 = tpu.memref_squeeze %dma_start3A_60 : memref<1x256xi32, #tpu.memory_space<vmem>> -> memref<256xi32, #tpu.memory_space<vmem>>
      %dma_start3A_62 = arith.constant 0 : i32
      %dma_start3A_63 = arith.constant 0 : i32
      %dma_start3A_64 = tpu.memref_slice %arg2[%dma_start3A_62, %dma_start3A_63] : memref<10000x64xf32, #tpu.memory_space<hbm>> -> memref<10000x64xf32, #tpu.memory_space<hbm>>
      tpu.enqueue_indirect_dma source(%dma_start3A_64 : memref<10000x64xf32, #tpu.memory_space<hbm>>) target(%arg10 : memref<256x64xf32, #tpu.memory_space<vmem>>) offsets(%dma_start3A_61 : memref<256xi32, #tpu.memory_space<vmem>>) semaphore(%arg12 : memref<!tpu.dma_semaphore, #tpu.memory_space<semaphore_mem>>)
      "tpu.region"() ({
        %run_scoped3A = tpu.sem_alloc : memref<!tpu.dma_semaphore, #tpu.memory_space<semaphore_mem>>
        %dma_start3A_77 = arith.constant 0 : i32
        %dma_start3A_78 = tpu.memref_slice %arg8[%mul3A_47, %dma_start3A_77] : memref<20x256xi32, #tpu.memory_space<vmem>> -> memref<1x256xi32, #tpu.memory_space<vmem>>
        %dma_start3A_79 = tpu.memref_squeeze %dma_start3A_78 : memref<1x256xi32, #tpu.memory_space<vmem>> -> memref<256xi32, #tpu.memory_space<vmem>>
        %dma_start3A_80 = arith.constant 0 : i32
        %dma_start3A_81 = arith.constant 0 : i32
        %dma_start3A_82 = tpu.memref_slice %arg11[%dma_start3A_80, %dma_start3A_81] : memref<10240x64xf32, #tpu.memory_space<vmem_shared>> -> memref<10240x64xf32, #tpu.memory_space<vmem_shared>>
        tpu.enqueue_indirect_dma source(%arg9 : memref<256x64xf32, #tpu.memory_space<vmem>>) target(%dma_start3A_82 : memref<10240x64xf32, #tpu.memory_space<vmem_shared>>) offsets(%dma_start3A_79 : memref<256xi32, #tpu.memory_space<vmem>>) semaphore(%run_scoped3A : memref<!tpu.dma_semaphore, #tpu.memory_space<semaphore_mem>>) {add = true}
        %dma_wait3A_83 = arith.constant 0 : i32
        %dma_wait3A_84 = tpu.memref_slice %arg8[%mul3A_47, %dma_wait3A_83] : memref<20x256xi32, #tpu.memory_space<vmem>> -> memref<1x256xi32, #tpu.memory_space<vmem>>
        %dma_wait3A_85 = tpu.memref_squeeze %dma_wait3A_84 : memref<1x256xi32, #tpu.memory_space<vmem>> -> memref<256xi32, #tpu.memory_space<vmem>>
        %dma_wait3A_86 = arith.constant 0 : i32
        %dma_wait3A_87 = arith.constant 0 : i32
        %dma_wait3A_88 = tpu.memref_slice %arg11[%dma_wait3A_86, %dma_wait3A_87] : memref<10240x64xf32, #tpu.memory_space<vmem_shared>> -> memref<10240x64xf32, #tpu.memory_space<vmem_shared>>
        tpu.wait_indirect_dma semaphore(%run_scoped3A : memref<!tpu.dma_semaphore, #tpu.memory_space<semaphore_mem>>) src(%arg9 : memref<256x64xf32, #tpu.memory_space<vmem>>) dst(%dma_wait3A_88 : memref<10240x64xf32, #tpu.memory_space<vmem_shared>>)
        tpu.yield
      }) : () -> ()
      %dma_wait3A_65 = arith.constant 0 : i32
      %dma_wait3A_66 = tpu.memref_slice %arg7[%add3A_49, %dma_wait3A_65] : memref<20x256xi32, #tpu.memory_space<vmem>> -> memref<1x256xi32, #tpu.memory_space<vmem>>
      %dma_wait3A_67 = tpu.memref_squeeze %dma_wait3A_66 : memref<1x256xi32, #tpu.memory_space<vmem>> -> memref<256xi32, #tpu.memory_space<vmem>>
      %dma_wait3A_68 = arith.constant 0 : i32
      %dma_wait3A_69 = arith.constant 0 : i32
      %dma_wait3A_70 = tpu.memref_slice %arg2[%dma_wait3A_68, %dma_wait3A_69] : memref<10000x64xf32, #tpu.memory_space<hbm>> -> memref<10000x64xf32, #tpu.memory_space<hbm>>
      tpu.wait_indirect_dma semaphore(%arg12 : memref<!tpu.dma_semaphore, #tpu.memory_space<semaphore_mem>>) src(%dma_wait3A_70 : memref<10000x64xf32, #tpu.memory_space<hbm>>) dst(%arg10 : memref<256x64xf32, #tpu.memory_space<vmem>>)
      %dma_start3A_71 = arith.constant 0 : i32
      %dma_start3A_72 = tpu.memref_slice %arg7[%min3A_52, %dma_start3A_71] : memref<20x256xi32, #tpu.memory_space<vmem>> -> memref<1x256xi32, #tpu.memory_space<vmem>>
      %dma_start3A_73 = tpu.memref_squeeze %dma_start3A_72 : memref<1x256xi32, #tpu.memory_space<vmem>> -> memref<256xi32, #tpu.memory_space<vmem>>
      %dma_start3A_74 = arith.constant 0 : i32
      %dma_start3A_75 = arith.constant 0 : i32
      %dma_start3A_76 = tpu.memref_slice %arg2[%dma_start3A_74, %dma_start3A_75] : memref<10000x64xf32, #tpu.memory_space<hbm>> -> memref<10000x64xf32, #tpu.memory_space<hbm>>
      tpu.enqueue_indirect_dma source(%dma_start3A_76 : memref<10000x64xf32, #tpu.memory_space<hbm>>) target(%arg9 : memref<256x64xf32, #tpu.memory_space<vmem>>) offsets(%dma_start3A_73 : memref<256xi32, #tpu.memory_space<vmem>>) semaphore(%arg12 : memref<!tpu.dma_semaphore, #tpu.memory_space<semaphore_mem>>)
      "tpu.region"() ({
        %run_scoped3A = tpu.sem_alloc : memref<!tpu.dma_semaphore, #tpu.memory_space<semaphore_mem>>
        %dma_start3A_77 = arith.constant 0 : i32
        %dma_start3A_78 = tpu.memref_slice %arg8[%add3A_49, %dma_start3A_77] : memref<20x256xi32, #tpu.memory_space<vmem>> -> memref<1x256xi32, #tpu.memory_space<vmem>>
        %dma_start3A_79 = tpu.memref_squeeze %dma_start3A_78 : memref<1x256xi32, #tpu.memory_space<vmem>> -> memref<256xi32, #tpu.memory_space<vmem>>
        %dma_start3A_80 = arith.constant 0 : i32
        %dma_start3A_81 = arith.constant 0 : i32
        %dma_start3A_82 = tpu.memref_slice %arg11[%dma_start3A_80, %dma_start3A_81] : memref<10240x64xf32, #tpu.memory_space<vmem_shared>> -> memref<10240x64xf32, #tpu.memory_space<vmem_shared>>
        tpu.enqueue_indirect_dma source(%arg10 : memref<256x64xf32, #tpu.memory_space<vmem>>) target(%dma_start3A_82 : memref<10240x64xf32, #tpu.memory_space<vmem_shared>>) offsets(%dma_start3A_79 : memref<256xi32, #tpu.memory_space<vmem>>) semaphore(%run_scoped3A : memref<!tpu.dma_semaphore, #tpu.memory_space<semaphore_mem>>) {add = true}
        %dma_wait3A_83 = arith.constant 0 : i32
        %dma_wait3A_84 = tpu.memref_slice %arg8[%add3A_49, %dma_wait3A_83] : memref<20x256xi32, #tpu.memory_space<vmem>> -> memref<1x256xi32, #tpu.memory_space<vmem>>
        %dma_wait3A_85 = tpu.memref_squeeze %dma_wait3A_84 : memref<1x256xi32, #tpu.memory_space<vmem>> -> memref<256xi32, #tpu.memory_space<vmem>>
        %dma_wait3A_86 = arith.constant 0 : i32
        %dma_wait3A_87 = arith.constant 0 : i32
        %dma_wait3A_88 = tpu.memref_slice %arg11[%dma_wait3A_86, %dma_wait3A_87] : memref<10240x64xf32, #tpu.memory_space<vmem_shared>> -> memref<10240x64xf32, #tpu.memory_space<vmem_shared>>
        tpu.wait_indirect_dma semaphore(%run_scoped3A : memref<!tpu.dma_semaphore, #tpu.memory_space<semaphore_mem>>) src(%arg10 : memref<256x64xf32, #tpu.memory_space<vmem>>) dst(%dma_wait3A_88 : memref<10240x64xf32, #tpu.memory_space<vmem_shared>>)
        tpu.yield
      }) : () -> ()
    }
    %scan3A_32 = arith.constant 10 : i32
    %dma_wait3A_33 = arith.constant 19 : i32
    %dma_wait3A_34 = arith.constant 0 : i32
    %dma_wait3A_35 = tpu.memref_slice %arg7[%dma_wait3A_33, %dma_wait3A_34] : memref<20x256xi32, #tpu.memory_space<vmem>> -> memref<1x256xi32, #tpu.memory_space<vmem>>
    %dma_wait3A_36 = tpu.memref_squeeze %dma_wait3A_35 : memref<1x256xi32, #tpu.memory_space<vmem>> -> memref<256xi32, #tpu.memory_space<vmem>>
    %dma_wait3A_37 = arith.constant 0 : i32
    %dma_wait3A_38 = arith.constant 0 : i32
    %dma_wait3A_39 = tpu.memref_slice %arg2[%dma_wait3A_37, %dma_wait3A_38] : memref<10000x64xf32, #tpu.memory_space<hbm>> -> memref<10000x64xf32, #tpu.memory_space<hbm>>
    tpu.wait_indirect_dma semaphore(%arg12 : memref<!tpu.dma_semaphore, #tpu.memory_space<semaphore_mem>>) src(%dma_wait3A_39 : memref<10000x64xf32, #tpu.memory_space<hbm>>) dst(%arg9 : memref<256x64xf32, #tpu.memory_space<vmem>>)
    %barrier3A_40 = arith.constant 0 : index
    tpu.barrier barrier_id(%barrier3A_40)
    %mul3A_41 = arith.constant 640 : i32
    %mul3A_42 = arith.muli %arg1, %mul3A_41 : i32
    %mul3A_43 = arith.constant 640 : i32
    %mul3A_44 = arith.muli %arg1, %mul3A_43 : i32
    "tpu.region"() ({
      %run_scoped3A = tpu.sem_alloc : memref<!tpu.dma_semaphore, #tpu.memory_space<semaphore_mem>>
      %dma_start3A_45 = arith.constant 0 : i32
      %dma_start3A_46 = tpu.memref_slice %arg6[%arg0, %mul3A_44, %dma_start3A_45] : memref<2x10240x64xf32, #tpu.memory_space<hbm>> -> memref<1x640x64xf32, #tpu.memory_space<hbm>>
      %dma_start3A_47 = tpu.memref_squeeze %dma_start3A_46 : memref<1x640x64xf32, #tpu.memory_space<hbm>> -> memref<640x64xf32, #tpu.memory_space<hbm>>
      %dma_start3A_48 = arith.constant 0 : i32
      %dma_start3A_49 = tpu.memref_slice %arg11[%mul3A_42, %dma_start3A_48] : memref<10240x64xf32, #tpu.memory_space<vmem_shared>> -> memref<640x64xf32, #tpu.memory_space<vmem_shared>>
      tpu.enqueue_dma source(%dma_start3A_49 : memref<640x64xf32, #tpu.memory_space<vmem_shared>>) target(%dma_start3A_47 : memref<640x64xf32, #tpu.memory_space<hbm>>) target_semaphore(%run_scoped3A : memref<!tpu.dma_semaphore, #tpu.memory_space<semaphore_mem>>)
      %dma_wait3A_50 = arith.constant 0 : i32
      %dma_wait3A_51 = tpu.memref_slice %arg6[%arg0, %mul3A_44, %dma_wait3A_50] : memref<2x10240x64xf32, #tpu.memory_space<hbm>> -> memref<1x640x64xf32, #tpu.memory_space<hbm>>
      %dma_wait3A_52 = tpu.memref_squeeze %dma_wait3A_51 : memref<1x640x64xf32, #tpu.memory_space<hbm>> -> memref<640x64xf32, #tpu.memory_space<hbm>>
      %dma_wait3A_53 = arith.constant 0 : i32
      %dma_wait3A_54 = tpu.memref_slice %arg11[%mul3A_42, %dma_wait3A_53] : memref<10240x64xf32, #tpu.memory_space<vmem_shared>> -> memref<640x64xf32, #tpu.memory_space<vmem_shared>>
      tpu.wait_dma2 semaphore(%run_scoped3A : memref<!tpu.dma_semaphore, #tpu.memory_space<semaphore_mem>>) src(%dma_wait3A_54 : memref<640x64xf32, #tpu.memory_space<vmem_shared>>) dst(%dma_wait3A_52 : memref<640x64xf32, #tpu.memory_space<hbm>>)
      tpu.yield
    }) : () -> ()
    return
  }
}

module attributes {stable_mosaic.version = 14 : i64} {
  func.func @_scale_matmul_body(%arg0: i32, %arg1: memref<2000x128xf32, #tpu.memory_space<vmem>>, %arg2: memref<128x128xf32, #tpu.memory_space<vmem>>, %arg3: memref<2x2000x16xf32, #tpu.memory_space<vmem>>, %arg4: memref<2000x128xf32, #tpu.memory_space<vmem>>) attributes {dimension_semantics = [#tpu.dimension_semantics<arbitrary>], iteration_bounds = array<i64: 5>, scalar_prefetch = 0 : i64, scratch_operands = 0 : i64, tpu.core_type = #tpu.core_type<tc>, window_params = [{transform_indices = @transform_0, window_bounds = array<i64: 2000, 128>}, {pipeline_mode = #tpu.pipeline_mode<synchronous>, transform_indices = @transform_1, window_bounds = array<i64: 128, 128>}, {transform_indices = @transform_2, window_bounds = array<i64: 2, 2000, 16>}, {transform_indices = @transform_3, window_bounds = array<i64: 2000, 128>}]} {
    %get3A = arith.constant 0 : index
    %get3A_0 = arith.constant 0 : index
    %get3A_1 = arith.constant 0 : index
    %get3A_2 = vector.load %arg3[%get3A, %get3A_0, %get3A_1] : memref<2x2000x16xf32, #tpu.memory_space<vmem>>, vector<1x2000x1xf32>
    %get3A_3 = vector.shape_cast %get3A_2 : vector<1x2000x1xf32> to vector<2000x1xf32>
    %get3A_4 = arith.constant 1 : index
    %get3A_5 = arith.constant 0 : index
    %get3A_6 = arith.constant 0 : index
    %get3A_7 = vector.load %arg3[%get3A_4, %get3A_5, %get3A_6] : memref<2x2000x16xf32, #tpu.memory_space<vmem>>, vector<1x2000x1xf32>
    %get3A_8 = vector.shape_cast %get3A_7 : vector<1x2000x1xf32> to vector<2000x1xf32>
    %add3A = arith.addf %get3A_3, %get3A_8 : vector<2000x1xf32>
    %add3A_9 = arith.constant 1.000000e+00 : f32
    %add3A_10 = vector.broadcast %add3A_9 : f32 to vector<2000x1xf32>
    %add3A_11 = arith.addf %add3A, %add3A_10 : vector<2000x1xf32>
    %rsqrt3A = math.rsqrt %add3A_11 : vector<2000x1xf32>
    %get3A_12 = arith.constant 0 : index
    %get3A_13 = arith.constant 0 : index
    %get3A_14 = vector.load %arg1[%get3A_12, %get3A_13] : memref<2000x128xf32, #tpu.memory_space<vmem>>, vector<2000x128xf32>
    %get3A_15 = arith.constant 0 : index
    %get3A_16 = arith.constant 0 : index
    %get3A_17 = vector.load %arg2[%get3A_15, %get3A_16] : memref<128x128xf32, #tpu.memory_space<vmem>>, vector<128x128xf32>
    %dot_general3A = arith.constant dense<0.000000e+00> : vector<2000x128xf32>
    %dot_general3A_18 = tpu.matmul %get3A_14, %get3A_17, %dot_general3A {dimension_numbers = #tpu.dot_dimension_numbers<[1], [0], [0], [1], [0, 0, 1, 1], [], []>, transpose_lhs_hint = false} : vector<2000x128xf32>, vector<128x128xf32>, vector<2000x128xf32> -> vector<2000x128xf32>
    %mul3A = vector.broadcast %rsqrt3A : vector<2000x1xf32> to vector<2000x128xf32>
    %mul3A_19 = arith.mulf %dot_general3A_18, %mul3A : vector<2000x128xf32>
    %swap3A = arith.constant 0 : index
    %swap3A_20 = arith.constant 0 : index
    %swap3A_21 = vector.load %arg4[%swap3A, %swap3A_20] : memref<2000x128xf32, #tpu.memory_space<vmem>>, vector<2000x128xf32>
    tpu.vector_store %arg4[%swap3A, %swap3A_20], %mul3A_19 {strides = array<i32>} : memref<2000x128xf32, #tpu.memory_space<vmem>>, vector<2000x128xf32>,
    return
  }
  func.func @transform_0(%arg0: i32) -> (i32, i32) {
    %c0_i32 = arith.constant 0 : i32
    %c0_i32_0 = arith.constant 0 : i32
    return %arg0, %c0_i32 : i32, i32
  }
  func.func @transform_1(%arg0: i32) -> (i32, i32) {
    %c0_i32 = arith.constant 0 : i32
    %c0_i32_0 = arith.constant 0 : i32
    %c0_i32_1 = arith.constant 0 : i32
    return %c0_i32, %c0_i32_0 : i32, i32
  }
  func.func @transform_2(%arg0: i32) -> (i32, i32, i32) {
    %c0_i32 = arith.constant 0 : i32
    %c0_i32_0 = arith.constant 0 : i32
    %c0_i32_1 = arith.constant 0 : i32
    return %c0_i32, %arg0, %c0_i32_0 : i32, i32, i32
  }
  func.func @transform_3(%arg0: i32) -> (i32, i32) {
    %c0_i32 = arith.constant 0 : i32
    %c0_i32_0 = arith.constant 0 : i32
    return %arg0, %c0_i32 : i32, i32
  }
}

module attributes {stable_mosaic.version = 14 : i64} {
  func.func @_combine_body(%arg0: i32, %arg1: memref<1x2000x128xf32, #tpu.memory_space<vmem>>, %arg2: memref<1x2000x128xf32, #tpu.memory_space<vmem>>, %arg3: memref<2000x128xf32, #tpu.memory_space<vmem>>, %arg4: memref<2x2000x16xf32, #tpu.memory_space<vmem>>, %arg5: memref<1x128xf32, #tpu.memory_space<vmem>>, %arg6: memref<128x64xf32, #tpu.memory_space<vmem>>, %arg7: memref<2000x64xf32, #tpu.memory_space<vmem>>) attributes {dimension_semantics = [#tpu.dimension_semantics<arbitrary>], iteration_bounds = array<i64: 5>, scalar_prefetch = 0 : i64, scratch_operands = 0 : i64, tpu.core_type = #tpu.core_type<tc>, window_params = [{transform_indices = @transform_0, window_bounds = array<i64: 1, 2000, 128>}, {transform_indices = @transform_1, window_bounds = array<i64: 1, 2000, 128>}, {transform_indices = @transform_2, window_bounds = array<i64: 2000, 128>}, {transform_indices = @transform_3, window_bounds = array<i64: 2, 2000, 16>}, {pipeline_mode = #tpu.pipeline_mode<synchronous>, transform_indices = @transform_4, window_bounds = array<i64: 1, 128>}, {pipeline_mode = #tpu.pipeline_mode<synchronous>, transform_indices = @transform_5, window_bounds = array<i64: 128, 64>}, {transform_indices = @transform_6, window_bounds = array<i64: 2000, 64>}]} {
    %get3A = arith.constant 0 : index
    %get3A_0 = arith.constant 0 : index
    %get3A_1 = arith.constant 0 : index
    %get3A_2 = vector.load %arg4[%get3A, %get3A_0, %get3A_1] : memref<2x2000x16xf32, #tpu.memory_space<vmem>>, vector<1x2000x1xf32>
    %get3A_3 = vector.shape_cast %get3A_2 : vector<1x2000x1xf32> to vector<2000x1xf32>
    %get3A_4 = arith.constant 1 : index
    %get3A_5 = arith.constant 0 : index
    %get3A_6 = arith.constant 0 : index
    %get3A_7 = vector.load %arg4[%get3A_4, %get3A_5, %get3A_6] : memref<2x2000x16xf32, #tpu.memory_space<vmem>>, vector<1x2000x1xf32>
    %get3A_8 = vector.shape_cast %get3A_7 : vector<1x2000x1xf32> to vector<2000x1xf32>
    %add3A = arith.addf %get3A_3, %get3A_8 : vector<2000x1xf32>
    %add3A_9 = arith.constant 1.000000e+00 : f32
    %add3A_10 = vector.broadcast %add3A_9 : f32 to vector<2000x1xf32>
    %add3A_11 = arith.addf %add3A, %add3A_10 : vector<2000x1xf32>
    %rsqrt3A = math.rsqrt %add3A_11 : vector<2000x1xf32>
    %get3A_12 = arith.constant 0 : index
    %get3A_13 = arith.constant 0 : index
    %get3A_14 = arith.constant 0 : index
    %get3A_15 = vector.load %arg1[%get3A_12, %get3A_13, %get3A_14] : memref<1x2000x128xf32, #tpu.memory_space<vmem>>, vector<1x2000x128xf32>
    %get3A_16 = vector.shape_cast %get3A_15 : vector<1x2000x128xf32> to vector<2000x128xf32>
    %get3A_17 = arith.constant 0 : index
    %get3A_18 = arith.constant 0 : index
    %get3A_19 = arith.constant 0 : index
    %get3A_20 = vector.load %arg2[%get3A_17, %get3A_18, %get3A_19] : memref<1x2000x128xf32, #tpu.memory_space<vmem>>, vector<1x2000x128xf32>
    %get3A_21 = vector.shape_cast %get3A_20 : vector<1x2000x128xf32> to vector<2000x128xf32>
    %add3A_22 = arith.addf %get3A_16, %get3A_21 : vector<2000x128xf32>
    %get3A_23 = arith.constant 0 : index
    %get3A_24 = arith.constant 0 : index
    %get3A_25 = vector.load %arg3[%get3A_23, %get3A_24] : memref<2000x128xf32, #tpu.memory_space<vmem>>, vector<2000x128xf32>
    %add3A_26 = arith.addf %add3A_22, %get3A_25 : vector<2000x128xf32>
    %mul3A = vector.broadcast %rsqrt3A : vector<2000x1xf32> to vector<2000x128xf32>
    %mul3A_27 = arith.mulf %add3A_26, %mul3A : vector<2000x128xf32>
    %get3A_28 = arith.constant 0 : index
    %get3A_29 = arith.constant 0 : index
    %get3A_30 = vector.load %arg5[%get3A_28, %get3A_29] : memref<1x128xf32, #tpu.memory_space<vmem>>, vector<1x128xf32>
    %add3A_31 = vector.broadcast %get3A_30 : vector<1x128xf32> to vector<2000x128xf32>
    %add3A_32 = arith.addf %mul3A_27, %add3A_31 : vector<2000x128xf32>
    %max3A = arith.constant 0.000000e+00 : f32
    %max3A_33 = vector.broadcast %max3A : f32 to vector<2000x128xf32>
    %max3A_34 = arith.maximumf %add3A_32, %max3A_33 : vector<2000x128xf32>
    %get3A_35 = arith.constant 0 : index
    %get3A_36 = arith.constant 0 : index
    %get3A_37 = vector.load %arg6[%get3A_35, %get3A_36] : memref<128x64xf32, #tpu.memory_space<vmem>>, vector<128x64xf32>
    %dot_general3A = arith.constant dense<0.000000e+00> : vector<2000x64xf32>
    %dot_general3A_38 = tpu.matmul %max3A_34, %get3A_37, %dot_general3A {dimension_numbers = #tpu.dot_dimension_numbers<[1], [0], [0], [1], [0, 0, 1, 1], [], []>, transpose_lhs_hint = false} : vector<2000x128xf32>, vector<128x64xf32>, vector<2000x64xf32> -> vector<2000x64xf32>
    %mul3A_39 = vector.broadcast %rsqrt3A : vector<2000x1xf32> to vector<2000x64xf32>
    %mul3A_40 = arith.mulf %dot_general3A_38, %mul3A_39 : vector<2000x64xf32>
    %swap3A = arith.constant 0 : index
    %swap3A_41 = arith.constant 0 : index
    %swap3A_42 = vector.load %arg7[%swap3A, %swap3A_41] : memref<2000x64xf32, #tpu.memory_space<vmem>>, vector<2000x64xf32>
    tpu.vector_store %arg7[%swap3A, %swap3A_41], %mul3A_40 {strides = array<i32>} : memref<2000x64xf32, #tpu.memory_space<vmem>>, vector<2000x64xf32>,
    return
  }
  func.func @transform_0(%arg0: i32) -> (i32, i32, i32) {
    %c0_i32 = arith.constant 0 : i32
    %c0_i32_0 = arith.constant 0 : i32
    %c0_i32_1 = arith.constant 0 : i32
    return %c0_i32, %arg0, %c0_i32_0 : i32, i32, i32
  }
  func.func @transform_1(%arg0: i32) -> (i32, i32, i32) {
    %c1_i32 = arith.constant 1 : i32
    %c0_i32 = arith.constant 0 : i32
    %c0_i32_0 = arith.constant 0 : i32
    return %c1_i32, %arg0, %c0_i32 : i32, i32, i32
  }
  func.func @transform_2(%arg0: i32) -> (i32, i32) {
    %c0_i32 = arith.constant 0 : i32
    %c0_i32_0 = arith.constant 0 : i32
    return %arg0, %c0_i32 : i32, i32
  }
  func.func @transform_3(%arg0: i32) -> (i32, i32, i32) {
    %c0_i32 = arith.constant 0 : i32
    %c0_i32_0 = arith.constant 0 : i32
    %c0_i32_1 = arith.constant 0 : i32
    return %c0_i32, %arg0, %c0_i32_0 : i32, i32, i32
  }
  func.func @transform_4(%arg0: i32) -> (i32, i32) {
    %c0_i32 = arith.constant 0 : i32
    %c0_i32_0 = arith.constant 0 : i32
    %c0_i32_1 = arith.constant 0 : i32
    return %c0_i32, %c0_i32_0 : i32, i32
  }
  func.func @transform_5(%arg0: i32) -> (i32, i32) {
    %c0_i32 = arith.constant 0 : i32
    %c0_i32_0 = arith.constant 0 : i32
    %c0_i32_1 = arith.constant 0 : i32
    return %c0_i32, %c0_i32_0 : i32, i32
  }
  func.func @transform_6(%arg0: i32) -> (i32, i32) {
    %c0_i32 = arith.constant 0 : i32
    %c0_i32_0 = arith.constant 0 : i32
    return %arg0, %c0_i32 : i32, i32
  }
}

module attributes {stable_mosaic.version = 14 : i64} {
  func.func @_combine_body(%arg0: i32, %arg1: memref<1x2000x64xf32, #tpu.memory_space<vmem>>, %arg2: memref<1x2000x64xf32, #tpu.memory_space<vmem>>, %arg3: memref<2000x64xf32, #tpu.memory_space<vmem>>, %arg4: memref<2x2000x16xf32, #tpu.memory_space<vmem>>, %arg5: memref<1x64xf32, #tpu.memory_space<vmem>>, %arg6: memref<64x32xf32, #tpu.memory_space<vmem>>, %arg7: memref<2000x32xf32, #tpu.memory_space<vmem>>) attributes {dimension_semantics = [#tpu.dimension_semantics<arbitrary>], iteration_bounds = array<i64: 5>, scalar_prefetch = 0 : i64, scratch_operands = 0 : i64, tpu.core_type = #tpu.core_type<tc>, window_params = [{transform_indices = @transform_0, window_bounds = array<i64: 1, 2000, 64>}, {transform_indices = @transform_1, window_bounds = array<i64: 1, 2000, 64>}, {transform_indices = @transform_2, window_bounds = array<i64: 2000, 64>}, {transform_indices = @transform_3, window_bounds = array<i64: 2, 2000, 16>}, {pipeline_mode = #tpu.pipeline_mode<synchronous>, transform_indices = @transform_4, window_bounds = array<i64: 1, 64>}, {pipeline_mode = #tpu.pipeline_mode<synchronous>, transform_indices = @transform_5, window_bounds = array<i64: 64, 32>}, {transform_indices = @transform_6, window_bounds = array<i64: 2000, 32>}]} {
    %get3A = arith.constant 0 : index
    %get3A_0 = arith.constant 0 : index
    %get3A_1 = arith.constant 0 : index
    %get3A_2 = vector.load %arg4[%get3A, %get3A_0, %get3A_1] : memref<2x2000x16xf32, #tpu.memory_space<vmem>>, vector<1x2000x1xf32>
    %get3A_3 = vector.shape_cast %get3A_2 : vector<1x2000x1xf32> to vector<2000x1xf32>
    %get3A_4 = arith.constant 1 : index
    %get3A_5 = arith.constant 0 : index
    %get3A_6 = arith.constant 0 : index
    %get3A_7 = vector.load %arg4[%get3A_4, %get3A_5, %get3A_6] : memref<2x2000x16xf32, #tpu.memory_space<vmem>>, vector<1x2000x1xf32>
    %get3A_8 = vector.shape_cast %get3A_7 : vector<1x2000x1xf32> to vector<2000x1xf32>
    %add3A = arith.addf %get3A_3, %get3A_8 : vector<2000x1xf32>
    %add3A_9 = arith.constant 1.000000e+00 : f32
    %add3A_10 = vector.broadcast %add3A_9 : f32 to vector<2000x1xf32>
    %add3A_11 = arith.addf %add3A, %add3A_10 : vector<2000x1xf32>
    %rsqrt3A = math.rsqrt %add3A_11 : vector<2000x1xf32>
    %get3A_12 = arith.constant 0 : index
    %get3A_13 = arith.constant 0 : index
    %get3A_14 = arith.constant 0 : index
    %get3A_15 = vector.load %arg1[%get3A_12, %get3A_13, %get3A_14] : memref<1x2000x64xf32, #tpu.memory_space<vmem>>, vector<1x2000x64xf32>
    %get3A_16 = vector.shape_cast %get3A_15 : vector<1x2000x64xf32> to vector<2000x64xf32>
    %get3A_17 = arith.constant 0 : index
    %get3A_18 = arith.constant 0 : index
    %get3A_19 = arith.constant 0 : index
    %get3A_20 = vector.load %arg2[%get3A_17, %get3A_18, %get3A_19] : memref<1x2000x64xf32, #tpu.memory_space<vmem>>, vector<1x2000x64xf32>
    %get3A_21 = vector.shape_cast %get3A_20 : vector<1x2000x64xf32> to vector<2000x64xf32>
    %add3A_22 = arith.addf %get3A_16, %get3A_21 : vector<2000x64xf32>
    %get3A_23 = arith.constant 0 : index
    %get3A_24 = arith.constant 0 : index
    %get3A_25 = vector.load %arg3[%get3A_23, %get3A_24] : memref<2000x64xf32, #tpu.memory_space<vmem>>, vector<2000x64xf32>
    %add3A_26 = arith.addf %add3A_22, %get3A_25 : vector<2000x64xf32>
    %mul3A = vector.broadcast %rsqrt3A : vector<2000x1xf32> to vector<2000x64xf32>
    %mul3A_27 = arith.mulf %add3A_26, %mul3A : vector<2000x64xf32>
    %get3A_28 = arith.constant 0 : index
    %get3A_29 = arith.constant 0 : index
    %get3A_30 = vector.load %arg5[%get3A_28, %get3A_29] : memref<1x64xf32, #tpu.memory_space<vmem>>, vector<1x64xf32>
    %add3A_31 = vector.broadcast %get3A_30 : vector<1x64xf32> to vector<2000x64xf32>
    %add3A_32 = arith.addf %mul3A_27, %add3A_31 : vector<2000x64xf32>
    %max3A = arith.constant 0.000000e+00 : f32
    %max3A_33 = vector.broadcast %max3A : f32 to vector<2000x64xf32>
    %max3A_34 = arith.maximumf %add3A_32, %max3A_33 : vector<2000x64xf32>
    %get3A_35 = arith.constant 0 : index
    %get3A_36 = arith.constant 0 : index
    %get3A_37 = vector.load %arg6[%get3A_35, %get3A_36] : memref<64x32xf32, #tpu.memory_space<vmem>>, vector<64x32xf32>
    %dot_general3A = arith.constant dense<0.000000e+00> : vector<2000x32xf32>
    %dot_general3A_38 = tpu.matmul %max3A_34, %get3A_37, %dot_general3A {dimension_numbers = #tpu.dot_dimension_numbers<[1], [0], [0], [1], [0, 0, 1, 1], [], []>, transpose_lhs_hint = false} : vector<2000x64xf32>, vector<64x32xf32>, vector<2000x32xf32> -> vector<2000x32xf32>
    %mul3A_39 = vector.broadcast %rsqrt3A : vector<2000x1xf32> to vector<2000x32xf32>
    %mul3A_40 = arith.mulf %dot_general3A_38, %mul3A_39 : vector<2000x32xf32>
    %swap3A = arith.constant 0 : index
    %swap3A_41 = arith.constant 0 : index
    %swap3A_42 = vector.load %arg7[%swap3A, %swap3A_41] : memref<2000x32xf32, #tpu.memory_space<vmem>>, vector<2000x32xf32>
    tpu.vector_store %arg7[%swap3A, %swap3A_41], %mul3A_40 {strides = array<i32>} : memref<2000x32xf32, #tpu.memory_space<vmem>>, vector<2000x32xf32>,
    return
  }
  func.func @transform_0(%arg0: i32) -> (i32, i32, i32) {
    %c0_i32 = arith.constant 0 : i32
    %c0_i32_0 = arith.constant 0 : i32
    %c0_i32_1 = arith.constant 0 : i32
    return %c0_i32, %arg0, %c0_i32_0 : i32, i32, i32
  }
  func.func @transform_1(%arg0: i32) -> (i32, i32, i32) {
    %c1_i32 = arith.constant 1 : i32
    %c0_i32 = arith.constant 0 : i32
    %c0_i32_0 = arith.constant 0 : i32
    return %c1_i32, %arg0, %c0_i32 : i32, i32, i32
  }
  func.func @transform_2(%arg0: i32) -> (i32, i32) {
    %c0_i32 = arith.constant 0 : i32
    %c0_i32_0 = arith.constant 0 : i32
    return %arg0, %c0_i32 : i32, i32
  }
  func.func @transform_3(%arg0: i32) -> (i32, i32, i32) {
    %c0_i32 = arith.constant 0 : i32
    %c0_i32_0 = arith.constant 0 : i32
    %c0_i32_1 = arith.constant 0 : i32
    return %c0_i32, %arg0, %c0_i32_0 : i32, i32, i32
  }
  func.func @transform_4(%arg0: i32) -> (i32, i32) {
    %c0_i32 = arith.constant 0 : i32
    %c0_i32_0 = arith.constant 0 : i32
    %c0_i32_1 = arith.constant 0 : i32
    return %c0_i32, %c0_i32_0 : i32, i32
  }
  func.func @transform_5(%arg0: i32) -> (i32, i32) {
    %c0_i32 = arith.constant 0 : i32
    %c0_i32_0 = arith.constant 0 : i32
    %c0_i32_1 = arith.constant 0 : i32
    return %c0_i32, %c0_i32_0 : i32, i32
  }
  func.func @transform_6(%arg0: i32) -> (i32, i32) {
    %c0_i32 = arith.constant 0 : i32
    %c0_i32_0 = arith.constant 0 : i32
    return %arg0, %c0_i32 : i32, i32
  }
}

module attributes {stable_mosaic.version = 14 : i64} {
  func.func @_final_body(%arg0: i32, %arg1: memref<1x2000x32xf32, #tpu.memory_space<vmem>>, %arg2: memref<1x2000x32xf32, #tpu.memory_space<vmem>>, %arg3: memref<2000x32xf32, #tpu.memory_space<vmem>>, %arg4: memref<2x2000x16xf32, #tpu.memory_space<vmem>>, %arg5: memref<1x32xf32, #tpu.memory_space<vmem>>, %arg6: memref<1x1x2000xi32, #tpu.memory_space<vmem>>, %arg7: memref<32x2xf32, #tpu.memory_space<vmem>>, %arg8: memref<1x2xf32, #tpu.memory_space<vmem>>, %arg9: memref<64x2xf32, #tpu.memory_space<vmem>>, %arg10: memref<64x32xf32, #tpu.memory_space<vmem>>, %arg11: memref<64x128xf32, #tpu.memory_space<vmem>>) attributes {dimension_semantics = [#tpu.dimension_semantics<arbitrary>], iteration_bounds = array<i64: 5>, scalar_prefetch = 0 : i64, scratch_operands = 2 : i64, tpu.core_type = #tpu.core_type<tc>, window_params = [{transform_indices = @transform_0, window_bounds = array<i64: 1, 2000, 32>}, {transform_indices = @transform_1, window_bounds = array<i64: 1, 2000, 32>}, {transform_indices = @transform_2, window_bounds = array<i64: 2000, 32>}, {transform_indices = @transform_3, window_bounds = array<i64: 2, 2000, 16>}, {pipeline_mode = #tpu.pipeline_mode<synchronous>, transform_indices = @transform_4, window_bounds = array<i64: 1, 32>}, {transform_indices = @transform_5, window_bounds = array<i64: 1, 1, 2000>}, {pipeline_mode = #tpu.pipeline_mode<synchronous>, transform_indices = @transform_6, window_bounds = array<i64: 32, 2>}, {pipeline_mode = #tpu.pipeline_mode<synchronous>, transform_indices = @transform_7, window_bounds = array<i64: 1, 2>}, {pipeline_mode = #tpu.pipeline_mode<synchronous>, transform_indices = @transform_8, window_bounds = array<i64: 64, 2>}]} {
    %eq3A = arith.constant 0 : i32
    %eq3A_0 = arith.cmpi eq, %arg0, %eq3A : i32
    %convert_element_type3A = arith.extui %eq3A_0 : i1 to i32
    %cond3A = arith.constant 0 : i32
    %cond3A_1 = arith.cmpi ne, %convert_element_type3A, %cond3A : i32
    scf.if %cond3A_1 {
      %broadcast_in_dim3A_67 = arith.constant 0.000000e+00 : f32
      %broadcast_in_dim3A_68 = vector.broadcast %broadcast_in_dim3A_67 : f32 to vector<64x32xf32>
      %swap3A_69 = arith.constant 0 : index
      %swap3A_70 = arith.constant 0 : index
      %swap3A_71 = vector.load %arg10[%swap3A_69, %swap3A_70] : memref<64x32xf32, #tpu.memory_space<vmem>>, vector<64x32xf32>
      tpu.vector_store %arg10[%swap3A_69, %swap3A_70], %broadcast_in_dim3A_68 {strides = array<i32>} : memref<64x32xf32, #tpu.memory_space<vmem>>, vector<64x32xf32>,
      %broadcast_in_dim3A_72 = arith.constant 0.000000e+00 : f32
      %broadcast_in_dim3A_73 = vector.broadcast %broadcast_in_dim3A_72 : f32 to vector<64x128xf32>
      %swap3A_74 = arith.constant 0 : index
      %swap3A_75 = arith.constant 0 : index
      %swap3A_76 = vector.load %arg11[%swap3A_74, %swap3A_75] : memref<64x128xf32, #tpu.memory_space<vmem>>, vector<64x128xf32>
      tpu.vector_store %arg11[%swap3A_74, %swap3A_75], %broadcast_in_dim3A_73 {strides = array<i32>} : memref<64x128xf32, #tpu.memory_space<vmem>>, vector<64x128xf32>,
    } else {
    }
    %get3A = arith.constant 0 : index
    %get3A_2 = arith.constant 0 : index
    %get3A_3 = arith.constant 0 : index
    %get3A_4 = vector.load %arg4[%get3A, %get3A_2, %get3A_3] : memref<2x2000x16xf32, #tpu.memory_space<vmem>>, vector<1x2000x1xf32>
    %get3A_5 = vector.shape_cast %get3A_4 : vector<1x2000x1xf32> to vector<2000x1xf32>
    %get3A_6 = arith.constant 1 : index
    %get3A_7 = arith.constant 0 : index
    %get3A_8 = arith.constant 0 : index
    %get3A_9 = vector.load %arg4[%get3A_6, %get3A_7, %get3A_8] : memref<2x2000x16xf32, #tpu.memory_space<vmem>>, vector<1x2000x1xf32>
    %get3A_10 = vector.shape_cast %get3A_9 : vector<1x2000x1xf32> to vector<2000x1xf32>
    %add3A = arith.addf %get3A_5, %get3A_10 : vector<2000x1xf32>
    %add3A_11 = arith.constant 1.000000e+00 : f32
    %add3A_12 = vector.broadcast %add3A_11 : f32 to vector<2000x1xf32>
    %add3A_13 = arith.addf %add3A, %add3A_12 : vector<2000x1xf32>
    %rsqrt3A = math.rsqrt %add3A_13 : vector<2000x1xf32>
    %get3A_14 = arith.constant 0 : index
    %get3A_15 = arith.constant 0 : index
    %get3A_16 = arith.constant 0 : index
    %get3A_17 = vector.load %arg1[%get3A_14, %get3A_15, %get3A_16] : memref<1x2000x32xf32, #tpu.memory_space<vmem>>, vector<1x2000x32xf32>
    %get3A_18 = vector.shape_cast %get3A_17 : vector<1x2000x32xf32> to vector<2000x32xf32>
    %get3A_19 = arith.constant 0 : index
    %get3A_20 = arith.constant 0 : index
    %get3A_21 = arith.constant 0 : index
    %get3A_22 = vector.load %arg2[%get3A_19, %get3A_20, %get3A_21] : memref<1x2000x32xf32, #tpu.memory_space<vmem>>, vector<1x2000x32xf32>
    %get3A_23 = vector.shape_cast %get3A_22 : vector<1x2000x32xf32> to vector<2000x32xf32>
    %add3A_24 = arith.addf %get3A_18, %get3A_23 : vector<2000x32xf32>
    %get3A_25 = arith.constant 0 : index
    %get3A_26 = arith.constant 0 : index
    %get3A_27 = vector.load %arg3[%get3A_25, %get3A_26] : memref<2000x32xf32, #tpu.memory_space<vmem>>, vector<2000x32xf32>
    %add3A_28 = arith.addf %add3A_24, %get3A_27 : vector<2000x32xf32>
    %mul3A = vector.broadcast %rsqrt3A : vector<2000x1xf32> to vector<2000x32xf32>
    %mul3A_29 = arith.mulf %add3A_28, %mul3A : vector<2000x32xf32>
    %get3A_30 = arith.constant 0 : index
    %get3A_31 = arith.constant 0 : index
    %get3A_32 = vector.load %arg5[%get3A_30, %get3A_31] : memref<1x32xf32, #tpu.memory_space<vmem>>, vector<1x32xf32>
    %add3A_33 = vector.broadcast %get3A_32 : vector<1x32xf32> to vector<2000x32xf32>
    %add3A_34 = arith.addf %mul3A_29, %add3A_33 : vector<2000x32xf32>
    %get3A_35 = arith.constant 0 : index
    %get3A_36 = arith.constant 0 : index
    %get3A_37 = arith.constant 0 : index
    %get3A_38 = vector.load %arg6[%get3A_35, %get3A_36, %get3A_37] : memref<1x1x2000xi32, #tpu.memory_space<vmem>>, vector<1x1x2000xi32>
    %get3A_39 = vector.shape_cast %get3A_38 : vector<1x1x2000xi32> to vector<2000xi32>
    %iota3A = tpu.iota {dimensions = array<i32: 0>} : vector<64x2000xi32>
    %broadcast_in_dim3A = vector.shape_cast %get3A_39 : vector<2000xi32> to vector<1x2000xi32>
    %eq3A_40 = vector.broadcast %broadcast_in_dim3A : vector<1x2000xi32> to vector<64x2000xi32>
    %eq3A_41 = arith.cmpi eq, %eq3A_40, %iota3A : vector<64x2000xi32>
    %jit3A = arith.constant 1.000000e+00 : f32
    %jit3A_42 = arith.constant 0.000000e+00 : f32
    %broadcast_in_dim3A_43 = vector.broadcast %jit3A : f32 to vector<64x2000xf32>
    %broadcast_in_dim3A_44 = vector.broadcast %jit3A_42 : f32 to vector<64x2000xf32>
    %select_n3A = arith.select %eq3A_41, %broadcast_in_dim3A_43, %broadcast_in_dim3A_44 : vector<64x2000xi1>, vector<64x2000xf32>
    %get3A_45 = arith.constant 0 : index
    %get3A_46 = arith.constant 0 : index
    %get3A_47 = vector.load %arg10[%get3A_45, %get3A_46] : memref<64x32xf32, #tpu.memory_space<vmem>>, vector<64x32xf32>
    %dot_general3A = arith.constant dense<0.000000e+00> : vector<64x32xf32>
    %dot_general3A_48 = tpu.matmul %select_n3A, %add3A_34, %dot_general3A {dimension_numbers = #tpu.dot_dimension_numbers<[1], [0], [0], [1], [0, 0, 1, 1], [], []>, transpose_lhs_hint = false} : vector<64x2000xf32>, vector<2000x32xf32>, vector<64x32xf32> -> vector<64x32xf32>
    %add3A_49 = arith.addf %get3A_47, %dot_general3A_48 : vector<64x32xf32>
    %swap3A = arith.constant 0 : index
    %swap3A_50 = arith.constant 0 : index
    %swap3A_51 = vector.load %arg10[%swap3A, %swap3A_50] : memref<64x32xf32, #tpu.memory_space<vmem>>, vector<64x32xf32>
    tpu.vector_store %arg10[%swap3A, %swap3A_50], %add3A_49 {strides = array<i32>} : memref<64x32xf32, #tpu.memory_space<vmem>>, vector<64x32xf32>,
    %get3A_52 = arith.constant 0 : index
    %get3A_53 = arith.constant 0 : index
    %get3A_54 = vector.load %arg11[%get3A_52, %get3A_53] : memref<64x128xf32, #tpu.memory_space<vmem>>, vector<64x128xf32>
    %reduce_sum3A = arith.constant dense<0.000000e+00> : vector<64xf32>
    %reduce_sum3A_55 = vector.multi_reduction <add>, %select_n3A, %reduce_sum3A [1] : vector<64x2000xf32> to vector<64xf32>
    %broadcast_in_dim3A_56 = vector.shape_cast %reduce_sum3A_55 : vector<64xf32> to vector<64x1xf32>
    %add3A_57 = vector.broadcast %broadcast_in_dim3A_56 : vector<64x1xf32> to vector<64x128xf32>
    %add3A_58 = arith.addf %get3A_54, %add3A_57 : vector<64x128xf32>
    %swap3A_59 = arith.constant 0 : index
    %swap3A_60 = arith.constant 0 : index
    %swap3A_61 = vector.load %arg11[%swap3A_59, %swap3A_60] : memref<64x128xf32, #tpu.memory_space<vmem>>, vector<64x128xf32>
    tpu.vector_store %arg11[%swap3A_59, %swap3A_60], %add3A_58 {strides = array<i32>} : memref<64x128xf32, #tpu.memory_space<vmem>>, vector<64x128xf32>,
    %eq3A_62 = arith.constant 4 : i32
    %eq3A_63 = arith.cmpi eq, %arg0, %eq3A_62 : i32
    %convert_element_type3A_64 = arith.extui %eq3A_63 : i1 to i32
    %cond3A_65 = arith.constant 0 : i32
    %cond3A_66 = arith.cmpi ne, %convert_element_type3A_64, %cond3A_65 : i32
    scf.if %cond3A_66 {
      %get3A_67 = arith.constant 0 : index
      %get3A_68 = arith.constant 0 : index
      %get3A_69 = vector.load %arg10[%get3A_67, %get3A_68] : memref<64x32xf32, #tpu.memory_space<vmem>>, vector<64x32xf32>
      %get3A_70 = arith.constant 0 : index
      %get3A_71 = arith.constant 0 : index
      %get3A_72 = vector.load %arg11[%get3A_70, %get3A_71] : memref<64x128xf32, #tpu.memory_space<vmem>>, vector<64x1xf32>
      %max3A = arith.constant 1.000000e+00 : f32
      %max3A_73 = vector.broadcast %max3A : f32 to vector<64x1xf32>
      %max3A_74 = arith.maximumf %get3A_72, %max3A_73 : vector<64x1xf32>
      %div3A = vector.broadcast %max3A_74 : vector<64x1xf32> to vector<64x32xf32>
      %div3A_75 = arith.divf %get3A_69, %div3A : vector<64x32xf32>
      %get3A_76 = arith.constant 0 : index
      %get3A_77 = arith.constant 0 : index
      %get3A_78 = vector.load %arg7[%get3A_76, %get3A_77] : memref<32x2xf32, #tpu.memory_space<vmem>>, vector<32x2xf32>
      %dot_general3A_79 = arith.constant dense<0.000000e+00> : vector<64x2xf32>
      %dot_general3A_80 = tpu.matmul %div3A_75, %get3A_78, %dot_general3A_79 {dimension_numbers = #tpu.dot_dimension_numbers<[1], [0], [0], [1], [0, 0, 1, 1], [], []>, transpose_lhs_hint = false} : vector<64x32xf32>, vector<32x2xf32>, vector<64x2xf32> -> vector<64x2xf32>
      %get3A_81 = arith.constant 0 : index
      %get3A_82 = arith.constant 0 : index
      %get3A_83 = vector.load %arg8[%get3A_81, %get3A_82] : memref<1x2xf32, #tpu.memory_space<vmem>>, vector<1x2xf32>
      %add3A_84 = vector.broadcast %get3A_83 : vector<1x2xf32> to vector<64x2xf32>
      %add3A_85 = arith.addf %dot_general3A_80, %add3A_84 : vector<64x2xf32>
      %swap3A_86 = arith.constant 0 : index
      %swap3A_87 = arith.constant 0 : index
      %swap3A_88 = vector.load %arg9[%swap3A_86, %swap3A_87] : memref<64x2xf32, #tpu.memory_space<vmem>>, vector<64x2xf32>
      tpu.vector_store %arg9[%swap3A_86, %swap3A_87], %add3A_85 {strides = array<i32>} : memref<64x2xf32, #tpu.memory_space<vmem>>, vector<64x2xf32>,
    } else {
    }
    return
  }
  func.func @transform_0(%arg0: i32) -> (i32, i32, i32) {
    %c0_i32 = arith.constant 0 : i32
    %c0_i32_0 = arith.constant 0 : i32
    %c0_i32_1 = arith.constant 0 : i32
    return %c0_i32, %arg0, %c0_i32_0 : i32, i32, i32
  }
  func.func @transform_1(%arg0: i32) -> (i32, i32, i32) {
    %c1_i32 = arith.constant 1 : i32
    %c0_i32 = arith.constant 0 : i32
    %c0_i32_0 = arith.constant 0 : i32
    return %c1_i32, %arg0, %c0_i32 : i32, i32, i32
  }
  func.func @transform_2(%arg0: i32) -> (i32, i32) {
    %c0_i32 = arith.constant 0 : i32
    %c0_i32_0 = arith.constant 0 : i32
    return %arg0, %c0_i32 : i32, i32
  }
  func.func @transform_3(%arg0: i32) -> (i32, i32, i32) {
    %c0_i32 = arith.constant 0 : i32
    %c0_i32_0 = arith.constant 0 : i32
    %c0_i32_1 = arith.constant 0 : i32
    return %c0_i32, %arg0, %c0_i32_0 : i32, i32, i32
  }
  func.func @transform_4(%arg0: i32) -> (i32, i32) {
    %c0_i32 = arith.constant 0 : i32
    %c0_i32_0 = arith.constant 0 : i32
    %c0_i32_1 = arith.constant 0 : i32
    return %c0_i32, %c0_i32_0 : i32, i32
  }
  func.func @transform_5(%arg0: i32) -> (i32, i32, i32) {
    %c0_i32 = arith.constant 0 : i32
    %c0_i32_0 = arith.constant 0 : i32
    %c0_i32_1 = arith.constant 0 : i32
    return %arg0, %c0_i32, %c0_i32_0 : i32, i32, i32
  }
  func.func @transform_6(%arg0: i32) -> (i32, i32) {
    %c0_i32 = arith.constant 0 : i32
    %c0_i32_0 = arith.constant 0 : i32
    %c0_i32_1 = arith.constant 0 : i32
    return %c0_i32, %c0_i32_0 : i32, i32
  }
  func.func @transform_7(%arg0: i32) -> (i32, i32) {
    %c0_i32 = arith.constant 0 : i32
    %c0_i32_0 = arith.constant 0 : i32
    %c0_i32_1 = arith.constant 0 : i32
    return %c0_i32, %c0_i32_0 : i32, i32
  }
  func.func @transform_8(%arg0: i32) -> (i32, i32) {
    %c0_i32 = arith.constant 0 : i32
    %c0_i32_0 = arith.constant 0 : i32
    %c0_i32_1 = arith.constant 0 : i32
    return %c0_i32, %c0_i32_0 : i32, i32
  }
}

</mosaic_0001>

<sc_bundles>
// kernel: kernel.10.cloned.1.call-start
scs
__scs_entry_jumppad:
0x0: {  	(pc) =	sbr.rel $0x88, $3  }
0x1: {  	(tag) =	ssettag $0x0;
	lr =	simm.s32 $0x1  }
0x2: {  	[smem:$0x3F96] =	sst lr;
	_ =	strace $0xD0000000  }
0x3: {  	_ = 	snop  }
0x4: {  	_ = 	snop  }
0x5: {  	_ = 	snop  }
0x6: {  	_ = 	snop  }
0x7: {  	_ = 	snop  }
__scs_overlays_trampoline_lowered:
0x8: {  	[smem:$0x3FA5] =	sst s0  }
0x9: {  	[smem:$0x3FA6] =	sst s1  }
0xa: {  	[smem:$0x3FA7] =	sst s2  }
0xb: {  	[smem:$0x3FA8] =	sst s3  }
0xc: {  	[smem:$0x3FA9] =	sst s4  }
0xd: {  	[smem:$0x3FAA] =	sst s5  }
0xe: {  	[smem:$0x3FAB] =	sst s6  }
0xf: {  	[smem:$0x3FAC] =	sst s7  }
0x10: {  	[smem:$0x3FAD] =	sst s8  }
0x11: {  	[smem:$0x3FAE] =	sst s9;
	s0 =	simm.s32 @!p0 $0x0  }
0x12: {  	s1 =	sld [smem:$0x3F94];
	s0 =	simm.s32 @p0 $0x1  }
0x13: {  	[smem:$0x3FAF] =	sst s0;
	s0 =	simm.s32 @!p1 $0x0  }
0x14: {  	s2 =	sld [smem:$0x3F93];
	s0 =	simm.s32 @p1 $0x1  }
0x15: {  	[smem:$0x3FB0] =	sst s0;
	s0 =	simm.s32 @!p2 $0x0  }
0x16: {  	s3 =	sld [smem:$0x3FDB];
	s0 =	simm.s32 @p2 $0x1  }
0x17: {  	s4 =	simm.s32 $0x1BF5;
	[smem:$0x3FB2] =	sst s0  }
0x18: {  	s0 =	sld [smem:$0x3F95];
	_ =	swait.ge [sflag:s4], $0x0  }
0x19: {  	s7 =	sld [smem:$0x3F96]  }
0x1a: {  	s8 =	sadd.s32 $0xFFFFE003, lr  }
0x1b: {  	s9 =	sadd.s32 $0xFFFFFEF7, lr;
	s5 =	simm.s32 $0xFFFFFFFF;
	p2 =	slt.u32 s8, $0xFFFFF086  }
0x1c: {  	p1 =	slt.u32 s9, $0xF7A;
	s5 =	simm.s32 @!p2 $0x0  }
0x1d: {  	s5 =	simm.s32 @p1 $0x1;
	p0 =	seq.s32 s7, s2  }
0x1e: {  	s7 =	smul.u32 @!p0 $0xF7A, s2;
	p2 =	seq.s32 @!p0 s5, $0x0  }
0x1f: {  	s9 =	smul.u32 $0xF7A, s1;
	s8 =	simm.s32 @!p0 $0x1BF5;
	p2 =	por !p2, p0  }
0x20: {  	[sflag:s8] =	ssyncset.s32 @!p0 $0xFFFFF086;
	s6 =	sadd.s32 @!p0 s3, s7;
	s7 =	simm.s32 @!p0 $0x108  }
0x21: {  	s3 =	sadd.s32 s3, s9;
	s6 =	sadd.s32 @!p0 $0x88, s6;
	s7 =	simm.s32 @p2 $0x1082  }
0x22: {  	[simem:s7], [sflag:s8] =	dma.local @!p0 [hbm:s6], $0xF7A  }
0x23: {  	s9 =	sor.u32 $0xD0000000, s2;
	s6 =	simm.s32 $0x108;
	_ =	swait.ge @!p0 [sflag:s8], $0x0  }
0x24: {  	s3 =	sadd.s32 $0x88, s3;
	s6 =	simm.s32 @!p1 $0x1082;
	[sflag:s4] =	ssyncset.s32 $0xFFFFF086  }
0x25: {  	[simem:s6], [sflag:s4] =	dma.local [hbm:s3], $0xF7A  }
0x26: {  	[smem:$0x3F96] =	sst s1;
	(tag) =	ssettag s2;
	_ =	strace s9  }
0x27: {  	s1 =	sld [smem:$0x3FA6]  }
0x28: {  	s2 =	sld [smem:$0x3FA7]  }
0x29: {  	s4 =	sld [smem:$0x3FA9]  }
0x2a: {  	p0 =	seq.s32 s5, $0x0;
	s5 =	sld [smem:$0x3FAA]  }
0x2b: {  	s6 =	sld [smem:$0x3FAB]  }
0x2c: {  	s7 =	sld [smem:$0x3FAC]  }
0x2d: {  	s3 =	simm.s32 $0x108;
	s8 =	sld [smem:$0x3FAD]  }
0x2e: {  	s3 =	simm.s32 @!p0 $0x1082;
	s9 =	sld [smem:$0x3FAE]  }
0x2f: {  	lr =	sadd.s32 s0, s3;
	s0 =	sld [smem:$0x3FA5]  }
0x30: {  	s3 =	sld [smem:$0x3FA8]  }
0x31: {  	[smem:$0x3FB1] =	sst s10  }
0x32: {  	s10 =	sld [smem:$0x3FAF];
	_ =	sdelay $0x3  }
0x33: {  	p0 =	seq.s32 s10, $0x1;
	s10 =	sld [smem:$0x3FB1];
	_ =	sdelay $0x3  }
0x34: {  	[smem:$0x3FB1] =	sst s10  }
0x35: {  	s10 =	sld [smem:$0x3FB0];
	_ =	sdelay $0x3  }
0x36: {  	p1 =	seq.s32 s10, $0x1;
	s10 =	sld [smem:$0x3FB1];
	_ =	sdelay $0x3  }
0x37: {  	[smem:$0x3FB1] =	sst s10  }
0x38: {  	s10 =	sld [smem:$0x3FB2]  }
0x39: {  	_ = 	snop;
	(pc) =	sbr.ind lr, $3  }
0x3a: {  	_ = 	snop  }
0x3b: {  	_ = 	snop  }
0x3c: {  	p2 =	seq.s32 s10, $0x1;
	s10 =	sld [smem:$0x3FB1]  }
0x3d: {  	_ =	shalt  }
0x3e: {  	_ =	shalt  }
0x3f: {  	_ =	shalt  }
0x40: {  	_ =	shalt  }
0x41: {  	_ =	shalt  }
0x42: {  	_ =	shalt  }
0x43: {  	_ =	shalt  }
0x44: {  	_ =	shalt  }
0x45: {  	_ =	shalt  }
0x46: {  	_ =	shalt  }
0x47: {  	_ =	shalt  }
0x48: {  	_ =	shalt  }
0x49: {  	_ =	shalt  }
0x4a: {  	_ =	shalt  }
0x4b: {  	_ =	shalt  }
0x4c: {  	_ =	shalt  }
0x4d: {  	_ =	shalt  }
0x4e: {  	_ =	shalt  }
0x4f: {  	_ =	shalt  }
0x50: {  	_ =	shalt  }
0x51: {  	_ =	shalt  }
0x52: {  	_ =	shalt  }
0x53: {  	_ =	shalt  }
0x54: {  	_ =	shalt  }
0x55: {  	_ =	shalt  }
0x56: {  	_ =	shalt  }
0x57: {  	_ =	shalt  }
0x58: {  	_ =	shalt  }
0x59: {  	_ =	shalt  }
0x5a: {  	_ =	shalt  }
0x5b: {  	_ =	shalt  }
0x5c: {  	_ =	shalt  }
0x5d: {  	_ =	shalt  }
0x5e: {  	_ =	shalt  }
0x5f: {  	_ =	shalt  }
0x60: {  	_ =	shalt  }
0x61: {  	_ =	shalt  }
0x62: {  	_ =	shalt  }
0x63: {  	_ =	shalt  }
0x64: {  	_ =	shalt  }
0x65: {  	_ =	shalt  }
0x66: {  	_ =	shalt  }
0x67: {  	_ =	shalt  }
0x68: {  	_ =	shalt  }
0x69: {  	_ =	shalt  }
0x6a: {  	_ =	shalt  }
0x6b: {  	_ =	shalt  }
0x6c: {  	_ =	shalt  }
0x6d: {  	_ =	shalt  }
0x6e: {  	_ =	shalt  }
0x6f: {  	_ =	shalt  }
0x70: {  	_ =	shalt  }
0x71: {  	_ =	shalt  }
0x72: {  	_ =	shalt  }
0x73: {  	_ =	shalt  }
0x74: {  	_ =	shalt  }
0x75: {  	_ =	shalt  }
0x76: {  	_ =	shalt  }
0x77: {  	_ =	shalt  }
0x78: {  	_ =	shalt  }
0x79: {  	_ =	shalt  }
0x7a: {  	_ =	shalt  }
0x7b: {  	_ =	shalt  }
0x7c: {  	_ =	shalt  }
0x7d: {  	_ =	shalt  }
0x7e: {  	_ =	shalt  }
0x7f: {  	_ =	shalt  }
0x80: {  	_ =	shalt  }
0x81: {  	_ =	shalt  }
0x82: {  	_ =	shalt  }
0x83: {  	_ =	shalt  }
0x84: {  	_ =	shalt  }
0x85: {  	_ =	shalt  }
0x86: {  	_ =	shalt  }
0x87: {  	_ =	shalt  }
.Lfunc_end0:
.L_simem_size_0:
called_computation_lowered:
.L_overlay_start_0:
0x88: {  	s2 =	sld [smem:$0x3FD9]  }
0x89: {  	s3 =	sld [smem:$0x3FFE];
	_ =	sdelay $0x1  }
0x8a: {  	s1 =	srdreg.scid  }
0x8b: {  	s0 =	sand.u32 $0x1, s1  }
0x8c: {  	s16 =	sshll.u32 s0, $0xA;
	s2 =	sadd.s32 s3, s2  }
0x8d: {  	s2 =	sadd.s32 s2, s16  }
0x8e: {  	[smem:$0x3FBD] =	sst s2  }
0x8f: {  	_ = 	snop  }
0x90: {  	(tm) =	ssettm $0x1  }
0x91: {  	s17 =	sld [smem:$0x3FFB];
	_ =	sdelay $0x3  }
0x92: {  	_ =	strace s17  }
0x93: {  	s2 =	sld [smem:$0x3FFC];
	_ =	sdelay $0x3  }
0x94: {  	_ =	strace s2  }
0x95: {  	s2 =	sld [smem:$0x3FFD];
	_ =	sdelay $0x3  }
0x96: {  	_ =	strace s2  }
0x97: {  	_ =	strace $0x8FFFFFFF  }
0x98: {  	s18 =	sld [smem:$0x3FDB];
	_ =	sdelay $0x1  }
0x99: {  	s19 =	simm.s32 $_scs_section_size  }
0x9a: {  	s4 =	simm.s32 $_size__tile_overlayer_lowered;
	s5 =	simm.s32 $_tile_overlayer_lowered  }
0x9b: {  	s22 =	simm.s32 $0x1BFF;
	s21 =	sshll.u32 s5, $0x1;
	s2 =	sadd.s32 s19, s18  }
0x9c: {  	s6 =	simm.s32 $0x0;
	s20 =	sshll.u32 s4, $0x1;
	s4 =	sadd.s32 s21, s2  }
0x9d: {  	[timem:s6], [sflag:s22] =	dma.local [hbm:s4], s20  }
0x9e: {  	_ =	swait.ge [sflag:s22], s20  }
0x9f: {  	s3 =	ssub.s32 $0x0, s20;
	[sflag:s22] =	ssyncset.done $0x0  }
0xa0: {  	[sflag:s22] =	ssyncadd.s32 s3;
	_ =	sdelay $0x1  }
0xa1: {  	s23 =	simm.s32 $0x1B8B  }
0xa2: {  	_ =	swait.ge [sflag:s23], $0x1  }
0xa3: {  	[sflag:s23] =	ssyncset.done $0x0  }
0xa4: {  	s25 =	simm.s32 $0x1B8E;
	s24 =	sld [smem:$0x3FFE];
	[sflag:s23] =	ssyncadd.s32 $0xFFFFFFFF  }
0xa5: {  	s26 =	simm.s32 $execute0_lowered;
	[smem:$0x3FD2] =	sst s25  }
0xa6: {  	s4 =	sshll.u32 s26, $0x1;
	_ =	strace $0x80000046;
	[dreg:$0x1] =	wrdreg $0xFFFFFFFF  }
0xa7: {  	s28 =	simm.s32 $_size_execute0_lowered;
	s2 =	sadd.s32 s2, s4;
	[dreg:$0x0] =	wrdreg $0x0  }
0xa8: {  	s4 =	sshll.u32 s28, $0x1;
	[dreg:$0x2] =	wrdreg s2  }
0xa9: {  	[dreg:$0x3] =	wrdreg s4  }
0xaa: {  	[dreg:$0x4] =	wrdreg $0xC0  }
0xab: {  	_ =	task [dreg:s6], $0x5FFFF  }
0xac: {  	[dreg:$0x1] =	wrdreg $0xFFFFFFFF  }
0xad: {  	[dreg:$0x0] =	wrdreg $0x60  }
0xae: {  	[dreg:$0x2] =	wrdreg s24  }
0xaf: {  	[dreg:$0x3] =	wrdreg $0x38000  }
0xb0: {  	[dreg:$0x4] =	wrdreg $0x9  }
0xb1: {  	_ =	task.clear_ibuf [dreg:s6], $0x5FFFF;
	_ =	strace $0x90000046  }
0xb2: {  	s29 =	simm.s32 $0x9;
	_ =	strace $0x80000048  }
0xb3: {  	_ =	swait.ge [sflag:s29], $0x1  }
0xb4: {  	[sflag:s29] =	ssyncadd.s32 $0xFFFFFFFF  }
0xb5: {  	_ =	strace $0x90000048  }
0xb6: {  	_ =	sfence  }
0xb7: {  	s30 =	sld [smem:$0x0];
	_ =	sdelay $0x2  }
0xb8: {  	s31 =	sshll.u32 s1, $0xD;
	s1 =	sshrl.u32 s1, $0x2  }
0xb9: {  	s3 =	sand.u32 $0x4000, s31;
	s1 =	sadd.s32 s1, s30  }
0xba: {  	s0 =	sor.u32 s3, s0;
	s1 =	sshll.u32 s1, $0x11  }
0xbb: {  	s0 =	sor.u32 s1, s0  }
0xbc: {  	s0 =	sadd.s32 $0x8F2B, s0  }
0xbd: {  	[sflag:s0] =	ssyncadd.remote.s32 $0x1  }
0xbe: {  	_ =	sfence.sel $0xFFFF  }
0xbf: {  	[dreg:$0x0] =	wrdreg $0xFFFFFFFF;
	(pc) =	sbr.abs _section_cstart, $3  }
0xc0: {  	[dreg:$0x1] =	wrdreg $0xFFFFFFFF  }
0xc1: {  	_ =	task.clear_ibuf [dreg:s6], $0x2FFFF;
	_ =	strace $0x9FFFFFFF  }
0xc2: {  	(tm) =	ssettm $0x7FFFFFFF  }
0xc3: {  	_ =	shalt  }
tec
execute0_lowered:
.L_overlay_start_1:
0x0: {  	(tag) =	ssettag $0x1  }
0x1: {  	s1 =	srdreg.scid;
	s6 =	rddreg [dreg:$0x0]  }
0x2: {  	s0 =	stileid.u32;
	s2 =	rddreg [dreg:$0x1]  }
0x3: {  	s3 =	simm.s32 $0x0;
	s12 =	simm.s32 $0x2800;
	s13 =	simm.s32 $0x100  }
0x4: {  	s14 =	simm.s32 $0x0;
	s5 =	sand.u32 $0x1, s1;
	s29 =	sshll.u32 s0, $0x1  }
0x5: {  	s7 =	smul.u32 $0x2800, s0;
	[smem:$0x7FF] =	sst s3;
	s31 =	sshll.u32 s0, $0x6  }
0x6: {  	s1 =	sor.u32 s5, s29;
	s8 =	smul.u32 $0x28000, s5;
	s10 =	ssub.s32 $0x2, s5  }
0x7: {  	s5 =	sadd.s32 $0x17200, s6;
	s4 =	smul.u32 $0x500, s1;
	s1 =	rddreg [dreg:$0x2]  }
0x8: {  	_ =	strace $0x80000047;
	s30 =	sshrl.u32 s10, $0x1;
	s8 =	sadd.s32 s7, s8  }
0x9: {  	s11 =	sadd.s32 s7, s2;
	s10 =	ssub.s32 s10, s30;
	s8 =	sshrl.u32 s8, $0x3  }
0xa: {  	s9 =	sadd.s32 s4, s6;
	s4 =	sadd.s32 $0x17800, s6;
	s8 =	sadd.s32 s8, s6  }
0xb: {  	s6 =	sor.u32 $0x1C01, s31;
	s7 =	sadd.s32 $0x3200, s9;
	s9 =	smax.u32 s10, $0x1  }
0xc: {  	s10 =	sshrl.u32 s11, $0x3;
	s11 =	simm.s32 $0x1;
	s8 =	sadd.s32 $0x17A00, s8  }
.LBB2_1:
0xd: {  	[spmem:s10], [sflag:s6] =	dma.local [hbm:s5], $0x500  }
0xe: {  	_ =	swait.ge [sflag:s11], $0x500  }
0xf: {  	[sflag:s11] =	ssyncset.done $0x0  }
0x10: {  	[sflag:s11] =	ssyncadd.s32 $0xFFFFFB00  }
0x11: {  	[tilespmem:s12], [sflag:$0x1] =	stream.linear.gather [hbm4b:s4+s3], $0x1000, $0x38;
	[tilespmem:$0x6000] =	vst v63  }
0x12: {  	_ =	swait.ge [sflag:s11], $0x1000  }
0x13: {  	[sflag:s11] =	ssyncset.done $0x0  }
0x14: {  	[sflag:s11] =	ssyncadd.s32 $0xFFFFF000  }
0x15: {  	[tilespmem:s3], [sflag:$0x1] =	stream.linear.gather [hbm4b:s7+s3], $0x2800, $0x38;
	[tilespmem:$0x6000] =	vst v63  }
0x16: {  	_ =	swait.ge [sflag:s11], $0x2800  }
0x17: {  	[sflag:s11] =	ssyncset.done $0x0  }
0x18: {  	[sflag:s11] =	ssyncadd.s32 $0xFFFFD800  }
0x19: {  	s15 =	simm.s32 $0x0;
	[bflag:$0x0] =	sbarrier.arrive $0xFFFF  }
0x1a: {  	[spmem:s2] =	stream.indirect.scatter.add.f32 [tilespmem:s12], [sflag:$0x1], $0x10, s15, s13, $0xb8;
	[tilespmem:$0x6000] =	vst v63  }
0x1b: {  	_ =	swait.ge [sflag:s11], $0x1000  }
0x1c: {  	s15 =	simm.s32 $0x400;
	[sflag:s11] =	ssyncset.done $0x0  }
.LBB2_2:
0x1d: {  	s16 =	sshra.s32 s15, $0x2;
	[sflag:s11] =	ssyncadd.s32 $0xFFFFF000;
	p0 =	sne.s32 s15, $0x9C00  }
0x1e: {  	[spmem:s2] =	stream.indirect.scatter.add.f32 [tilespmem:s12], [sflag:$0x1], $0x10, s16, s13, $0xb8;
	[tilespmem:$0x6000] =	vst v63  }
.Ltmp0:
0x1f: {  	_ = 	snop;
	(pc) =	sbr.rel @p0 .LBB2_2-.Ltmp0, $4  }
0x20: {  	_ = 	snop  }
0x21: {  	s15 =	sadd.s32 $0x400, s15  }
0x22: {  	_ =	swait.ge [sflag:s11], $0x1000  }
0x23: {  	[sflag:s11] =	ssyncset.done $0x0  }
0x24: {  	s14 =	sadd.s32 $0x1, s14  }
0x25: {  	[sflag:s11] =	ssyncadd.s32 $0xFFFFF000;
	p0 =	sne.s32 s14, s9  }
.Ltmp1:
0x26: {  	[bflag:$0x0] =	sbarrier.arrive $0xFFFF;
	(pc) =	sbr.rel @p0 .LBB2_1-.Ltmp1, $4  }
0x27: {  	[hbm:s8], [sflag:s6] =	dma.local [spmem:s10], $0x500  }
0x28: {  	_ =	swait.ge [sflag:s11], $0x500  }
0x29: {  	[sflag:s11] =	ssyncset.done $0x0  }
0x2a: {  	[sflag:s11] =	ssyncadd.s32 $0xFFFFFB00  }
0x2b: {  	_ =	sfence.sel $0x180000  }
0x2c: {  	[bflag:$0x0] =	sbarrier.arrive $0xFFFF  }
0x2d: {  	p0 =	sne.s32 s0, $0x0;
	_ =	strace $0x90000047  }
0x2e: {  	s0 =	sadd.s32 @!p0 $0x100000, s1;
	[bflag:$0x2] =	sbarrier.arrive $0xFFFF  }
0x2f: {  	[sflag:s0] =	ssyncadd.tile.s32 @!p0 $0x1;
	_ =	shalt  }
.Lfunc_end2:
_tile_overlayer_lowered:
.L_overlay_start_2:
0x30: {  	(tag) =	ssettag $0x2  }
0x31: {  	s0 =	rddreg [dreg:$0x0];
	s2 =	stileid.u32  }
0x32: {  	s1 =	rddreg [dreg:$0x1];
	p0 =	sne.s32 s2, $0x0  }
0x33: {  	s3 =	rddreg [dreg:$0x2];
	[bflag:$0x3] =	sbarrier.arrive $0xFFFF;
	s2 =	simm.s32 @!p0 $0x1C01  }
0x34: {  	[timem:s3], [sflag:s2] =	dma.local @!p0 [hbm:s0], s1  }
0x35: {  	s0 =	simm.s32 @!p0 $0x1  }
0x36: {  	_ =	swait.ge @!p0 [sflag:s0], s1  }
0x37: {  	s1 =	ssub.s32 @!p0 $0x0, s1;
	[sflag:s0] =	ssyncset.done @!p0 $0x0  }
0x38: {  	[sflag:s0] =	ssyncadd.s32 @!p0 s1  }
0x39: {  	[bflag:$0x3] =	sbarrier.arrive $0xFFFF  }
0x3a: {  	_ =	shalt  }

// kernel: kernel.13.cloned.1.call-start
scs
__scs_entry_jumppad:
0x0: {  	(pc) =	sbr.rel $0x88, $3  }
0x1: {  	(tag) =	ssettag $0x0;
	lr =	simm.s32 $0x1  }
0x2: {  	[smem:$0x3F96] =	sst lr;
	_ =	strace $0xD0000000  }
0x3: {  	_ = 	snop  }
0x4: {  	_ = 	snop  }
0x5: {  	_ = 	snop  }
0x6: {  	_ = 	snop  }
0x7: {  	_ = 	snop  }
__scs_overlays_trampoline_lowered:
0x8: {  	[smem:$0x3FA5] =	sst s0  }
0x9: {  	[smem:$0x3FA6] =	sst s1  }
0xa: {  	[smem:$0x3FA7] =	sst s2  }
0xb: {  	[smem:$0x3FA8] =	sst s3  }
0xc: {  	[smem:$0x3FA9] =	sst s4  }
0xd: {  	[smem:$0x3FAA] =	sst s5  }
0xe: {  	[smem:$0x3FAB] =	sst s6  }
0xf: {  	[smem:$0x3FAC] =	sst s7  }
0x10: {  	[smem:$0x3FAD] =	sst s8  }
0x11: {  	[smem:$0x3FAE] =	sst s9;
	s0 =	simm.s32 @!p0 $0x0  }
0x12: {  	s1 =	sld [smem:$0x3F94];
	s0 =	simm.s32 @p0 $0x1  }
0x13: {  	[smem:$0x3FAF] =	sst s0;
	s0 =	simm.s32 @!p1 $0x0  }
0x14: {  	s2 =	sld [smem:$0x3F93];
	s0 =	simm.s32 @p1 $0x1  }
0x15: {  	[smem:$0x3FB0] =	sst s0;
	s0 =	simm.s32 @!p2 $0x0  }
0x16: {  	s3 =	sld [smem:$0x3FDB];
	s0 =	simm.s32 @p2 $0x1  }
0x17: {  	s4 =	simm.s32 $0x1BF5;
	[smem:$0x3FB2] =	sst s0  }
0x18: {  	s0 =	sld [smem:$0x3F95];
	_ =	swait.ge [sflag:s4], $0x0  }
0x19: {  	s7 =	sld [smem:$0x3F96]  }
0x1a: {  	s8 =	sadd.s32 $0xFFFFE003, lr  }
0x1b: {  	s9 =	sadd.s32 $0xFFFFFEF7, lr;
	s5 =	simm.s32 $0xFFFFFFFF;
	p2 =	slt.u32 s8, $0xFFFFF086  }
0x1c: {  	p1 =	slt.u32 s9, $0xF7A;
	s5 =	simm.s32 @!p2 $0x0  }
0x1d: {  	s5 =	simm.s32 @p1 $0x1;
	p0 =	seq.s32 s7, s2  }
0x1e: {  	s7 =	smul.u32 @!p0 $0xF7A, s2;
	p2 =	seq.s32 @!p0 s5, $0x0  }
0x1f: {  	s9 =	smul.u32 $0xF7A, s1;
	s8 =	simm.s32 @!p0 $0x1BF5;
	p2 =	por !p2, p0  }
0x20: {  	[sflag:s8] =	ssyncset.s32 @!p0 $0xFFFFF086;
	s6 =	sadd.s32 @!p0 s3, s7;
	s7 =	simm.s32 @!p0 $0x108  }
0x21: {  	s3 =	sadd.s32 s3, s9;
	s6 =	sadd.s32 @!p0 $0x88, s6;
	s7 =	simm.s32 @p2 $0x1082  }
0x22: {  	[simem:s7], [sflag:s8] =	dma.local @!p0 [hbm:s6], $0xF7A  }
0x23: {  	s9 =	sor.u32 $0xD0000000, s2;
	s6 =	simm.s32 $0x108;
	_ =	swait.ge @!p0 [sflag:s8], $0x0  }
0x24: {  	s3 =	sadd.s32 $0x88, s3;
	s6 =	simm.s32 @!p1 $0x1082;
	[sflag:s4] =	ssyncset.s32 $0xFFFFF086  }
0x25: {  	[simem:s6], [sflag:s4] =	dma.local [hbm:s3], $0xF7A  }
0x26: {  	[smem:$0x3F96] =	sst s1;
	(tag) =	ssettag s2;
	_ =	strace s9  }
0x27: {  	s1 =	sld [smem:$0x3FA6]  }
0x28: {  	s2 =	sld [smem:$0x3FA7]  }
0x29: {  	s4 =	sld [smem:$0x3FA9]  }
0x2a: {  	p0 =	seq.s32 s5, $0x0;
	s5 =	sld [smem:$0x3FAA]  }
0x2b: {  	s6 =	sld [smem:$0x3FAB]  }
0x2c: {  	s7 =	sld [smem:$0x3FAC]  }
0x2d: {  	s3 =	simm.s32 $0x108;
	s8 =	sld [smem:$0x3FAD]  }
0x2e: {  	s3 =	simm.s32 @!p0 $0x1082;
	s9 =	sld [smem:$0x3FAE]  }
0x2f: {  	lr =	sadd.s32 s0, s3;
	s0 =	sld [smem:$0x3FA5]  }
0x30: {  	s3 =	sld [smem:$0x3FA8]  }
0x31: {  	[smem:$0x3FB1] =	sst s10  }
0x32: {  	s10 =	sld [smem:$0x3FAF];
	_ =	sdelay $0x3  }
0x33: {  	p0 =	seq.s32 s10, $0x1;
	s10 =	sld [smem:$0x3FB1];
	_ =	sdelay $0x3  }
0x34: {  	[smem:$0x3FB1] =	sst s10  }
0x35: {  	s10 =	sld [smem:$0x3FB0];
	_ =	sdelay $0x3  }
0x36: {  	p1 =	seq.s32 s10, $0x1;
	s10 =	sld [smem:$0x3FB1];
	_ =	sdelay $0x3  }
0x37: {  	[smem:$0x3FB1] =	sst s10  }
0x38: {  	s10 =	sld [smem:$0x3FB2]  }
0x39: {  	_ = 	snop;
	(pc) =	sbr.ind lr, $3  }
0x3a: {  	_ = 	snop  }
0x3b: {  	_ = 	snop  }
0x3c: {  	p2 =	seq.s32 s10, $0x1;
	s10 =	sld [smem:$0x3FB1]  }
0x3d: {  	_ =	shalt  }
0x3e: {  	_ =	shalt  }
0x3f: {  	_ =	shalt  }
0x40: {  	_ =	shalt  }
0x41: {  	_ =	shalt  }
0x42: {  	_ =	shalt  }
0x43: {  	_ =	shalt  }
0x44: {  	_ =	shalt  }
0x45: {  	_ =	shalt  }
0x46: {  	_ =	shalt  }
0x47: {  	_ =	shalt  }
0x48: {  	_ =	shalt  }
0x49: {  	_ =	shalt  }
0x4a: {  	_ =	shalt  }
0x4b: {  	_ =	shalt  }
0x4c: {  	_ =	shalt  }
0x4d: {  	_ =	shalt  }
0x4e: {  	_ =	shalt  }
0x4f: {  	_ =	shalt  }
0x50: {  	_ =	shalt  }
0x51: {  	_ =	shalt  }
0x52: {  	_ =	shalt  }
0x53: {  	_ =	shalt  }
0x54: {  	_ =	shalt  }
0x55: {  	_ =	shalt  }
0x56: {  	_ =	shalt  }
0x57: {  	_ =	shalt  }
0x58: {  	_ =	shalt  }
0x59: {  	_ =	shalt  }
0x5a: {  	_ =	shalt  }
0x5b: {  	_ =	shalt  }
0x5c: {  	_ =	shalt  }
0x5d: {  	_ =	shalt  }
0x5e: {  	_ =	shalt  }
0x5f: {  	_ =	shalt  }
0x60: {  	_ =	shalt  }
0x61: {  	_ =	shalt  }
0x62: {  	_ =	shalt  }
0x63: {  	_ =	shalt  }
0x64: {  	_ =	shalt  }
0x65: {  	_ =	shalt  }
0x66: {  	_ =	shalt  }
0x67: {  	_ =	shalt  }
0x68: {  	_ =	shalt  }
0x69: {  	_ =	shalt  }
0x6a: {  	_ =	shalt  }
0x6b: {  	_ =	shalt  }
0x6c: {  	_ =	shalt  }
0x6d: {  	_ =	shalt  }
0x6e: {  	_ =	shalt  }
0x6f: {  	_ =	shalt  }
0x70: {  	_ =	shalt  }
0x71: {  	_ =	shalt  }
0x72: {  	_ =	shalt  }
0x73: {  	_ =	shalt  }
0x74: {  	_ =	shalt  }
0x75: {  	_ =	shalt  }
0x76: {  	_ =	shalt  }
0x77: {  	_ =	shalt  }
0x78: {  	_ =	shalt  }
0x79: {  	_ =	shalt  }
0x7a: {  	_ =	shalt  }
0x7b: {  	_ =	shalt  }
0x7c: {  	_ =	shalt  }
0x7d: {  	_ =	shalt  }
0x7e: {  	_ =	shalt  }
0x7f: {  	_ =	shalt  }
0x80: {  	_ =	shalt  }
0x81: {  	_ =	shalt  }
0x82: {  	_ =	shalt  }
0x83: {  	_ =	shalt  }
0x84: {  	_ =	shalt  }
0x85: {  	_ =	shalt  }
0x86: {  	_ =	shalt  }
0x87: {  	_ =	shalt  }
.Lfunc_end0:
.L_simem_size_0:
called_computation.1_lowered:
.L_overlay_start_0:
0x88: {  	s2 =	sld [smem:$0x3FD9]  }
0x89: {  	s3 =	sld [smem:$0x3FFE];
	_ =	sdelay $0x1  }
0x8a: {  	s1 =	srdreg.scid  }
0x8b: {  	s0 =	sand.u32 $0x1, s1  }
0x8c: {  	s16 =	sshll.u32 s0, $0xA;
	s2 =	sadd.s32 s3, s2  }
0x8d: {  	s2 =	sadd.s32 s2, s16  }
0x8e: {  	[smem:$0x3FBD] =	sst s2  }
0x8f: {  	_ = 	snop  }
0x90: {  	(tm) =	ssettm $0x1  }
0x91: {  	s17 =	sld [smem:$0x3FFB];
	_ =	sdelay $0x3  }
0x92: {  	_ =	strace s17  }
0x93: {  	s2 =	sld [smem:$0x3FFC];
	_ =	sdelay $0x3  }
0x94: {  	_ =	strace s2  }
0x95: {  	s2 =	sld [smem:$0x3FFD];
	_ =	sdelay $0x3  }
0x96: {  	_ =	strace s2  }
0x97: {  	_ =	strace $0x8FFFFFFF  }
0x98: {  	s18 =	sld [smem:$0x3FDB];
	_ =	sdelay $0x1  }
0x99: {  	s19 =	simm.s32 $_scs_section_size  }
0x9a: {  	s4 =	simm.s32 $_size__tile_overlayer_lowered;
	s5 =	simm.s32 $_tile_overlayer_lowered  }
0x9b: {  	s22 =	simm.s32 $0x1BFF;
	s21 =	sshll.u32 s5, $0x1;
	s2 =	sadd.s32 s19, s18  }
0x9c: {  	s6 =	simm.s32 $0x0;
	s20 =	sshll.u32 s4, $0x1;
	s4 =	sadd.s32 s21, s2  }
0x9d: {  	[timem:s6], [sflag:s22] =	dma.local [hbm:s4], s20  }
0x9e: {  	_ =	swait.ge [sflag:s22], s20  }
0x9f: {  	s3 =	ssub.s32 $0x0, s20;
	[sflag:s22] =	ssyncset.done $0x0  }
0xa0: {  	[sflag:s22] =	ssyncadd.s32 s3;
	_ =	sdelay $0x1  }
0xa1: {  	s23 =	simm.s32 $0x1B8B  }
0xa2: {  	_ =	swait.ge [sflag:s23], $0x1  }
0xa3: {  	[sflag:s23] =	ssyncset.done $0x0  }
0xa4: {  	s25 =	simm.s32 $0x1B8E;
	s24 =	sld [smem:$0x3FFE];
	[sflag:s23] =	ssyncadd.s32 $0xFFFFFFFF  }
0xa5: {  	s26 =	simm.s32 $execute0_lowered;
	[smem:$0x3FD2] =	sst s25  }
0xa6: {  	s4 =	sshll.u32 s26, $0x1;
	_ =	strace $0x80000049;
	[dreg:$0x1] =	wrdreg $0xFFFFFFFF  }
0xa7: {  	s28 =	simm.s32 $_size_execute0_lowered;
	s2 =	sadd.s32 s2, s4;
	[dreg:$0x0] =	wrdreg $0x0  }
0xa8: {  	s4 =	sshll.u32 s28, $0x1;
	[dreg:$0x2] =	wrdreg s2  }
0xa9: {  	[dreg:$0x3] =	wrdreg s4  }
0xaa: {  	[dreg:$0x4] =	wrdreg $0xC0  }
0xab: {  	_ =	task [dreg:s6], $0x5FFFF  }
0xac: {  	[dreg:$0x1] =	wrdreg $0xFFFFFFFF  }
0xad: {  	[dreg:$0x0] =	wrdreg $0x60  }
0xae: {  	[dreg:$0x2] =	wrdreg s24  }
0xaf: {  	[dreg:$0x3] =	wrdreg $0xA8000  }
0xb0: {  	[dreg:$0x4] =	wrdreg $0x9  }
0xb1: {  	_ =	task.clear_ibuf [dreg:s6], $0x5FFFF;
	_ =	strace $0x90000049  }
0xb2: {  	s29 =	simm.s32 $0x9;
	_ =	strace $0x8000004B  }
0xb3: {  	_ =	swait.ge [sflag:s29], $0x1  }
0xb4: {  	[sflag:s29] =	ssyncadd.s32 $0xFFFFFFFF  }
0xb5: {  	_ =	strace $0x9000004B  }
0xb6: {  	_ =	sfence  }
0xb7: {  	s30 =	sld [smem:$0x0];
	_ =	sdelay $0x2  }
0xb8: {  	s31 =	sshll.u32 s1, $0xD;
	s1 =	sshrl.u32 s1, $0x2  }
0xb9: {  	s3 =	sand.u32 $0x4000, s31;
	s1 =	sadd.s32 s1, s30  }
0xba: {  	s0 =	sor.u32 s3, s0;
	s1 =	sshll.u32 s1, $0x11  }
0xbb: {  	s0 =	sor.u32 s1, s0  }
0xbc: {  	s0 =	sadd.s32 $0x8F2B, s0  }
0xbd: {  	[sflag:s0] =	ssyncadd.remote.s32 $0x1  }
0xbe: {  	_ =	sfence.sel $0xFFFF  }
0xbf: {  	[dreg:$0x0] =	wrdreg $0xFFFFFFFF;
	(pc) =	sbr.abs _section_cstart, $3  }
0xc0: {  	[dreg:$0x1] =	wrdreg $0xFFFFFFFF  }
0xc1: {  	_ =	task.clear_ibuf [dreg:s6], $0x2FFFF;
	_ =	strace $0x9FFFFFFF  }
0xc2: {  	(tm) =	ssettm $0x7FFFFFFF  }
0xc3: {  	_ =	shalt  }
tec
execute0_lowered:
.L_overlay_start_1:
0x0: {  	(tag) =	ssettag $0x1  }
0x1: {  	s6 =	rddreg [dreg:$0x0]  }
0x2: {  	s1 =	rddreg [dreg:$0x1];
	s2 =	srdreg.scid  }
0x3: {  	s0 =	rddreg [dreg:$0x2];
	s3 =	simm.s32 $0x0;
	s15 =	simm.s32 $0x1400  }
0x4: {  	s16 =	simm.s32 $0x80;
	s17 =	simm.s32 $0x2800;
	s18 =	simm.s32 $0x1  }
0x5: {  	s19 =	simm.s32 $0x6800;
	s20 =	simm.s32 $0x1380;
	s21 =	simm.s32 $0x2700  }
0x6: {  	s22 =	simm.s32 $0x2780;
	s23 =	simm.s32 $0x0;
	s7 =	sand.u32 $0x1, s2  }
0x7: {  	s2 =	stileid.u32;
	[smem:$0x7FF] =	sst s3;
	s4 =	sadd.s32 $0x67200, s6  }
0x8: {  	s9 =	sadd.s32 $0xD200, s6;
	s10 =	sadd.s32 $0x3200, s6;
	s5 =	smul.u32 $0x140000, s7  }
0x9: {  	s8 =	smul.u32 $0x14000, s2;
	_ =	strace $0x8000004A;
	s11 =	sshll.u32 s2, $0x1  }
0xa: {  	s12 =	ssub.s32 $0x2, s7;
	s26 =	smul.u32 $0x50000, s2;
	s30 =	sshll.u32 s2, $0x6  }
0xb: {  	s7 =	sor.u32 s7, s11;
	s28 =	sshrl.u32 s12, $0x1;
	s8 =	sadd.s32 s8, s5  }
0xc: {  	s5 =	sadd.s32 $0x8E400, s6;
	s7 =	smul.u32 $0x2800, s7;
	s29 =	sshrl.u32 s26, $0x2  }
0xd: {  	s12 =	ssub.s32 s12, s28;
	s8 =	sshrl.u32 s8, $0x3;
	s14 =	sadd.s32 s29, s1  }
0xe: {  	s12 =	smax.u32 s12, $0x1;
	s13 =	sadd.s32 s8, s6;
	s31 =	sshrl.u32 s7, $0x3  }
0xf: {  	s6 =	sor.u32 $0x1C02, s30;
	s7 =	sadd.s32 s9, s31;
	s11 =	sadd.s32 $0x280, s31  }
0x10: {  	s8 =	sadd.s32 s10, s31;
	s9 =	sadd.s32 s9, s11;
	s10 =	sadd.s32 s10, s11  }
0x11: {  	s11 =	sadd.s32 $0x90C00, s13;
	s13 =	sshrl.u32 s14, $0x3;
	s14 =	simm.s32 $0x2  }
.LBB2_1:
0x12: {  	[spmem:s13], [sflag:s6] =	dma.local [hbm:s5], $0x2800  }
0x13: {  	_ =	swait.ge [sflag:s14], $0x2800  }
0x14: {  	[sflag:s14] =	ssyncset.done $0x0  }
0x15: {  	[sflag:s14] =	ssyncadd.s32 $0xFFFFD800  }
0x16: {  	[bflag:$0x0] =	sbarrier.arrive $0xFFFF  }
0x17: {  	[tilespmem:s3], [sflag:$0x2] =	stream.linear.gather [hbm4b:s7+s3], $0x1400, $0x38;
	[tilespmem:$0x1E800] =	vst v63  }
0x18: {  	_ =	swait.ge [sflag:s14], $0x1400  }
0x19: {  	[sflag:s14] =	ssyncset.done $0x0  }
0x1a: {  	[sflag:s14] =	ssyncadd.s32 $0xFFFFEC00  }
0x1b: {  	[tilespmem:s15], [sflag:$0x2] =	stream.linear.gather [hbm4b:s8+s3], $0x1400, $0x38;
	[tilespmem:$0x1E800] =	vst v63  }
0x1c: {  	_ =	swait.ge [sflag:s14], $0x1400  }
0x1d: {  	[sflag:s14] =	ssyncset.done $0x0  }
0x1e: {  	[sflag:s14] =	ssyncadd.s32 $0xFFFFEC00  }
0x1f: {  	[tilespmem:s17], [sflag:$0x1] =	stream.indirect.gather [hbm4b:s4+s16], $0x80, s3, s16, $0xb8;
	[tilespmem:$0x1E800] =	vst v63  }
0x20: {  	_ =	swait.ge [sflag:s18], $0x4000  }
0x21: {  	[sflag:s18] =	ssyncset.done $0x0  }
0x22: {  	s24 =	simm.s32 $0x80;
	[sflag:s18] =	ssyncadd.s32 $0xFFFFC000  }
0x23: {  	[tilespmem:s19], [sflag:$0x1] =	stream.indirect.gather [hbm4b:s4+s16], $0x80, s24, s16, $0xb8;
	[tilespmem:$0x1E800] =	vst v63  }
0x24: {  	s29 =	simm.s32 $0x1400  }
0x25: {  	[spmem:s1] =	stream.indirect.scatter.add.f32 [tilespmem:s17], [sflag:$0x2], $0x80, s29, s16, $0xb8;
	[tilespmem:$0x1E800] =	vst v63  }
0x26: {  	_ =	swait.ge [sflag:s14], $0x4000  }
0x27: {  	[sflag:s14] =	ssyncset.done $0x0  }
0x28: {  	[sflag:s14] =	ssyncadd.s32 $0xFFFFC000  }
0x29: {  	_ =	swait.ge [sflag:s18], $0x4000  }
0x2a: {  	[sflag:s18] =	ssyncset.done $0x0  }
0x2b: {  	s30 =	simm.s32 $0x100;
	[sflag:s18] =	ssyncadd.s32 $0xFFFFC000  }
0x2c: {  	[tilespmem:s17], [sflag:$0x1] =	stream.indirect.gather [hbm4b:s4+s16], $0x80, s30, s16, $0xb8;
	[tilespmem:$0x1E800] =	vst v63  }
0x2d: {  	s31 =	simm.s32 $0x1480  }
0x2e: {  	[spmem:s1] =	stream.indirect.scatter.add.f32 [tilespmem:s19], [sflag:$0x2], $0x80, s31, s16, $0xb8;
	[tilespmem:$0x1E800] =	vst v63  }
0x2f: {  	_ =	swait.ge [sflag:s14], $0x4000  }
0x30: {  	s24 =	simm.s32 $0x400;
	[sflag:s14] =	ssyncset.done $0x0  }
.LBB2_2:
0x31: {  	p0 =	sne.s32 s24, $0x4800  }
0x32: {  	[sflag:s14] =	ssyncadd.s32 $0xFFFFC000;
	s25 =	smov.u32 s24;
	s24 =	sadd.s32 $0x400, s24  }
0x33: {  	_ = 	snop  }
0x34: {  	_ =	swait.ge [sflag:s18], $0x4000  }
0x35: {  	s25 =	sshra.s32 s25, $0x2;
	[sflag:s18] =	ssyncset.done $0x0  }
0x36: {  	s26 =	sadd.s32 $0x80, s25;
	[sflag:s18] =	ssyncadd.s32 $0xFFFFC000  }
0x37: {  	[tilespmem:s19], [sflag:$0x1] =	stream.indirect.gather [hbm4b:s4+s16], $0x80, s26, s16, $0xb8;
	[tilespmem:$0x1E800] =	vst v63  }
0x38: {  	s26 =	sadd.s32 $0x1400, s25  }
0x39: {  	[spmem:s1] =	stream.indirect.scatter.add.f32 [tilespmem:s17], [sflag:$0x2], $0x80, s26, s16, $0xb8;
	[tilespmem:$0x1E800] =	vst v63  }
0x3a: {  	_ =	swait.ge [sflag:s14], $0x4000  }
0x3b: {  	[sflag:s14] =	ssyncset.done $0x0  }
0x3c: {  	[sflag:s14] =	ssyncadd.s32 $0xFFFFC000  }
0x3d: {  	_ =	swait.ge [sflag:s18], $0x4000  }
0x3e: {  	[sflag:s18] =	ssyncset.done $0x0  }
0x3f: {  	s26 =	sadd.s32 $0x100, s25;
	[sflag:s18] =	ssyncadd.s32 $0xFFFFC000  }
0x40: {  	[tilespmem:s17], [sflag:$0x1] =	stream.indirect.gather [hbm4b:s4+s16], $0x80, s26, s16, $0xb8;
	[tilespmem:$0x1E800] =	vst v63  }
.Ltmp0:
0x41: {  	_ = 	snop;
	(pc) =	sbr.rel @p0 .LBB2_2-.Ltmp0, $4  }
0x42: {  	s25 =	sadd.s32 $0x1480, s25  }
0x43: {  	[spmem:s1] =	stream.indirect.scatter.add.f32 [tilespmem:s19], [sflag:$0x2], $0x80, s25, s16, $0xb8;
	[tilespmem:$0x1E800] =	vst v63  }
0x44: {  	_ =	swait.ge [sflag:s14], $0x4000  }
0x45: {  	[sflag:s14] =	ssyncset.done $0x0  }
0x46: {  	[sflag:s14] =	ssyncadd.s32 $0xFFFFC000  }
0x47: {  	_ =	swait.ge [sflag:s18], $0x4000  }
0x48: {  	[sflag:s18] =	ssyncset.done $0x0  }
0x49: {  	[sflag:s18] =	ssyncadd.s32 $0xFFFFC000  }
0x4a: {  	[tilespmem:s19], [sflag:$0x1] =	stream.indirect.gather [hbm4b:s4+s16], $0x80, s20, s16, $0xb8;
	[tilespmem:$0x1E800] =	vst v63  }
0x4b: {  	_ = 	snop  }
0x4c: {  	[spmem:s1] =	stream.indirect.scatter.add.f32 [tilespmem:s17], [sflag:$0x2], $0x80, s21, s16, $0xb8;
	[tilespmem:$0x1E800] =	vst v63  }
0x4d: {  	_ =	swait.ge [sflag:s14], $0x4000  }
0x4e: {  	[sflag:s14] =	ssyncset.done $0x0  }
0x4f: {  	[sflag:s14] =	ssyncadd.s32 $0xFFFFC000  }
0x50: {  	_ =	swait.ge [sflag:s18], $0x4000  }
0x51: {  	[sflag:s18] =	ssyncset.done $0x0  }
0x52: {  	[sflag:s18] =	ssyncadd.s32 $0xFFFFC000  }
0x53: {  	[tilespmem:s17], [sflag:$0x1] =	stream.indirect.gather [hbm4b:s4+s16], $0x80, s20, s16, $0xb8;
	[tilespmem:$0x1E800] =	vst v63  }
0x54: {  	_ = 	snop  }
0x55: {  	[spmem:s1] =	stream.indirect.scatter.add.f32 [tilespmem:s19], [sflag:$0x2], $0x80, s22, s16, $0xb8;
	[tilespmem:$0x1E800] =	vst v63  }
0x56: {  	_ =	swait.ge [sflag:s14], $0x4000  }
0x57: {  	[sflag:s14] =	ssyncset.done $0x0  }
0x58: {  	[sflag:s14] =	ssyncadd.s32 $0xFFFFC000  }
0x59: {  	_ =	swait.ge [sflag:s18], $0x4000  }
0x5a: {  	[sflag:s18] =	ssyncset.done $0x0  }
0x5b: {  	s24 =	simm.s32 $0x0;
	[sflag:s18] =	ssyncadd.s32 $0xFFFFC000  }
0x5c: {  	[tilespmem:s24], [sflag:$0x2] =	stream.linear.gather [hbm4b:s9+s24], $0x1400, $0x38;
	[tilespmem:$0x1E800] =	vst v63  }
0x5d: {  	_ =	swait.ge [sflag:s14], $0x1400  }
0x5e: {  	[sflag:s14] =	ssyncset.done $0x0  }
0x5f: {  	[sflag:s14] =	ssyncadd.s32 $0xFFFFEC00  }
0x60: {  	[tilespmem:s15], [sflag:$0x2] =	stream.linear.gather [hbm4b:s10+s24], $0x1400, $0x38;
	[tilespmem:$0x1E800] =	vst v63  }
0x61: {  	_ =	swait.ge [sflag:s14], $0x1400  }
0x62: {  	[sflag:s14] =	ssyncset.done $0x0  }
0x63: {  	[sflag:s14] =	ssyncadd.s32 $0xFFFFEC00  }
0x64: {  	[tilespmem:s17], [sflag:$0x1] =	stream.indirect.gather [hbm4b:s4+s16], $0x80, s24, s16, $0xb8;
	[tilespmem:$0x1E800] =	vst v63  }
0x65: {  	_ =	swait.ge [sflag:s18], $0x4000  }
0x66: {  	[sflag:s18] =	ssyncset.done $0x0  }
0x67: {  	s28 =	simm.s32 $0x80;
	[sflag:s18] =	ssyncadd.s32 $0xFFFFC000  }
0x68: {  	[tilespmem:s19], [sflag:$0x1] =	stream.indirect.gather [hbm4b:s4+s16], $0x80, s28, s16, $0xb8;
	[tilespmem:$0x1E800] =	vst v63  }
0x69: {  	s29 =	simm.s32 $0x1400  }
0x6a: {  	[spmem:s1] =	stream.indirect.scatter.add.f32 [tilespmem:s17], [sflag:$0x2], $0x80, s29, s16, $0xb8;
	[tilespmem:$0x1E800] =	vst v63  }
0x6b: {  	_ =	swait.ge [sflag:s14], $0x4000  }
0x6c: {  	[sflag:s14] =	ssyncset.done $0x0  }
0x6d: {  	[sflag:s14] =	ssyncadd.s32 $0xFFFFC000  }
0x6e: {  	_ =	swait.ge [sflag:s18], $0x4000  }
0x6f: {  	[sflag:s18] =	ssyncset.done $0x0  }
0x70: {  	s30 =	simm.s32 $0x100;
	[sflag:s18] =	ssyncadd.s32 $0xFFFFC000  }
0x71: {  	[tilespmem:s17], [sflag:$0x1] =	stream.indirect.gather [hbm4b:s4+s16], $0x80, s30, s16, $0xb8;
	[tilespmem:$0x1E800] =	vst v63  }
0x72: {  	s31 =	simm.s32 $0x1480  }
0x73: {  	[spmem:s1] =	stream.indirect.scatter.add.f32 [tilespmem:s19], [sflag:$0x2], $0x80, s31, s16, $0xb8;
	[tilespmem:$0x1E800] =	vst v63  }
0x74: {  	_ =	swait.ge [sflag:s14], $0x4000  }
0x75: {  	s24 =	simm.s32 $0x400;
	[sflag:s14] =	ssyncset.done $0x0  }
.LBB2_4:
0x76: {  	p0 =	sne.s32 s24, $0x4800  }
0x77: {  	[sflag:s14] =	ssyncadd.s32 $0xFFFFC000;
	s25 =	smov.u32 s24;
	s24 =	sadd.s32 $0x400, s24  }
0x78: {  	_ = 	snop  }
0x79: {  	_ =	swait.ge [sflag:s18], $0x4000  }
0x7a: {  	s25 =	sshra.s32 s25, $0x2;
	[sflag:s18] =	ssyncset.done $0x0  }
0x7b: {  	s26 =	sadd.s32 $0x80, s25;
	[sflag:s18] =	ssyncadd.s32 $0xFFFFC000  }
0x7c: {  	[tilespmem:s19], [sflag:$0x1] =	stream.indirect.gather [hbm4b:s4+s16], $0x80, s26, s16, $0xb8;
	[tilespmem:$0x1E800] =	vst v63  }
0x7d: {  	s26 =	sadd.s32 $0x1400, s25  }
0x7e: {  	[spmem:s1] =	stream.indirect.scatter.add.f32 [tilespmem:s17], [sflag:$0x2], $0x80, s26, s16, $0xb8;
	[tilespmem:$0x1E800] =	vst v63  }
0x7f: {  	_ =	swait.ge [sflag:s14], $0x4000  }
0x80: {  	[sflag:s14] =	ssyncset.done $0x0  }
0x81: {  	[sflag:s14] =	ssyncadd.s32 $0xFFFFC000  }
0x82: {  	_ =	swait.ge [sflag:s18], $0x4000  }
0x83: {  	[sflag:s18] =	ssyncset.done $0x0  }
0x84: {  	s26 =	sadd.s32 $0x100, s25;
	[sflag:s18] =	ssyncadd.s32 $0xFFFFC000  }
0x85: {  	[tilespmem:s17], [sflag:$0x1] =	stream.indirect.gather [hbm4b:s4+s16], $0x80, s26, s16, $0xb8;
	[tilespmem:$0x1E800] =	vst v63  }
.Ltmp1:
0x86: {  	_ = 	snop;
	(pc) =	sbr.rel @p0 .LBB2_4-.Ltmp1, $4  }
0x87: {  	s25 =	sadd.s32 $0x1480, s25  }
0x88: {  	[spmem:s1] =	stream.indirect.scatter.add.f32 [tilespmem:s19], [sflag:$0x2], $0x80, s25, s16, $0xb8;
	[tilespmem:$0x1E800] =	vst v63  }
0x89: {  	_ =	swait.ge [sflag:s14], $0x4000  }
0x8a: {  	[sflag:s14] =	ssyncset.done $0x0  }
0x8b: {  	[sflag:s14] =	ssyncadd.s32 $0xFFFFC000  }
0x8c: {  	_ =	swait.ge [sflag:s18], $0x4000  }
0x8d: {  	[sflag:s18] =	ssyncset.done $0x0  }
0x8e: {  	[sflag:s18] =	ssyncadd.s32 $0xFFFFC000  }
0x8f: {  	[tilespmem:s19], [sflag:$0x1] =	stream.indirect.gather [hbm4b:s4+s16], $0x80, s20, s16, $0xb8;
	[tilespmem:$0x1E800] =	vst v63  }
0x90: {  	_ = 	snop  }
0x91: {  	[spmem:s1] =	stream.indirect.scatter.add.f32 [tilespmem:s17], [sflag:$0x2], $0x80, s21, s16, $0xb8;
	[tilespmem:$0x1E800] =	vst v63  }
0x92: {  	_ =	swait.ge [sflag:s14], $0x4000  }
0x93: {  	[sflag:s14] =	ssyncset.done $0x0  }
0x94: {  	[sflag:s14] =	ssyncadd.s32 $0xFFFFC000  }
0x95: {  	_ =	swait.ge [sflag:s18], $0x4000  }
0x96: {  	[sflag:s18] =	ssyncset.done $0x0  }
0x97: {  	[sflag:s18] =	ssyncadd.s32 $0xFFFFC000  }
0x98: {  	[tilespmem:s17], [sflag:$0x1] =	stream.indirect.gather [hbm4b:s4+s16], $0x80, s20, s16, $0xb8;
	[tilespmem:$0x1E800] =	vst v63  }
0x99: {  	_ = 	snop  }
0x9a: {  	[spmem:s1] =	stream.indirect.scatter.add.f32 [tilespmem:s19], [sflag:$0x2], $0x80, s22, s16, $0xb8;
	[tilespmem:$0x1E800] =	vst v63  }
0x9b: {  	_ =	swait.ge [sflag:s14], $0x4000  }
0x9c: {  	[sflag:s14] =	ssyncset.done $0x0  }
0x9d: {  	[sflag:s14] =	ssyncadd.s32 $0xFFFFC000  }
0x9e: {  	_ =	swait.ge [sflag:s18], $0x4000  }
0x9f: {  	s23 =	sadd.s32 $0x1, s23;
	[sflag:s18] =	ssyncset.done $0x0  }
0xa0: {  	p0 =	sne.s32 s23, s12;
	[sflag:s18] =	ssyncadd.s32 $0xFFFFC000  }
.Ltmp2:
0xa1: {  	[bflag:$0x0] =	sbarrier.arrive $0xFFFF;
	(pc) =	sbr.rel @p0 .LBB2_1-.Ltmp2, $4  }
0xa2: {  	[hbm:s11], [sflag:s6] =	dma.local [spmem:s13], $0x2800  }
0xa3: {  	_ =	swait.ge [sflag:s14], $0x2800  }
0xa4: {  	[sflag:s14] =	ssyncset.done $0x0  }
0xa5: {  	[sflag:s14] =	ssyncadd.s32 $0xFFFFD800  }
0xa6: {  	_ =	sfence.sel $0x180000  }
0xa7: {  	[bflag:$0x0] =	sbarrier.arrive $0xFFFF  }
0xa8: {  	p0 =	sne.s32 s2, $0x0;
	_ =	strace $0x9000004A  }
0xa9: {  	s0 =	sadd.s32 @!p0 $0x100000, s0;
	[bflag:$0x2] =	sbarrier.arrive $0xFFFF  }
0xaa: {  	[sflag:s0] =	ssyncadd.tile.s32 @!p0 $0x1;
	_ =	shalt  }
.Lfunc_end2:
_tile_overlayer_lowered:
.L_overlay_start_2:
0xab: {  	(tag) =	ssettag $0x2  }
0xac: {  	s0 =	rddreg [dreg:$0x0];
	s2 =	stileid.u32  }
0xad: {  	s1 =	rddreg [dreg:$0x1];
	p0 =	sne.s32 s2, $0x0  }
0xae: {  	s3 =	rddreg [dreg:$0x2];
	[bflag:$0x3] =	sbarrier.arrive $0xFFFF;
	s2 =	simm.s32 @!p0 $0x1C02  }
0xaf: {  	[timem:s3], [sflag:s2] =	dma.local @!p0 [hbm:s0], s1  }
0xb0: {  	s0 =	simm.s32 @!p0 $0x2  }
0xb1: {  	_ =	swait.ge @!p0 [sflag:s0], s1  }
0xb2: {  	s1 =	ssub.s32 @!p0 $0x0, s1;
	[sflag:s0] =	ssyncset.done @!p0 $0x0  }
0xb3: {  	[sflag:s0] =	ssyncadd.s32 @!p0 s1  }
0xb4: {  	[bflag:$0x3] =	sbarrier.arrive $0xFFFF  }
0xb5: {  	_ =	shalt  }

// kernel: kernel.16.cloned.1.call-start
scs
__scs_entry_jumppad:
0x0: {  	(pc) =	sbr.rel $0x88, $3  }
0x1: {  	(tag) =	ssettag $0x0;
	lr =	simm.s32 $0x1  }
0x2: {  	[smem:$0x3F96] =	sst lr;
	_ =	strace $0xD0000000  }
0x3: {  	_ = 	snop  }
0x4: {  	_ = 	snop  }
0x5: {  	_ = 	snop  }
0x6: {  	_ = 	snop  }
0x7: {  	_ = 	snop  }
__scs_overlays_trampoline_lowered:
0x8: {  	[smem:$0x3FA5] =	sst s0  }
0x9: {  	[smem:$0x3FA6] =	sst s1  }
0xa: {  	[smem:$0x3FA7] =	sst s2  }
0xb: {  	[smem:$0x3FA8] =	sst s3  }
0xc: {  	[smem:$0x3FA9] =	sst s4  }
0xd: {  	[smem:$0x3FAA] =	sst s5  }
0xe: {  	[smem:$0x3FAB] =	sst s6  }
0xf: {  	[smem:$0x3FAC] =	sst s7  }
0x10: {  	[smem:$0x3FAD] =	sst s8  }
0x11: {  	[smem:$0x3FAE] =	sst s9;
	s0 =	simm.s32 @!p0 $0x0  }
0x12: {  	s1 =	sld [smem:$0x3F94];
	s0 =	simm.s32 @p0 $0x1  }
0x13: {  	[smem:$0x3FAF] =	sst s0;
	s0 =	simm.s32 @!p1 $0x0  }
0x14: {  	s2 =	sld [smem:$0x3F93];
	s0 =	simm.s32 @p1 $0x1  }
0x15: {  	[smem:$0x3FB0] =	sst s0;
	s0 =	simm.s32 @!p2 $0x0  }
0x16: {  	s3 =	sld [smem:$0x3FDB];
	s0 =	simm.s32 @p2 $0x1  }
0x17: {  	s4 =	simm.s32 $0x1BF5;
	[smem:$0x3FB2] =	sst s0  }
0x18: {  	s0 =	sld [smem:$0x3F95];
	_ =	swait.ge [sflag:s4], $0x0  }
0x19: {  	s7 =	sld [smem:$0x3F96]  }
0x1a: {  	s8 =	sadd.s32 $0xFFFFE003, lr  }
0x1b: {  	s9 =	sadd.s32 $0xFFFFFEF7, lr;
	s5 =	simm.s32 $0xFFFFFFFF;
	p2 =	slt.u32 s8, $0xFFFFF086  }
0x1c: {  	p1 =	slt.u32 s9, $0xF7A;
	s5 =	simm.s32 @!p2 $0x0  }
0x1d: {  	s5 =	simm.s32 @p1 $0x1;
	p0 =	seq.s32 s7, s2  }
0x1e: {  	s7 =	smul.u32 @!p0 $0xF7A, s2;
	p2 =	seq.s32 @!p0 s5, $0x0  }
0x1f: {  	s9 =	smul.u32 $0xF7A, s1;
	s8 =	simm.s32 @!p0 $0x1BF5;
	p2 =	por !p2, p0  }
0x20: {  	[sflag:s8] =	ssyncset.s32 @!p0 $0xFFFFF086;
	s6 =	sadd.s32 @!p0 s3, s7;
	s7 =	simm.s32 @!p0 $0x108  }
0x21: {  	s3 =	sadd.s32 s3, s9;
	s6 =	sadd.s32 @!p0 $0x88, s6;
	s7 =	simm.s32 @p2 $0x1082  }
0x22: {  	[simem:s7], [sflag:s8] =	dma.local @!p0 [hbm:s6], $0xF7A  }
0x23: {  	s9 =	sor.u32 $0xD0000000, s2;
	s6 =	simm.s32 $0x108;
	_ =	swait.ge @!p0 [sflag:s8], $0x0  }
0x24: {  	s3 =	sadd.s32 $0x88, s3;
	s6 =	simm.s32 @!p1 $0x1082;
	[sflag:s4] =	ssyncset.s32 $0xFFFFF086  }
0x25: {  	[simem:s6], [sflag:s4] =	dma.local [hbm:s3], $0xF7A  }
0x26: {  	[smem:$0x3F96] =	sst s1;
	(tag) =	ssettag s2;
	_ =	strace s9  }
0x27: {  	s1 =	sld [smem:$0x3FA6]  }
0x28: {  	s2 =	sld [smem:$0x3FA7]  }
0x29: {  	s4 =	sld [smem:$0x3FA9]  }
0x2a: {  	p0 =	seq.s32 s5, $0x0;
	s5 =	sld [smem:$0x3FAA]  }
0x2b: {  	s6 =	sld [smem:$0x3FAB]  }
0x2c: {  	s7 =	sld [smem:$0x3FAC]  }
0x2d: {  	s3 =	simm.s32 $0x108;
	s8 =	sld [smem:$0x3FAD]  }
0x2e: {  	s3 =	simm.s32 @!p0 $0x1082;
	s9 =	sld [smem:$0x3FAE]  }
0x2f: {  	lr =	sadd.s32 s0, s3;
	s0 =	sld [smem:$0x3FA5]  }
0x30: {  	s3 =	sld [smem:$0x3FA8]  }
0x31: {  	[smem:$0x3FB1] =	sst s10  }
0x32: {  	s10 =	sld [smem:$0x3FAF];
	_ =	sdelay $0x3  }
0x33: {  	p0 =	seq.s32 s10, $0x1;
	s10 =	sld [smem:$0x3FB1];
	_ =	sdelay $0x3  }
0x34: {  	[smem:$0x3FB1] =	sst s10  }
0x35: {  	s10 =	sld [smem:$0x3FB0];
	_ =	sdelay $0x3  }
0x36: {  	p1 =	seq.s32 s10, $0x1;
	s10 =	sld [smem:$0x3FB1];
	_ =	sdelay $0x3  }
0x37: {  	[smem:$0x3FB1] =	sst s10  }
0x38: {  	s10 =	sld [smem:$0x3FB2]  }
0x39: {  	_ = 	snop;
	(pc) =	sbr.ind lr, $3  }
0x3a: {  	_ = 	snop  }
0x3b: {  	_ = 	snop  }
0x3c: {  	p2 =	seq.s32 s10, $0x1;
	s10 =	sld [smem:$0x3FB1]  }
0x3d: {  	_ =	shalt  }
0x3e: {  	_ =	shalt  }
0x3f: {  	_ =	shalt  }
0x40: {  	_ =	shalt  }
0x41: {  	_ =	shalt  }
0x42: {  	_ =	shalt  }
0x43: {  	_ =	shalt  }
0x44: {  	_ =	shalt  }
0x45: {  	_ =	shalt  }
0x46: {  	_ =	shalt  }
0x47: {  	_ =	shalt  }
0x48: {  	_ =	shalt  }
0x49: {  	_ =	shalt  }
0x4a: {  	_ =	shalt  }
0x4b: {  	_ =	shalt  }
0x4c: {  	_ =	shalt  }
0x4d: {  	_ =	shalt  }
0x4e: {  	_ =	shalt  }
0x4f: {  	_ =	shalt  }
0x50: {  	_ =	shalt  }
0x51: {  	_ =	shalt  }
0x52: {  	_ =	shalt  }
0x53: {  	_ =	shalt  }
0x54: {  	_ =	shalt  }
0x55: {  	_ =	shalt  }
0x56: {  	_ =	shalt  }
0x57: {  	_ =	shalt  }
0x58: {  	_ =	shalt  }
0x59: {  	_ =	shalt  }
0x5a: {  	_ =	shalt  }
0x5b: {  	_ =	shalt  }
0x5c: {  	_ =	shalt  }
0x5d: {  	_ =	shalt  }
0x5e: {  	_ =	shalt  }
0x5f: {  	_ =	shalt  }
0x60: {  	_ =	shalt  }
0x61: {  	_ =	shalt  }
0x62: {  	_ =	shalt  }
0x63: {  	_ =	shalt  }
0x64: {  	_ =	shalt  }
0x65: {  	_ =	shalt  }
0x66: {  	_ =	shalt  }
0x67: {  	_ =	shalt  }
0x68: {  	_ =	shalt  }
0x69: {  	_ =	shalt  }
0x6a: {  	_ =	shalt  }
0x6b: {  	_ =	shalt  }
0x6c: {  	_ =	shalt  }
0x6d: {  	_ =	shalt  }
0x6e: {  	_ =	shalt  }
0x6f: {  	_ =	shalt  }
0x70: {  	_ =	shalt  }
0x71: {  	_ =	shalt  }
0x72: {  	_ =	shalt  }
0x73: {  	_ =	shalt  }
0x74: {  	_ =	shalt  }
0x75: {  	_ =	shalt  }
0x76: {  	_ =	shalt  }
0x77: {  	_ =	shalt  }
0x78: {  	_ =	shalt  }
0x79: {  	_ =	shalt  }
0x7a: {  	_ =	shalt  }
0x7b: {  	_ =	shalt  }
0x7c: {  	_ =	shalt  }
0x7d: {  	_ =	shalt  }
0x7e: {  	_ =	shalt  }
0x7f: {  	_ =	shalt  }
0x80: {  	_ =	shalt  }
0x81: {  	_ =	shalt  }
0x82: {  	_ =	shalt  }
0x83: {  	_ =	shalt  }
0x84: {  	_ =	shalt  }
0x85: {  	_ =	shalt  }
0x86: {  	_ =	shalt  }
0x87: {  	_ =	shalt  }
.Lfunc_end0:
.L_simem_size_0:
called_computation.2_lowered:
.L_overlay_start_0:
0x88: {  	s2 =	sld [smem:$0x3FD9]  }
0x89: {  	s3 =	sld [smem:$0x3FFE];
	_ =	sdelay $0x1  }
0x8a: {  	s1 =	srdreg.scid  }
0x8b: {  	s0 =	sand.u32 $0x1, s1  }
0x8c: {  	s16 =	sshll.u32 s0, $0xA;
	s2 =	sadd.s32 s3, s2  }
0x8d: {  	s2 =	sadd.s32 s2, s16  }
0x8e: {  	[smem:$0x3FBD] =	sst s2  }
0x8f: {  	_ = 	snop  }
0x90: {  	(tm) =	ssettm $0x1  }
0x91: {  	s17 =	sld [smem:$0x3FFB];
	_ =	sdelay $0x3  }
0x92: {  	_ =	strace s17  }
0x93: {  	s2 =	sld [smem:$0x3FFC];
	_ =	sdelay $0x3  }
0x94: {  	_ =	strace s2  }
0x95: {  	s2 =	sld [smem:$0x3FFD];
	_ =	sdelay $0x3  }
0x96: {  	_ =	strace s2  }
0x97: {  	_ =	strace $0x8FFFFFFF  }
0x98: {  	s18 =	sld [smem:$0x3FDB];
	_ =	sdelay $0x1  }
0x99: {  	s19 =	simm.s32 $_scs_section_size  }
0x9a: {  	s4 =	simm.s32 $_size__tile_overlayer_lowered;
	s5 =	simm.s32 $_tile_overlayer_lowered  }
0x9b: {  	s22 =	simm.s32 $0x1BFF;
	s21 =	sshll.u32 s5, $0x1;
	s2 =	sadd.s32 s19, s18  }
0x9c: {  	s6 =	simm.s32 $0x0;
	s20 =	sshll.u32 s4, $0x1;
	s4 =	sadd.s32 s21, s2  }
0x9d: {  	[timem:s6], [sflag:s22] =	dma.local [hbm:s4], s20  }
0x9e: {  	_ =	swait.ge [sflag:s22], s20  }
0x9f: {  	s3 =	ssub.s32 $0x0, s20;
	[sflag:s22] =	ssyncset.done $0x0  }
0xa0: {  	[sflag:s22] =	ssyncadd.s32 s3;
	_ =	sdelay $0x1  }
0xa1: {  	s23 =	simm.s32 $0x1B8B  }
0xa2: {  	_ =	swait.ge [sflag:s23], $0x1  }
0xa3: {  	[sflag:s23] =	ssyncset.done $0x0  }
0xa4: {  	s25 =	simm.s32 $0x1B8E;
	s24 =	sld [smem:$0x3FFE];
	[sflag:s23] =	ssyncadd.s32 $0xFFFFFFFF  }
0xa5: {  	s26 =	simm.s32 $execute0_lowered;
	[smem:$0x3FD2] =	sst s25  }
0xa6: {  	s4 =	sshll.u32 s26, $0x1;
	_ =	strace $0x8000004C;
	[dreg:$0x1] =	wrdreg $0xFFFFFFFF  }
0xa7: {  	s28 =	simm.s32 $_size_execute0_lowered;
	s2 =	sadd.s32 s2, s4;
	[dreg:$0x0] =	wrdreg $0x0  }
0xa8: {  	s4 =	sshll.u32 s28, $0x1;
	[dreg:$0x2] =	wrdreg s2  }
0xa9: {  	[dreg:$0x3] =	wrdreg s4  }
0xaa: {  	[dreg:$0x4] =	wrdreg $0xC0  }
0xab: {  	_ =	task [dreg:s6], $0x5FFFF  }
0xac: {  	[dreg:$0x1] =	wrdreg $0xFFFFFFFF  }
0xad: {  	[dreg:$0x0] =	wrdreg $0x60  }
0xae: {  	[dreg:$0x2] =	wrdreg s24  }
0xaf: {  	[dreg:$0x3] =	wrdreg $0xA8000  }
0xb0: {  	[dreg:$0x4] =	wrdreg $0x9  }
0xb1: {  	_ =	task.clear_ibuf [dreg:s6], $0x5FFFF;
	_ =	strace $0x9000004C  }
0xb2: {  	s29 =	simm.s32 $0x9;
	_ =	strace $0x8000004E  }
0xb3: {  	_ =	swait.ge [sflag:s29], $0x1  }
0xb4: {  	[sflag:s29] =	ssyncadd.s32 $0xFFFFFFFF  }
0xb5: {  	_ =	strace $0x9000004E  }
0xb6: {  	_ =	sfence  }
0xb7: {  	s30 =	sld [smem:$0x0];
	_ =	sdelay $0x2  }
0xb8: {  	s31 =	sshll.u32 s1, $0xD;
	s1 =	sshrl.u32 s1, $0x2  }
0xb9: {  	s3 =	sand.u32 $0x4000, s31;
	s1 =	sadd.s32 s1, s30  }
0xba: {  	s0 =	sor.u32 s3, s0;
	s1 =	sshll.u32 s1, $0x11  }
0xbb: {  	s0 =	sor.u32 s1, s0  }
0xbc: {  	s0 =	sadd.s32 $0x8F2B, s0  }
0xbd: {  	[sflag:s0] =	ssyncadd.remote.s32 $0x1  }
0xbe: {  	_ =	sfence.sel $0xFFFF  }
0xbf: {  	[dreg:$0x0] =	wrdreg $0xFFFFFFFF;
	(pc) =	sbr.abs _section_cstart, $3  }
0xc0: {  	[dreg:$0x1] =	wrdreg $0xFFFFFFFF  }
0xc1: {  	_ =	task.clear_ibuf [dreg:s6], $0x2FFFF;
	_ =	strace $0x9FFFFFFF  }
0xc2: {  	(tm) =	ssettm $0x7FFFFFFF  }
0xc3: {  	_ =	shalt  }
tec
execute0_lowered:
.L_overlay_start_1:
0x0: {  	(tag) =	ssettag $0x1  }
0x1: {  	s0 =	rddreg [dreg:$0x0]  }
0x2: {  	s2 =	rddreg [dreg:$0x1]  }
0x3: {  	s13 =	simm.s32 $0x0;
	s1 =	srdreg.scid;
	s10 =	stileid.u32  }
0x4: {  	s29 =	simm.s32 $0x1400;
	p0 =	por $0x0, $0x0;
	s11 =	simm.s32 $0x1300  }
0x5: {  	[smem:$0x7FF] =	sst s13;
	s1 =	sand.u32 $0x1, s1;
	s4 =	smul.u32 $0xA000, s10  }
0x6: {  	s5 =	sshll.u32 s10, $0x1;
	s3 =	sadd.s32 $0x67200, s0;
	s7 =	sadd.s32 $0xD200, s0  }
0x7: {  	s8 =	sadd.s32 $0x7AC00, s0;
	s9 =	sadd.s32 $0x3200, s0;
	s30 =	sshll.u32 s10, $0x6  }
0x8: {  	s10 =	simm.s32 $0x6800;
	_ =	strace $0x8000004D;
	s6 =	smul.u32 $0xA0000, s1  }
0x9: {  	s5 =	sor.u32 s1, s5;
	[dreg:$0x3] =	wrdreg s8;
	s1 =	ssub.s32 $0x2, s1  }
0xa: {  	s8 =	simm.s32 $0x100;
	s5 =	smul.u32 $0x2800, s5;
	s22 =	sshrl.u32 s1, $0x1  }
0xb: {  	s26 =	sadd.s32 s4, s2;
	s6 =	sadd.s32 s4, s6;
	s1 =	ssub.s32 s1, s22  }
0xc: {  	s4 =	sor.u32 $0x1C02, s30;
	s6 =	sshrl.u32 s6, $0x3;
	s5 =	sshrl.u32 s5, $0x3  }
0xd: {  	s31 =	smax.u32 s1, $0x1;
	s23 =	sadd.s32 s7, s5;
	s24 =	sadd.s32 s9, s5  }
0xe: {  	s5 =	sadd.s32 $0x280, s5;
	p1 =	sne.s32 s31, $0x1;
	[dreg:$0x4] =	wrdreg s23  }
.Ltmp0:
0xf: {  	[dreg:$0x5] =	wrdreg s24;
	s25 =	sadd.s32 s7, s5;
	(pc) =	sbr.rel @!p1 .LBB2_5-.Ltmp0, $4  }
0x10: {  	s0 =	sadd.s32 s6, s0;
	s28 =	sadd.s32 s9, s5;
	[dreg:$0x6] =	wrdreg s25  }
0x11: {  	s6 =	sshrl.u32 s26, $0x3;
	s0 =	sadd.s32 $0x7C000, s0;
	[dreg:$0x7] =	wrdreg s28  }
0x12: {  	s12 =	sadd.s32 $0xFFFFFFFF, s31;
	s5 =	simm.s32 $0x2;
	[dreg:$0x8] =	wrdreg s0  }
0x13: {  	s9 =	simm.s32 $0x2800;
	s7 =	simm.s32 $0x1;
	s0 =	rddreg [dreg:$0x3]  }
0x14: {  	[spmem:s6], [sflag:s4] =	dma.local [hbm:s0], $0x1400  }
0x15: {  	_ =	swait.ge [sflag:s5], $0x1400  }
0x16: {  	[sflag:s5] =	ssyncset.done $0x0  }
0x17: {  	[sflag:s5] =	ssyncadd.s32 $0xFFFFEC00  }
0x18: {  	[bflag:$0x0] =	sbarrier.arrive $0xFFFF  }
0x19: {  	s25 =	rddreg [dreg:$0x4]  }
0x1a: {  	[tilespmem:s13], [sflag:$0x2] =	stream.linear.gather [hbm4b:s25+s13], $0x1400, $0x38;
	[tilespmem:$0x14800] =	vst v63  }
0x1b: {  	_ =	swait.ge [sflag:s5], $0x1400  }
0x1c: {  	[sflag:s5] =	ssyncset.done $0x0  }
0x1d: {  	s26 =	rddreg [dreg:$0x5];
	[sflag:s5] =	ssyncadd.s32 $0xFFFFEC00  }
0x1e: {  	[tilespmem:s29], [sflag:$0x2] =	stream.linear.gather [hbm4b:s26+s13], $0x1400, $0x38;
	[tilespmem:$0x14800] =	vst v63  }
0x1f: {  	_ =	swait.ge [sflag:s5], $0x1400  }
0x20: {  	[sflag:s5] =	ssyncset.done $0x0  }
0x21: {  	[sflag:s5] =	ssyncadd.s32 $0xFFFFEC00  }
0x22: {  	[tilespmem:s9], [sflag:$0x1] =	stream.indirect.gather [hbm4b:s3+s8], $0x40, s13, s8, $0xb8;
	[tilespmem:$0x14800] =	vst v63  }
0x23: {  	_ =	swait.ge [sflag:s7], $0x4000  }
0x24: {  	[sflag:s7] =	ssyncset.done $0x0  }
0x25: {  	[sflag:s7] =	ssyncadd.s32 $0xFFFFC000  }
0x26: {  	[tilespmem:s10], [sflag:$0x1] =	stream.indirect.gather [hbm4b:s3+s8], $0x40, s8, s8, $0xb8;
	[tilespmem:$0x14800] =	vst v63  }
0x27: {  	_ = 	snop  }
0x28: {  	[spmem:s2] =	stream.indirect.scatter.add.f32 [tilespmem:s9], [sflag:$0x2], $0x40, s29, s8, $0xb8;
	[tilespmem:$0x14800] =	vst v63  }
0x29: {  	_ =	swait.ge [sflag:s5], $0x4000  }
0x2a: {  	[sflag:s5] =	ssyncset.done $0x0  }
0x2b: {  	[sflag:s5] =	ssyncadd.s32 $0xFFFFC000  }
0x2c: {  	_ =	swait.ge [sflag:s7], $0x4000  }
0x2d: {  	[sflag:s7] =	ssyncset.done $0x0  }
0x2e: {  	s14 =	simm.s32 $0x200;
	[sflag:s7] =	ssyncadd.s32 $0xFFFFC000  }
0x2f: {  	[tilespmem:s9], [sflag:$0x1] =	stream.indirect.gather [hbm4b:s3+s8], $0x40, s14, s8, $0xb8;
	[tilespmem:$0x14800] =	vst v63  }
0x30: {  	s20 =	simm.s32 $0x1500  }
0x31: {  	[spmem:s2] =	stream.indirect.scatter.add.f32 [tilespmem:s10], [sflag:$0x2], $0x40, s20, s8, $0xb8;
	[tilespmem:$0x14800] =	vst v63  }
0x32: {  	_ =	swait.ge [sflag:s5], $0x4000  }
0x33: {  	[sflag:s5] =	ssyncset.done $0x0  }
0x34: {  	[sflag:s5] =	ssyncadd.s32 $0xFFFFC000  }
0x35: {  	_ =	swait.ge [sflag:s7], $0x4000  }
0x36: {  	[sflag:s7] =	ssyncset.done $0x0  }
0x37: {  	s28 =	simm.s32 $0x300;
	[sflag:s7] =	ssyncadd.s32 $0xFFFFC000  }
0x38: {  	[tilespmem:s10], [sflag:$0x1] =	stream.indirect.gather [hbm4b:s3+s8], $0x40, s28, s8, $0xb8;
	[tilespmem:$0x14800] =	vst v63  }
0x39: {  	s19 =	simm.s32 $0x1600  }
0x3a: {  	[spmem:s2] =	stream.indirect.scatter.add.f32 [tilespmem:s9], [sflag:$0x2], $0x40, s19, s8, $0xb8;
	[tilespmem:$0x14800] =	vst v63  }
0x3b: {  	_ =	swait.ge [sflag:s5], $0x4000  }
0x3c: {  	[sflag:s5] =	ssyncset.done $0x0  }
0x3d: {  	[sflag:s5] =	ssyncadd.s32 $0xFFFFC000  }
0x3e: {  	_ =	swait.ge [sflag:s7], $0x4000  }
0x3f: {  	[sflag:s7] =	ssyncset.done $0x0  }
0x40: {  	s28 =	simm.s32 $0x400;
	[sflag:s7] =	ssyncadd.s32 $0xFFFFC000  }
0x41: {  	[tilespmem:s9], [sflag:$0x1] =	stream.indirect.gather [hbm4b:s3+s8], $0x40, s28, s8, $0xb8;
	[tilespmem:$0x14800] =	vst v63  }
0x42: {  	s18 =	simm.s32 $0x1700  }
0x43: {  	[spmem:s2] =	stream.indirect.scatter.add.f32 [tilespmem:s10], [sflag:$0x2], $0x40, s18, s8, $0xb8;
	[tilespmem:$0x14800] =	vst v63  }
0x44: {  	_ =	swait.ge [sflag:s5], $0x4000  }
0x45: {  	[sflag:s5] =	ssyncset.done $0x0  }
0x46: {  	[sflag:s5] =	ssyncadd.s32 $0xFFFFC000  }
0x47: {  	_ =	swait.ge [sflag:s7], $0x4000  }
0x48: {  	[sflag:s7] =	ssyncset.done $0x0  }
0x49: {  	s25 =	simm.s32 $0x500;
	[sflag:s7] =	ssyncadd.s32 $0xFFFFC000  }
0x4a: {  	[tilespmem:s10], [sflag:$0x1] =	stream.indirect.gather [hbm4b:s3+s8], $0x40, s25, s8, $0xb8;
	[tilespmem:$0x14800] =	vst v63  }
0x4b: {  	s17 =	simm.s32 $0x1800  }
0x4c: {  	[spmem:s2] =	stream.indirect.scatter.add.f32 [tilespmem:s9], [sflag:$0x2], $0x40, s17, s8, $0xb8;
	[tilespmem:$0x14800] =	vst v63  }
0x4d: {  	_ =	swait.ge [sflag:s5], $0x4000  }
0x4e: {  	[sflag:s5] =	ssyncset.done $0x0  }
0x4f: {  	[sflag:s5] =	ssyncadd.s32 $0xFFFFC000  }
0x50: {  	_ =	swait.ge [sflag:s7], $0x4000  }
0x51: {  	[sflag:s7] =	ssyncset.done $0x0  }
0x52: {  	s23 =	simm.s32 $0x600;
	[sflag:s7] =	ssyncadd.s32 $0xFFFFC000  }
0x53: {  	[tilespmem:s9], [sflag:$0x1] =	stream.indirect.gather [hbm4b:s3+s8], $0x40, s23, s8, $0xb8;
	[tilespmem:$0x14800] =	vst v63  }
0x54: {  	s16 =	simm.s32 $0x1900  }
0x55: {  	[spmem:s2] =	stream.indirect.scatter.add.f32 [tilespmem:s10], [sflag:$0x2], $0x40, s16, s8, $0xb8;
	[tilespmem:$0x14800] =	vst v63  }
0x56: {  	_ =	swait.ge [sflag:s5], $0x4000  }
0x57: {  	[sflag:s5] =	ssyncset.done $0x0  }
0x58: {  	[sflag:s5] =	ssyncadd.s32 $0xFFFFC000  }
0x59: {  	_ =	swait.ge [sflag:s7], $0x4000  }
0x5a: {  	[sflag:s7] =	ssyncset.done $0x0  }
0x5b: {  	s21 =	simm.s32 $0x700;
	[sflag:s7] =	ssyncadd.s32 $0xFFFFC000  }
0x5c: {  	[tilespmem:s10], [sflag:$0x1] =	stream.indirect.gather [hbm4b:s3+s8], $0x40, s21, s8, $0xb8;
	[tilespmem:$0x14800] =	vst v63  }
0x5d: {  	s15 =	simm.s32 $0x1A00  }
0x5e: {  	[spmem:s2] =	stream.indirect.scatter.add.f32 [tilespmem:s9], [sflag:$0x2], $0x40, s15, s8, $0xb8;
	[tilespmem:$0x14800] =	vst v63  }
0x5f: {  	_ =	swait.ge [sflag:s5], $0x4000  }
0x60: {  	[sflag:s5] =	ssyncset.done $0x0  }
0x61: {  	[sflag:s5] =	ssyncadd.s32 $0xFFFFC000  }
0x62: {  	_ =	swait.ge [sflag:s7], $0x4000  }
0x63: {  	[sflag:s7] =	ssyncset.done $0x0  }
0x64: {  	s26 =	simm.s32 $0x800;
	[sflag:s7] =	ssyncadd.s32 $0xFFFFC000  }
0x65: {  	[tilespmem:s9], [sflag:$0x1] =	stream.indirect.gather [hbm4b:s3+s8], $0x40, s26, s8, $0xb8;
	[tilespmem:$0x14800] =	vst v63  }
0x66: {  	s29 =	simm.s32 $0x1B00  }
0x67: {  	[spmem:s2] =	stream.indirect.scatter.add.f32 [tilespmem:s10], [sflag:$0x2], $0x40, s29, s8, $0xb8;
	[tilespmem:$0x14800] =	vst v63  }
0x68: {  	_ =	swait.ge [sflag:s5], $0x4000  }
0x69: {  	[sflag:s5] =	ssyncset.done $0x0  }
0x6a: {  	[sflag:s5] =	ssyncadd.s32 $0xFFFFC000  }
0x6b: {  	_ =	swait.ge [sflag:s7], $0x4000  }
0x6c: {  	[sflag:s7] =	ssyncset.done $0x0  }
0x6d: {  	s24 =	simm.s32 $0x900;
	[sflag:s7] =	ssyncadd.s32 $0xFFFFC000  }
0x6e: {  	[tilespmem:s10], [sflag:$0x1] =	stream.indirect.gather [hbm4b:s3+s8], $0x40, s24, s8, $0xb8;
	[tilespmem:$0x14800] =	vst v63  }
0x6f: {  	s29 =	simm.s32 $0x1C00  }
0x70: {  	[spmem:s2] =	stream.indirect.scatter.add.f32 [tilespmem:s9], [sflag:$0x2], $0x40, s29, s8, $0xb8;
	[tilespmem:$0x14800] =	vst v63  }
0x71: {  	_ =	swait.ge [sflag:s5], $0x4000  }
0x72: {  	[sflag:s5] =	ssyncset.done $0x0  }
0x73: {  	[sflag:s5] =	ssyncadd.s32 $0xFFFFC000  }
0x74: {  	_ =	swait.ge [sflag:s7], $0x4000  }
0x75: {  	[sflag:s7] =	ssyncset.done $0x0  }
0x76: {  	s22 =	simm.s32 $0xA00;
	[sflag:s7] =	ssyncadd.s32 $0xFFFFC000  }
0x77: {  	[tilespmem:s9], [sflag:$0x1] =	stream.indirect.gather [hbm4b:s3+s8], $0x40, s22, s8, $0xb8;
	[tilespmem:$0x14800] =	vst v63  }
0x78: {  	s13 =	simm.s32 $0x1D00  }
0x79: {  	[spmem:s2] =	stream.indirect.scatter.add.f32 [tilespmem:s10], [sflag:$0x2], $0x40, s13, s8, $0xb8;
	[tilespmem:$0x14800] =	vst v63  }
0x7a: {  	_ =	swait.ge [sflag:s5], $0x4000  }
0x7b: {  	[sflag:s5] =	ssyncset.done $0x0  }
0x7c: {  	[sflag:s5] =	ssyncadd.s32 $0xFFFFC000  }
0x7d: {  	_ =	swait.ge [sflag:s7], $0x4000  }
0x7e: {  	[sflag:s7] =	ssyncset.done $0x0  }
0x7f: {  	s30 =	simm.s32 $0xB00;
	[sflag:s7] =	ssyncadd.s32 $0xFFFFC000  }
0x80: {  	[tilespmem:s10], [sflag:$0x1] =	stream.indirect.gather [hbm4b:s3+s8], $0x40, s30, s8, $0xb8;
	[tilespmem:$0x14800] =	vst v63  }
0x81: {  	s31 =	simm.s32 $0x1E00  }
0x82: {  	[spmem:s2] =	stream.indirect.scatter.add.f32 [tilespmem:s9], [sflag:$0x2], $0x40, s31, s8, $0xb8;
	[tilespmem:$0x14800] =	vst v63  }
0x83: {  	_ =	swait.ge [sflag:s5], $0x4000  }
0x84: {  	[sflag:s5] =	ssyncset.done $0x0  }
0x85: {  	[sflag:s5] =	ssyncadd.s32 $0xFFFFC000  }
0x86: {  	_ =	swait.ge [sflag:s7], $0x4000  }
0x87: {  	[sflag:s7] =	ssyncset.done $0x0  }
0x88: {  	s31 =	simm.s32 $0xC00;
	[sflag:s7] =	ssyncadd.s32 $0xFFFFC000  }
0x89: {  	[tilespmem:s9], [sflag:$0x1] =	stream.indirect.gather [hbm4b:s3+s8], $0x40, s31, s8, $0xb8;
	[tilespmem:$0x14800] =	vst v63  }
0x8a: {  	s31 =	simm.s32 $0x1F00  }
0x8b: {  	[spmem:s2] =	stream.indirect.scatter.add.f32 [tilespmem:s10], [sflag:$0x2], $0x40, s31, s8, $0xb8;
	[tilespmem:$0x14800] =	vst v63  }
0x8c: {  	_ =	swait.ge [sflag:s5], $0x4000  }
0x8d: {  	[sflag:s5] =	ssyncset.done $0x0  }
0x8e: {  	[sflag:s5] =	ssyncadd.s32 $0xFFFFC000  }
0x8f: {  	_ =	swait.ge [sflag:s7], $0x4000  }
0x90: {  	[sflag:s7] =	ssyncset.done $0x0  }
0x91: {  	s31 =	simm.s32 $0xD00;
	[sflag:s7] =	ssyncadd.s32 $0xFFFFC000  }
0x92: {  	[tilespmem:s10], [sflag:$0x1] =	stream.indirect.gather [hbm4b:s3+s8], $0x40, s31, s8, $0xb8;
	[tilespmem:$0x14800] =	vst v63  }
0x93: {  	s31 =	simm.s32 $0x2000  }
0x94: {  	[spmem:s2] =	stream.indirect.scatter.add.f32 [tilespmem:s9], [sflag:$0x2], $0x40, s31, s8, $0xb8;
	[tilespmem:$0x14800] =	vst v63  }
0x95: {  	_ =	swait.ge [sflag:s5], $0x4000  }
0x96: {  	[sflag:s5] =	ssyncset.done $0x0  }
0x97: {  	[sflag:s5] =	ssyncadd.s32 $0xFFFFC000  }
0x98: {  	_ =	swait.ge [sflag:s7], $0x4000  }
0x99: {  	[sflag:s7] =	ssyncset.done $0x0  }
0x9a: {  	s31 =	simm.s32 $0xE00;
	[sflag:s7] =	ssyncadd.s32 $0xFFFFC000  }
0x9b: {  	[tilespmem:s9], [sflag:$0x1] =	stream.indirect.gather [hbm4b:s3+s8], $0x40, s31, s8, $0xb8;
	[tilespmem:$0x14800] =	vst v63  }
0x9c: {  	s31 =	simm.s32 $0x2100  }
0x9d: {  	[spmem:s2] =	stream.indirect.scatter.add.f32 [tilespmem:s10], [sflag:$0x2], $0x40, s31, s8, $0xb8;
	[tilespmem:$0x14800] =	vst v63  }
0x9e: {  	_ =	swait.ge [sflag:s5], $0x4000  }
0x9f: {  	[sflag:s5] =	ssyncset.done $0x0  }
0xa0: {  	[sflag:s5] =	ssyncadd.s32 $0xFFFFC000  }
0xa1: {  	_ =	swait.ge [sflag:s7], $0x4000  }
0xa2: {  	[sflag:s7] =	ssyncset.done $0x0  }
0xa3: {  	s31 =	simm.s32 $0xF00;
	[sflag:s7] =	ssyncadd.s32 $0xFFFFC000  }
0xa4: {  	[tilespmem:s10], [sflag:$0x1] =	stream.indirect.gather [hbm4b:s3+s8], $0x40, s31, s8, $0xb8;
	[tilespmem:$0x14800] =	vst v63  }
0xa5: {  	s31 =	simm.s32 $0x2200  }
0xa6: {  	[spmem:s2] =	stream.indirect.scatter.add.f32 [tilespmem:s9], [sflag:$0x2], $0x40, s31, s8, $0xb8;
	[tilespmem:$0x14800] =	vst v63  }
0xa7: {  	_ =	swait.ge [sflag:s5], $0x4000  }
0xa8: {  	[sflag:s5] =	ssyncset.done $0x0  }
0xa9: {  	[sflag:s5] =	ssyncadd.s32 $0xFFFFC000  }
0xaa: {  	_ =	swait.ge [sflag:s7], $0x4000  }
0xab: {  	[sflag:s7] =	ssyncset.done $0x0  }
0xac: {  	[dreg:$0xa] =	wrdreg s6;
	s6 =	simm.s32 $0x1000;
	[sflag:s7] =	ssyncadd.s32 $0xFFFFC000  }
0xad: {  	[tilespmem:s9], [sflag:$0x1] =	stream.indirect.gather [hbm4b:s3+s8], $0x40, s6, s8, $0xb8;
	[tilespmem:$0x14800] =	vst v63  }
0xae: {  	s31 =	simm.s32 $0x2300  }
0xaf: {  	[spmem:s2] =	stream.indirect.scatter.add.f32 [tilespmem:s10], [sflag:$0x2], $0x40, s31, s8, $0xb8;
	[tilespmem:$0x14800] =	vst v63  }
0xb0: {  	_ =	swait.ge [sflag:s5], $0x4000  }
0xb1: {  	[sflag:s5] =	ssyncset.done $0x0  }
0xb2: {  	[sflag:s5] =	ssyncadd.s32 $0xFFFFC000  }
0xb3: {  	_ =	swait.ge [sflag:s7], $0x4000  }
0xb4: {  	[sflag:s7] =	ssyncset.done $0x0  }
0xb5: {  	s31 =	simm.s32 $0x1100;
	[sflag:s7] =	ssyncadd.s32 $0xFFFFC000  }
0xb6: {  	[tilespmem:s10], [sflag:$0x1] =	stream.indirect.gather [hbm4b:s3+s8], $0x40, s31, s8, $0xb8;
	[tilespmem:$0x14800] =	vst v63  }
0xb7: {  	[dreg:$0x9] =	wrdreg s4;
	s4 =	simm.s32 $0x2400  }
0xb8: {  	[spmem:s2] =	stream.indirect.scatter.add.f32 [tilespmem:s9], [sflag:$0x2], $0x40, s4, s8, $0xb8;
	[tilespmem:$0x14800] =	vst v63  }
0xb9: {  	_ =	swait.ge [sflag:s5], $0x4000  }
0xba: {  	[sflag:s5] =	ssyncset.done $0x0  }
0xbb: {  	[sflag:s5] =	ssyncadd.s32 $0xFFFFC000  }
0xbc: {  	_ =	swait.ge [sflag:s7], $0x4000  }
0xbd: {  	[sflag:s7] =	ssyncset.done $0x0  }
0xbe: {  	s31 =	simm.s32 $0x1200;
	[sflag:s7] =	ssyncadd.s32 $0xFFFFC000  }
0xbf: {  	[tilespmem:s9], [sflag:$0x1] =	stream.indirect.gather [hbm4b:s3+s8], $0x40, s31, s8, $0xb8;
	[tilespmem:$0x14800] =	vst v63  }
0xc0: {  	s4 =	simm.s32 $0x2500  }
0xc1: {  	[spmem:s2] =	stream.indirect.scatter.add.f32 [tilespmem:s10], [sflag:$0x2], $0x40, s4, s8, $0xb8;
	[tilespmem:$0x14800] =	vst v63  }
0xc2: {  	_ =	swait.ge [sflag:s5], $0x4000  }
0xc3: {  	[sflag:s5] =	ssyncset.done $0x0  }
0xc4: {  	[sflag:s5] =	ssyncadd.s32 $0xFFFFC000  }
0xc5: {  	_ =	swait.ge [sflag:s7], $0x4000  }
0xc6: {  	[sflag:s7] =	ssyncset.done $0x0  }
0xc7: {  	s0 =	simm.s32 $0x1300;
	[sflag:s7] =	ssyncadd.s32 $0xFFFFC000  }
0xc8: {  	[tilespmem:s10], [sflag:$0x1] =	stream.indirect.gather [hbm4b:s3+s8], $0x40, s0, s8, $0xb8;
	[tilespmem:$0x14800] =	vst v63  }
0xc9: {  	s4 =	simm.s32 $0x2600  }
0xca: {  	[spmem:s2] =	stream.indirect.scatter.add.f32 [tilespmem:s9], [sflag:$0x2], $0x40, s4, s8, $0xb8;
	[tilespmem:$0x14800] =	vst v63  }
0xcb: {  	_ =	swait.ge [sflag:s5], $0x4000  }
0xcc: {  	[sflag:s5] =	ssyncset.done $0x0  }
0xcd: {  	[sflag:s5] =	ssyncadd.s32 $0xFFFFC000  }
0xce: {  	_ =	swait.ge [sflag:s7], $0x4000  }
0xcf: {  	[sflag:s7] =	ssyncset.done $0x0  }
0xd0: {  	[sflag:s7] =	ssyncadd.s32 $0xFFFFC000  }
0xd1: {  	[tilespmem:s9], [sflag:$0x1] =	stream.indirect.gather [hbm4b:s3+s8], $0x40, s0, s8, $0xb8;
	[tilespmem:$0x14800] =	vst v63  }
0xd2: {  	s4 =	simm.s32 $0x2700  }
0xd3: {  	[spmem:s2] =	stream.indirect.scatter.add.f32 [tilespmem:s10], [sflag:$0x2], $0x40, s4, s8, $0xb8;
	[tilespmem:$0x14800] =	vst v63  }
0xd4: {  	_ =	swait.ge [sflag:s5], $0x4000  }
0xd5: {  	[sflag:s5] =	ssyncset.done $0x0  }
0xd6: {  	[sflag:s5] =	ssyncadd.s32 $0xFFFFC000  }
0xd7: {  	_ =	swait.ge [sflag:s7], $0x4000  }
0xd8: {  	[sflag:s7] =	ssyncset.done $0x0  }
0xd9: {  	s1 =	simm.s32 $0x0;
	s4 =	rddreg [dreg:$0x6];
	[sflag:s7] =	ssyncadd.s32 $0xFFFFC000  }
0xda: {  	[tilespmem:s1], [sflag:$0x2] =	stream.linear.gather [hbm4b:s4+s1], $0x1400, $0x38;
	[tilespmem:$0x14800] =	vst v63  }
0xdb: {  	_ =	swait.ge [sflag:s5], $0x1400  }
0xdc: {  	[sflag:s5] =	ssyncset.done $0x0  }
0xdd: {  	s11 =	simm.s32 $0x1400;
	s4 =	rddreg [dreg:$0x7];
	[sflag:s5] =	ssyncadd.s32 $0xFFFFEC00  }
0xde: {  	[tilespmem:s11], [sflag:$0x2] =	stream.linear.gather [hbm4b:s4+s1], $0x1400, $0x38;
	[tilespmem:$0x14800] =	vst v63  }
0xdf: {  	_ =	swait.ge [sflag:s5], $0x1400  }
0xe0: {  	[sflag:s5] =	ssyncset.done $0x0  }
0xe1: {  	[sflag:s5] =	ssyncadd.s32 $0xFFFFEC00  }
0xe2: {  	[tilespmem:s9], [sflag:$0x1] =	stream.indirect.gather [hbm4b:s3+s8], $0x40, s1, s8, $0xb8;
	[tilespmem:$0x14800] =	vst v63  }
0xe3: {  	_ =	swait.ge [sflag:s7], $0x4000  }
0xe4: {  	[sflag:s7] =	ssyncset.done $0x0  }
0xe5: {  	[sflag:s7] =	ssyncadd.s32 $0xFFFFC000  }
0xe6: {  	[tilespmem:s10], [sflag:$0x1] =	stream.indirect.gather [hbm4b:s3+s8], $0x40, s8, s8, $0xb8;
	[tilespmem:$0x14800] =	vst v63  }
0xe7: {  	_ = 	snop  }
0xe8: {  	[spmem:s2] =	stream.indirect.scatter.add.f32 [tilespmem:s9], [sflag:$0x2], $0x40, s11, s8, $0xb8;
	[tilespmem:$0x14800] =	vst v63  }
0xe9: {  	_ =	swait.ge [sflag:s5], $0x4000  }
0xea: {  	[sflag:s5] =	ssyncset.done $0x0  }
0xeb: {  	[sflag:s5] =	ssyncadd.s32 $0xFFFFC000  }
0xec: {  	_ =	swait.ge [sflag:s7], $0x4000  }
0xed: {  	[sflag:s7] =	ssyncset.done $0x0  }
0xee: {  	[sflag:s7] =	ssyncadd.s32 $0xFFFFC000  }
0xef: {  	[tilespmem:s9], [sflag:$0x1] =	stream.indirect.gather [hbm4b:s3+s8], $0x40, s14, s8, $0xb8;
	[tilespmem:$0x14800] =	vst v63  }
0xf0: {  	_ = 	snop  }
0xf1: {  	[spmem:s2] =	stream.indirect.scatter.add.f32 [tilespmem:s10], [sflag:$0x2], $0x40, s20, s8, $0xb8;
	[tilespmem:$0x14800] =	vst v63  }
0xf2: {  	_ =	swait.ge [sflag:s5], $0x4000  }
0xf3: {  	[sflag:s5] =	ssyncset.done $0x0  }
0xf4: {  	[sflag:s5] =	ssyncadd.s32 $0xFFFFC000  }
0xf5: {  	_ =	swait.ge [sflag:s7], $0x4000  }
0xf6: {  	[sflag:s7] =	ssyncset.done $0x0  }
0xf7: {  	s4 =	simm.s32 $0x300;
	[sflag:s7] =	ssyncadd.s32 $0xFFFFC000  }
0xf8: {  	[tilespmem:s10], [sflag:$0x1] =	stream.indirect.gather [hbm4b:s3+s8], $0x40, s4, s8, $0xb8;
	[tilespmem:$0x14800] =	vst v63  }
0xf9: {  	_ = 	snop  }
0xfa: {  	[spmem:s2] =	stream.indirect.scatter.add.f32 [tilespmem:s9], [sflag:$0x2], $0x40, s19, s8, $0xb8;
	[tilespmem:$0x14800] =	vst v63  }
0xfb: {  	_ =	swait.ge [sflag:s5], $0x4000  }
0xfc: {  	[sflag:s5] =	ssyncset.done $0x0  }
0xfd: {  	[sflag:s5] =	ssyncadd.s32 $0xFFFFC000  }
0xfe: {  	_ =	swait.ge [sflag:s7], $0x4000  }
0xff: {  	[sflag:s7] =	ssyncset.done $0x0  }
0x100: {  	[sflag:s7] =	ssyncadd.s32 $0xFFFFC000  }
0x101: {  	[tilespmem:s9], [sflag:$0x1] =	stream.indirect.gather [hbm4b:s3+s8], $0x40, s28, s8, $0xb8;
	[tilespmem:$0x14800] =	vst v63  }
0x102: {  	_ = 	snop  }
0x103: {  	[spmem:s2] =	stream.indirect.scatter.add.f32 [tilespmem:s10], [sflag:$0x2], $0x40, s18, s8, $0xb8;
	[tilespmem:$0x14800] =	vst v63  }
0x104: {  	_ =	swait.ge [sflag:s5], $0x4000  }
0x105: {  	[sflag:s5] =	ssyncset.done $0x0  }
0x106: {  	[sflag:s5] =	ssyncadd.s32 $0xFFFFC000  }
0x107: {  	_ =	swait.ge [sflag:s7], $0x4000  }
0x108: {  	[sflag:s7] =	ssyncset.done $0x0  }
0x109: {  	[sflag:s7] =	ssyncadd.s32 $0xFFFFC000  }
0x10a: {  	[tilespmem:s10], [sflag:$0x1] =	stream.indirect.gather [hbm4b:s3+s8], $0x40, s25, s8, $0xb8;
	[tilespmem:$0x14800] =	vst v63  }
0x10b: {  	_ = 	snop  }
0x10c: {  	[spmem:s2] =	stream.indirect.scatter.add.f32 [tilespmem:s9], [sflag:$0x2], $0x40, s17, s8, $0xb8;
	[tilespmem:$0x14800] =	vst v63  }
0x10d: {  	_ =	swait.ge [sflag:s5], $0x4000  }
0x10e: {  	[sflag:s5] =	ssyncset.done $0x0  }
0x10f: {  	[sflag:s5] =	ssyncadd.s32 $0xFFFFC000  }
0x110: {  	_ =	swait.ge [sflag:s7], $0x4000  }
0x111: {  	[sflag:s7] =	ssyncset.done $0x0  }
0x112: {  	[sflag:s7] =	ssyncadd.s32 $0xFFFFC000  }
0x113: {  	[tilespmem:s9], [sflag:$0x1] =	stream.indirect.gather [hbm4b:s3+s8], $0x40, s23, s8, $0xb8;
	[tilespmem:$0x14800] =	vst v63  }
0x114: {  	_ = 	snop  }
0x115: {  	[spmem:s2] =	stream.indirect.scatter.add.f32 [tilespmem:s10], [sflag:$0x2], $0x40, s16, s8, $0xb8;
	[tilespmem:$0x14800] =	vst v63  }
0x116: {  	_ =	swait.ge [sflag:s5], $0x4000  }
0x117: {  	[sflag:s5] =	ssyncset.done $0x0  }
0x118: {  	[sflag:s5] =	ssyncadd.s32 $0xFFFFC000  }
0x119: {  	_ =	swait.ge [sflag:s7], $0x4000  }
0x11a: {  	[sflag:s7] =	ssyncset.done $0x0  }
0x11b: {  	[sflag:s7] =	ssyncadd.s32 $0xFFFFC000  }
0x11c: {  	[tilespmem:s10], [sflag:$0x1] =	stream.indirect.gather [hbm4b:s3+s8], $0x40, s21, s8, $0xb8;
	[tilespmem:$0x14800] =	vst v63  }
0x11d: {  	_ = 	snop  }
0x11e: {  	[spmem:s2] =	stream.indirect.scatter.add.f32 [tilespmem:s9], [sflag:$0x2], $0x40, s15, s8, $0xb8;
	[tilespmem:$0x14800] =	vst v63  }
0x11f: {  	_ =	swait.ge [sflag:s5], $0x4000  }
0x120: {  	[sflag:s5] =	ssyncset.done $0x0  }
0x121: {  	[sflag:s5] =	ssyncadd.s32 $0xFFFFC000  }
0x122: {  	_ =	swait.ge [sflag:s7], $0x4000  }
0x123: {  	[sflag:s7] =	ssyncset.done $0x0  }
0x124: {  	[sflag:s7] =	ssyncadd.s32 $0xFFFFC000  }
0x125: {  	[tilespmem:s9], [sflag:$0x1] =	stream.indirect.gather [hbm4b:s3+s8], $0x40, s26, s8, $0xb8;
	[tilespmem:$0x14800] =	vst v63  }
0x126: {  	s11 =	simm.s32 $0x1B00  }
0x127: {  	[spmem:s2] =	stream.indirect.scatter.add.f32 [tilespmem:s10], [sflag:$0x2], $0x40, s11, s8, $0xb8;
	[tilespmem:$0x14800] =	vst v63  }
0x128: {  	_ =	swait.ge [sflag:s5], $0x4000  }
0x129: {  	[sflag:s5] =	ssyncset.done $0x0  }
0x12a: {  	[sflag:s5] =	ssyncadd.s32 $0xFFFFC000  }
0x12b: {  	_ =	swait.ge [sflag:s7], $0x4000  }
0x12c: {  	[sflag:s7] =	ssyncset.done $0x0  }
0x12d: {  	[sflag:s7] =	ssyncadd.s32 $0xFFFFC000  }
0x12e: {  	[tilespmem:s10], [sflag:$0x1] =	stream.indirect.gather [hbm4b:s3+s8], $0x40, s24, s8, $0xb8;
	[tilespmem:$0x14800] =	vst v63  }
0x12f: {  	_ = 	snop  }
0x130: {  	[spmem:s2] =	stream.indirect.scatter.add.f32 [tilespmem:s9], [sflag:$0x2], $0x40, s29, s8, $0xb8;
	[tilespmem:$0x14800] =	vst v63  }
0x131: {  	_ =	swait.ge [sflag:s5], $0x4000  }
0x132: {  	[sflag:s5] =	ssyncset.done $0x0  }
0x133: {  	[sflag:s5] =	ssyncadd.s32 $0xFFFFC000  }
0x134: {  	_ =	swait.ge [sflag:s7], $0x4000  }
0x135: {  	[sflag:s7] =	ssyncset.done $0x0  }
0x136: {  	[sflag:s7] =	ssyncadd.s32 $0xFFFFC000  }
0x137: {  	[tilespmem:s9], [sflag:$0x1] =	stream.indirect.gather [hbm4b:s3+s8], $0x40, s22, s8, $0xb8;
	[tilespmem:$0x14800] =	vst v63  }
0x138: {  	_ = 	snop  }
0x139: {  	[spmem:s2] =	stream.indirect.scatter.add.f32 [tilespmem:s10], [sflag:$0x2], $0x40, s13, s8, $0xb8;
	[tilespmem:$0x14800] =	vst v63  }
0x13a: {  	_ =	swait.ge [sflag:s5], $0x4000  }
0x13b: {  	[sflag:s5] =	ssyncset.done $0x0  }
0x13c: {  	[sflag:s5] =	ssyncadd.s32 $0xFFFFC000  }
0x13d: {  	_ =	swait.ge [sflag:s7], $0x4000  }
0x13e: {  	[sflag:s7] =	ssyncset.done $0x0  }
0x13f: {  	[sflag:s7] =	ssyncadd.s32 $0xFFFFC000  }
0x140: {  	[tilespmem:s10], [sflag:$0x1] =	stream.indirect.gather [hbm4b:s3+s8], $0x40, s30, s8, $0xb8;
	[tilespmem:$0x14800] =	vst v63  }
0x141: {  	s14 =	simm.s32 $0x1E00  }
0x142: {  	[spmem:s2] =	stream.indirect.scatter.add.f32 [tilespmem:s9], [sflag:$0x2], $0x40, s14, s8, $0xb8;
	[tilespmem:$0x14800] =	vst v63  }
0x143: {  	_ =	swait.ge [sflag:s5], $0x4000  }
0x144: {  	[sflag:s5] =	ssyncset.done $0x0  }
0x145: {  	[sflag:s5] =	ssyncadd.s32 $0xFFFFC000  }
0x146: {  	_ =	swait.ge [sflag:s7], $0x4000  }
0x147: {  	[sflag:s7] =	ssyncset.done $0x0  }
0x148: {  	s15 =	simm.s32 $0xC00;
	[sflag:s7] =	ssyncadd.s32 $0xFFFFC000  }
0x149: {  	[tilespmem:s9], [sflag:$0x1] =	stream.indirect.gather [hbm4b:s3+s8], $0x40, s15, s8, $0xb8;
	[tilespmem:$0x14800] =	vst v63  }
0x14a: {  	s16 =	simm.s32 $0x1F00  }
0x14b: {  	[spmem:s2] =	stream.indirect.scatter.add.f32 [tilespmem:s10], [sflag:$0x2], $0x40, s16, s8, $0xb8;
	[tilespmem:$0x14800] =	vst v63  }
0x14c: {  	_ =	swait.ge [sflag:s5], $0x4000  }
0x14d: {  	[sflag:s5] =	ssyncset.done $0x0  }
0x14e: {  	[sflag:s5] =	ssyncadd.s32 $0xFFFFC000  }
0x14f: {  	_ =	swait.ge [sflag:s7], $0x4000  }
0x150: {  	[sflag:s7] =	ssyncset.done $0x0  }
0x151: {  	s17 =	simm.s32 $0xD00;
	[sflag:s7] =	ssyncadd.s32 $0xFFFFC000  }
0x152: {  	[tilespmem:s10], [sflag:$0x1] =	stream.indirect.gather [hbm4b:s3+s8], $0x40, s17, s8, $0xb8;
	[tilespmem:$0x14800] =	vst v63  }
0x153: {  	s18 =	simm.s32 $0x2000  }
0x154: {  	[spmem:s2] =	stream.indirect.scatter.add.f32 [tilespmem:s9], [sflag:$0x2], $0x40, s18, s8, $0xb8;
	[tilespmem:$0x14800] =	vst v63  }
0x155: {  	_ =	swait.ge [sflag:s5], $0x4000  }
0x156: {  	[sflag:s5] =	ssyncset.done $0x0  }
0x157: {  	[sflag:s5] =	ssyncadd.s32 $0xFFFFC000  }
0x158: {  	_ =	swait.ge [sflag:s7], $0x4000  }
0x159: {  	[sflag:s7] =	ssyncset.done $0x0  }
0x15a: {  	s19 =	simm.s32 $0xE00;
	[sflag:s7] =	ssyncadd.s32 $0xFFFFC000  }
0x15b: {  	[tilespmem:s9], [sflag:$0x1] =	stream.indirect.gather [hbm4b:s3+s8], $0x40, s19, s8, $0xb8;
	[tilespmem:$0x14800] =	vst v63  }
0x15c: {  	s20 =	simm.s32 $0x2100  }
0x15d: {  	[spmem:s2] =	stream.indirect.scatter.add.f32 [tilespmem:s10], [sflag:$0x2], $0x40, s20, s8, $0xb8;
	[tilespmem:$0x14800] =	vst v63  }
0x15e: {  	_ =	swait.ge [sflag:s5], $0x4000  }
0x15f: {  	[sflag:s5] =	ssyncset.done $0x0  }
0x160: {  	[sflag:s5] =	ssyncadd.s32 $0xFFFFC000  }
0x161: {  	_ =	swait.ge [sflag:s7], $0x4000  }
0x162: {  	[sflag:s7] =	ssyncset.done $0x0  }
0x163: {  	s21 =	simm.s32 $0xF00;
	[sflag:s7] =	ssyncadd.s32 $0xFFFFC000  }
0x164: {  	[tilespmem:s10], [sflag:$0x1] =	stream.indirect.gather [hbm4b:s3+s8], $0x40, s21, s8, $0xb8;
	[tilespmem:$0x14800] =	vst v63  }
0x165: {  	s22 =	simm.s32 $0x2200  }
0x166: {  	[spmem:s2] =	stream.indirect.scatter.add.f32 [tilespmem:s9], [sflag:$0x2], $0x40, s22, s8, $0xb8;
	[tilespmem:$0x14800] =	vst v63  }
0x167: {  	_ =	swait.ge [sflag:s5], $0x4000  }
0x168: {  	[sflag:s5] =	ssyncset.done $0x0  }
0x169: {  	[sflag:s5] =	ssyncadd.s32 $0xFFFFC000  }
0x16a: {  	_ =	swait.ge [sflag:s7], $0x4000  }
0x16b: {  	[sflag:s7] =	ssyncset.done $0x0  }
0x16c: {  	[sflag:s7] =	ssyncadd.s32 $0xFFFFC000  }
0x16d: {  	[tilespmem:s9], [sflag:$0x1] =	stream.indirect.gather [hbm4b:s3+s8], $0x40, s6, s8, $0xb8;
	[tilespmem:$0x14800] =	vst v63  }
0x16e: {  	s23 =	simm.s32 $0x2300  }
0x16f: {  	[spmem:s2] =	stream.indirect.scatter.add.f32 [tilespmem:s10], [sflag:$0x2], $0x40, s23, s8, $0xb8;
	[tilespmem:$0x14800] =	vst v63  }
0x170: {  	s6 =	rddreg [dreg:$0xa];
	_ =	swait.ge [sflag:s5], $0x4000  }
0x171: {  	[sflag:s5] =	ssyncset.done $0x0  }
0x172: {  	[sflag:s5] =	ssyncadd.s32 $0xFFFFC000  }
0x173: {  	_ =	swait.ge [sflag:s7], $0x4000  }
0x174: {  	[sflag:s7] =	ssyncset.done $0x0  }
0x175: {  	s24 =	simm.s32 $0x1100;
	[sflag:s7] =	ssyncadd.s32 $0xFFFFC000  }
0x176: {  	[tilespmem:s10], [sflag:$0x1] =	stream.indirect.gather [hbm4b:s3+s8], $0x40, s24, s8, $0xb8;
	[tilespmem:$0x14800] =	vst v63  }
0x177: {  	s25 =	simm.s32 $0x2400  }
0x178: {  	[spmem:s2] =	stream.indirect.scatter.add.f32 [tilespmem:s9], [sflag:$0x2], $0x40, s25, s8, $0xb8;
	[tilespmem:$0x14800] =	vst v63  }
0x179: {  	s4 =	rddreg [dreg:$0x9];
	_ =	swait.ge [sflag:s5], $0x4000  }
0x17a: {  	[sflag:s5] =	ssyncset.done $0x0  }
0x17b: {  	[sflag:s5] =	ssyncadd.s32 $0xFFFFC000  }
0x17c: {  	_ =	swait.ge [sflag:s7], $0x4000  }
0x17d: {  	[sflag:s7] =	ssyncset.done $0x0  }
0x17e: {  	[sflag:s7] =	ssyncadd.s32 $0xFFFFC000  }
0x17f: {  	[tilespmem:s9], [sflag:$0x1] =	stream.indirect.gather [hbm4b:s3+s8], $0x40, s31, s8, $0xb8;
	[tilespmem:$0x14800] =	vst v63  }
0x180: {  	s26 =	simm.s32 $0x2500  }
0x181: {  	[spmem:s2] =	stream.indirect.scatter.add.f32 [tilespmem:s10], [sflag:$0x2], $0x40, s26, s8, $0xb8;
	[tilespmem:$0x14800] =	vst v63  }
0x182: {  	_ =	swait.ge [sflag:s5], $0x4000  }
0x183: {  	[sflag:s5] =	ssyncset.done $0x0  }
0x184: {  	[sflag:s5] =	ssyncadd.s32 $0xFFFFC000  }
0x185: {  	_ =	swait.ge [sflag:s7], $0x4000  }
0x186: {  	[sflag:s7] =	ssyncset.done $0x0  }
0x187: {  	s11 =	simm.s32 $0x1300;
	[sflag:s7] =	ssyncadd.s32 $0xFFFFC000  }
0x188: {  	[tilespmem:s10], [sflag:$0x1] =	stream.indirect.gather [hbm4b:s3+s8], $0x40, s11, s8, $0xb8;
	[tilespmem:$0x14800] =	vst v63  }
0x189: {  	s28 =	simm.s32 $0x2600  }
0x18a: {  	[spmem:s2] =	stream.indirect.scatter.add.f32 [tilespmem:s9], [sflag:$0x2], $0x40, s28, s8, $0xb8;
	[tilespmem:$0x14800] =	vst v63  }
0x18b: {  	_ =	swait.ge [sflag:s5], $0x4000  }
0x18c: {  	[sflag:s5] =	ssyncset.done $0x0  }
0x18d: {  	[sflag:s5] =	ssyncadd.s32 $0xFFFFC000  }
0x18e: {  	_ =	swait.ge [sflag:s7], $0x4000  }
0x18f: {  	[sflag:s7] =	ssyncset.done $0x0  }
0x190: {  	[sflag:s7] =	ssyncadd.s32 $0xFFFFC000  }
0x191: {  	[tilespmem:s9], [sflag:$0x1] =	stream.indirect.gather [hbm4b:s3+s8], $0x40, s11, s8, $0xb8;
	[tilespmem:$0x14800] =	vst v63  }
0x192: {  	s29 =	simm.s32 $0x2700  }
0x193: {  	[spmem:s2] =	stream.indirect.scatter.add.f32 [tilespmem:s10], [sflag:$0x2], $0x40, s29, s8, $0xb8;
	[tilespmem:$0x14800] =	vst v63  }
0x194: {  	_ =	swait.ge [sflag:s5], $0x4000  }
0x195: {  	[sflag:s5] =	ssyncset.done $0x0  }
0x196: {  	[sflag:s5] =	ssyncadd.s32 $0xFFFFC000  }
0x197: {  	_ =	swait.ge [sflag:s7], $0x4000  }
0x198: {  	[sflag:s7] =	ssyncset.done $0x0  }
0x199: {  	p1 =	sne.s32 s12, $0x1;
	[sflag:s7] =	ssyncadd.s32 $0xFFFFC000  }
.Ltmp1:
0x19a: {  	[bflag:$0x0] =	sbarrier.arrive $0xFFFF;
	(pc) =	sbr.rel @!p1 .LBB2_6-.Ltmp1, $4  }
0x19b: {  	s31 =	rddreg [dreg:$0x8]  }
0x19c: {  	[hbm:s31], [sflag:s4] =	dma.local [spmem:s6], $0x1400  }
0x19d: {  	p0 =	por $0x1, $0x1;
	_ =	swait.ge [sflag:s5], $0x1400  }
0x19e: {  	s30 =	sadd.s32 $0xFFFFFFFF, s12;
	s0 =	rddreg [dreg:$0x3];
	[sflag:s5] =	ssyncset.done $0x0  }
0x19f: {  	s1 =	simm.s32 $0x0;
	s14 =	simm.s32 $0x200;
	s20 =	simm.s32 $0x1500  }
0x1a0: {  	s12 =	simm.s32 $0x300;
	s19 =	simm.s32 $0x1600;
	s28 =	simm.s32 $0x400  }
0x1a1: {  	s18 =	simm.s32 $0x1700;
	s25 =	simm.s32 $0x500;
	s17 =	simm.s32 $0x1800  }
0x1a2: {  	s23 =	simm.s32 $0x600;
	s16 =	simm.s32 $0x1900;
	s21 =	simm.s32 $0x700  }
0x1a3: {  	s15 =	simm.s32 $0x1A00;
	s26 =	simm.s32 $0x800;
	s24 =	simm.s32 $0x900  }
0x1a4: {  	s29 =	simm.s32 $0x1C00;
	s22 =	simm.s32 $0xA00;
	s13 =	simm.s32 $0x1D00  }
.LBB2_3:
0x1a5: {  	[sflag:s5] =	ssyncadd.s32 $0xFFFFEC00  }
0x1a6: {  	[spmem:s6], [sflag:s4] =	dma.local [hbm:s0], $0x1400  }
0x1a7: {  	_ =	swait.ge [sflag:s5], $0x1400  }
0x1a8: {  	[sflag:s5] =	ssyncset.done $0x0  }
0x1a9: {  	[sflag:s5] =	ssyncadd.s32 $0xFFFFEC00  }
0x1aa: {  	[bflag:$0x0] =	sbarrier.arrive $0xFFFF  }
0x1ab: {  	s6 =	rddreg [dreg:$0x4]  }
0x1ac: {  	[tilespmem:s1], [sflag:$0x2] =	stream.linear.gather [hbm4b:s6+s1], $0x1400, $0x38;
	[tilespmem:$0x14800] =	vst v63  }
0x1ad: {  	_ =	swait.ge [sflag:s5], $0x1400  }
0x1ae: {  	[sflag:s5] =	ssyncset.done $0x0  }
0x1af: {  	s4 =	simm.s32 $0x1400;
	s11 =	rddreg [dreg:$0x5];
	[sflag:s5] =	ssyncadd.s32 $0xFFFFEC00  }
0x1b0: {  	[tilespmem:s4], [sflag:$0x2] =	stream.linear.gather [hbm4b:s11+s1], $0x1400, $0x38;
	[tilespmem:$0x14800] =	vst v63  }
0x1b1: {  	_ =	swait.ge [sflag:s5], $0x1400  }
0x1b2: {  	[sflag:s5] =	ssyncset.done $0x0  }
0x1b3: {  	[sflag:s5] =	ssyncadd.s32 $0xFFFFEC00  }
0x1b4: {  	[tilespmem:s9], [sflag:$0x1] =	stream.indirect.gather [hbm4b:s3+s8], $0x40, s1, s8, $0xb8;
	[tilespmem:$0x14800] =	vst v63  }
0x1b5: {  	_ =	swait.ge [sflag:s7], $0x4000  }
0x1b6: {  	[sflag:s7] =	ssyncset.done $0x0  }
0x1b7: {  	[sflag:s7] =	ssyncadd.s32 $0xFFFFC000  }
0x1b8: {  	[tilespmem:s10], [sflag:$0x1] =	stream.indirect.gather [hbm4b:s3+s8], $0x40, s8, s8, $0xb8;
	[tilespmem:$0x14800] =	vst v63  }
0x1b9: {  	_ = 	snop  }
0x1ba: {  	[spmem:s2] =	stream.indirect.scatter.add.f32 [tilespmem:s9], [sflag:$0x2], $0x40, s4, s8, $0xb8;
	[tilespmem:$0x14800] =	vst v63  }
0x1bb: {  	_ =	swait.ge [sflag:s5], $0x4000  }
0x1bc: {  	[sflag:s5] =	ssyncset.done $0x0  }
0x1bd: {  	[sflag:s5] =	ssyncadd.s32 $0xFFFFC000  }
0x1be: {  	_ =	swait.ge [sflag:s7], $0x4000  }
0x1bf: {  	[sflag:s7] =	ssyncset.done $0x0  }
0x1c0: {  	[sflag:s7] =	ssyncadd.s32 $0xFFFFC000  }
0x1c1: {  	[tilespmem:s9], [sflag:$0x1] =	stream.indirect.gather [hbm4b:s3+s8], $0x40, s14, s8, $0xb8;
	[tilespmem:$0x14800] =	vst v63  }
0x1c2: {  	_ = 	snop  }
0x1c3: {  	[spmem:s2] =	stream.indirect.scatter.add.f32 [tilespmem:s10], [sflag:$0x2], $0x40, s20, s8, $0xb8;
	[tilespmem:$0x14800] =	vst v63  }
0x1c4: {  	_ =	swait.ge [sflag:s5], $0x4000  }
0x1c5: {  	[sflag:s5] =	ssyncset.done $0x0  }
0x1c6: {  	[sflag:s5] =	ssyncadd.s32 $0xFFFFC000  }
0x1c7: {  	_ =	swait.ge [sflag:s7], $0x4000  }
0x1c8: {  	[sflag:s7] =	ssyncset.done $0x0  }
0x1c9: {  	[sflag:s7] =	ssyncadd.s32 $0xFFFFC000  }
0x1ca: {  	[tilespmem:s10], [sflag:$0x1] =	stream.indirect.gather [hbm4b:s3+s8], $0x40, s12, s8, $0xb8;
	[tilespmem:$0x14800] =	vst v63  }
0x1cb: {  	_ = 	snop  }
0x1cc: {  	[spmem:s2] =	stream.indirect.scatter.add.f32 [tilespmem:s9], [sflag:$0x2], $0x40, s19, s8, $0xb8;
	[tilespmem:$0x14800] =	vst v63  }
0x1cd: {  	_ =	swait.ge [sflag:s5], $0x4000  }
0x1ce: {  	[sflag:s5] =	ssyncset.done $0x0  }
0x1cf: {  	[sflag:s5] =	ssyncadd.s32 $0xFFFFC000  }
0x1d0: {  	_ =	swait.ge [sflag:s7], $0x4000  }
0x1d1: {  	[sflag:s7] =	ssyncset.done $0x0  }
0x1d2: {  	[sflag:s7] =	ssyncadd.s32 $0xFFFFC000  }
0x1d3: {  	[tilespmem:s9], [sflag:$0x1] =	stream.indirect.gather [hbm4b:s3+s8], $0x40, s28, s8, $0xb8;
	[tilespmem:$0x14800] =	vst v63  }
0x1d4: {  	_ = 	snop  }
0x1d5: {  	[spmem:s2] =	stream.indirect.scatter.add.f32 [tilespmem:s10], [sflag:$0x2], $0x40, s18, s8, $0xb8;
	[tilespmem:$0x14800] =	vst v63  }
0x1d6: {  	_ =	swait.ge [sflag:s5], $0x4000  }
0x1d7: {  	[sflag:s5] =	ssyncset.done $0x0  }
0x1d8: {  	[sflag:s5] =	ssyncadd.s32 $0xFFFFC000  }
0x1d9: {  	_ =	swait.ge [sflag:s7], $0x4000  }
0x1da: {  	[sflag:s7] =	ssyncset.done $0x0  }
0x1db: {  	[sflag:s7] =	ssyncadd.s32 $0xFFFFC000  }
0x1dc: {  	[tilespmem:s10], [sflag:$0x1] =	stream.indirect.gather [hbm4b:s3+s8], $0x40, s25, s8, $0xb8;
	[tilespmem:$0x14800] =	vst v63  }
0x1dd: {  	_ = 	snop  }
0x1de: {  	[spmem:s2] =	stream.indirect.scatter.add.f32 [tilespmem:s9], [sflag:$0x2], $0x40, s17, s8, $0xb8;
	[tilespmem:$0x14800] =	vst v63  }
0x1df: {  	_ =	swait.ge [sflag:s5], $0x4000  }
0x1e0: {  	[sflag:s5] =	ssyncset.done $0x0  }
0x1e1: {  	[sflag:s5] =	ssyncadd.s32 $0xFFFFC000  }
0x1e2: {  	_ =	swait.ge [sflag:s7], $0x4000  }
0x1e3: {  	[sflag:s7] =	ssyncset.done $0x0  }
0x1e4: {  	[sflag:s7] =	ssyncadd.s32 $0xFFFFC000  }
0x1e5: {  	[tilespmem:s9], [sflag:$0x1] =	stream.indirect.gather [hbm4b:s3+s8], $0x40, s23, s8, $0xb8;
	[tilespmem:$0x14800] =	vst v63  }
0x1e6: {  	_ = 	snop  }
0x1e7: {  	[spmem:s2] =	stream.indirect.scatter.add.f32 [tilespmem:s10], [sflag:$0x2], $0x40, s16, s8, $0xb8;
	[tilespmem:$0x14800] =	vst v63  }
0x1e8: {  	_ =	swait.ge [sflag:s5], $0x4000  }
0x1e9: {  	[sflag:s5] =	ssyncset.done $0x0  }
0x1ea: {  	[sflag:s5] =	ssyncadd.s32 $0xFFFFC000  }
0x1eb: {  	_ =	swait.ge [sflag:s7], $0x4000  }
0x1ec: {  	[sflag:s7] =	ssyncset.done $0x0  }
0x1ed: {  	[sflag:s7] =	ssyncadd.s32 $0xFFFFC000  }
0x1ee: {  	[tilespmem:s10], [sflag:$0x1] =	stream.indirect.gather [hbm4b:s3+s8], $0x40, s21, s8, $0xb8;
	[tilespmem:$0x14800] =	vst v63  }
0x1ef: {  	_ = 	snop  }
0x1f0: {  	[spmem:s2] =	stream.indirect.scatter.add.f32 [tilespmem:s9], [sflag:$0x2], $0x40, s15, s8, $0xb8;
	[tilespmem:$0x14800] =	vst v63  }
0x1f1: {  	_ =	swait.ge [sflag:s5], $0x4000  }
0x1f2: {  	[sflag:s5] =	ssyncset.done $0x0  }
0x1f3: {  	[sflag:s5] =	ssyncadd.s32 $0xFFFFC000  }
0x1f4: {  	_ =	swait.ge [sflag:s7], $0x4000  }
0x1f5: {  	[sflag:s7] =	ssyncset.done $0x0  }
0x1f6: {  	[sflag:s7] =	ssyncadd.s32 $0xFFFFC000  }
0x1f7: {  	[tilespmem:s9], [sflag:$0x1] =	stream.indirect.gather [hbm4b:s3+s8], $0x40, s26, s8, $0xb8;
	[tilespmem:$0x14800] =	vst v63  }
0x1f8: {  	s31 =	simm.s32 $0x1B00  }
0x1f9: {  	[spmem:s2] =	stream.indirect.scatter.add.f32 [tilespmem:s10], [sflag:$0x2], $0x40, s31, s8, $0xb8;
	[tilespmem:$0x14800] =	vst v63  }
0x1fa: {  	_ =	swait.ge [sflag:s5], $0x4000  }
0x1fb: {  	[sflag:s5] =	ssyncset.done $0x0  }
0x1fc: {  	[sflag:s5] =	ssyncadd.s32 $0xFFFFC000  }
0x1fd: {  	_ =	swait.ge [sflag:s7], $0x4000  }
0x1fe: {  	[sflag:s7] =	ssyncset.done $0x0  }
0x1ff: {  	[sflag:s7] =	ssyncadd.s32 $0xFFFFC000  }
0x200: {  	[tilespmem:s10], [sflag:$0x1] =	stream.indirect.gather [hbm4b:s3+s8], $0x40, s24, s8, $0xb8;
	[tilespmem:$0x14800] =	vst v63  }
0x201: {  	_ = 	snop  }
0x202: {  	[spmem:s2] =	stream.indirect.scatter.add.f32 [tilespmem:s9], [sflag:$0x2], $0x40, s29, s8, $0xb8;
	[tilespmem:$0x14800] =	vst v63  }
0x203: {  	_ =	swait.ge [sflag:s5], $0x4000  }
0x204: {  	[sflag:s5] =	ssyncset.done $0x0  }
0x205: {  	[sflag:s5] =	ssyncadd.s32 $0xFFFFC000  }
0x206: {  	_ =	swait.ge [sflag:s7], $0x4000  }
0x207: {  	[sflag:s7] =	ssyncset.done $0x0  }
0x208: {  	[sflag:s7] =	ssyncadd.s32 $0xFFFFC000  }
0x209: {  	[tilespmem:s9], [sflag:$0x1] =	stream.indirect.gather [hbm4b:s3+s8], $0x40, s22, s8, $0xb8;
	[tilespmem:$0x14800] =	vst v63  }
0x20a: {  	_ = 	snop  }
0x20b: {  	[spmem:s2] =	stream.indirect.scatter.add.f32 [tilespmem:s10], [sflag:$0x2], $0x40, s13, s8, $0xb8;
	[tilespmem:$0x14800] =	vst v63  }
0x20c: {  	_ =	swait.ge [sflag:s5], $0x4000  }
0x20d: {  	[sflag:s5] =	ssyncset.done $0x0  }
0x20e: {  	[sflag:s5] =	ssyncadd.s32 $0xFFFFC000  }
0x20f: {  	_ =	swait.ge [sflag:s7], $0x4000  }
0x210: {  	[sflag:s7] =	ssyncset.done $0x0  }
0x211: {  	s6 =	simm.s32 $0xB00;
	[sflag:s7] =	ssyncadd.s32 $0xFFFFC000  }
0x212: {  	[tilespmem:s10], [sflag:$0x1] =	stream.indirect.gather [hbm4b:s3+s8], $0x40, s6, s8, $0xb8;
	[tilespmem:$0x14800] =	vst v63  }
0x213: {  	s11 =	simm.s32 $0x1E00  }
0x214: {  	[spmem:s2] =	stream.indirect.scatter.add.f32 [tilespmem:s9], [sflag:$0x2], $0x40, s11, s8, $0xb8;
	[tilespmem:$0x14800] =	vst v63  }
0x215: {  	_ =	swait.ge [sflag:s5], $0x4000  }
0x216: {  	[sflag:s5] =	ssyncset.done $0x0  }
0x217: {  	[sflag:s5] =	ssyncadd.s32 $0xFFFFC000  }
0x218: {  	_ =	swait.ge [sflag:s7], $0x4000  }
0x219: {  	[sflag:s7] =	ssyncset.done $0x0  }
0x21a: {  	s31 =	simm.s32 $0xC00;
	[sflag:s7] =	ssyncadd.s32 $0xFFFFC000  }
0x21b: {  	[tilespmem:s9], [sflag:$0x1] =	stream.indirect.gather [hbm4b:s3+s8], $0x40, s31, s8, $0xb8;
	[tilespmem:$0x14800] =	vst v63  }
0x21c: {  	s6 =	simm.s32 $0x1F00  }
0x21d: {  	[spmem:s2] =	stream.indirect.scatter.add.f32 [tilespmem:s10], [sflag:$0x2], $0x40, s6, s8, $0xb8;
	[tilespmem:$0x14800] =	vst v63  }
0x21e: {  	_ =	swait.ge [sflag:s5], $0x4000  }
0x21f: {  	[sflag:s5] =	ssyncset.done $0x0  }
0x220: {  	[sflag:s5] =	ssyncadd.s32 $0xFFFFC000  }
0x221: {  	_ =	swait.ge [sflag:s7], $0x4000  }
0x222: {  	[sflag:s7] =	ssyncset.done $0x0  }
0x223: {  	s11 =	simm.s32 $0xD00;
	[sflag:s7] =	ssyncadd.s32 $0xFFFFC000  }
0x224: {  	[tilespmem:s10], [sflag:$0x1] =	stream.indirect.gather [hbm4b:s3+s8], $0x40, s11, s8, $0xb8;
	[tilespmem:$0x14800] =	vst v63  }
0x225: {  	s31 =	simm.s32 $0x2000  }
0x226: {  	[spmem:s2] =	stream.indirect.scatter.add.f32 [tilespmem:s9], [sflag:$0x2], $0x40, s31, s8, $0xb8;
	[tilespmem:$0x14800] =	vst v63  }
0x227: {  	_ =	swait.ge [sflag:s5], $0x4000  }
0x228: {  	[sflag:s5] =	ssyncset.done $0x0  }
0x229: {  	[sflag:s5] =	ssyncadd.s32 $0xFFFFC000  }
0x22a: {  	_ =	swait.ge [sflag:s7], $0x4000  }
0x22b: {  	[sflag:s7] =	ssyncset.done $0x0  }
0x22c: {  	s6 =	simm.s32 $0xE00;
	[sflag:s7] =	ssyncadd.s32 $0xFFFFC000  }
0x22d: {  	[tilespmem:s9], [sflag:$0x1] =	stream.indirect.gather [hbm4b:s3+s8], $0x40, s6, s8, $0xb8;
	[tilespmem:$0x14800] =	vst v63  }
0x22e: {  	s11 =	simm.s32 $0x2100  }
0x22f: {  	[spmem:s2] =	stream.indirect.scatter.add.f32 [tilespmem:s10], [sflag:$0x2], $0x40, s11, s8, $0xb8;
	[tilespmem:$0x14800] =	vst v63  }
0x230: {  	_ =	swait.ge [sflag:s5], $0x4000  }
0x231: {  	[sflag:s5] =	ssyncset.done $0x0  }
0x232: {  	[sflag:s5] =	ssyncadd.s32 $0xFFFFC000  }
0x233: {  	_ =	swait.ge [sflag:s7], $0x4000  }
0x234: {  	[sflag:s7] =	ssyncset.done $0x0  }
0x235: {  	s11 =	simm.s32 $0xF00;
	[sflag:s7] =	ssyncadd.s32 $0xFFFFC000  }
0x236: {  	[tilespmem:s10], [sflag:$0x1] =	stream.indirect.gather [hbm4b:s3+s8], $0x40, s11, s8, $0xb8;
	[tilespmem:$0x14800] =	vst v63  }
0x237: {  	s31 =	simm.s32 $0x2200  }
0x238: {  	[spmem:s2] =	stream.indirect.scatter.add.f32 [tilespmem:s9], [sflag:$0x2], $0x40, s31, s8, $0xb8;
	[tilespmem:$0x14800] =	vst v63  }
0x239: {  	_ =	swait.ge [sflag:s5], $0x4000  }
0x23a: {  	[sflag:s5] =	ssyncset.done $0x0  }
0x23b: {  	[sflag:s5] =	ssyncadd.s32 $0xFFFFC000  }
0x23c: {  	_ =	swait.ge [sflag:s7], $0x4000  }
0x23d: {  	[sflag:s7] =	ssyncset.done $0x0  }
0x23e: {  	s31 =	simm.s32 $0x1000;
	[sflag:s7] =	ssyncadd.s32 $0xFFFFC000  }
0x23f: {  	[tilespmem:s9], [sflag:$0x1] =	stream.indirect.gather [hbm4b:s3+s8], $0x40, s31, s8, $0xb8;
	[tilespmem:$0x14800] =	vst v63  }
0x240: {  	s31 =	simm.s32 $0x2300  }
0x241: {  	[spmem:s2] =	stream.indirect.scatter.add.f32 [tilespmem:s10], [sflag:$0x2], $0x40, s31, s8, $0xb8;
	[tilespmem:$0x14800] =	vst v63  }
0x242: {  	_ =	swait.ge [sflag:s5], $0x4000  }
0x243: {  	[sflag:s5] =	ssyncset.done $0x0  }
0x244: {  	[sflag:s5] =	ssyncadd.s32 $0xFFFFC000  }
0x245: {  	_ =	swait.ge [sflag:s7], $0x4000  }
0x246: {  	[sflag:s7] =	ssyncset.done $0x0  }
0x247: {  	s6 =	simm.s32 $0x1100;
	[sflag:s7] =	ssyncadd.s32 $0xFFFFC000  }
0x248: {  	[tilespmem:s10], [sflag:$0x1] =	stream.indirect.gather [hbm4b:s3+s8], $0x40, s6, s8, $0xb8;
	[tilespmem:$0x14800] =	vst v63  }
0x249: {  	s6 =	simm.s32 $0x2400  }
0x24a: {  	[spmem:s2] =	stream.indirect.scatter.add.f32 [tilespmem:s9], [sflag:$0x2], $0x40, s6, s8, $0xb8;
	[tilespmem:$0x14800] =	vst v63  }
0x24b: {  	_ =	swait.ge [sflag:s5], $0x4000  }
0x24c: {  	[sflag:s5] =	ssyncset.done $0x0  }
0x24d: {  	[sflag:s5] =	ssyncadd.s32 $0xFFFFC000  }
0x24e: {  	_ =	swait.ge [sflag:s7], $0x4000  }
0x24f: {  	[sflag:s7] =	ssyncset.done $0x0  }
0x250: {  	s31 =	simm.s32 $0x1200;
	[sflag:s7] =	ssyncadd.s32 $0xFFFFC000  }
0x251: {  	[tilespmem:s9], [sflag:$0x1] =	stream.indirect.gather [hbm4b:s3+s8], $0x40, s31, s8, $0xb8;
	[tilespmem:$0x14800] =	vst v63  }
0x252: {  	s6 =	simm.s32 $0x2500  }
0x253: {  	[spmem:s2] =	stream.indirect.scatter.add.f32 [tilespmem:s10], [sflag:$0x2], $0x40, s6, s8, $0xb8;
	[tilespmem:$0x14800] =	vst v63  }
0x254: {  	_ =	swait.ge [sflag:s5], $0x4000  }
0x255: {  	[sflag:s5] =	ssyncset.done $0x0  }
0x256: {  	[sflag:s5] =	ssyncadd.s32 $0xFFFFC000  }
0x257: {  	_ =	swait.ge [sflag:s7], $0x4000  }
0x258: {  	[sflag:s7] =	ssyncset.done $0x0  }
0x259: {  	s0 =	simm.s32 $0x1300;
	[sflag:s7] =	ssyncadd.s32 $0xFFFFC000  }
0x25a: {  	[tilespmem:s10], [sflag:$0x1] =	stream.indirect.gather [hbm4b:s3+s8], $0x40, s0, s8, $0xb8;
	[tilespmem:$0x14800] =	vst v63  }
0x25b: {  	s6 =	simm.s32 $0x2600  }
0x25c: {  	[spmem:s2] =	stream.indirect.scatter.add.f32 [tilespmem:s9], [sflag:$0x2], $0x40, s6, s8, $0xb8;
	[tilespmem:$0x14800] =	vst v63  }
0x25d: {  	_ =	swait.ge [sflag:s5], $0x4000  }
0x25e: {  	[sflag:s5] =	ssyncset.done $0x0  }
0x25f: {  	[sflag:s5] =	ssyncadd.s32 $0xFFFFC000  }
0x260: {  	_ =	swait.ge [sflag:s7], $0x4000  }
0x261: {  	[sflag:s7] =	ssyncset.done $0x0  }
0x262: {  	[sflag:s7] =	ssyncadd.s32 $0xFFFFC000  }
0x263: {  	[tilespmem:s9], [sflag:$0x1] =	stream.indirect.gather [hbm4b:s3+s8], $0x40, s0, s8, $0xb8;
	[tilespmem:$0x14800] =	vst v63  }
0x264: {  	s6 =	simm.s32 $0x2700  }
0x265: {  	[spmem:s2] =	stream.indirect.scatter.add.f32 [tilespmem:s10], [sflag:$0x2], $0x40, s6, s8, $0xb8;
	[tilespmem:$0x14800] =	vst v63  }
0x266: {  	_ =	swait.ge [sflag:s5], $0x4000  }
0x267: {  	[sflag:s5] =	ssyncset.done $0x0  }
0x268: {  	[sflag:s5] =	ssyncadd.s32 $0xFFFFC000  }
0x269: {  	_ =	swait.ge [sflag:s7], $0x4000  }
0x26a: {  	[sflag:s7] =	ssyncset.done $0x0  }
0x26b: {  	s6 =	rddreg [dreg:$0x6];
	[sflag:s7] =	ssyncadd.s32 $0xFFFFC000  }
0x26c: {  	[tilespmem:s1], [sflag:$0x2] =	stream.linear.gather [hbm4b:s6+s1], $0x1400, $0x38;
	[tilespmem:$0x14800] =	vst v63  }
0x26d: {  	_ =	swait.ge [sflag:s5], $0x1400  }
0x26e: {  	[sflag:s5] =	ssyncset.done $0x0  }
0x26f: {  	s6 =	rddreg [dreg:$0x7];
	[sflag:s5] =	ssyncadd.s32 $0xFFFFEC00  }
0x270: {  	[tilespmem:s4], [sflag:$0x2] =	stream.linear.gather [hbm4b:s6+s1], $0x1400, $0x38;
	[tilespmem:$0x14800] =	vst v63  }
0x271: {  	_ =	swait.ge [sflag:s5], $0x1400  }
0x272: {  	[sflag:s5] =	ssyncset.done $0x0  }
0x273: {  	[sflag:s5] =	ssyncadd.s32 $0xFFFFEC00  }
0x274: {  	[tilespmem:s9], [sflag:$0x1] =	stream.indirect.gather [hbm4b:s3+s8], $0x40, s1, s8, $0xb8;
	[tilespmem:$0x14800] =	vst v63  }
0x275: {  	_ =	swait.ge [sflag:s7], $0x4000  }
0x276: {  	[sflag:s7] =	ssyncset.done $0x0  }
0x277: {  	[sflag:s7] =	ssyncadd.s32 $0xFFFFC000  }
0x278: {  	[tilespmem:s10], [sflag:$0x1] =	stream.indirect.gather [hbm4b:s3+s8], $0x40, s8, s8, $0xb8;
	[tilespmem:$0x14800] =	vst v63  }
0x279: {  	_ = 	snop  }
0x27a: {  	[spmem:s2] =	stream.indirect.scatter.add.f32 [tilespmem:s9], [sflag:$0x2], $0x40, s4, s8, $0xb8;
	[tilespmem:$0x14800] =	vst v63  }
0x27b: {  	_ =	swait.ge [sflag:s5], $0x4000  }
0x27c: {  	[sflag:s5] =	ssyncset.done $0x0  }
0x27d: {  	[sflag:s5] =	ssyncadd.s32 $0xFFFFC000  }
0x27e: {  	_ =	swait.ge [sflag:s7], $0x4000  }
0x27f: {  	[sflag:s7] =	ssyncset.done $0x0  }
0x280: {  	[sflag:s7] =	ssyncadd.s32 $0xFFFFC000  }
0x281: {  	[tilespmem:s9], [sflag:$0x1] =	stream.indirect.gather [hbm4b:s3+s8], $0x40, s14, s8, $0xb8;
	[tilespmem:$0x14800] =	vst v63  }
0x282: {  	_ = 	snop  }
0x283: {  	[spmem:s2] =	stream.indirect.scatter.add.f32 [tilespmem:s10], [sflag:$0x2], $0x40, s20, s8, $0xb8;
	[tilespmem:$0x14800] =	vst v63  }
0x284: {  	_ =	swait.ge [sflag:s5], $0x4000  }
0x285: {  	[sflag:s5] =	ssyncset.done $0x0  }
0x286: {  	[sflag:s5] =	ssyncadd.s32 $0xFFFFC000  }
0x287: {  	_ =	swait.ge [sflag:s7], $0x4000  }
0x288: {  	[sflag:s7] =	ssyncset.done $0x0  }
0x289: {  	[sflag:s7] =	ssyncadd.s32 $0xFFFFC000  }
0x28a: {  	[tilespmem:s10], [sflag:$0x1] =	stream.indirect.gather [hbm4b:s3+s8], $0x40, s12, s8, $0xb8;
	[tilespmem:$0x14800] =	vst v63  }
0x28b: {  	_ = 	snop  }
0x28c: {  	[spmem:s2] =	stream.indirect.scatter.add.f32 [tilespmem:s9], [sflag:$0x2], $0x40, s19, s8, $0xb8;
	[tilespmem:$0x14800] =	vst v63  }
0x28d: {  	_ =	swait.ge [sflag:s5], $0x4000  }
0x28e: {  	[sflag:s5] =	ssyncset.done $0x0  }
0x28f: {  	[sflag:s5] =	ssyncadd.s32 $0xFFFFC000  }
0x290: {  	_ =	swait.ge [sflag:s7], $0x4000  }
0x291: {  	[sflag:s7] =	ssyncset.done $0x0  }
0x292: {  	[sflag:s7] =	ssyncadd.s32 $0xFFFFC000  }
0x293: {  	[tilespmem:s9], [sflag:$0x1] =	stream.indirect.gather [hbm4b:s3+s8], $0x40, s28, s8, $0xb8;
	[tilespmem:$0x14800] =	vst v63  }
0x294: {  	_ = 	snop  }
0x295: {  	[spmem:s2] =	stream.indirect.scatter.add.f32 [tilespmem:s10], [sflag:$0x2], $0x40, s18, s8, $0xb8;
	[tilespmem:$0x14800] =	vst v63  }
0x296: {  	_ =	swait.ge [sflag:s5], $0x4000  }
0x297: {  	[sflag:s5] =	ssyncset.done $0x0  }
0x298: {  	[sflag:s5] =	ssyncadd.s32 $0xFFFFC000  }
0x299: {  	_ =	swait.ge [sflag:s7], $0x4000  }
0x29a: {  	[sflag:s7] =	ssyncset.done $0x0  }
0x29b: {  	[sflag:s7] =	ssyncadd.s32 $0xFFFFC000  }
0x29c: {  	[tilespmem:s10], [sflag:$0x1] =	stream.indirect.gather [hbm4b:s3+s8], $0x40, s25, s8, $0xb8;
	[tilespmem:$0x14800] =	vst v63  }
0x29d: {  	_ = 	snop  }
0x29e: {  	[spmem:s2] =	stream.indirect.scatter.add.f32 [tilespmem:s9], [sflag:$0x2], $0x40, s17, s8, $0xb8;
	[tilespmem:$0x14800] =	vst v63  }
0x29f: {  	_ =	swait.ge [sflag:s5], $0x4000  }
0x2a0: {  	[sflag:s5] =	ssyncset.done $0x0  }
0x2a1: {  	[sflag:s5] =	ssyncadd.s32 $0xFFFFC000  }
0x2a2: {  	_ =	swait.ge [sflag:s7], $0x4000  }
0x2a3: {  	[sflag:s7] =	ssyncset.done $0x0  }
0x2a4: {  	[sflag:s7] =	ssyncadd.s32 $0xFFFFC000  }
0x2a5: {  	[tilespmem:s9], [sflag:$0x1] =	stream.indirect.gather [hbm4b:s3+s8], $0x40, s23, s8, $0xb8;
	[tilespmem:$0x14800] =	vst v63  }
0x2a6: {  	_ = 	snop  }
0x2a7: {  	[spmem:s2] =	stream.indirect.scatter.add.f32 [tilespmem:s10], [sflag:$0x2], $0x40, s16, s8, $0xb8;
	[tilespmem:$0x14800] =	vst v63  }
0x2a8: {  	_ =	swait.ge [sflag:s5], $0x4000  }
0x2a9: {  	[sflag:s5] =	ssyncset.done $0x0  }
0x2aa: {  	[sflag:s5] =	ssyncadd.s32 $0xFFFFC000  }
0x2ab: {  	_ =	swait.ge [sflag:s7], $0x4000  }
0x2ac: {  	[sflag:s7] =	ssyncset.done $0x0  }
0x2ad: {  	[sflag:s7] =	ssyncadd.s32 $0xFFFFC000  }
0x2ae: {  	[tilespmem:s10], [sflag:$0x1] =	stream.indirect.gather [hbm4b:s3+s8], $0x40, s21, s8, $0xb8;
	[tilespmem:$0x14800] =	vst v63  }
0x2af: {  	_ = 	snop  }
0x2b0: {  	[spmem:s2] =	stream.indirect.scatter.add.f32 [tilespmem:s9], [sflag:$0x2], $0x40, s15, s8, $0xb8;
	[tilespmem:$0x14800] =	vst v63  }
0x2b1: {  	_ =	swait.ge [sflag:s5], $0x4000  }
0x2b2: {  	[sflag:s5] =	ssyncset.done $0x0  }
0x2b3: {  	[sflag:s5] =	ssyncadd.s32 $0xFFFFC000  }
0x2b4: {  	_ =	swait.ge [sflag:s7], $0x4000  }
0x2b5: {  	[sflag:s7] =	ssyncset.done $0x0  }
0x2b6: {  	[sflag:s7] =	ssyncadd.s32 $0xFFFFC000  }
0x2b7: {  	[tilespmem:s9], [sflag:$0x1] =	stream.indirect.gather [hbm4b:s3+s8], $0x40, s26, s8, $0xb8;
	[tilespmem:$0x14800] =	vst v63  }
0x2b8: {  	s6 =	simm.s32 $0x1B00  }
0x2b9: {  	[spmem:s2] =	stream.indirect.scatter.add.f32 [tilespmem:s10], [sflag:$0x2], $0x40, s6, s8, $0xb8;
	[tilespmem:$0x14800] =	vst v63  }
0x2ba: {  	_ =	swait.ge [sflag:s5], $0x4000  }
0x2bb: {  	[sflag:s5] =	ssyncset.done $0x0  }
0x2bc: {  	[sflag:s5] =	ssyncadd.s32 $0xFFFFC000  }
0x2bd: {  	_ =	swait.ge [sflag:s7], $0x4000  }
0x2be: {  	[sflag:s7] =	ssyncset.done $0x0  }
0x2bf: {  	[sflag:s7] =	ssyncadd.s32 $0xFFFFC000  }
0x2c0: {  	[tilespmem:s10], [sflag:$0x1] =	stream.indirect.gather [hbm4b:s3+s8], $0x40, s24, s8, $0xb8;
	[tilespmem:$0x14800] =	vst v63  }
0x2c1: {  	_ = 	snop  }
0x2c2: {  	[spmem:s2] =	stream.indirect.scatter.add.f32 [tilespmem:s9], [sflag:$0x2], $0x40, s29, s8, $0xb8;
	[tilespmem:$0x14800] =	vst v63  }
0x2c3: {  	_ =	swait.ge [sflag:s5], $0x4000  }
0x2c4: {  	[sflag:s5] =	ssyncset.done $0x0  }
0x2c5: {  	[sflag:s5] =	ssyncadd.s32 $0xFFFFC000  }
0x2c6: {  	_ =	swait.ge [sflag:s7], $0x4000  }
0x2c7: {  	[sflag:s7] =	ssyncset.done $0x0  }
0x2c8: {  	[sflag:s7] =	ssyncadd.s32 $0xFFFFC000  }
0x2c9: {  	[tilespmem:s9], [sflag:$0x1] =	stream.indirect.gather [hbm4b:s3+s8], $0x40, s22, s8, $0xb8;
	[tilespmem:$0x14800] =	vst v63  }
0x2ca: {  	_ = 	snop  }
0x2cb: {  	[spmem:s2] =	stream.indirect.scatter.add.f32 [tilespmem:s10], [sflag:$0x2], $0x40, s13, s8, $0xb8;
	[tilespmem:$0x14800] =	vst v63  }
0x2cc: {  	_ =	swait.ge [sflag:s5], $0x4000  }
0x2cd: {  	[sflag:s5] =	ssyncset.done $0x0  }
0x2ce: {  	[sflag:s5] =	ssyncadd.s32 $0xFFFFC000  }
0x2cf: {  	_ =	swait.ge [sflag:s7], $0x4000  }
0x2d0: {  	[sflag:s7] =	ssyncset.done $0x0  }
0x2d1: {  	s4 =	simm.s32 $0xB00;
	[sflag:s7] =	ssyncadd.s32 $0xFFFFC000  }
0x2d2: {  	[tilespmem:s10], [sflag:$0x1] =	stream.indirect.gather [hbm4b:s3+s8], $0x40, s4, s8, $0xb8;
	[tilespmem:$0x14800] =	vst v63  }
0x2d3: {  	s6 =	simm.s32 $0x1E00  }
0x2d4: {  	[spmem:s2] =	stream.indirect.scatter.add.f32 [tilespmem:s9], [sflag:$0x2], $0x40, s6, s8, $0xb8;
	[tilespmem:$0x14800] =	vst v63  }
0x2d5: {  	_ =	swait.ge [sflag:s5], $0x4000  }
0x2d6: {  	[sflag:s5] =	ssyncset.done $0x0  }
0x2d7: {  	[sflag:s5] =	ssyncadd.s32 $0xFFFFC000  }
0x2d8: {  	_ =	swait.ge [sflag:s7], $0x4000  }
0x2d9: {  	[sflag:s7] =	ssyncset.done $0x0  }
0x2da: {  	s4 =	simm.s32 $0xC00;
	[sflag:s7] =	ssyncadd.s32 $0xFFFFC000  }
0x2db: {  	[tilespmem:s9], [sflag:$0x1] =	stream.indirect.gather [hbm4b:s3+s8], $0x40, s4, s8, $0xb8;
	[tilespmem:$0x14800] =	vst v63  }
0x2dc: {  	s6 =	simm.s32 $0x1F00  }
0x2dd: {  	[spmem:s2] =	stream.indirect.scatter.add.f32 [tilespmem:s10], [sflag:$0x2], $0x40, s6, s8, $0xb8;
	[tilespmem:$0x14800] =	vst v63  }
0x2de: {  	_ =	swait.ge [sflag:s5], $0x4000  }
0x2df: {  	[sflag:s5] =	ssyncset.done $0x0  }
0x2e0: {  	[sflag:s5] =	ssyncadd.s32 $0xFFFFC000  }
0x2e1: {  	_ =	swait.ge [sflag:s7], $0x4000  }
0x2e2: {  	[sflag:s7] =	ssyncset.done $0x0  }
0x2e3: {  	s4 =	simm.s32 $0xD00;
	[sflag:s7] =	ssyncadd.s32 $0xFFFFC000  }
0x2e4: {  	[tilespmem:s10], [sflag:$0x1] =	stream.indirect.gather [hbm4b:s3+s8], $0x40, s4, s8, $0xb8;
	[tilespmem:$0x14800] =	vst v63  }
0x2e5: {  	s6 =	simm.s32 $0x2000  }
0x2e6: {  	[spmem:s2] =	stream.indirect.scatter.add.f32 [tilespmem:s9], [sflag:$0x2], $0x40, s6, s8, $0xb8;
	[tilespmem:$0x14800] =	vst v63  }
0x2e7: {  	_ =	swait.ge [sflag:s5], $0x4000  }
0x2e8: {  	[sflag:s5] =	ssyncset.done $0x0  }
0x2e9: {  	[sflag:s5] =	ssyncadd.s32 $0xFFFFC000  }
0x2ea: {  	_ =	swait.ge [sflag:s7], $0x4000  }
0x2eb: {  	[sflag:s7] =	ssyncset.done $0x0  }
0x2ec: {  	s4 =	simm.s32 $0xE00;
	[sflag:s7] =	ssyncadd.s32 $0xFFFFC000  }
0x2ed: {  	[tilespmem:s9], [sflag:$0x1] =	stream.indirect.gather [hbm4b:s3+s8], $0x40, s4, s8, $0xb8;
	[tilespmem:$0x14800] =	vst v63  }
0x2ee: {  	s6 =	simm.s32 $0x2100  }
0x2ef: {  	[spmem:s2] =	stream.indirect.scatter.add.f32 [tilespmem:s10], [sflag:$0x2], $0x40, s6, s8, $0xb8;
	[tilespmem:$0x14800] =	vst v63  }
0x2f0: {  	_ =	swait.ge [sflag:s5], $0x4000  }
0x2f1: {  	[sflag:s5] =	ssyncset.done $0x0  }
0x2f2: {  	[sflag:s5] =	ssyncadd.s32 $0xFFFFC000  }
0x2f3: {  	_ =	swait.ge [sflag:s7], $0x4000  }
0x2f4: {  	[sflag:s7] =	ssyncset.done $0x0  }
0x2f5: {  	[sflag:s7] =	ssyncadd.s32 $0xFFFFC000  }
0x2f6: {  	[tilespmem:s10], [sflag:$0x1] =	stream.indirect.gather [hbm4b:s3+s8], $0x40, s11, s8, $0xb8;
	[tilespmem:$0x14800] =	vst v63  }
0x2f7: {  	s4 =	simm.s32 $0x2200  }
0x2f8: {  	[spmem:s2] =	stream.indirect.scatter.add.f32 [tilespmem:s9], [sflag:$0x2], $0x40, s4, s8, $0xb8;
	[tilespmem:$0x14800] =	vst v63  }
0x2f9: {  	_ =	swait.ge [sflag:s5], $0x4000  }
0x2fa: {  	[sflag:s5] =	ssyncset.done $0x0  }
0x2fb: {  	[sflag:s5] =	ssyncadd.s32 $0xFFFFC000  }
0x2fc: {  	_ =	swait.ge [sflag:s7], $0x4000  }
0x2fd: {  	[sflag:s7] =	ssyncset.done $0x0  }
0x2fe: {  	s6 =	simm.s32 $0x1000;
	[sflag:s7] =	ssyncadd.s32 $0xFFFFC000  }
0x2ff: {  	[tilespmem:s9], [sflag:$0x1] =	stream.indirect.gather [hbm4b:s3+s8], $0x40, s6, s8, $0xb8;
	[tilespmem:$0x14800] =	vst v63  }
0x300: {  	s4 =	simm.s32 $0x2300  }
0x301: {  	[spmem:s2] =	stream.indirect.scatter.add.f32 [tilespmem:s10], [sflag:$0x2], $0x40, s4, s8, $0xb8;
	[tilespmem:$0x14800] =	vst v63  }
0x302: {  	s6 =	rddreg [dreg:$0xa];
	_ =	swait.ge [sflag:s5], $0x4000  }
0x303: {  	[sflag:s5] =	ssyncset.done $0x0  }
0x304: {  	[sflag:s5] =	ssyncadd.s32 $0xFFFFC000  }
0x305: {  	_ =	swait.ge [sflag:s7], $0x4000  }
0x306: {  	[sflag:s7] =	ssyncset.done $0x0  }
0x307: {  	s4 =	simm.s32 $0x1100;
	[sflag:s7] =	ssyncadd.s32 $0xFFFFC000  }
0x308: {  	[tilespmem:s10], [sflag:$0x1] =	stream.indirect.gather [hbm4b:s3+s8], $0x40, s4, s8, $0xb8;
	[tilespmem:$0x14800] =	vst v63  }
0x309: {  	s0 =	simm.s32 $0x2400  }
0x30a: {  	[spmem:s2] =	stream.indirect.scatter.add.f32 [tilespmem:s9], [sflag:$0x2], $0x40, s0, s8, $0xb8;
	[tilespmem:$0x14800] =	vst v63  }
0x30b: {  	s4 =	rddreg [dreg:$0x9];
	_ =	swait.ge [sflag:s5], $0x4000  }
0x30c: {  	[sflag:s5] =	ssyncset.done $0x0  }
0x30d: {  	[sflag:s5] =	ssyncadd.s32 $0xFFFFC000  }
0x30e: {  	_ =	swait.ge [sflag:s7], $0x4000  }
0x30f: {  	[sflag:s7] =	ssyncset.done $0x0  }
0x310: {  	[sflag:s7] =	ssyncadd.s32 $0xFFFFC000  }
0x311: {  	[tilespmem:s9], [sflag:$0x1] =	stream.indirect.gather [hbm4b:s3+s8], $0x40, s31, s8, $0xb8;
	[tilespmem:$0x14800] =	vst v63  }
0x312: {  	s31 =	simm.s32 $0x2500  }
0x313: {  	[spmem:s2] =	stream.indirect.scatter.add.f32 [tilespmem:s10], [sflag:$0x2], $0x40, s31, s8, $0xb8;
	[tilespmem:$0x14800] =	vst v63  }
0x314: {  	_ =	swait.ge [sflag:s5], $0x4000  }
0x315: {  	[sflag:s5] =	ssyncset.done $0x0  }
0x316: {  	[sflag:s5] =	ssyncadd.s32 $0xFFFFC000  }
0x317: {  	_ =	swait.ge [sflag:s7], $0x4000  }
0x318: {  	[sflag:s7] =	ssyncset.done $0x0  }
0x319: {  	s11 =	simm.s32 $0x1300;
	[sflag:s7] =	ssyncadd.s32 $0xFFFFC000  }
0x31a: {  	[tilespmem:s10], [sflag:$0x1] =	stream.indirect.gather [hbm4b:s3+s8], $0x40, s11, s8, $0xb8;
	[tilespmem:$0x14800] =	vst v63  }
0x31b: {  	s31 =	simm.s32 $0x2600  }
0x31c: {  	[spmem:s2] =	stream.indirect.scatter.add.f32 [tilespmem:s9], [sflag:$0x2], $0x40, s31, s8, $0xb8;
	[tilespmem:$0x14800] =	vst v63  }
0x31d: {  	_ =	swait.ge [sflag:s5], $0x4000  }
0x31e: {  	[sflag:s5] =	ssyncset.done $0x0  }
0x31f: {  	[sflag:s5] =	ssyncadd.s32 $0xFFFFC000  }
0x320: {  	_ =	swait.ge [sflag:s7], $0x4000  }
0x321: {  	[sflag:s7] =	ssyncset.done $0x0  }
0x322: {  	[sflag:s7] =	ssyncadd.s32 $0xFFFFC000  }
0x323: {  	[tilespmem:s9], [sflag:$0x1] =	stream.indirect.gather [hbm4b:s3+s8], $0x40, s11, s8, $0xb8;
	[tilespmem:$0x14800] =	vst v63  }
0x324: {  	s31 =	simm.s32 $0x2700  }
0x325: {  	[spmem:s2] =	stream.indirect.scatter.add.f32 [tilespmem:s10], [sflag:$0x2], $0x40, s31, s8, $0xb8;
	[tilespmem:$0x14800] =	vst v63  }
0x326: {  	_ =	swait.ge [sflag:s5], $0x4000  }
0x327: {  	[sflag:s5] =	ssyncset.done $0x0  }
0x328: {  	[sflag:s5] =	ssyncadd.s32 $0xFFFFC000  }
0x329: {  	_ =	swait.ge [sflag:s7], $0x4000  }
0x32a: {  	[sflag:s7] =	ssyncset.done $0x0  }
0x32b: {  	p1 =	sne.s32 s30, $0x1;
	[sflag:s7] =	ssyncadd.s32 $0xFFFFC000  }
.Ltmp2:
0x32c: {  	[bflag:$0x0] =	sbarrier.arrive $0xFFFF;
	(pc) =	sbr.rel @p1 .LBB2_3-.Ltmp2, $4  }
0x32d: {  	s31 =	rddreg [dreg:$0x8]  }
0x32e: {  	[hbm:s31], [sflag:s4] =	dma.local [spmem:s6], $0x1400  }
0x32f: {  	_ =	swait.ge [sflag:s5], $0x1400  }
0x330: {  	s30 =	sadd.s32 $0xFFFFFFFF, s30;
	s0 =	rddreg [dreg:$0x3];
	[sflag:s5] =	ssyncset.done $0x0  }
0x331: {  	s29 =	simm.s32 $0x1400;
	s13 =	simm.s32 $0x0  }
.LBB2_5:
0x332: {  	[sflag:s5] =	ssyncadd.s32 @p0 $0xFFFFEC00  }
0x333: {  	[spmem:s6], [sflag:s4] =	dma.local [hbm:s0], $0x1400  }
0x334: {  	_ =	swait.ge [sflag:s5], $0x1400  }
0x335: {  	[sflag:s5] =	ssyncset.done $0x0  }
0x336: {  	[sflag:s5] =	ssyncadd.s32 $0xFFFFEC00  }
0x337: {  	[bflag:$0x0] =	sbarrier.arrive $0xFFFF  }
0x338: {  	s1 =	rddreg [dreg:$0x4]  }
0x339: {  	[tilespmem:s13], [sflag:$0x2] =	stream.linear.gather [hbm4b:s1+s13], $0x1400, $0x38;
	[tilespmem:$0x14800] =	vst v63  }
0x33a: {  	_ =	swait.ge [sflag:s5], $0x1400  }
0x33b: {  	[sflag:s5] =	ssyncset.done $0x0  }
0x33c: {  	s12 =	rddreg [dreg:$0x5];
	[sflag:s5] =	ssyncadd.s32 $0xFFFFEC00  }
0x33d: {  	[tilespmem:s29], [sflag:$0x2] =	stream.linear.gather [hbm4b:s12+s13], $0x1400, $0x38;
	[tilespmem:$0x14800] =	vst v63  }
0x33e: {  	_ =	swait.ge [sflag:s5], $0x1400  }
0x33f: {  	[sflag:s5] =	ssyncset.done $0x0  }
0x340: {  	[sflag:s5] =	ssyncadd.s32 $0xFFFFEC00  }
0x341: {  	[tilespmem:s9], [sflag:$0x1] =	stream.indirect.gather [hbm4b:s3+s8], $0x40, s13, s8, $0xb8;
	[tilespmem:$0x14800] =	vst v63  }
0x342: {  	_ =	swait.ge [sflag:s7], $0x4000  }
0x343: {  	[sflag:s7] =	ssyncset.done $0x0  }
0x344: {  	[sflag:s7] =	ssyncadd.s32 $0xFFFFC000  }
0x345: {  	[tilespmem:s10], [sflag:$0x1] =	stream.indirect.gather [hbm4b:s3+s8], $0x40, s8, s8, $0xb8;
	[tilespmem:$0x14800] =	vst v63  }
0x346: {  	_ = 	snop  }
0x347: {  	[spmem:s2] =	stream.indirect.scatter.add.f32 [tilespmem:s9], [sflag:$0x2], $0x40, s29, s8, $0xb8;
	[tilespmem:$0x14800] =	vst v63  }
0x348: {  	_ =	swait.ge [sflag:s5], $0x4000  }
0x349: {  	[sflag:s5] =	ssyncset.done $0x0  }
0x34a: {  	[sflag:s5] =	ssyncadd.s32 $0xFFFFC000  }
0x34b: {  	_ =	swait.ge [sflag:s7], $0x4000  }
0x34c: {  	[sflag:s7] =	ssyncset.done $0x0  }
0x34d: {  	s1 =	simm.s32 $0x200;
	[sflag:s7] =	ssyncadd.s32 $0xFFFFC000  }
0x34e: {  	[tilespmem:s9], [sflag:$0x1] =	stream.indirect.gather [hbm4b:s3+s8], $0x40, s1, s8, $0xb8;
	[tilespmem:$0x14800] =	vst v63  }
0x34f: {  	s12 =	simm.s32 $0x1500  }
0x350: {  	[spmem:s2] =	stream.indirect.scatter.add.f32 [tilespmem:s10], [sflag:$0x2], $0x40, s12, s8, $0xb8;
	[tilespmem:$0x14800] =	vst v63  }
0x351: {  	_ =	swait.ge [sflag:s5], $0x4000  }
0x352: {  	[sflag:s5] =	ssyncset.done $0x0  }
0x353: {  	[sflag:s5] =	ssyncadd.s32 $0xFFFFC000  }
0x354: {  	_ =	swait.ge [sflag:s7], $0x4000  }
0x355: {  	[sflag:s7] =	ssyncset.done $0x0  }
0x356: {  	s14 =	simm.s32 $0x300;
	[sflag:s7] =	ssyncadd.s32 $0xFFFFC000  }
0x357: {  	[tilespmem:s10], [sflag:$0x1] =	stream.indirect.gather [hbm4b:s3+s8], $0x40, s14, s8, $0xb8;
	[tilespmem:$0x14800] =	vst v63  }
0x358: {  	s15 =	simm.s32 $0x1600  }
0x359: {  	[spmem:s2] =	stream.indirect.scatter.add.f32 [tilespmem:s9], [sflag:$0x2], $0x40, s15, s8, $0xb8;
	[tilespmem:$0x14800] =	vst v63  }
0x35a: {  	_ =	swait.ge [sflag:s5], $0x4000  }
0x35b: {  	[sflag:s5] =	ssyncset.done $0x0  }
0x35c: {  	[sflag:s5] =	ssyncadd.s32 $0xFFFFC000  }
0x35d: {  	_ =	swait.ge [sflag:s7], $0x4000  }
0x35e: {  	[sflag:s7] =	ssyncset.done $0x0  }
0x35f: {  	s16 =	simm.s32 $0x400;
	[sflag:s7] =	ssyncadd.s32 $0xFFFFC000  }
0x360: {  	[tilespmem:s9], [sflag:$0x1] =	stream.indirect.gather [hbm4b:s3+s8], $0x40, s16, s8, $0xb8;
	[tilespmem:$0x14800] =	vst v63  }
0x361: {  	s17 =	simm.s32 $0x1700  }
0x362: {  	[spmem:s2] =	stream.indirect.scatter.add.f32 [tilespmem:s10], [sflag:$0x2], $0x40, s17, s8, $0xb8;
	[tilespmem:$0x14800] =	vst v63  }
0x363: {  	_ =	swait.ge [sflag:s5], $0x4000  }
0x364: {  	[sflag:s5] =	ssyncset.done $0x0  }
0x365: {  	[sflag:s5] =	ssyncadd.s32 $0xFFFFC000  }
0x366: {  	_ =	swait.ge [sflag:s7], $0x4000  }
0x367: {  	[sflag:s7] =	ssyncset.done $0x0  }
0x368: {  	s18 =	simm.s32 $0x500;
	[sflag:s7] =	ssyncadd.s32 $0xFFFFC000  }
0x369: {  	[tilespmem:s10], [sflag:$0x1] =	stream.indirect.gather [hbm4b:s3+s8], $0x40, s18, s8, $0xb8;
	[tilespmem:$0x14800] =	vst v63  }
0x36a: {  	s19 =	simm.s32 $0x1800  }
0x36b: {  	[spmem:s2] =	stream.indirect.scatter.add.f32 [tilespmem:s9], [sflag:$0x2], $0x40, s19, s8, $0xb8;
	[tilespmem:$0x14800] =	vst v63  }
0x36c: {  	_ =	swait.ge [sflag:s5], $0x4000  }
0x36d: {  	[sflag:s5] =	ssyncset.done $0x0  }
0x36e: {  	[sflag:s5] =	ssyncadd.s32 $0xFFFFC000  }
0x36f: {  	_ =	swait.ge [sflag:s7], $0x4000  }
0x370: {  	[sflag:s7] =	ssyncset.done $0x0  }
0x371: {  	s20 =	simm.s32 $0x600;
	[sflag:s7] =	ssyncadd.s32 $0xFFFFC000  }
0x372: {  	[tilespmem:s9], [sflag:$0x1] =	stream.indirect.gather [hbm4b:s3+s8], $0x40, s20, s8, $0xb8;
	[tilespmem:$0x14800] =	vst v63  }
0x373: {  	s21 =	simm.s32 $0x1900  }
0x374: {  	[spmem:s2] =	stream.indirect.scatter.add.f32 [tilespmem:s10], [sflag:$0x2], $0x40, s21, s8, $0xb8;
	[tilespmem:$0x14800] =	vst v63  }
0x375: {  	_ =	swait.ge [sflag:s5], $0x4000  }
0x376: {  	[sflag:s5] =	ssyncset.done $0x0  }
0x377: {  	[sflag:s5] =	ssyncadd.s32 $0xFFFFC000  }
0x378: {  	_ =	swait.ge [sflag:s7], $0x4000  }
0x379: {  	[sflag:s7] =	ssyncset.done $0x0  }
0x37a: {  	s22 =	simm.s32 $0x700;
	[sflag:s7] =	ssyncadd.s32 $0xFFFFC000  }
0x37b: {  	[tilespmem:s10], [sflag:$0x1] =	stream.indirect.gather [hbm4b:s3+s8], $0x40, s22, s8, $0xb8;
	[tilespmem:$0x14800] =	vst v63  }
0x37c: {  	s23 =	simm.s32 $0x1A00  }
0x37d: {  	[spmem:s2] =	stream.indirect.scatter.add.f32 [tilespmem:s9], [sflag:$0x2], $0x40, s23, s8, $0xb8;
	[tilespmem:$0x14800] =	vst v63  }
0x37e: {  	_ =	swait.ge [sflag:s5], $0x4000  }
0x37f: {  	[sflag:s5] =	ssyncset.done $0x0  }
0x380: {  	[sflag:s5] =	ssyncadd.s32 $0xFFFFC000  }
0x381: {  	_ =	swait.ge [sflag:s7], $0x4000  }
0x382: {  	[sflag:s7] =	ssyncset.done $0x0  }
0x383: {  	s24 =	simm.s32 $0x800;
	[sflag:s7] =	ssyncadd.s32 $0xFFFFC000  }
0x384: {  	[tilespmem:s9], [sflag:$0x1] =	stream.indirect.gather [hbm4b:s3+s8], $0x40, s24, s8, $0xb8;
	[tilespmem:$0x14800] =	vst v63  }
0x385: {  	s25 =	simm.s32 $0x1B00  }
0x386: {  	[spmem:s2] =	stream.indirect.scatter.add.f32 [tilespmem:s10], [sflag:$0x2], $0x40, s25, s8, $0xb8;
	[tilespmem:$0x14800] =	vst v63  }
0x387: {  	_ =	swait.ge [sflag:s5], $0x4000  }
0x388: {  	[sflag:s5] =	ssyncset.done $0x0  }
0x389: {  	[sflag:s5] =	ssyncadd.s32 $0xFFFFC000  }
0x38a: {  	_ =	swait.ge [sflag:s7], $0x4000  }
0x38b: {  	[sflag:s7] =	ssyncset.done $0x0  }
0x38c: {  	s26 =	simm.s32 $0x900;
	[sflag:s7] =	ssyncadd.s32 $0xFFFFC000  }
0x38d: {  	[tilespmem:s10], [sflag:$0x1] =	stream.indirect.gather [hbm4b:s3+s8], $0x40, s26, s8, $0xb8;
	[tilespmem:$0x14800] =	vst v63  }
0x38e: {  	s28 =	simm.s32 $0x1C00  }
0x38f: {  	[spmem:s2] =	stream.indirect.scatter.add.f32 [tilespmem:s9], [sflag:$0x2], $0x40, s28, s8, $0xb8;
	[tilespmem:$0x14800] =	vst v63  }
0x390: {  	_ =	swait.ge [sflag:s5], $0x4000  }
0x391: {  	[sflag:s5] =	ssyncset.done $0x0  }
0x392: {  	[sflag:s5] =	ssyncadd.s32 $0xFFFFC000  }
0x393: {  	_ =	swait.ge [sflag:s7], $0x4000  }
0x394: {  	[sflag:s7] =	ssyncset.done $0x0  }
0x395: {  	s30 =	simm.s32 $0xA00;
	[sflag:s7] =	ssyncadd.s32 $0xFFFFC000  }
0x396: {  	[tilespmem:s9], [sflag:$0x1] =	stream.indirect.gather [hbm4b:s3+s8], $0x40, s30, s8, $0xb8;
	[tilespmem:$0x14800] =	vst v63  }
0x397: {  	s31 =	simm.s32 $0x1D00  }
0x398: {  	[spmem:s2] =	stream.indirect.scatter.add.f32 [tilespmem:s10], [sflag:$0x2], $0x40, s31, s8, $0xb8;
	[tilespmem:$0x14800] =	vst v63  }
0x399: {  	_ =	swait.ge [sflag:s5], $0x4000  }
0x39a: {  	[sflag:s5] =	ssyncset.done $0x0  }
0x39b: {  	[sflag:s5] =	ssyncadd.s32 $0xFFFFC000  }
0x39c: {  	_ =	swait.ge [sflag:s7], $0x4000  }
0x39d: {  	[sflag:s7] =	ssyncset.done $0x0  }
0x39e: {  	s28 =	simm.s32 $0xB00;
	[sflag:s7] =	ssyncadd.s32 $0xFFFFC000  }
0x39f: {  	[tilespmem:s10], [sflag:$0x1] =	stream.indirect.gather [hbm4b:s3+s8], $0x40, s28, s8, $0xb8;
	[tilespmem:$0x14800] =	vst v63  }
0x3a0: {  	s31 =	simm.s32 $0x1E00  }
0x3a1: {  	[spmem:s2] =	stream.indirect.scatter.add.f32 [tilespmem:s9], [sflag:$0x2], $0x40, s31, s8, $0xb8;
	[tilespmem:$0x14800] =	vst v63  }
0x3a2: {  	_ =	swait.ge [sflag:s5], $0x4000  }
0x3a3: {  	[sflag:s5] =	ssyncset.done $0x0  }
0x3a4: {  	[sflag:s5] =	ssyncadd.s32 $0xFFFFC000  }
0x3a5: {  	_ =	swait.ge [sflag:s7], $0x4000  }
0x3a6: {  	[sflag:s7] =	ssyncset.done $0x0  }
0x3a7: {  	s25 =	simm.s32 $0xC00;
	[sflag:s7] =	ssyncadd.s32 $0xFFFFC000  }
0x3a8: {  	[tilespmem:s9], [sflag:$0x1] =	stream.indirect.gather [hbm4b:s3+s8], $0x40, s25, s8, $0xb8;
	[tilespmem:$0x14800] =	vst v63  }
0x3a9: {  	s26 =	simm.s32 $0x1F00  }
0x3aa: {  	[spmem:s2] =	stream.indirect.scatter.add.f32 [tilespmem:s10], [sflag:$0x2], $0x40, s26, s8, $0xb8;
	[tilespmem:$0x14800] =	vst v63  }
0x3ab: {  	_ =	swait.ge [sflag:s5], $0x4000  }
0x3ac: {  	[sflag:s5] =	ssyncset.done $0x0  }
0x3ad: {  	[sflag:s5] =	ssyncadd.s32 $0xFFFFC000  }
0x3ae: {  	_ =	swait.ge [sflag:s7], $0x4000  }
0x3af: {  	[sflag:s7] =	ssyncset.done $0x0  }
0x3b0: {  	s23 =	simm.s32 $0xD00;
	[sflag:s7] =	ssyncadd.s32 $0xFFFFC000  }
0x3b1: {  	[tilespmem:s10], [sflag:$0x1] =	stream.indirect.gather [hbm4b:s3+s8], $0x40, s23, s8, $0xb8;
	[tilespmem:$0x14800] =	vst v63  }
0x3b2: {  	s24 =	simm.s32 $0x2000  }
0x3b3: {  	[spmem:s2] =	stream.indirect.scatter.add.f32 [tilespmem:s9], [sflag:$0x2], $0x40, s24, s8, $0xb8;
	[tilespmem:$0x14800] =	vst v63  }
0x3b4: {  	_ =	swait.ge [sflag:s5], $0x4000  }
0x3b5: {  	[sflag:s5] =	ssyncset.done $0x0  }
0x3b6: {  	[sflag:s5] =	ssyncadd.s32 $0xFFFFC000  }
0x3b7: {  	_ =	swait.ge [sflag:s7], $0x4000  }
0x3b8: {  	[sflag:s7] =	ssyncset.done $0x0  }
0x3b9: {  	s21 =	simm.s32 $0xE00;
	[sflag:s7] =	ssyncadd.s32 $0xFFFFC000  }
0x3ba: {  	[tilespmem:s9], [sflag:$0x1] =	stream.indirect.gather [hbm4b:s3+s8], $0x40, s21, s8, $0xb8;
	[tilespmem:$0x14800] =	vst v63  }
0x3bb: {  	s22 =	simm.s32 $0x2100  }
0x3bc: {  	[spmem:s2] =	stream.indirect.scatter.add.f32 [tilespmem:s10], [sflag:$0x2], $0x40, s22, s8, $0xb8;
	[tilespmem:$0x14800] =	vst v63  }
0x3bd: {  	_ =	swait.ge [sflag:s5], $0x4000  }
0x3be: {  	[sflag:s5] =	ssyncset.done $0x0  }
0x3bf: {  	[sflag:s5] =	ssyncadd.s32 $0xFFFFC000  }
0x3c0: {  	_ =	swait.ge [sflag:s7], $0x4000  }
0x3c1: {  	[sflag:s7] =	ssyncset.done $0x0  }
0x3c2: {  	s19 =	simm.s32 $0xF00;
	[sflag:s7] =	ssyncadd.s32 $0xFFFFC000  }
0x3c3: {  	[tilespmem:s10], [sflag:$0x1] =	stream.indirect.gather [hbm4b:s3+s8], $0x40, s19, s8, $0xb8;
	[tilespmem:$0x14800] =	vst v63  }
0x3c4: {  	s20 =	simm.s32 $0x2200  }
0x3c5: {  	[spmem:s2] =	stream.indirect.scatter.add.f32 [tilespmem:s9], [sflag:$0x2], $0x40, s20, s8, $0xb8;
	[tilespmem:$0x14800] =	vst v63  }
0x3c6: {  	_ =	swait.ge [sflag:s5], $0x4000  }
0x3c7: {  	[sflag:s5] =	ssyncset.done $0x0  }
0x3c8: {  	[sflag:s5] =	ssyncadd.s32 $0xFFFFC000  }
0x3c9: {  	_ =	swait.ge [sflag:s7], $0x4000  }
0x3ca: {  	[sflag:s7] =	ssyncset.done $0x0  }
0x3cb: {  	s17 =	simm.s32 $0x1000;
	[sflag:s7] =	ssyncadd.s32 $0xFFFFC000  }
0x3cc: {  	[tilespmem:s9], [sflag:$0x1] =	stream.indirect.gather [hbm4b:s3+s8], $0x40, s17, s8, $0xb8;
	[tilespmem:$0x14800] =	vst v63  }
0x3cd: {  	s18 =	simm.s32 $0x2300  }
0x3ce: {  	[spmem:s2] =	stream.indirect.scatter.add.f32 [tilespmem:s10], [sflag:$0x2], $0x40, s18, s8, $0xb8;
	[tilespmem:$0x14800] =	vst v63  }
0x3cf: {  	_ =	swait.ge [sflag:s5], $0x4000  }
0x3d0: {  	[sflag:s5] =	ssyncset.done $0x0  }
0x3d1: {  	[sflag:s5] =	ssyncadd.s32 $0xFFFFC000  }
0x3d2: {  	_ =	swait.ge [sflag:s7], $0x4000  }
0x3d3: {  	[sflag:s7] =	ssyncset.done $0x0  }
0x3d4: {  	s15 =	simm.s32 $0x1100;
	[sflag:s7] =	ssyncadd.s32 $0xFFFFC000  }
0x3d5: {  	[tilespmem:s10], [sflag:$0x1] =	stream.indirect.gather [hbm4b:s3+s8], $0x40, s15, s8, $0xb8;
	[tilespmem:$0x14800] =	vst v63  }
0x3d6: {  	s16 =	simm.s32 $0x2400  }
0x3d7: {  	[spmem:s2] =	stream.indirect.scatter.add.f32 [tilespmem:s9], [sflag:$0x2], $0x40, s16, s8, $0xb8;
	[tilespmem:$0x14800] =	vst v63  }
0x3d8: {  	_ =	swait.ge [sflag:s5], $0x4000  }
0x3d9: {  	[sflag:s5] =	ssyncset.done $0x0  }
0x3da: {  	[sflag:s5] =	ssyncadd.s32 $0xFFFFC000  }
0x3db: {  	_ =	swait.ge [sflag:s7], $0x4000  }
0x3dc: {  	[sflag:s7] =	ssyncset.done $0x0  }
0x3dd: {  	s14 =	simm.s32 $0x1200;
	[sflag:s7] =	ssyncadd.s32 $0xFFFFC000  }
0x3de: {  	[tilespmem:s9], [sflag:$0x1] =	stream.indirect.gather [hbm4b:s3+s8], $0x40, s14, s8, $0xb8;
	[tilespmem:$0x14800] =	vst v63  }
0x3df: {  	s14 =	simm.s32 $0x2500  }
0x3e0: {  	[spmem:s2] =	stream.indirect.scatter.add.f32 [tilespmem:s10], [sflag:$0x2], $0x40, s14, s8, $0xb8;
	[tilespmem:$0x14800] =	vst v63  }
0x3e1: {  	_ =	swait.ge [sflag:s5], $0x4000  }
0x3e2: {  	[sflag:s5] =	ssyncset.done $0x0  }
0x3e3: {  	[sflag:s5] =	ssyncadd.s32 $0xFFFFC000  }
0x3e4: {  	_ =	swait.ge [sflag:s7], $0x4000  }
0x3e5: {  	[sflag:s7] =	ssyncset.done $0x0  }
0x3e6: {  	[sflag:s7] =	ssyncadd.s32 $0xFFFFC000  }
0x3e7: {  	[tilespmem:s10], [sflag:$0x1] =	stream.indirect.gather [hbm4b:s3+s8], $0x40, s11, s8, $0xb8;
	[tilespmem:$0x14800] =	vst v63  }
0x3e8: {  	s30 =	simm.s32 $0x2600  }
0x3e9: {  	[spmem:s2] =	stream.indirect.scatter.add.f32 [tilespmem:s9], [sflag:$0x2], $0x40, s30, s8, $0xb8;
	[tilespmem:$0x14800] =	vst v63  }
0x3ea: {  	_ =	swait.ge [sflag:s5], $0x4000  }
0x3eb: {  	[sflag:s5] =	ssyncset.done $0x0  }
0x3ec: {  	[sflag:s5] =	ssyncadd.s32 $0xFFFFC000  }
0x3ed: {  	_ =	swait.ge [sflag:s7], $0x4000  }
0x3ee: {  	[sflag:s7] =	ssyncset.done $0x0  }
0x3ef: {  	[sflag:s7] =	ssyncadd.s32 $0xFFFFC000  }
0x3f0: {  	[tilespmem:s9], [sflag:$0x1] =	stream.indirect.gather [hbm4b:s3+s8], $0x40, s11, s8, $0xb8;
	[tilespmem:$0x14800] =	vst v63  }
0x3f1: {  	s30 =	simm.s32 $0x2700  }
0x3f2: {  	[spmem:s2] =	stream.indirect.scatter.add.f32 [tilespmem:s10], [sflag:$0x2], $0x40, s30, s8, $0xb8;
	[tilespmem:$0x14800] =	vst v63  }
0x3f3: {  	_ =	swait.ge [sflag:s5], $0x4000  }
0x3f4: {  	[sflag:s5] =	ssyncset.done $0x0  }
0x3f5: {  	[sflag:s5] =	ssyncadd.s32 $0xFFFFC000  }
0x3f6: {  	_ =	swait.ge [sflag:s7], $0x4000  }
0x3f7: {  	[sflag:s7] =	ssyncset.done $0x0  }
0x3f8: {  	s0 =	rddreg [dreg:$0x6];
	[sflag:s7] =	ssyncadd.s32 $0xFFFFC000  }
0x3f9: {  	[tilespmem:s13], [sflag:$0x2] =	stream.linear.gather [hbm4b:s0+s13], $0x1400, $0x38;
	[tilespmem:$0x14800] =	vst v63  }
0x3fa: {  	_ =	swait.ge [sflag:s5], $0x1400  }
0x3fb: {  	[sflag:s5] =	ssyncset.done $0x0  }
0x3fc: {  	s0 =	rddreg [dreg:$0x7];
	[sflag:s5] =	ssyncadd.s32 $0xFFFFEC00  }
0x3fd: {  	[tilespmem:s29], [sflag:$0x2] =	stream.linear.gather [hbm4b:s0+s13], $0x1400, $0x38;
	[tilespmem:$0x14800] =	vst v63  }
0x3fe: {  	_ =	swait.ge [sflag:s5], $0x1400  }
0x3ff: {  	[sflag:s5] =	ssyncset.done $0x0  }
0x400: {  	[sflag:s5] =	ssyncadd.s32 $0xFFFFEC00  }
0x401: {  	[tilespmem:s9], [sflag:$0x1] =	stream.indirect.gather [hbm4b:s3+s8], $0x40, s13, s8, $0xb8;
	[tilespmem:$0x14800] =	vst v63  }
0x402: {  	_ =	swait.ge [sflag:s7], $0x4000  }
0x403: {  	[sflag:s7] =	ssyncset.done $0x0  }
0x404: {  	[sflag:s7] =	ssyncadd.s32 $0xFFFFC000  }
0x405: {  	[tilespmem:s10], [sflag:$0x1] =	stream.indirect.gather [hbm4b:s3+s8], $0x40, s8, s8, $0xb8;
	[tilespmem:$0x14800] =	vst v63  }
0x406: {  	_ = 	snop  }
0x407: {  	[spmem:s2] =	stream.indirect.scatter.add.f32 [tilespmem:s9], [sflag:$0x2], $0x40, s29, s8, $0xb8;
	[tilespmem:$0x14800] =	vst v63  }
0x408: {  	_ =	swait.ge [sflag:s5], $0x4000  }
0x409: {  	[sflag:s5] =	ssyncset.done $0x0  }
0x40a: {  	[sflag:s5] =	ssyncadd.s32 $0xFFFFC000  }
0x40b: {  	_ =	swait.ge [sflag:s7], $0x4000  }
0x40c: {  	[sflag:s7] =	ssyncset.done $0x0  }
0x40d: {  	[sflag:s7] =	ssyncadd.s32 $0xFFFFC000  }
0x40e: {  	[tilespmem:s9], [sflag:$0x1] =	stream.indirect.gather [hbm4b:s3+s8], $0x40, s1, s8, $0xb8;
	[tilespmem:$0x14800] =	vst v63  }
0x40f: {  	_ = 	snop  }
0x410: {  	[spmem:s2] =	stream.indirect.scatter.add.f32 [tilespmem:s10], [sflag:$0x2], $0x40, s12, s8, $0xb8;
	[tilespmem:$0x14800] =	vst v63  }
0x411: {  	_ =	swait.ge [sflag:s5], $0x4000  }
0x412: {  	[sflag:s5] =	ssyncset.done $0x0  }
0x413: {  	[sflag:s5] =	ssyncadd.s32 $0xFFFFC000  }
0x414: {  	_ =	swait.ge [sflag:s7], $0x4000  }
0x415: {  	[sflag:s7] =	ssyncset.done $0x0  }
0x416: {  	s29 =	simm.s32 $0x300;
	[sflag:s7] =	ssyncadd.s32 $0xFFFFC000  }
0x417: {  	[tilespmem:s10], [sflag:$0x1] =	stream.indirect.gather [hbm4b:s3+s8], $0x40, s29, s8, $0xb8;
	[tilespmem:$0x14800] =	vst v63  }
0x418: {  	s1 =	simm.s32 $0x1600  }
0x419: {  	[spmem:s2] =	stream.indirect.scatter.add.f32 [tilespmem:s9], [sflag:$0x2], $0x40, s1, s8, $0xb8;
	[tilespmem:$0x14800] =	vst v63  }
0x41a: {  	_ =	swait.ge [sflag:s5], $0x4000  }
0x41b: {  	[sflag:s5] =	ssyncset.done $0x0  }
0x41c: {  	[sflag:s5] =	ssyncadd.s32 $0xFFFFC000  }
0x41d: {  	_ =	swait.ge [sflag:s7], $0x4000  }
0x41e: {  	[sflag:s7] =	ssyncset.done $0x0  }
0x41f: {  	s12 =	simm.s32 $0x400;
	[sflag:s7] =	ssyncadd.s32 $0xFFFFC000  }
0x420: {  	[tilespmem:s9], [sflag:$0x1] =	stream.indirect.gather [hbm4b:s3+s8], $0x40, s12, s8, $0xb8;
	[tilespmem:$0x14800] =	vst v63  }
0x421: {  	s13 =	simm.s32 $0x1700  }
0x422: {  	[spmem:s2] =	stream.indirect.scatter.add.f32 [tilespmem:s10], [sflag:$0x2], $0x40, s13, s8, $0xb8;
	[tilespmem:$0x14800] =	vst v63  }
0x423: {  	_ =	swait.ge [sflag:s5], $0x4000  }
0x424: {  	[sflag:s5] =	ssyncset.done $0x0  }
0x425: {  	[sflag:s5] =	ssyncadd.s32 $0xFFFFC000  }
0x426: {  	_ =	swait.ge [sflag:s7], $0x4000  }
0x427: {  	[sflag:s7] =	ssyncset.done $0x0  }
0x428: {  	s29 =	simm.s32 $0x500;
	[sflag:s7] =	ssyncadd.s32 $0xFFFFC000  }
0x429: {  	[tilespmem:s10], [sflag:$0x1] =	stream.indirect.gather [hbm4b:s3+s8], $0x40, s29, s8, $0xb8;
	[tilespmem:$0x14800] =	vst v63  }
0x42a: {  	s1 =	simm.s32 $0x1800  }
0x42b: {  	[spmem:s2] =	stream.indirect.scatter.add.f32 [tilespmem:s9], [sflag:$0x2], $0x40, s1, s8, $0xb8;
	[tilespmem:$0x14800] =	vst v63  }
0x42c: {  	_ =	swait.ge [sflag:s5], $0x4000  }
0x42d: {  	[sflag:s5] =	ssyncset.done $0x0  }
0x42e: {  	[sflag:s5] =	ssyncadd.s32 $0xFFFFC000  }
0x42f: {  	_ =	swait.ge [sflag:s7], $0x4000  }
0x430: {  	[sflag:s7] =	ssyncset.done $0x0  }
0x431: {  	s12 =	simm.s32 $0x600;
	[sflag:s7] =	ssyncadd.s32 $0xFFFFC000  }
0x432: {  	[tilespmem:s9], [sflag:$0x1] =	stream.indirect.gather [hbm4b:s3+s8], $0x40, s12, s8, $0xb8;
	[tilespmem:$0x14800] =	vst v63  }
0x433: {  	s13 =	simm.s32 $0x1900  }
0x434: {  	[spmem:s2] =	stream.indirect.scatter.add.f32 [tilespmem:s10], [sflag:$0x2], $0x40, s13, s8, $0xb8;
	[tilespmem:$0x14800] =	vst v63  }
0x435: {  	_ =	swait.ge [sflag:s5], $0x4000  }
0x436: {  	[sflag:s5] =	ssyncset.done $0x0  }
0x437: {  	[sflag:s5] =	ssyncadd.s32 $0xFFFFC000  }
0x438: {  	_ =	swait.ge [sflag:s7], $0x4000  }
0x439: {  	[sflag:s7] =	ssyncset.done $0x0  }
0x43a: {  	s29 =	simm.s32 $0x700;
	[sflag:s7] =	ssyncadd.s32 $0xFFFFC000  }
0x43b: {  	[tilespmem:s10], [sflag:$0x1] =	stream.indirect.gather [hbm4b:s3+s8], $0x40, s29, s8, $0xb8;
	[tilespmem:$0x14800] =	vst v63  }
0x43c: {  	s1 =	simm.s32 $0x1A00  }
0x43d: {  	[spmem:s2] =	stream.indirect.scatter.add.f32 [tilespmem:s9], [sflag:$0x2], $0x40, s1, s8, $0xb8;
	[tilespmem:$0x14800] =	vst v63  }
0x43e: {  	_ =	swait.ge [sflag:s5], $0x4000  }
0x43f: {  	[sflag:s5] =	ssyncset.done $0x0  }
0x440: {  	[sflag:s5] =	ssyncadd.s32 $0xFFFFC000  }
0x441: {  	_ =	swait.ge [sflag:s7], $0x4000  }
0x442: {  	[sflag:s7] =	ssyncset.done $0x0  }
0x443: {  	s12 =	simm.s32 $0x800;
	[sflag:s7] =	ssyncadd.s32 $0xFFFFC000  }
0x444: {  	[tilespmem:s9], [sflag:$0x1] =	stream.indirect.gather [hbm4b:s3+s8], $0x40, s12, s8, $0xb8;
	[tilespmem:$0x14800] =	vst v63  }
0x445: {  	s13 =	simm.s32 $0x1B00  }
0x446: {  	[spmem:s2] =	stream.indirect.scatter.add.f32 [tilespmem:s10], [sflag:$0x2], $0x40, s13, s8, $0xb8;
	[tilespmem:$0x14800] =	vst v63  }
0x447: {  	_ =	swait.ge [sflag:s5], $0x4000  }
0x448: {  	[sflag:s5] =	ssyncset.done $0x0  }
0x449: {  	[sflag:s5] =	ssyncadd.s32 $0xFFFFC000  }
0x44a: {  	_ =	swait.ge [sflag:s7], $0x4000  }
0x44b: {  	[sflag:s7] =	ssyncset.done $0x0  }
0x44c: {  	s29 =	simm.s32 $0x900;
	[sflag:s7] =	ssyncadd.s32 $0xFFFFC000  }
0x44d: {  	[tilespmem:s10], [sflag:$0x1] =	stream.indirect.gather [hbm4b:s3+s8], $0x40, s29, s8, $0xb8;
	[tilespmem:$0x14800] =	vst v63  }
0x44e: {  	s1 =	simm.s32 $0x1C00  }
0x44f: {  	[spmem:s2] =	stream.indirect.scatter.add.f32 [tilespmem:s9], [sflag:$0x2], $0x40, s1, s8, $0xb8;
	[tilespmem:$0x14800] =	vst v63  }
0x450: {  	_ =	swait.ge [sflag:s5], $0x4000  }
0x451: {  	[sflag:s5] =	ssyncset.done $0x0  }
0x452: {  	[sflag:s5] =	ssyncadd.s32 $0xFFFFC000  }
0x453: {  	_ =	swait.ge [sflag:s7], $0x4000  }
0x454: {  	[sflag:s7] =	ssyncset.done $0x0  }
0x455: {  	s12 =	simm.s32 $0xA00;
	[sflag:s7] =	ssyncadd.s32 $0xFFFFC000  }
0x456: {  	[tilespmem:s9], [sflag:$0x1] =	stream.indirect.gather [hbm4b:s3+s8], $0x40, s12, s8, $0xb8;
	[tilespmem:$0x14800] =	vst v63  }
0x457: {  	s13 =	simm.s32 $0x1D00  }
0x458: {  	[spmem:s2] =	stream.indirect.scatter.add.f32 [tilespmem:s10], [sflag:$0x2], $0x40, s13, s8, $0xb8;
	[tilespmem:$0x14800] =	vst v63  }
0x459: {  	_ =	swait.ge [sflag:s5], $0x4000  }
0x45a: {  	[sflag:s5] =	ssyncset.done $0x0  }
0x45b: {  	[sflag:s5] =	ssyncadd.s32 $0xFFFFC000  }
0x45c: {  	_ =	swait.ge [sflag:s7], $0x4000  }
0x45d: {  	[sflag:s7] =	ssyncset.done $0x0  }
0x45e: {  	[sflag:s7] =	ssyncadd.s32 $0xFFFFC000  }
0x45f: {  	[tilespmem:s10], [sflag:$0x1] =	stream.indirect.gather [hbm4b:s3+s8], $0x40, s28, s8, $0xb8;
	[tilespmem:$0x14800] =	vst v63  }
0x460: {  	_ = 	snop  }
0x461: {  	[spmem:s2] =	stream.indirect.scatter.add.f32 [tilespmem:s9], [sflag:$0x2], $0x40, s31, s8, $0xb8;
	[tilespmem:$0x14800] =	vst v63  }
0x462: {  	_ =	swait.ge [sflag:s5], $0x4000  }
0x463: {  	[sflag:s5] =	ssyncset.done $0x0  }
0x464: {  	[sflag:s5] =	ssyncadd.s32 $0xFFFFC000  }
0x465: {  	_ =	swait.ge [sflag:s7], $0x4000  }
0x466: {  	[sflag:s7] =	ssyncset.done $0x0  }
0x467: {  	[sflag:s7] =	ssyncadd.s32 $0xFFFFC000  }
0x468: {  	[tilespmem:s9], [sflag:$0x1] =	stream.indirect.gather [hbm4b:s3+s8], $0x40, s25, s8, $0xb8;
	[tilespmem:$0x14800] =	vst v63  }
0x469: {  	_ = 	snop  }
0x46a: {  	[spmem:s2] =	stream.indirect.scatter.add.f32 [tilespmem:s10], [sflag:$0x2], $0x40, s26, s8, $0xb8;
	[tilespmem:$0x14800] =	vst v63  }
0x46b: {  	_ =	swait.ge [sflag:s5], $0x4000  }
0x46c: {  	[sflag:s5] =	ssyncset.done $0x0  }
0x46d: {  	[sflag:s5] =	ssyncadd.s32 $0xFFFFC000  }
0x46e: {  	_ =	swait.ge [sflag:s7], $0x4000  }
0x46f: {  	[sflag:s7] =	ssyncset.done $0x0  }
0x470: {  	[sflag:s7] =	ssyncadd.s32 $0xFFFFC000  }
0x471: {  	[tilespmem:s10], [sflag:$0x1] =	stream.indirect.gather [hbm4b:s3+s8], $0x40, s23, s8, $0xb8;
	[tilespmem:$0x14800] =	vst v63  }
0x472: {  	_ = 	snop  }
0x473: {  	[spmem:s2] =	stream.indirect.scatter.add.f32 [tilespmem:s9], [sflag:$0x2], $0x40, s24, s8, $0xb8;
	[tilespmem:$0x14800] =	vst v63  }
0x474: {  	_ =	swait.ge [sflag:s5], $0x4000  }
0x475: {  	[sflag:s5] =	ssyncset.done $0x0  }
0x476: {  	[sflag:s5] =	ssyncadd.s32 $0xFFFFC000  }
0x477: {  	_ =	swait.ge [sflag:s7], $0x4000  }
0x478: {  	[sflag:s7] =	ssyncset.done $0x0  }
0x479: {  	[sflag:s7] =	ssyncadd.s32 $0xFFFFC000  }
0x47a: {  	[tilespmem:s9], [sflag:$0x1] =	stream.indirect.gather [hbm4b:s3+s8], $0x40, s21, s8, $0xb8;
	[tilespmem:$0x14800] =	vst v63  }
0x47b: {  	_ = 	snop  }
0x47c: {  	[spmem:s2] =	stream.indirect.scatter.add.f32 [tilespmem:s10], [sflag:$0x2], $0x40, s22, s8, $0xb8;
	[tilespmem:$0x14800] =	vst v63  }
0x47d: {  	_ =	swait.ge [sflag:s5], $0x4000  }
0x47e: {  	[sflag:s5] =	ssyncset.done $0x0  }
0x47f: {  	[sflag:s5] =	ssyncadd.s32 $0xFFFFC000  }
0x480: {  	_ =	swait.ge [sflag:s7], $0x4000  }
0x481: {  	[sflag:s7] =	ssyncset.done $0x0  }
0x482: {  	[sflag:s7] =	ssyncadd.s32 $0xFFFFC000  }
0x483: {  	[tilespmem:s10], [sflag:$0x1] =	stream.indirect.gather [hbm4b:s3+s8], $0x40, s19, s8, $0xb8;
	[tilespmem:$0x14800] =	vst v63  }
0x484: {  	_ = 	snop  }
0x485: {  	[spmem:s2] =	stream.indirect.scatter.add.f32 [tilespmem:s9], [sflag:$0x2], $0x40, s20, s8, $0xb8;
	[tilespmem:$0x14800] =	vst v63  }
0x486: {  	_ =	swait.ge [sflag:s5], $0x4000  }
0x487: {  	[sflag:s5] =	ssyncset.done $0x0  }
0x488: {  	[sflag:s5] =	ssyncadd.s32 $0xFFFFC000  }
0x489: {  	_ =	swait.ge [sflag:s7], $0x4000  }
0x48a: {  	[sflag:s7] =	ssyncset.done $0x0  }
0x48b: {  	[sflag:s7] =	ssyncadd.s32 $0xFFFFC000  }
0x48c: {  	[tilespmem:s9], [sflag:$0x1] =	stream.indirect.gather [hbm4b:s3+s8], $0x40, s17, s8, $0xb8;
	[tilespmem:$0x14800] =	vst v63  }
0x48d: {  	_ = 	snop  }
0x48e: {  	[spmem:s2] =	stream.indirect.scatter.add.f32 [tilespmem:s10], [sflag:$0x2], $0x40, s18, s8, $0xb8;
	[tilespmem:$0x14800] =	vst v63  }
0x48f: {  	_ =	swait.ge [sflag:s5], $0x4000  }
0x490: {  	[sflag:s5] =	ssyncset.done $0x0  }
0x491: {  	[sflag:s5] =	ssyncadd.s32 $0xFFFFC000  }
0x492: {  	_ =	swait.ge [sflag:s7], $0x4000  }
0x493: {  	[sflag:s7] =	ssyncset.done $0x0  }
0x494: {  	[sflag:s7] =	ssyncadd.s32 $0xFFFFC000  }
0x495: {  	[tilespmem:s10], [sflag:$0x1] =	stream.indirect.gather [hbm4b:s3+s8], $0x40, s15, s8, $0xb8;
	[tilespmem:$0x14800] =	vst v63  }
0x496: {  	_ = 	snop  }
0x497: {  	[spmem:s2] =	stream.indirect.scatter.add.f32 [tilespmem:s9], [sflag:$0x2], $0x40, s16, s8, $0xb8;
	[tilespmem:$0x14800] =	vst v63  }
0x498: {  	_ =	swait.ge [sflag:s5], $0x4000  }
0x499: {  	[sflag:s5] =	ssyncset.done $0x0  }
0x49a: {  	[sflag:s5] =	ssyncadd.s32 $0xFFFFC000  }
0x49b: {  	_ =	swait.ge [sflag:s7], $0x4000  }
0x49c: {  	[sflag:s7] =	ssyncset.done $0x0  }
0x49d: {  	s28 =	simm.s32 $0x1200;
	[sflag:s7] =	ssyncadd.s32 $0xFFFFC000  }
0x49e: {  	[tilespmem:s9], [sflag:$0x1] =	stream.indirect.gather [hbm4b:s3+s8], $0x40, s28, s8, $0xb8;
	[tilespmem:$0x14800] =	vst v63  }
0x49f: {  	_ = 	snop  }
0x4a0: {  	[spmem:s2] =	stream.indirect.scatter.add.f32 [tilespmem:s10], [sflag:$0x2], $0x40, s14, s8, $0xb8;
	[tilespmem:$0x14800] =	vst v63  }
0x4a1: {  	_ =	swait.ge [sflag:s5], $0x4000  }
0x4a2: {  	[sflag:s5] =	ssyncset.done $0x0  }
0x4a3: {  	[sflag:s5] =	ssyncadd.s32 $0xFFFFC000  }
0x4a4: {  	_ =	swait.ge [sflag:s7], $0x4000  }
0x4a5: {  	[sflag:s7] =	ssyncset.done $0x0  }
0x4a6: {  	[sflag:s7] =	ssyncadd.s32 $0xFFFFC000  }
0x4a7: {  	[tilespmem:s10], [sflag:$0x1] =	stream.indirect.gather [hbm4b:s3+s8], $0x40, s11, s8, $0xb8;
	[tilespmem:$0x14800] =	vst v63  }
0x4a8: {  	s29 =	simm.s32 $0x2600  }
0x4a9: {  	[spmem:s2] =	stream.indirect.scatter.add.f32 [tilespmem:s9], [sflag:$0x2], $0x40, s29, s8, $0xb8;
	[tilespmem:$0x14800] =	vst v63  }
0x4aa: {  	_ =	swait.ge [sflag:s5], $0x4000  }
0x4ab: {  	[sflag:s5] =	ssyncset.done $0x0  }
0x4ac: {  	[sflag:s5] =	ssyncadd.s32 $0xFFFFC000  }
0x4ad: {  	_ =	swait.ge [sflag:s7], $0x4000  }
0x4ae: {  	[sflag:s7] =	ssyncset.done $0x0  }
0x4af: {  	[sflag:s7] =	ssyncadd.s32 $0xFFFFC000  }
0x4b0: {  	[tilespmem:s9], [sflag:$0x1] =	stream.indirect.gather [hbm4b:s3+s8], $0x40, s11, s8, $0xb8;
	[tilespmem:$0x14800] =	vst v63  }
0x4b1: {  	_ = 	snop  }
0x4b2: {  	[spmem:s2] =	stream.indirect.scatter.add.f32 [tilespmem:s10], [sflag:$0x2], $0x40, s30, s8, $0xb8;
	[tilespmem:$0x14800] =	vst v63  }
0x4b3: {  	_ =	swait.ge [sflag:s5], $0x4000  }
0x4b4: {  	[sflag:s5] =	ssyncset.done $0x0  }
0x4b5: {  	[sflag:s5] =	ssyncadd.s32 $0xFFFFC000  }
0x4b6: {  	_ =	swait.ge [sflag:s7], $0x4000  }
0x4b7: {  	[sflag:s7] =	ssyncset.done $0x0  }
0x4b8: {  	[sflag:s7] =	ssyncadd.s32 $0xFFFFC000  }
0x4b9: {  	[bflag:$0x0] =	sbarrier.arrive $0xFFFF  }
0x4ba: {  	s30 =	rddreg [dreg:$0x8]  }
0x4bb: {  	[hbm:s30], [sflag:s4] =	dma.local [spmem:s6], $0x1400  }
0x4bc: {  	_ =	swait.ge [sflag:s5], $0x1400  }
0x4bd: {  	[sflag:s5] =	ssyncset.done $0x0  }
0x4be: {  	[sflag:s5] =	ssyncadd.s32 $0xFFFFEC00  }
0x4bf: {  	_ =	sfence.sel $0x180000  }
0x4c0: {  	[bflag:$0x0] =	sbarrier.arrive $0xFFFF  }
0x4c1: {  	_ =	strace $0x9000004D  }
0x4c2: {  	s31 =	stileid.u32;
	[bflag:$0x2] =	sbarrier.arrive $0xFFFF  }
0x4c3: {  	p0 =	sne.s32 s31, $0x0;
	s0 =	rddreg [dreg:$0x2]  }
0x4c4: {  	s0 =	sadd.s32 @!p0 $0x100000, s0  }
0x4c5: {  	[sflag:s0] =	ssyncadd.tile.s32 @!p0 $0x1;
	_ =	shalt  }
.LBB2_6:
.Ltmp3:
0x4c6: {  	(pc) =	sbr.rel .LBB2_5-.Ltmp3, $2  }
0x4c7: {  	_ =	sdelay $0x2  }
0x4c8: {  	s29 =	simm.s32 $0x1400;
	s13 =	simm.s32 $0x0  }
.Lfunc_end2:
_tile_overlayer_lowered:
.L_overlay_start_2:
0x4c9: {  	(tag) =	ssettag $0x2  }
0x4ca: {  	s0 =	rddreg [dreg:$0x0];
	s2 =	stileid.u32  }
0x4cb: {  	s1 =	rddreg [dreg:$0x1];
	p0 =	sne.s32 s2, $0x0  }
0x4cc: {  	s3 =	rddreg [dreg:$0x2];
	[bflag:$0x3] =	sbarrier.arrive $0xFFFF;
	s2 =	simm.s32 @!p0 $0x1C02  }
0x4cd: {  	[timem:s3], [sflag:s2] =	dma.local @!p0 [hbm:s0], s1  }
0x4ce: {  	s0 =	simm.s32 @!p0 $0x2  }
0x4cf: {  	_ =	swait.ge @!p0 [sflag:s0], s1  }
0x4d0: {  	s1 =	ssub.s32 @!p0 $0x0, s1;
	[sflag:s0] =	ssyncset.done @!p0 $0x0  }
0x4d1: {  	[sflag:s0] =	ssyncadd.s32 @!p0 s1  }
0x4d2: {  	[bflag:$0x3] =	sbarrier.arrive $0xFFFF  }
0x4d3: {  	_ =	shalt  }

// kernel: kernel.19.cloned.1.call-start
scs
__scs_entry_jumppad:
0x0: {  	(pc) =	sbr.rel $0x88, $3  }
0x1: {  	(tag) =	ssettag $0x0;
	lr =	simm.s32 $0x1  }
0x2: {  	[smem:$0x3F96] =	sst lr;
	_ =	strace $0xD0000000  }
0x3: {  	_ = 	snop  }
0x4: {  	_ = 	snop  }
0x5: {  	_ = 	snop  }
0x6: {  	_ = 	snop  }
0x7: {  	_ = 	snop  }
__scs_overlays_trampoline_lowered:
0x8: {  	[smem:$0x3FA5] =	sst s0  }
0x9: {  	[smem:$0x3FA6] =	sst s1  }
0xa: {  	[smem:$0x3FA7] =	sst s2  }
0xb: {  	[smem:$0x3FA8] =	sst s3  }
0xc: {  	[smem:$0x3FA9] =	sst s4  }
0xd: {  	[smem:$0x3FAA] =	sst s5  }
0xe: {  	[smem:$0x3FAB] =	sst s6  }
0xf: {  	[smem:$0x3FAC] =	sst s7  }
0x10: {  	[smem:$0x3FAD] =	sst s8  }
0x11: {  	[smem:$0x3FAE] =	sst s9;
	s0 =	simm.s32 @!p0 $0x0  }
0x12: {  	s1 =	sld [smem:$0x3F94];
	s0 =	simm.s32 @p0 $0x1  }
0x13: {  	[smem:$0x3FAF] =	sst s0;
	s0 =	simm.s32 @!p1 $0x0  }
0x14: {  	s2 =	sld [smem:$0x3F93];
	s0 =	simm.s32 @p1 $0x1  }
0x15: {  	[smem:$0x3FB0] =	sst s0;
	s0 =	simm.s32 @!p2 $0x0  }
0x16: {  	s3 =	sld [smem:$0x3FDB];
	s0 =	simm.s32 @p2 $0x1  }
0x17: {  	s4 =	simm.s32 $0x1BF5;
	[smem:$0x3FB2] =	sst s0  }
0x18: {  	s0 =	sld [smem:$0x3F95];
	_ =	swait.ge [sflag:s4], $0x0  }
0x19: {  	s7 =	sld [smem:$0x3F96]  }
0x1a: {  	s8 =	sadd.s32 $0xFFFFE003, lr  }
0x1b: {  	s9 =	sadd.s32 $0xFFFFFEF7, lr;
	s5 =	simm.s32 $0xFFFFFFFF;
	p2 =	slt.u32 s8, $0xFFFFF086  }
0x1c: {  	p1 =	slt.u32 s9, $0xF7A;
	s5 =	simm.s32 @!p2 $0x0  }
0x1d: {  	s5 =	simm.s32 @p1 $0x1;
	p0 =	seq.s32 s7, s2  }
0x1e: {  	s7 =	smul.u32 @!p0 $0xF7A, s2;
	p2 =	seq.s32 @!p0 s5, $0x0  }
0x1f: {  	s9 =	smul.u32 $0xF7A, s1;
	s8 =	simm.s32 @!p0 $0x1BF5;
	p2 =	por !p2, p0  }
0x20: {  	[sflag:s8] =	ssyncset.s32 @!p0 $0xFFFFF086;
	s6 =	sadd.s32 @!p0 s3, s7;
	s7 =	simm.s32 @!p0 $0x108  }
0x21: {  	s3 =	sadd.s32 s3, s9;
	s6 =	sadd.s32 @!p0 $0x88, s6;
	s7 =	simm.s32 @p2 $0x1082  }
0x22: {  	[simem:s7], [sflag:s8] =	dma.local @!p0 [hbm:s6], $0xF7A  }
0x23: {  	s9 =	sor.u32 $0xD0000000, s2;
	s6 =	simm.s32 $0x108;
	_ =	swait.ge @!p0 [sflag:s8], $0x0  }
0x24: {  	s3 =	sadd.s32 $0x88, s3;
	s6 =	simm.s32 @!p1 $0x1082;
	[sflag:s4] =	ssyncset.s32 $0xFFFFF086  }
0x25: {  	[simem:s6], [sflag:s4] =	dma.local [hbm:s3], $0xF7A  }
0x26: {  	[smem:$0x3F96] =	sst s1;
	(tag) =	ssettag s2;
	_ =	strace s9  }
0x27: {  	s1 =	sld [smem:$0x3FA6]  }
0x28: {  	s2 =	sld [smem:$0x3FA7]  }
0x29: {  	s4 =	sld [smem:$0x3FA9]  }
0x2a: {  	p0 =	seq.s32 s5, $0x0;
	s5 =	sld [smem:$0x3FAA]  }
0x2b: {  	s6 =	sld [smem:$0x3FAB]  }
0x2c: {  	s7 =	sld [smem:$0x3FAC]  }
0x2d: {  	s3 =	simm.s32 $0x108;
	s8 =	sld [smem:$0x3FAD]  }
0x2e: {  	s3 =	simm.s32 @!p0 $0x1082;
	s9 =	sld [smem:$0x3FAE]  }
0x2f: {  	lr =	sadd.s32 s0, s3;
	s0 =	sld [smem:$0x3FA5]  }
0x30: {  	s3 =	sld [smem:$0x3FA8]  }
0x31: {  	[smem:$0x3FB1] =	sst s10  }
0x32: {  	s10 =	sld [smem:$0x3FAF];
	_ =	sdelay $0x3  }
0x33: {  	p0 =	seq.s32 s10, $0x1;
	s10 =	sld [smem:$0x3FB1];
	_ =	sdelay $0x3  }
0x34: {  	[smem:$0x3FB1] =	sst s10  }
0x35: {  	s10 =	sld [smem:$0x3FB0];
	_ =	sdelay $0x3  }
0x36: {  	p1 =	seq.s32 s10, $0x1;
	s10 =	sld [smem:$0x3FB1];
	_ =	sdelay $0x3  }
0x37: {  	[smem:$0x3FB1] =	sst s10  }
0x38: {  	s10 =	sld [smem:$0x3FB2]  }
0x39: {  	_ = 	snop;
	(pc) =	sbr.ind lr, $3  }
0x3a: {  	_ = 	snop  }
0x3b: {  	_ = 	snop  }
0x3c: {  	p2 =	seq.s32 s10, $0x1;
	s10 =	sld [smem:$0x3FB1]  }
0x3d: {  	_ =	shalt  }
0x3e: {  	_ =	shalt  }
0x3f: {  	_ =	shalt  }
0x40: {  	_ =	shalt  }
0x41: {  	_ =	shalt  }
0x42: {  	_ =	shalt  }
0x43: {  	_ =	shalt  }
0x44: {  	_ =	shalt  }
0x45: {  	_ =	shalt  }
0x46: {  	_ =	shalt  }
0x47: {  	_ =	shalt  }
0x48: {  	_ =	shalt  }
0x49: {  	_ =	shalt  }
0x4a: {  	_ =	shalt  }
0x4b: {  	_ =	shalt  }
0x4c: {  	_ =	shalt  }
0x4d: {  	_ =	shalt  }
0x4e: {  	_ =	shalt  }
0x4f: {  	_ =	shalt  }
0x50: {  	_ =	shalt  }
0x51: {  	_ =	shalt  }
0x52: {  	_ =	shalt  }
0x53: {  	_ =	shalt  }
0x54: {  	_ =	shalt  }
0x55: {  	_ =	shalt  }
0x56: {  	_ =	shalt  }
0x57: {  	_ =	shalt  }
0x58: {  	_ =	shalt  }
0x59: {  	_ =	shalt  }
0x5a: {  	_ =	shalt  }
0x5b: {  	_ =	shalt  }
0x5c: {  	_ =	shalt  }
0x5d: {  	_ =	shalt  }
0x5e: {  	_ =	shalt  }
0x5f: {  	_ =	shalt  }
0x60: {  	_ =	shalt  }
0x61: {  	_ =	shalt  }
0x62: {  	_ =	shalt  }
0x63: {  	_ =	shalt  }
0x64: {  	_ =	shalt  }
0x65: {  	_ =	shalt  }
0x66: {  	_ =	shalt  }
0x67: {  	_ =	shalt  }
0x68: {  	_ =	shalt  }
0x69: {  	_ =	shalt  }
0x6a: {  	_ =	shalt  }
0x6b: {  	_ =	shalt  }
0x6c: {  	_ =	shalt  }
0x6d: {  	_ =	shalt  }
0x6e: {  	_ =	shalt  }
0x6f: {  	_ =	shalt  }
0x70: {  	_ =	shalt  }
0x71: {  	_ =	shalt  }
0x72: {  	_ =	shalt  }
0x73: {  	_ =	shalt  }
0x74: {  	_ =	shalt  }
0x75: {  	_ =	shalt  }
0x76: {  	_ =	shalt  }
0x77: {  	_ =	shalt  }
0x78: {  	_ =	shalt  }
0x79: {  	_ =	shalt  }
0x7a: {  	_ =	shalt  }
0x7b: {  	_ =	shalt  }
0x7c: {  	_ =	shalt  }
0x7d: {  	_ =	shalt  }
0x7e: {  	_ =	shalt  }
0x7f: {  	_ =	shalt  }
0x80: {  	_ =	shalt  }
0x81: {  	_ =	shalt  }
0x82: {  	_ =	shalt  }
0x83: {  	_ =	shalt  }
0x84: {  	_ =	shalt  }
0x85: {  	_ =	shalt  }
0x86: {  	_ =	shalt  }
0x87: {  	_ =	shalt  }
.Lfunc_end0:
.L_simem_size_0:
called_computation.3_lowered:
.L_overlay_start_0:
0x88: {  	s2 =	sld [smem:$0x3FD9]  }
0x89: {  	s3 =	sld [smem:$0x3FFE];
	_ =	sdelay $0x1  }
0x8a: {  	s1 =	srdreg.scid  }
0x8b: {  	s0 =	sand.u32 $0x1, s1  }
0x8c: {  	s16 =	sshll.u32 s0, $0xA;
	s2 =	sadd.s32 s3, s2  }
0x8d: {  	s2 =	sadd.s32 s2, s16  }
0x8e: {  	[smem:$0x3FBD] =	sst s2  }
0x8f: {  	_ = 	snop  }
0x90: {  	(tm) =	ssettm $0x1  }
0x91: {  	s17 =	sld [smem:$0x3FFB];
	_ =	sdelay $0x3  }
0x92: {  	_ =	strace s17  }
0x93: {  	s2 =	sld [smem:$0x3FFC];
	_ =	sdelay $0x3  }
0x94: {  	_ =	strace s2  }
0x95: {  	s2 =	sld [smem:$0x3FFD];
	_ =	sdelay $0x3  }
0x96: {  	_ =	strace s2  }
0x97: {  	_ =	strace $0x8FFFFFFF  }
0x98: {  	s18 =	sld [smem:$0x3FDB];
	_ =	sdelay $0x1  }
0x99: {  	s19 =	simm.s32 $_scs_section_size  }
0x9a: {  	s4 =	simm.s32 $_size__tile_overlayer_lowered;
	s5 =	simm.s32 $_tile_overlayer_lowered  }
0x9b: {  	s22 =	simm.s32 $0x1BFF;
	s21 =	sshll.u32 s5, $0x1;
	s2 =	sadd.s32 s19, s18  }
0x9c: {  	s6 =	simm.s32 $0x0;
	s20 =	sshll.u32 s4, $0x1;
	s4 =	sadd.s32 s21, s2  }
0x9d: {  	[timem:s6], [sflag:s22] =	dma.local [hbm:s4], s20  }
0x9e: {  	_ =	swait.ge [sflag:s22], s20  }
0x9f: {  	s3 =	ssub.s32 $0x0, s20;
	[sflag:s22] =	ssyncset.done $0x0  }
0xa0: {  	[sflag:s22] =	ssyncadd.s32 s3;
	_ =	sdelay $0x1  }
0xa1: {  	s23 =	simm.s32 $0x1B8B  }
0xa2: {  	_ =	swait.ge [sflag:s23], $0x1  }
0xa3: {  	[sflag:s23] =	ssyncset.done $0x0  }
0xa4: {  	s25 =	simm.s32 $0x1B8E;
	s24 =	sld [smem:$0x3FFE];
	[sflag:s23] =	ssyncadd.s32 $0xFFFFFFFF  }
0xa5: {  	s26 =	simm.s32 $execute0_lowered;
	[smem:$0x3FD2] =	sst s25  }
0xa6: {  	s4 =	sshll.u32 s26, $0x1;
	_ =	strace $0x8000004F;
	[dreg:$0x1] =	wrdreg $0xFFFFFFFF  }
0xa7: {  	s28 =	simm.s32 $_size_execute0_lowered;
	s2 =	sadd.s32 s2, s4;
	[dreg:$0x0] =	wrdreg $0x0  }
0xa8: {  	s4 =	sshll.u32 s28, $0x1;
	[dreg:$0x2] =	wrdreg s2  }
0xa9: {  	[dreg:$0x3] =	wrdreg s4  }
0xaa: {  	[dreg:$0x4] =	wrdreg $0xC0  }
0xab: {  	_ =	task [dreg:s6], $0x5FFFF  }
0xac: {  	[dreg:$0x1] =	wrdreg $0xFFFFFFFF  }
0xad: {  	[dreg:$0x0] =	wrdreg $0x60  }
0xae: {  	[dreg:$0x2] =	wrdreg s24  }
0xaf: {  	[dreg:$0x3] =	wrdreg $0x68000  }
0xb0: {  	[dreg:$0x4] =	wrdreg $0x9  }
0xb1: {  	_ =	task.clear_ibuf [dreg:s6], $0x5FFFF;
	_ =	strace $0x9000004F  }
0xb2: {  	s29 =	simm.s32 $0x9;
	_ =	strace $0x80000051  }
0xb3: {  	_ =	swait.ge [sflag:s29], $0x1  }
0xb4: {  	[sflag:s29] =	ssyncadd.s32 $0xFFFFFFFF  }
0xb5: {  	_ =	strace $0x90000051  }
0xb6: {  	_ =	sfence  }
0xb7: {  	s30 =	sld [smem:$0x0];
	_ =	sdelay $0x2  }
0xb8: {  	s31 =	sshll.u32 s1, $0xD;
	s1 =	sshrl.u32 s1, $0x2  }
0xb9: {  	s3 =	sand.u32 $0x4000, s31;
	s1 =	sadd.s32 s1, s30  }
0xba: {  	s0 =	sor.u32 s3, s0;
	s1 =	sshll.u32 s1, $0x11  }
0xbb: {  	s0 =	sor.u32 s1, s0  }
0xbc: {  	s0 =	sadd.s32 $0x8F2B, s0  }
0xbd: {  	[sflag:s0] =	ssyncadd.remote.s32 $0x1  }
0xbe: {  	_ =	sfence.sel $0xFFFF  }
0xbf: {  	[dreg:$0x0] =	wrdreg $0xFFFFFFFF;
	(pc) =	sbr.abs _section_cstart, $3  }
0xc0: {  	[dreg:$0x1] =	wrdreg $0xFFFFFFFF  }
0xc1: {  	_ =	task.clear_ibuf [dreg:s6], $0x2FFFF;
	_ =	strace $0x9FFFFFFF  }
0xc2: {  	(tm) =	ssettm $0x7FFFFFFF  }
0xc3: {  	_ =	shalt  }
tec
execute0_lowered:
.L_overlay_start_1:
0x0: {  	(tag) =	ssettag $0x1  }
0x1: {  	s0 =	rddreg [dreg:$0x0]  }
0x2: {  	s2 =	rddreg [dreg:$0x1]  }
0x3: {  	s13 =	simm.s32 $0x0;
	s1 =	srdreg.scid;
	s10 =	stileid.u32  }
0x4: {  	s29 =	simm.s32 $0x1400;
	p0 =	por $0x0, $0x0;
	s11 =	simm.s32 $0x1300  }
0x5: {  	[smem:$0x7FF] =	sst s13;
	s1 =	sand.u32 $0x1, s1;
	s4 =	smul.u32 $0x5000, s10  }
0x6: {  	s5 =	sshll.u32 s10, $0x1;
	s3 =	sadd.s32 $0x67200, s0;
	s7 =	sadd.s32 $0xD200, s0  }
0x7: {  	s8 =	sadd.s32 $0x71000, s0;
	s9 =	sadd.s32 $0x3200, s0;
	s30 =	sshll.u32 s10, $0x6  }
0x8: {  	s10 =	simm.s32 $0x4800;
	_ =	strace $0x80000050;
	s6 =	smul.u32 $0x50000, s1  }
0x9: {  	s5 =	sor.u32 s1, s5;
	[dreg:$0x3] =	wrdreg s8;
	s1 =	ssub.s32 $0x2, s1  }
0xa: {  	s8 =	simm.s32 $0x100;
	s5 =	smul.u32 $0x2800, s5;
	s22 =	sshrl.u32 s1, $0x1  }
0xb: {  	s26 =	sadd.s32 s4, s2;
	s6 =	sadd.s32 s4, s6;
	s1 =	ssub.s32 s1, s22  }
0xc: {  	s4 =	sor.u32 $0x1C02, s30;
	s6 =	sshrl.u32 s6, $0x3;
	s5 =	sshrl.u32 s5, $0x3  }
0xd: {  	s31 =	smax.u32 s1, $0x1;
	s23 =	sadd.s32 s7, s5;
	s24 =	sadd.s32 s9, s5  }
0xe: {  	s5 =	sadd.s32 $0x280, s5;
	p1 =	sne.s32 s31, $0x1;
	[dreg:$0x4] =	wrdreg s23  }
.Ltmp0:
0xf: {  	[dreg:$0x5] =	wrdreg s24;
	s25 =	sadd.s32 s7, s5;
	(pc) =	sbr.rel @!p1 .LBB2_5-.Ltmp0, $4  }
0x10: {  	s0 =	sadd.s32 s6, s0;
	s28 =	sadd.s32 s9, s5;
	[dreg:$0x6] =	wrdreg s25  }
0x11: {  	s6 =	sshrl.u32 s26, $0x3;
	s0 =	sadd.s32 $0x71A00, s0;
	[dreg:$0x7] =	wrdreg s28  }
0x12: {  	s12 =	sadd.s32 $0xFFFFFFFF, s31;
	s5 =	simm.s32 $0x2;
	[dreg:$0x8] =	wrdreg s0  }
0x13: {  	s9 =	simm.s32 $0x2800;
	s7 =	simm.s32 $0x1;
	s0 =	rddreg [dreg:$0x3]  }
0x14: {  	[spmem:s6], [sflag:s4] =	dma.local [hbm:s0], $0xA00  }
0x15: {  	_ =	swait.ge [sflag:s5], $0xA00  }
0x16: {  	[sflag:s5] =	ssyncset.done $0x0  }
0x17: {  	[sflag:s5] =	ssyncadd.s32 $0xFFFFF600  }
0x18: {  	[bflag:$0x0] =	sbarrier.arrive $0xFFFF  }
0x19: {  	s25 =	rddreg [dreg:$0x4]  }
0x1a: {  	[tilespmem:s13], [sflag:$0x2] =	stream.linear.gather [hbm4b:s25+s13], $0x1400, $0x38;
	[tilespmem:$0xB800] =	vst v63  }
0x1b: {  	_ =	swait.ge [sflag:s5], $0x1400  }
0x1c: {  	[sflag:s5] =	ssyncset.done $0x0  }
0x1d: {  	s26 =	rddreg [dreg:$0x5];
	[sflag:s5] =	ssyncadd.s32 $0xFFFFEC00  }
0x1e: {  	[tilespmem:s29], [sflag:$0x2] =	stream.linear.gather [hbm4b:s26+s13], $0x1400, $0x38;
	[tilespmem:$0xB800] =	vst v63  }
0x1f: {  	_ =	swait.ge [sflag:s5], $0x1400  }
0x20: {  	[sflag:s5] =	ssyncset.done $0x0  }
0x21: {  	[sflag:s5] =	ssyncadd.s32 $0xFFFFEC00  }
0x22: {  	[tilespmem:s9], [sflag:$0x1] =	stream.indirect.gather [hbm4b:s3+s8], $0x20, s13, s8, $0xb8;
	[tilespmem:$0xB800] =	vst v63  }
0x23: {  	_ =	swait.ge [sflag:s7], $0x2000  }
0x24: {  	[sflag:s7] =	ssyncset.done $0x0  }
0x25: {  	[sflag:s7] =	ssyncadd.s32 $0xFFFFE000  }
0x26: {  	[tilespmem:s10], [sflag:$0x1] =	stream.indirect.gather [hbm4b:s3+s8], $0x20, s8, s8, $0xb8;
	[tilespmem:$0xB800] =	vst v63  }
0x27: {  	_ = 	snop  }
0x28: {  	[spmem:s2] =	stream.indirect.scatter.add.f32 [tilespmem:s9], [sflag:$0x2], $0x20, s29, s8, $0xb8;
	[tilespmem:$0xB800] =	vst v63  }
0x29: {  	_ =	swait.ge [sflag:s5], $0x2000  }
0x2a: {  	[sflag:s5] =	ssyncset.done $0x0  }
0x2b: {  	[sflag:s5] =	ssyncadd.s32 $0xFFFFE000  }
0x2c: {  	_ =	swait.ge [sflag:s7], $0x2000  }
0x2d: {  	[sflag:s7] =	ssyncset.done $0x0  }
0x2e: {  	s14 =	simm.s32 $0x200;
	[sflag:s7] =	ssyncadd.s32 $0xFFFFE000  }
0x2f: {  	[tilespmem:s9], [sflag:$0x1] =	stream.indirect.gather [hbm4b:s3+s8], $0x20, s14, s8, $0xb8;
	[tilespmem:$0xB800] =	vst v63  }
0x30: {  	s20 =	simm.s32 $0x1500  }
0x31: {  	[spmem:s2] =	stream.indirect.scatter.add.f32 [tilespmem:s10], [sflag:$0x2], $0x20, s20, s8, $0xb8;
	[tilespmem:$0xB800] =	vst v63  }
0x32: {  	_ =	swait.ge [sflag:s5], $0x2000  }
0x33: {  	[sflag:s5] =	ssyncset.done $0x0  }
0x34: {  	[sflag:s5] =	ssyncadd.s32 $0xFFFFE000  }
0x35: {  	_ =	swait.ge [sflag:s7], $0x2000  }
0x36: {  	[sflag:s7] =	ssyncset.done $0x0  }
0x37: {  	s28 =	simm.s32 $0x300;
	[sflag:s7] =	ssyncadd.s32 $0xFFFFE000  }
0x38: {  	[tilespmem:s10], [sflag:$0x1] =	stream.indirect.gather [hbm4b:s3+s8], $0x20, s28, s8, $0xb8;
	[tilespmem:$0xB800] =	vst v63  }
0x39: {  	s19 =	simm.s32 $0x1600  }
0x3a: {  	[spmem:s2] =	stream.indirect.scatter.add.f32 [tilespmem:s9], [sflag:$0x2], $0x20, s19, s8, $0xb8;
	[tilespmem:$0xB800] =	vst v63  }
0x3b: {  	_ =	swait.ge [sflag:s5], $0x2000  }
0x3c: {  	[sflag:s5] =	ssyncset.done $0x0  }
0x3d: {  	[sflag:s5] =	ssyncadd.s32 $0xFFFFE000  }
0x3e: {  	_ =	swait.ge [sflag:s7], $0x2000  }
0x3f: {  	[sflag:s7] =	ssyncset.done $0x0  }
0x40: {  	s28 =	simm.s32 $0x400;
	[sflag:s7] =	ssyncadd.s32 $0xFFFFE000  }
0x41: {  	[tilespmem:s9], [sflag:$0x1] =	stream.indirect.gather [hbm4b:s3+s8], $0x20, s28, s8, $0xb8;
	[tilespmem:$0xB800] =	vst v63  }
0x42: {  	s18 =	simm.s32 $0x1700  }
0x43: {  	[spmem:s2] =	stream.indirect.scatter.add.f32 [tilespmem:s10], [sflag:$0x2], $0x20, s18, s8, $0xb8;
	[tilespmem:$0xB800] =	vst v63  }
0x44: {  	_ =	swait.ge [sflag:s5], $0x2000  }
0x45: {  	[sflag:s5] =	ssyncset.done $0x0  }
0x46: {  	[sflag:s5] =	ssyncadd.s32 $0xFFFFE000  }
0x47: {  	_ =	swait.ge [sflag:s7], $0x2000  }
0x48: {  	[sflag:s7] =	ssyncset.done $0x0  }
0x49: {  	s25 =	simm.s32 $0x500;
	[sflag:s7] =	ssyncadd.s32 $0xFFFFE000  }
0x4a: {  	[tilespmem:s10], [sflag:$0x1] =	stream.indirect.gather [hbm4b:s3+s8], $0x20, s25, s8, $0xb8;
	[tilespmem:$0xB800] =	vst v63  }
0x4b: {  	s17 =	simm.s32 $0x1800  }
0x4c: {  	[spmem:s2] =	stream.indirect.scatter.add.f32 [tilespmem:s9], [sflag:$0x2], $0x20, s17, s8, $0xb8;
	[tilespmem:$0xB800] =	vst v63  }
0x4d: {  	_ =	swait.ge [sflag:s5], $0x2000  }
0x4e: {  	[sflag:s5] =	ssyncset.done $0x0  }
0x4f: {  	[sflag:s5] =	ssyncadd.s32 $0xFFFFE000  }
0x50: {  	_ =	swait.ge [sflag:s7], $0x2000  }
0x51: {  	[sflag:s7] =	ssyncset.done $0x0  }
0x52: {  	s23 =	simm.s32 $0x600;
	[sflag:s7] =	ssyncadd.s32 $0xFFFFE000  }
0x53: {  	[tilespmem:s9], [sflag:$0x1] =	stream.indirect.gather [hbm4b:s3+s8], $0x20, s23, s8, $0xb8;
	[tilespmem:$0xB800] =	vst v63  }
0x54: {  	s16 =	simm.s32 $0x1900  }
0x55: {  	[spmem:s2] =	stream.indirect.scatter.add.f32 [tilespmem:s10], [sflag:$0x2], $0x20, s16, s8, $0xb8;
	[tilespmem:$0xB800] =	vst v63  }
0x56: {  	_ =	swait.ge [sflag:s5], $0x2000  }
0x57: {  	[sflag:s5] =	ssyncset.done $0x0  }
0x58: {  	[sflag:s5] =	ssyncadd.s32 $0xFFFFE000  }
0x59: {  	_ =	swait.ge [sflag:s7], $0x2000  }
0x5a: {  	[sflag:s7] =	ssyncset.done $0x0  }
0x5b: {  	s21 =	simm.s32 $0x700;
	[sflag:s7] =	ssyncadd.s32 $0xFFFFE000  }
0x5c: {  	[tilespmem:s10], [sflag:$0x1] =	stream.indirect.gather [hbm4b:s3+s8], $0x20, s21, s8, $0xb8;
	[tilespmem:$0xB800] =	vst v63  }
0x5d: {  	s15 =	simm.s32 $0x1A00  }
0x5e: {  	[spmem:s2] =	stream.indirect.scatter.add.f32 [tilespmem:s9], [sflag:$0x2], $0x20, s15, s8, $0xb8;
	[tilespmem:$0xB800] =	vst v63  }
0x5f: {  	_ =	swait.ge [sflag:s5], $0x2000  }
0x60: {  	[sflag:s5] =	ssyncset.done $0x0  }
0x61: {  	[sflag:s5] =	ssyncadd.s32 $0xFFFFE000  }
0x62: {  	_ =	swait.ge [sflag:s7], $0x2000  }
0x63: {  	[sflag:s7] =	ssyncset.done $0x0  }
0x64: {  	s26 =	simm.s32 $0x800;
	[sflag:s7] =	ssyncadd.s32 $0xFFFFE000  }
0x65: {  	[tilespmem:s9], [sflag:$0x1] =	stream.indirect.gather [hbm4b:s3+s8], $0x20, s26, s8, $0xb8;
	[tilespmem:$0xB800] =	vst v63  }
0x66: {  	s29 =	simm.s32 $0x1B00  }
0x67: {  	[spmem:s2] =	stream.indirect.scatter.add.f32 [tilespmem:s10], [sflag:$0x2], $0x20, s29, s8, $0xb8;
	[tilespmem:$0xB800] =	vst v63  }
0x68: {  	_ =	swait.ge [sflag:s5], $0x2000  }
0x69: {  	[sflag:s5] =	ssyncset.done $0x0  }
0x6a: {  	[sflag:s5] =	ssyncadd.s32 $0xFFFFE000  }
0x6b: {  	_ =	swait.ge [sflag:s7], $0x2000  }
0x6c: {  	[sflag:s7] =	ssyncset.done $0x0  }
0x6d: {  	s24 =	simm.s32 $0x900;
	[sflag:s7] =	ssyncadd.s32 $0xFFFFE000  }
0x6e: {  	[tilespmem:s10], [sflag:$0x1] =	stream.indirect.gather [hbm4b:s3+s8], $0x20, s24, s8, $0xb8;
	[tilespmem:$0xB800] =	vst v63  }
0x6f: {  	s29 =	simm.s32 $0x1C00  }
0x70: {  	[spmem:s2] =	stream.indirect.scatter.add.f32 [tilespmem:s9], [sflag:$0x2], $0x20, s29, s8, $0xb8;
	[tilespmem:$0xB800] =	vst v63  }
0x71: {  	_ =	swait.ge [sflag:s5], $0x2000  }
0x72: {  	[sflag:s5] =	ssyncset.done $0x0  }
0x73: {  	[sflag:s5] =	ssyncadd.s32 $0xFFFFE000  }
0x74: {  	_ =	swait.ge [sflag:s7], $0x2000  }
0x75: {  	[sflag:s7] =	ssyncset.done $0x0  }
0x76: {  	s22 =	simm.s32 $0xA00;
	[sflag:s7] =	ssyncadd.s32 $0xFFFFE000  }
0x77: {  	[tilespmem:s9], [sflag:$0x1] =	stream.indirect.gather [hbm4b:s3+s8], $0x20, s22, s8, $0xb8;
	[tilespmem:$0xB800] =	vst v63  }
0x78: {  	s13 =	simm.s32 $0x1D00  }
0x79: {  	[spmem:s2] =	stream.indirect.scatter.add.f32 [tilespmem:s10], [sflag:$0x2], $0x20, s13, s8, $0xb8;
	[tilespmem:$0xB800] =	vst v63  }
0x7a: {  	_ =	swait.ge [sflag:s5], $0x2000  }
0x7b: {  	[sflag:s5] =	ssyncset.done $0x0  }
0x7c: {  	[sflag:s5] =	ssyncadd.s32 $0xFFFFE000  }
0x7d: {  	_ =	swait.ge [sflag:s7], $0x2000  }
0x7e: {  	[sflag:s7] =	ssyncset.done $0x0  }
0x7f: {  	s30 =	simm.s32 $0xB00;
	[sflag:s7] =	ssyncadd.s32 $0xFFFFE000  }
0x80: {  	[tilespmem:s10], [sflag:$0x1] =	stream.indirect.gather [hbm4b:s3+s8], $0x20, s30, s8, $0xb8;
	[tilespmem:$0xB800] =	vst v63  }
0x81: {  	s31 =	simm.s32 $0x1E00  }
0x82: {  	[spmem:s2] =	stream.indirect.scatter.add.f32 [tilespmem:s9], [sflag:$0x2], $0x20, s31, s8, $0xb8;
	[tilespmem:$0xB800] =	vst v63  }
0x83: {  	_ =	swait.ge [sflag:s5], $0x2000  }
0x84: {  	[sflag:s5] =	ssyncset.done $0x0  }
0x85: {  	[sflag:s5] =	ssyncadd.s32 $0xFFFFE000  }
0x86: {  	_ =	swait.ge [sflag:s7], $0x2000  }
0x87: {  	[sflag:s7] =	ssyncset.done $0x0  }
0x88: {  	s31 =	simm.s32 $0xC00;
	[sflag:s7] =	ssyncadd.s32 $0xFFFFE000  }
0x89: {  	[tilespmem:s9], [sflag:$0x1] =	stream.indirect.gather [hbm4b:s3+s8], $0x20, s31, s8, $0xb8;
	[tilespmem:$0xB800] =	vst v63  }
0x8a: {  	s31 =	simm.s32 $0x1F00  }
0x8b: {  	[spmem:s2] =	stream.indirect.scatter.add.f32 [tilespmem:s10], [sflag:$0x2], $0x20, s31, s8, $0xb8;
	[tilespmem:$0xB800] =	vst v63  }
0x8c: {  	_ =	swait.ge [sflag:s5], $0x2000  }
0x8d: {  	[sflag:s5] =	ssyncset.done $0x0  }
0x8e: {  	[sflag:s5] =	ssyncadd.s32 $0xFFFFE000  }
0x8f: {  	_ =	swait.ge [sflag:s7], $0x2000  }
0x90: {  	[sflag:s7] =	ssyncset.done $0x0  }
0x91: {  	s31 =	simm.s32 $0xD00;
	[sflag:s7] =	ssyncadd.s32 $0xFFFFE000  }
0x92: {  	[tilespmem:s10], [sflag:$0x1] =	stream.indirect.gather [hbm4b:s3+s8], $0x20, s31, s8, $0xb8;
	[tilespmem:$0xB800] =	vst v63  }
0x93: {  	s31 =	simm.s32 $0x2000  }
0x94: {  	[spmem:s2] =	stream.indirect.scatter.add.f32 [tilespmem:s9], [sflag:$0x2], $0x20, s31, s8, $0xb8;
	[tilespmem:$0xB800] =	vst v63  }
0x95: {  	_ =	swait.ge [sflag:s5], $0x2000  }
0x96: {  	[sflag:s5] =	ssyncset.done $0x0  }
0x97: {  	[sflag:s5] =	ssyncadd.s32 $0xFFFFE000  }
0x98: {  	_ =	swait.ge [sflag:s7], $0x2000  }
0x99: {  	[sflag:s7] =	ssyncset.done $0x0  }
0x9a: {  	s31 =	simm.s32 $0xE00;
	[sflag:s7] =	ssyncadd.s32 $0xFFFFE000  }
0x9b: {  	[tilespmem:s9], [sflag:$0x1] =	stream.indirect.gather [hbm4b:s3+s8], $0x20, s31, s8, $0xb8;
	[tilespmem:$0xB800] =	vst v63  }
0x9c: {  	s31 =	simm.s32 $0x2100  }
0x9d: {  	[spmem:s2] =	stream.indirect.scatter.add.f32 [tilespmem:s10], [sflag:$0x2], $0x20, s31, s8, $0xb8;
	[tilespmem:$0xB800] =	vst v63  }
0x9e: {  	_ =	swait.ge [sflag:s5], $0x2000  }
0x9f: {  	[sflag:s5] =	ssyncset.done $0x0  }
0xa0: {  	[sflag:s5] =	ssyncadd.s32 $0xFFFFE000  }
0xa1: {  	_ =	swait.ge [sflag:s7], $0x2000  }
0xa2: {  	[sflag:s7] =	ssyncset.done $0x0  }
0xa3: {  	s31 =	simm.s32 $0xF00;
	[sflag:s7] =	ssyncadd.s32 $0xFFFFE000  }
0xa4: {  	[tilespmem:s10], [sflag:$0x1] =	stream.indirect.gather [hbm4b:s3+s8], $0x20, s31, s8, $0xb8;
	[tilespmem:$0xB800] =	vst v63  }
0xa5: {  	s31 =	simm.s32 $0x2200  }
0xa6: {  	[spmem:s2] =	stream.indirect.scatter.add.f32 [tilespmem:s9], [sflag:$0x2], $0x20, s31, s8, $0xb8;
	[tilespmem:$0xB800] =	vst v63  }
0xa7: {  	_ =	swait.ge [sflag:s5], $0x2000  }
0xa8: {  	[sflag:s5] =	ssyncset.done $0x0  }
0xa9: {  	[sflag:s5] =	ssyncadd.s32 $0xFFFFE000  }
0xaa: {  	_ =	swait.ge [sflag:s7], $0x2000  }
0xab: {  	[sflag:s7] =	ssyncset.done $0x0  }
0xac: {  	[dreg:$0xa] =	wrdreg s6;
	s6 =	simm.s32 $0x1000;
	[sflag:s7] =	ssyncadd.s32 $0xFFFFE000  }
0xad: {  	[tilespmem:s9], [sflag:$0x1] =	stream.indirect.gather [hbm4b:s3+s8], $0x20, s6, s8, $0xb8;
	[tilespmem:$0xB800] =	vst v63  }
0xae: {  	s31 =	simm.s32 $0x2300  }
0xaf: {  	[spmem:s2] =	stream.indirect.scatter.add.f32 [tilespmem:s10], [sflag:$0x2], $0x20, s31, s8, $0xb8;
	[tilespmem:$0xB800] =	vst v63  }
0xb0: {  	_ =	swait.ge [sflag:s5], $0x2000  }
0xb1: {  	[sflag:s5] =	ssyncset.done $0x0  }
0xb2: {  	[sflag:s5] =	ssyncadd.s32 $0xFFFFE000  }
0xb3: {  	_ =	swait.ge [sflag:s7], $0x2000  }
0xb4: {  	[sflag:s7] =	ssyncset.done $0x0  }
0xb5: {  	s31 =	simm.s32 $0x1100;
	[sflag:s7] =	ssyncadd.s32 $0xFFFFE000  }
0xb6: {  	[tilespmem:s10], [sflag:$0x1] =	stream.indirect.gather [hbm4b:s3+s8], $0x20, s31, s8, $0xb8;
	[tilespmem:$0xB800] =	vst v63  }
0xb7: {  	[dreg:$0x9] =	wrdreg s4;
	s4 =	simm.s32 $0x2400  }
0xb8: {  	[spmem:s2] =	stream.indirect.scatter.add.f32 [tilespmem:s9], [sflag:$0x2], $0x20, s4, s8, $0xb8;
	[tilespmem:$0xB800] =	vst v63  }
0xb9: {  	_ =	swait.ge [sflag:s5], $0x2000  }
0xba: {  	[sflag:s5] =	ssyncset.done $0x0  }
0xbb: {  	[sflag:s5] =	ssyncadd.s32 $0xFFFFE000  }
0xbc: {  	_ =	swait.ge [sflag:s7], $0x2000  }
0xbd: {  	[sflag:s7] =	ssyncset.done $0x0  }
0xbe: {  	s31 =	simm.s32 $0x1200;
	[sflag:s7] =	ssyncadd.s32 $0xFFFFE000  }
0xbf: {  	[tilespmem:s9], [sflag:$0x1] =	stream.indirect.gather [hbm4b:s3+s8], $0x20, s31, s8, $0xb8;
	[tilespmem:$0xB800] =	vst v63  }
0xc0: {  	s4 =	simm.s32 $0x2500  }
0xc1: {  	[spmem:s2] =	stream.indirect.scatter.add.f32 [tilespmem:s10], [sflag:$0x2], $0x20, s4, s8, $0xb8;
	[tilespmem:$0xB800] =	vst v63  }
0xc2: {  	_ =	swait.ge [sflag:s5], $0x2000  }
0xc3: {  	[sflag:s5] =	ssyncset.done $0x0  }
0xc4: {  	[sflag:s5] =	ssyncadd.s32 $0xFFFFE000  }
0xc5: {  	_ =	swait.ge [sflag:s7], $0x2000  }
0xc6: {  	[sflag:s7] =	ssyncset.done $0x0  }
0xc7: {  	s0 =	simm.s32 $0x1300;
	[sflag:s7] =	ssyncadd.s32 $0xFFFFE000  }
0xc8: {  	[tilespmem:s10], [sflag:$0x1] =	stream.indirect.gather [hbm4b:s3+s8], $0x20, s0, s8, $0xb8;
	[tilespmem:$0xB800] =	vst v63  }
0xc9: {  	s4 =	simm.s32 $0x2600  }
0xca: {  	[spmem:s2] =	stream.indirect.scatter.add.f32 [tilespmem:s9], [sflag:$0x2], $0x20, s4, s8, $0xb8;
	[tilespmem:$0xB800] =	vst v63  }
0xcb: {  	_ =	swait.ge [sflag:s5], $0x2000  }
0xcc: {  	[sflag:s5] =	ssyncset.done $0x0  }
0xcd: {  	[sflag:s5] =	ssyncadd.s32 $0xFFFFE000  }
0xce: {  	_ =	swait.ge [sflag:s7], $0x2000  }
0xcf: {  	[sflag:s7] =	ssyncset.done $0x0  }
0xd0: {  	[sflag:s7] =	ssyncadd.s32 $0xFFFFE000  }
0xd1: {  	[tilespmem:s9], [sflag:$0x1] =	stream.indirect.gather [hbm4b:s3+s8], $0x20, s0, s8, $0xb8;
	[tilespmem:$0xB800] =	vst v63  }
0xd2: {  	s4 =	simm.s32 $0x2700  }
0xd3: {  	[spmem:s2] =	stream.indirect.scatter.add.f32 [tilespmem:s10], [sflag:$0x2], $0x20, s4, s8, $0xb8;
	[tilespmem:$0xB800] =	vst v63  }
0xd4: {  	_ =	swait.ge [sflag:s5], $0x2000  }
0xd5: {  	[sflag:s5] =	ssyncset.done $0x0  }
0xd6: {  	[sflag:s5] =	ssyncadd.s32 $0xFFFFE000  }
0xd7: {  	_ =	swait.ge [sflag:s7], $0x2000  }
0xd8: {  	[sflag:s7] =	ssyncset.done $0x0  }
0xd9: {  	s1 =	simm.s32 $0x0;
	s4 =	rddreg [dreg:$0x6];
	[sflag:s7] =	ssyncadd.s32 $0xFFFFE000  }
0xda: {  	[tilespmem:s1], [sflag:$0x2] =	stream.linear.gather [hbm4b:s4+s1], $0x1400, $0x38;
	[tilespmem:$0xB800] =	vst v63  }
0xdb: {  	_ =	swait.ge [sflag:s5], $0x1400  }
0xdc: {  	[sflag:s5] =	ssyncset.done $0x0  }
0xdd: {  	s11 =	simm.s32 $0x1400;
	s4 =	rddreg [dreg:$0x7];
	[sflag:s5] =	ssyncadd.s32 $0xFFFFEC00  }
0xde: {  	[tilespmem:s11], [sflag:$0x2] =	stream.linear.gather [hbm4b:s4+s1], $0x1400, $0x38;
	[tilespmem:$0xB800] =	vst v63  }
0xdf: {  	_ =	swait.ge [sflag:s5], $0x1400  }
0xe0: {  	[sflag:s5] =	ssyncset.done $0x0  }
0xe1: {  	[sflag:s5] =	ssyncadd.s32 $0xFFFFEC00  }
0xe2: {  	[tilespmem:s9], [sflag:$0x1] =	stream.indirect.gather [hbm4b:s3+s8], $0x20, s1, s8, $0xb8;
	[tilespmem:$0xB800] =	vst v63  }
0xe3: {  	_ =	swait.ge [sflag:s7], $0x2000  }
0xe4: {  	[sflag:s7] =	ssyncset.done $0x0  }
0xe5: {  	[sflag:s7] =	ssyncadd.s32 $0xFFFFE000  }
0xe6: {  	[tilespmem:s10], [sflag:$0x1] =	stream.indirect.gather [hbm4b:s3+s8], $0x20, s8, s8, $0xb8;
	[tilespmem:$0xB800] =	vst v63  }
0xe7: {  	_ = 	snop  }
0xe8: {  	[spmem:s2] =	stream.indirect.scatter.add.f32 [tilespmem:s9], [sflag:$0x2], $0x20, s11, s8, $0xb8;
	[tilespmem:$0xB800] =	vst v63  }
0xe9: {  	_ =	swait.ge [sflag:s5], $0x2000  }
0xea: {  	[sflag:s5] =	ssyncset.done $0x0  }
0xeb: {  	[sflag:s5] =	ssyncadd.s32 $0xFFFFE000  }
0xec: {  	_ =	swait.ge [sflag:s7], $0x2000  }
0xed: {  	[sflag:s7] =	ssyncset.done $0x0  }
0xee: {  	[sflag:s7] =	ssyncadd.s32 $0xFFFFE000  }
0xef: {  	[tilespmem:s9], [sflag:$0x1] =	stream.indirect.gather [hbm4b:s3+s8], $0x20, s14, s8, $0xb8;
	[tilespmem:$0xB800] =	vst v63  }
0xf0: {  	_ = 	snop  }
0xf1: {  	[spmem:s2] =	stream.indirect.scatter.add.f32 [tilespmem:s10], [sflag:$0x2], $0x20, s20, s8, $0xb8;
	[tilespmem:$0xB800] =	vst v63  }
0xf2: {  	_ =	swait.ge [sflag:s5], $0x2000  }
0xf3: {  	[sflag:s5] =	ssyncset.done $0x0  }
0xf4: {  	[sflag:s5] =	ssyncadd.s32 $0xFFFFE000  }
0xf5: {  	_ =	swait.ge [sflag:s7], $0x2000  }
0xf6: {  	[sflag:s7] =	ssyncset.done $0x0  }
0xf7: {  	s4 =	simm.s32 $0x300;
	[sflag:s7] =	ssyncadd.s32 $0xFFFFE000  }
0xf8: {  	[tilespmem:s10], [sflag:$0x1] =	stream.indirect.gather [hbm4b:s3+s8], $0x20, s4, s8, $0xb8;
	[tilespmem:$0xB800] =	vst v63  }
0xf9: {  	_ = 	snop  }
0xfa: {  	[spmem:s2] =	stream.indirect.scatter.add.f32 [tilespmem:s9], [sflag:$0x2], $0x20, s19, s8, $0xb8;
	[tilespmem:$0xB800] =	vst v63  }
0xfb: {  	_ =	swait.ge [sflag:s5], $0x2000  }
0xfc: {  	[sflag:s5] =	ssyncset.done $0x0  }
0xfd: {  	[sflag:s5] =	ssyncadd.s32 $0xFFFFE000  }
0xfe: {  	_ =	swait.ge [sflag:s7], $0x2000  }
0xff: {  	[sflag:s7] =	ssyncset.done $0x0  }
0x100: {  	[sflag:s7] =	ssyncadd.s32 $0xFFFFE000  }
0x101: {  	[tilespmem:s9], [sflag:$0x1] =	stream.indirect.gather [hbm4b:s3+s8], $0x20, s28, s8, $0xb8;
	[tilespmem:$0xB800] =	vst v63  }
0x102: {  	_ = 	snop  }
0x103: {  	[spmem:s2] =	stream.indirect.scatter.add.f32 [tilespmem:s10], [sflag:$0x2], $0x20, s18, s8, $0xb8;
	[tilespmem:$0xB800] =	vst v63  }
0x104: {  	_ =	swait.ge [sflag:s5], $0x2000  }
0x105: {  	[sflag:s5] =	ssyncset.done $0x0  }
0x106: {  	[sflag:s5] =	ssyncadd.s32 $0xFFFFE000  }
0x107: {  	_ =	swait.ge [sflag:s7], $0x2000  }
0x108: {  	[sflag:s7] =	ssyncset.done $0x0  }
0x109: {  	[sflag:s7] =	ssyncadd.s32 $0xFFFFE000  }
0x10a: {  	[tilespmem:s10], [sflag:$0x1] =	stream.indirect.gather [hbm4b:s3+s8], $0x20, s25, s8, $0xb8;
	[tilespmem:$0xB800] =	vst v63  }
0x10b: {  	_ = 	snop  }
0x10c: {  	[spmem:s2] =	stream.indirect.scatter.add.f32 [tilespmem:s9], [sflag:$0x2], $0x20, s17, s8, $0xb8;
	[tilespmem:$0xB800] =	vst v63  }
0x10d: {  	_ =	swait.ge [sflag:s5], $0x2000  }
0x10e: {  	[sflag:s5] =	ssyncset.done $0x0  }
0x10f: {  	[sflag:s5] =	ssyncadd.s32 $0xFFFFE000  }
0x110: {  	_ =	swait.ge [sflag:s7], $0x2000  }
0x111: {  	[sflag:s7] =	ssyncset.done $0x0  }
0x112: {  	[sflag:s7] =	ssyncadd.s32 $0xFFFFE000  }
0x113: {  	[tilespmem:s9], [sflag:$0x1] =	stream.indirect.gather [hbm4b:s3+s8], $0x20, s23, s8, $0xb8;
	[tilespmem:$0xB800] =	vst v63  }
0x114: {  	_ = 	snop  }
0x115: {  	[spmem:s2] =	stream.indirect.scatter.add.f32 [tilespmem:s10], [sflag:$0x2], $0x20, s16, s8, $0xb8;
	[tilespmem:$0xB800] =	vst v63  }
0x116: {  	_ =	swait.ge [sflag:s5], $0x2000  }
0x117: {  	[sflag:s5] =	ssyncset.done $0x0  }
0x118: {  	[sflag:s5] =	ssyncadd.s32 $0xFFFFE000  }
0x119: {  	_ =	swait.ge [sflag:s7], $0x2000  }
0x11a: {  	[sflag:s7] =	ssyncset.done $0x0  }
0x11b: {  	[sflag:s7] =	ssyncadd.s32 $0xFFFFE000  }
0x11c: {  	[tilespmem:s10], [sflag:$0x1] =	stream.indirect.gather [hbm4b:s3+s8], $0x20, s21, s8, $0xb8;
	[tilespmem:$0xB800] =	vst v63  }
0x11d: {  	_ = 	snop  }
0x11e: {  	[spmem:s2] =	stream.indirect.scatter.add.f32 [tilespmem:s9], [sflag:$0x2], $0x20, s15, s8, $0xb8;
	[tilespmem:$0xB800] =	vst v63  }
0x11f: {  	_ =	swait.ge [sflag:s5], $0x2000  }
0x120: {  	[sflag:s5] =	ssyncset.done $0x0  }
0x121: {  	[sflag:s5] =	ssyncadd.s32 $0xFFFFE000  }
0x122: {  	_ =	swait.ge [sflag:s7], $0x2000  }
0x123: {  	[sflag:s7] =	ssyncset.done $0x0  }
0x124: {  	[sflag:s7] =	ssyncadd.s32 $0xFFFFE000  }
0x125: {  	[tilespmem:s9], [sflag:$0x1] =	stream.indirect.gather [hbm4b:s3+s8], $0x20, s26, s8, $0xb8;
	[tilespmem:$0xB800] =	vst v63  }
0x126: {  	s11 =	simm.s32 $0x1B00  }
0x127: {  	[spmem:s2] =	stream.indirect.scatter.add.f32 [tilespmem:s10], [sflag:$0x2], $0x20, s11, s8, $0xb8;
	[tilespmem:$0xB800] =	vst v63  }
0x128: {  	_ =	swait.ge [sflag:s5], $0x2000  }
0x129: {  	[sflag:s5] =	ssyncset.done $0x0  }
0x12a: {  	[sflag:s5] =	ssyncadd.s32 $0xFFFFE000  }
0x12b: {  	_ =	swait.ge [sflag:s7], $0x2000  }
0x12c: {  	[sflag:s7] =	ssyncset.done $0x0  }
0x12d: {  	[sflag:s7] =	ssyncadd.s32 $0xFFFFE000  }
0x12e: {  	[tilespmem:s10], [sflag:$0x1] =	stream.indirect.gather [hbm4b:s3+s8], $0x20, s24, s8, $0xb8;
	[tilespmem:$0xB800] =	vst v63  }
0x12f: {  	_ = 	snop  }
0x130: {  	[spmem:s2] =	stream.indirect.scatter.add.f32 [tilespmem:s9], [sflag:$0x2], $0x20, s29, s8, $0xb8;
	[tilespmem:$0xB800] =	vst v63  }
0x131: {  	_ =	swait.ge [sflag:s5], $0x2000  }
0x132: {  	[sflag:s5] =	ssyncset.done $0x0  }
0x133: {  	[sflag:s5] =	ssyncadd.s32 $0xFFFFE000  }
0x134: {  	_ =	swait.ge [sflag:s7], $0x2000  }
0x135: {  	[sflag:s7] =	ssyncset.done $0x0  }
0x136: {  	[sflag:s7] =	ssyncadd.s32 $0xFFFFE000  }
0x137: {  	[tilespmem:s9], [sflag:$0x1] =	stream.indirect.gather [hbm4b:s3+s8], $0x20, s22, s8, $0xb8;
	[tilespmem:$0xB800] =	vst v63  }
0x138: {  	_ = 	snop  }
0x139: {  	[spmem:s2] =	stream.indirect.scatter.add.f32 [tilespmem:s10], [sflag:$0x2], $0x20, s13, s8, $0xb8;
	[tilespmem:$0xB800] =	vst v63  }
0x13a: {  	_ =	swait.ge [sflag:s5], $0x2000  }
0x13b: {  	[sflag:s5] =	ssyncset.done $0x0  }
0x13c: {  	[sflag:s5] =	ssyncadd.s32 $0xFFFFE000  }
0x13d: {  	_ =	swait.ge [sflag:s7], $0x2000  }
0x13e: {  	[sflag:s7] =	ssyncset.done $0x0  }
0x13f: {  	[sflag:s7] =	ssyncadd.s32 $0xFFFFE000  }
0x140: {  	[tilespmem:s10], [sflag:$0x1] =	stream.indirect.gather [hbm4b:s3+s8], $0x20, s30, s8, $0xb8;
	[tilespmem:$0xB800] =	vst v63  }
0x141: {  	s14 =	simm.s32 $0x1E00  }
0x142: {  	[spmem:s2] =	stream.indirect.scatter.add.f32 [tilespmem:s9], [sflag:$0x2], $0x20, s14, s8, $0xb8;
	[tilespmem:$0xB800] =	vst v63  }
0x143: {  	_ =	swait.ge [sflag:s5], $0x2000  }
0x144: {  	[sflag:s5] =	ssyncset.done $0x0  }
0x145: {  	[sflag:s5] =	ssyncadd.s32 $0xFFFFE000  }
0x146: {  	_ =	swait.ge [sflag:s7], $0x2000  }
0x147: {  	[sflag:s7] =	ssyncset.done $0x0  }
0x148: {  	s15 =	simm.s32 $0xC00;
	[sflag:s7] =	ssyncadd.s32 $0xFFFFE000  }
0x149: {  	[tilespmem:s9], [sflag:$0x1] =	stream.indirect.gather [hbm4b:s3+s8], $0x20, s15, s8, $0xb8;
	[tilespmem:$0xB800] =	vst v63  }
0x14a: {  	s16 =	simm.s32 $0x1F00  }
0x14b: {  	[spmem:s2] =	stream.indirect.scatter.add.f32 [tilespmem:s10], [sflag:$0x2], $0x20, s16, s8, $0xb8;
	[tilespmem:$0xB800] =	vst v63  }
0x14c: {  	_ =	swait.ge [sflag:s5], $0x2000  }
0x14d: {  	[sflag:s5] =	ssyncset.done $0x0  }
0x14e: {  	[sflag:s5] =	ssyncadd.s32 $0xFFFFE000  }
0x14f: {  	_ =	swait.ge [sflag:s7], $0x2000  }
0x150: {  	[sflag:s7] =	ssyncset.done $0x0  }
0x151: {  	s17 =	simm.s32 $0xD00;
	[sflag:s7] =	ssyncadd.s32 $0xFFFFE000  }
0x152: {  	[tilespmem:s10], [sflag:$0x1] =	stream.indirect.gather [hbm4b:s3+s8], $0x20, s17, s8, $0xb8;
	[tilespmem:$0xB800] =	vst v63  }
0x153: {  	s18 =	simm.s32 $0x2000  }
0x154: {  	[spmem:s2] =	stream.indirect.scatter.add.f32 [tilespmem:s9], [sflag:$0x2], $0x20, s18, s8, $0xb8;
	[tilespmem:$0xB800] =	vst v63  }
0x155: {  	_ =	swait.ge [sflag:s5], $0x2000  }
0x156: {  	[sflag:s5] =	ssyncset.done $0x0  }
0x157: {  	[sflag:s5] =	ssyncadd.s32 $0xFFFFE000  }
0x158: {  	_ =	swait.ge [sflag:s7], $0x2000  }
0x159: {  	[sflag:s7] =	ssyncset.done $0x0  }
0x15a: {  	s19 =	simm.s32 $0xE00;
	[sflag:s7] =	ssyncadd.s32 $0xFFFFE000  }
0x15b: {  	[tilespmem:s9], [sflag:$0x1] =	stream.indirect.gather [hbm4b:s3+s8], $0x20, s19, s8, $0xb8;
	[tilespmem:$0xB800] =	vst v63  }
0x15c: {  	s20 =	simm.s32 $0x2100  }
0x15d: {  	[spmem:s2] =	stream.indirect.scatter.add.f32 [tilespmem:s10], [sflag:$0x2], $0x20, s20, s8, $0xb8;
	[tilespmem:$0xB800] =	vst v63  }
0x15e: {  	_ =	swait.ge [sflag:s5], $0x2000  }
0x15f: {  	[sflag:s5] =	ssyncset.done $0x0  }
0x160: {  	[sflag:s5] =	ssyncadd.s32 $0xFFFFE000  }
0x161: {  	_ =	swait.ge [sflag:s7], $0x2000  }
0x162: {  	[sflag:s7] =	ssyncset.done $0x0  }
0x163: {  	s21 =	simm.s32 $0xF00;
	[sflag:s7] =	ssyncadd.s32 $0xFFFFE000  }
0x164: {  	[tilespmem:s10], [sflag:$0x1] =	stream.indirect.gather [hbm4b:s3+s8], $0x20, s21, s8, $0xb8;
	[tilespmem:$0xB800] =	vst v63  }
0x165: {  	s22 =	simm.s32 $0x2200  }
0x166: {  	[spmem:s2] =	stream.indirect.scatter.add.f32 [tilespmem:s9], [sflag:$0x2], $0x20, s22, s8, $0xb8;
	[tilespmem:$0xB800] =	vst v63  }
0x167: {  	_ =	swait.ge [sflag:s5], $0x2000  }
0x168: {  	[sflag:s5] =	ssyncset.done $0x0  }
0x169: {  	[sflag:s5] =	ssyncadd.s32 $0xFFFFE000  }
0x16a: {  	_ =	swait.ge [sflag:s7], $0x2000  }
0x16b: {  	[sflag:s7] =	ssyncset.done $0x0  }
0x16c: {  	[sflag:s7] =	ssyncadd.s32 $0xFFFFE000  }
0x16d: {  	[tilespmem:s9], [sflag:$0x1] =	stream.indirect.gather [hbm4b:s3+s8], $0x20, s6, s8, $0xb8;
	[tilespmem:$0xB800] =	vst v63  }
0x16e: {  	s23 =	simm.s32 $0x2300  }
0x16f: {  	[spmem:s2] =	stream.indirect.scatter.add.f32 [tilespmem:s10], [sflag:$0x2], $0x20, s23, s8, $0xb8;
	[tilespmem:$0xB800] =	vst v63  }
0x170: {  	s6 =	rddreg [dreg:$0xa];
	_ =	swait.ge [sflag:s5], $0x2000  }
0x171: {  	[sflag:s5] =	ssyncset.done $0x0  }
0x172: {  	[sflag:s5] =	ssyncadd.s32 $0xFFFFE000  }
0x173: {  	_ =	swait.ge [sflag:s7], $0x2000  }
0x174: {  	[sflag:s7] =	ssyncset.done $0x0  }
0x175: {  	s24 =	simm.s32 $0x1100;
	[sflag:s7] =	ssyncadd.s32 $0xFFFFE000  }
0x176: {  	[tilespmem:s10], [sflag:$0x1] =	stream.indirect.gather [hbm4b:s3+s8], $0x20, s24, s8, $0xb8;
	[tilespmem:$0xB800] =	vst v63  }
0x177: {  	s25 =	simm.s32 $0x2400  }
0x178: {  	[spmem:s2] =	stream.indirect.scatter.add.f32 [tilespmem:s9], [sflag:$0x2], $0x20, s25, s8, $0xb8;
	[tilespmem:$0xB800] =	vst v63  }
0x179: {  	s4 =	rddreg [dreg:$0x9];
	_ =	swait.ge [sflag:s5], $0x2000  }
0x17a: {  	[sflag:s5] =	ssyncset.done $0x0  }
0x17b: {  	[sflag:s5] =	ssyncadd.s32 $0xFFFFE000  }
0x17c: {  	_ =	swait.ge [sflag:s7], $0x2000  }
0x17d: {  	[sflag:s7] =	ssyncset.done $0x0  }
0x17e: {  	[sflag:s7] =	ssyncadd.s32 $0xFFFFE000  }
0x17f: {  	[tilespmem:s9], [sflag:$0x1] =	stream.indirect.gather [hbm4b:s3+s8], $0x20, s31, s8, $0xb8;
	[tilespmem:$0xB800] =	vst v63  }
0x180: {  	s26 =	simm.s32 $0x2500  }
0x181: {  	[spmem:s2] =	stream.indirect.scatter.add.f32 [tilespmem:s10], [sflag:$0x2], $0x20, s26, s8, $0xb8;
	[tilespmem:$0xB800] =	vst v63  }
0x182: {  	_ =	swait.ge [sflag:s5], $0x2000  }
0x183: {  	[sflag:s5] =	ssyncset.done $0x0  }
0x184: {  	[sflag:s5] =	ssyncadd.s32 $0xFFFFE000  }
0x185: {  	_ =	swait.ge [sflag:s7], $0x2000  }
0x186: {  	[sflag:s7] =	ssyncset.done $0x0  }
0x187: {  	s11 =	simm.s32 $0x1300;
	[sflag:s7] =	ssyncadd.s32 $0xFFFFE000  }
0x188: {  	[tilespmem:s10], [sflag:$0x1] =	stream.indirect.gather [hbm4b:s3+s8], $0x20, s11, s8, $0xb8;
	[tilespmem:$0xB800] =	vst v63  }
0x189: {  	s28 =	simm.s32 $0x2600  }
0x18a: {  	[spmem:s2] =	stream.indirect.scatter.add.f32 [tilespmem:s9], [sflag:$0x2], $0x20, s28, s8, $0xb8;
	[tilespmem:$0xB800] =	vst v63  }
0x18b: {  	_ =	swait.ge [sflag:s5], $0x2000  }
0x18c: {  	[sflag:s5] =	ssyncset.done $0x0  }
0x18d: {  	[sflag:s5] =	ssyncadd.s32 $0xFFFFE000  }
0x18e: {  	_ =	swait.ge [sflag:s7], $0x2000  }
0x18f: {  	[sflag:s7] =	ssyncset.done $0x0  }
0x190: {  	[sflag:s7] =	ssyncadd.s32 $0xFFFFE000  }
0x191: {  	[tilespmem:s9], [sflag:$0x1] =	stream.indirect.gather [hbm4b:s3+s8], $0x20, s11, s8, $0xb8;
	[tilespmem:$0xB800] =	vst v63  }
0x192: {  	s29 =	simm.s32 $0x2700  }
0x193: {  	[spmem:s2] =	stream.indirect.scatter.add.f32 [tilespmem:s10], [sflag:$0x2], $0x20, s29, s8, $0xb8;
	[tilespmem:$0xB800] =	vst v63  }
0x194: {  	_ =	swait.ge [sflag:s5], $0x2000  }
0x195: {  	[sflag:s5] =	ssyncset.done $0x0  }
0x196: {  	[sflag:s5] =	ssyncadd.s32 $0xFFFFE000  }
0x197: {  	_ =	swait.ge [sflag:s7], $0x2000  }
0x198: {  	[sflag:s7] =	ssyncset.done $0x0  }
0x199: {  	p1 =	sne.s32 s12, $0x1;
	[sflag:s7] =	ssyncadd.s32 $0xFFFFE000  }
.Ltmp1:
0x19a: {  	[bflag:$0x0] =	sbarrier.arrive $0xFFFF;
	(pc) =	sbr.rel @!p1 .LBB2_6-.Ltmp1, $4  }
0x19b: {  	s31 =	rddreg [dreg:$0x8]  }
0x19c: {  	[hbm:s31], [sflag:s4] =	dma.local [spmem:s6], $0xA00  }
0x19d: {  	p0 =	por $0x1, $0x1;
	_ =	swait.ge [sflag:s5], $0xA00  }
0x19e: {  	s30 =	sadd.s32 $0xFFFFFFFF, s12;
	s0 =	rddreg [dreg:$0x3];
	[sflag:s5] =	ssyncset.done $0x0  }
0x19f: {  	s1 =	simm.s32 $0x0;
	s14 =	simm.s32 $0x200;
	s20 =	simm.s32 $0x1500  }
0x1a0: {  	s12 =	simm.s32 $0x300;
	s19 =	simm.s32 $0x1600;
	s28 =	simm.s32 $0x400  }
0x1a1: {  	s18 =	simm.s32 $0x1700;
	s25 =	simm.s32 $0x500;
	s17 =	simm.s32 $0x1800  }
0x1a2: {  	s23 =	simm.s32 $0x600;
	s16 =	simm.s32 $0x1900;
	s21 =	simm.s32 $0x700  }
0x1a3: {  	s15 =	simm.s32 $0x1A00;
	s26 =	simm.s32 $0x800;
	s24 =	simm.s32 $0x900  }
0x1a4: {  	s29 =	simm.s32 $0x1C00;
	s22 =	simm.s32 $0xA00;
	s13 =	simm.s32 $0x1D00  }
.LBB2_3:
0x1a5: {  	[sflag:s5] =	ssyncadd.s32 $0xFFFFF600  }
0x1a6: {  	[spmem:s6], [sflag:s4] =	dma.local [hbm:s0], $0xA00  }
0x1a7: {  	_ =	swait.ge [sflag:s5], $0xA00  }
0x1a8: {  	[sflag:s5] =	ssyncset.done $0x0  }
0x1a9: {  	[sflag:s5] =	ssyncadd.s32 $0xFFFFF600  }
0x1aa: {  	[bflag:$0x0] =	sbarrier.arrive $0xFFFF  }
0x1ab: {  	s6 =	rddreg [dreg:$0x4]  }
0x1ac: {  	[tilespmem:s1], [sflag:$0x2] =	stream.linear.gather [hbm4b:s6+s1], $0x1400, $0x38;
	[tilespmem:$0xB800] =	vst v63  }
0x1ad: {  	_ =	swait.ge [sflag:s5], $0x1400  }
0x1ae: {  	[sflag:s5] =	ssyncset.done $0x0  }
0x1af: {  	s4 =	simm.s32 $0x1400;
	s11 =	rddreg [dreg:$0x5];
	[sflag:s5] =	ssyncadd.s32 $0xFFFFEC00  }
0x1b0: {  	[tilespmem:s4], [sflag:$0x2] =	stream.linear.gather [hbm4b:s11+s1], $0x1400, $0x38;
	[tilespmem:$0xB800] =	vst v63  }
0x1b1: {  	_ =	swait.ge [sflag:s5], $0x1400  }
0x1b2: {  	[sflag:s5] =	ssyncset.done $0x0  }
0x1b3: {  	[sflag:s5] =	ssyncadd.s32 $0xFFFFEC00  }
0x1b4: {  	[tilespmem:s9], [sflag:$0x1] =	stream.indirect.gather [hbm4b:s3+s8], $0x20, s1, s8, $0xb8;
	[tilespmem:$0xB800] =	vst v63  }
0x1b5: {  	_ =	swait.ge [sflag:s7], $0x2000  }
0x1b6: {  	[sflag:s7] =	ssyncset.done $0x0  }
0x1b7: {  	[sflag:s7] =	ssyncadd.s32 $0xFFFFE000  }
0x1b8: {  	[tilespmem:s10], [sflag:$0x1] =	stream.indirect.gather [hbm4b:s3+s8], $0x20, s8, s8, $0xb8;
	[tilespmem:$0xB800] =	vst v63  }
0x1b9: {  	_ = 	snop  }
0x1ba: {  	[spmem:s2] =	stream.indirect.scatter.add.f32 [tilespmem:s9], [sflag:$0x2], $0x20, s4, s8, $0xb8;
	[tilespmem:$0xB800] =	vst v63  }
0x1bb: {  	_ =	swait.ge [sflag:s5], $0x2000  }
0x1bc: {  	[sflag:s5] =	ssyncset.done $0x0  }
0x1bd: {  	[sflag:s5] =	ssyncadd.s32 $0xFFFFE000  }
0x1be: {  	_ =	swait.ge [sflag:s7], $0x2000  }
0x1bf: {  	[sflag:s7] =	ssyncset.done $0x0  }
0x1c0: {  	[sflag:s7] =	ssyncadd.s32 $0xFFFFE000  }
0x1c1: {  	[tilespmem:s9], [sflag:$0x1] =	stream.indirect.gather [hbm4b:s3+s8], $0x20, s14, s8, $0xb8;
	[tilespmem:$0xB800] =	vst v63  }
0x1c2: {  	_ = 	snop  }
0x1c3: {  	[spmem:s2] =	stream.indirect.scatter.add.f32 [tilespmem:s10], [sflag:$0x2], $0x20, s20, s8, $0xb8;
	[tilespmem:$0xB800] =	vst v63  }
0x1c4: {  	_ =	swait.ge [sflag:s5], $0x2000  }
0x1c5: {  	[sflag:s5] =	ssyncset.done $0x0  }
0x1c6: {  	[sflag:s5] =	ssyncadd.s32 $0xFFFFE000  }
0x1c7: {  	_ =	swait.ge [sflag:s7], $0x2000  }
0x1c8: {  	[sflag:s7] =	ssyncset.done $0x0  }
0x1c9: {  	[sflag:s7] =	ssyncadd.s32 $0xFFFFE000  }
0x1ca: {  	[tilespmem:s10], [sflag:$0x1] =	stream.indirect.gather [hbm4b:s3+s8], $0x20, s12, s8, $0xb8;
	[tilespmem:$0xB800] =	vst v63  }
0x1cb: {  	_ = 	snop  }
0x1cc: {  	[spmem:s2] =	stream.indirect.scatter.add.f32 [tilespmem:s9], [sflag:$0x2], $0x20, s19, s8, $0xb8;
	[tilespmem:$0xB800] =	vst v63  }
0x1cd: {  	_ =	swait.ge [sflag:s5], $0x2000  }
0x1ce: {  	[sflag:s5] =	ssyncset.done $0x0  }
0x1cf: {  	[sflag:s5] =	ssyncadd.s32 $0xFFFFE000  }
0x1d0: {  	_ =	swait.ge [sflag:s7], $0x2000  }
0x1d1: {  	[sflag:s7] =	ssyncset.done $0x0  }
0x1d2: {  	[sflag:s7] =	ssyncadd.s32 $0xFFFFE000  }
0x1d3: {  	[tilespmem:s9], [sflag:$0x1] =	stream.indirect.gather [hbm4b:s3+s8], $0x20, s28, s8, $0xb8;
	[tilespmem:$0xB800] =	vst v63  }
0x1d4: {  	_ = 	snop  }
0x1d5: {  	[spmem:s2] =	stream.indirect.scatter.add.f32 [tilespmem:s10], [sflag:$0x2], $0x20, s18, s8, $0xb8;
	[tilespmem:$0xB800] =	vst v63  }
0x1d6: {  	_ =	swait.ge [sflag:s5], $0x2000  }
0x1d7: {  	[sflag:s5] =	ssyncset.done $0x0  }
0x1d8: {  	[sflag:s5] =	ssyncadd.s32 $0xFFFFE000  }
0x1d9: {  	_ =	swait.ge [sflag:s7], $0x2000  }
0x1da: {  	[sflag:s7] =	ssyncset.done $0x0  }
0x1db: {  	[sflag:s7] =	ssyncadd.s32 $0xFFFFE000  }
0x1dc: {  	[tilespmem:s10], [sflag:$0x1] =	stream.indirect.gather [hbm4b:s3+s8], $0x20, s25, s8, $0xb8;
	[tilespmem:$0xB800] =	vst v63  }
0x1dd: {  	_ = 	snop  }
0x1de: {  	[spmem:s2] =	stream.indirect.scatter.add.f32 [tilespmem:s9], [sflag:$0x2], $0x20, s17, s8, $0xb8;
	[tilespmem:$0xB800] =	vst v63  }
0x1df: {  	_ =	swait.ge [sflag:s5], $0x2000  }
0x1e0: {  	[sflag:s5] =	ssyncset.done $0x0  }
0x1e1: {  	[sflag:s5] =	ssyncadd.s32 $0xFFFFE000  }
0x1e2: {  	_ =	swait.ge [sflag:s7], $0x2000  }
0x1e3: {  	[sflag:s7] =	ssyncset.done $0x0  }
0x1e4: {  	[sflag:s7] =	ssyncadd.s32 $0xFFFFE000  }
0x1e5: {  	[tilespmem:s9], [sflag:$0x1] =	stream.indirect.gather [hbm4b:s3+s8], $0x20, s23, s8, $0xb8;
	[tilespmem:$0xB800] =	vst v63  }
0x1e6: {  	_ = 	snop  }
0x1e7: {  	[spmem:s2] =	stream.indirect.scatter.add.f32 [tilespmem:s10], [sflag:$0x2], $0x20, s16, s8, $0xb8;
	[tilespmem:$0xB800] =	vst v63  }
0x1e8: {  	_ =	swait.ge [sflag:s5], $0x2000  }
0x1e9: {  	[sflag:s5] =	ssyncset.done $0x0  }
0x1ea: {  	[sflag:s5] =	ssyncadd.s32 $0xFFFFE000  }
0x1eb: {  	_ =	swait.ge [sflag:s7], $0x2000  }
0x1ec: {  	[sflag:s7] =	ssyncset.done $0x0  }
0x1ed: {  	[sflag:s7] =	ssyncadd.s32 $0xFFFFE000  }
0x1ee: {  	[tilespmem:s10], [sflag:$0x1] =	stream.indirect.gather [hbm4b:s3+s8], $0x20, s21, s8, $0xb8;
	[tilespmem:$0xB800] =	vst v63  }
0x1ef: {  	_ = 	snop  }
0x1f0: {  	[spmem:s2] =	stream.indirect.scatter.add.f32 [tilespmem:s9], [sflag:$0x2], $0x20, s15, s8, $0xb8;
	[tilespmem:$0xB800] =	vst v63  }
0x1f1: {  	_ =	swait.ge [sflag:s5], $0x2000  }
0x1f2: {  	[sflag:s5] =	ssyncset.done $0x0  }
0x1f3: {  	[sflag:s5] =	ssyncadd.s32 $0xFFFFE000  }
0x1f4: {  	_ =	swait.ge [sflag:s7], $0x2000  }
0x1f5: {  	[sflag:s7] =	ssyncset.done $0x0  }
0x1f6: {  	[sflag:s7] =	ssyncadd.s32 $0xFFFFE000  }
0x1f7: {  	[tilespmem:s9], [sflag:$0x1] =	stream.indirect.gather [hbm4b:s3+s8], $0x20, s26, s8, $0xb8;
	[tilespmem:$0xB800] =	vst v63  }
0x1f8: {  	s31 =	simm.s32 $0x1B00  }
0x1f9: {  	[spmem:s2] =	stream.indirect.scatter.add.f32 [tilespmem:s10], [sflag:$0x2], $0x20, s31, s8, $0xb8;
	[tilespmem:$0xB800] =	vst v63  }
0x1fa: {  	_ =	swait.ge [sflag:s5], $0x2000  }
0x1fb: {  	[sflag:s5] =	ssyncset.done $0x0  }
0x1fc: {  	[sflag:s5] =	ssyncadd.s32 $0xFFFFE000  }
0x1fd: {  	_ =	swait.ge [sflag:s7], $0x2000  }
0x1fe: {  	[sflag:s7] =	ssyncset.done $0x0  }
0x1ff: {  	[sflag:s7] =	ssyncadd.s32 $0xFFFFE000  }
0x200: {  	[tilespmem:s10], [sflag:$0x1] =	stream.indirect.gather [hbm4b:s3+s8], $0x20, s24, s8, $0xb8;
	[tilespmem:$0xB800] =	vst v63  }
0x201: {  	_ = 	snop  }
0x202: {  	[spmem:s2] =	stream.indirect.scatter.add.f32 [tilespmem:s9], [sflag:$0x2], $0x20, s29, s8, $0xb8;
	[tilespmem:$0xB800] =	vst v63  }
0x203: {  	_ =	swait.ge [sflag:s5], $0x2000  }
0x204: {  	[sflag:s5] =	ssyncset.done $0x0  }
0x205: {  	[sflag:s5] =	ssyncadd.s32 $0xFFFFE000  }
0x206: {  	_ =	swait.ge [sflag:s7], $0x2000  }
0x207: {  	[sflag:s7] =	ssyncset.done $0x0  }
0x208: {  	[sflag:s7] =	ssyncadd.s32 $0xFFFFE000  }
0x209: {  	[tilespmem:s9], [sflag:$0x1] =	stream.indirect.gather [hbm4b:s3+s8], $0x20, s22, s8, $0xb8;
	[tilespmem:$0xB800] =	vst v63  }
0x20a: {  	_ = 	snop  }
0x20b: {  	[spmem:s2] =	stream.indirect.scatter.add.f32 [tilespmem:s10], [sflag:$0x2], $0x20, s13, s8, $0xb8;
	[tilespmem:$0xB800] =	vst v63  }
0x20c: {  	_ =	swait.ge [sflag:s5], $0x2000  }
0x20d: {  	[sflag:s5] =	ssyncset.done $0x0  }
0x20e: {  	[sflag:s5] =	ssyncadd.s32 $0xFFFFE000  }
0x20f: {  	_ =	swait.ge [sflag:s7], $0x2000  }
0x210: {  	[sflag:s7] =	ssyncset.done $0x0  }
0x211: {  	s6 =	simm.s32 $0xB00;
	[sflag:s7] =	ssyncadd.s32 $0xFFFFE000  }
0x212: {  	[tilespmem:s10], [sflag:$0x1] =	stream.indirect.gather [hbm4b:s3+s8], $0x20, s6, s8, $0xb8;
	[tilespmem:$0xB800] =	vst v63  }
0x213: {  	s11 =	simm.s32 $0x1E00  }
0x214: {  	[spmem:s2] =	stream.indirect.scatter.add.f32 [tilespmem:s9], [sflag:$0x2], $0x20, s11, s8, $0xb8;
	[tilespmem:$0xB800] =	vst v63  }
0x215: {  	_ =	swait.ge [sflag:s5], $0x2000  }
0x216: {  	[sflag:s5] =	ssyncset.done $0x0  }
0x217: {  	[sflag:s5] =	ssyncadd.s32 $0xFFFFE000  }
0x218: {  	_ =	swait.ge [sflag:s7], $0x2000  }
0x219: {  	[sflag:s7] =	ssyncset.done $0x0  }
0x21a: {  	s31 =	simm.s32 $0xC00;
	[sflag:s7] =	ssyncadd.s32 $0xFFFFE000  }
0x21b: {  	[tilespmem:s9], [sflag:$0x1] =	stream.indirect.gather [hbm4b:s3+s8], $0x20, s31, s8, $0xb8;
	[tilespmem:$0xB800] =	vst v63  }
0x21c: {  	s6 =	simm.s32 $0x1F00  }
0x21d: {  	[spmem:s2] =	stream.indirect.scatter.add.f32 [tilespmem:s10], [sflag:$0x2], $0x20, s6, s8, $0xb8;
	[tilespmem:$0xB800] =	vst v63  }
0x21e: {  	_ =	swait.ge [sflag:s5], $0x2000  }
0x21f: {  	[sflag:s5] =	ssyncset.done $0x0  }
0x220: {  	[sflag:s5] =	ssyncadd.s32 $0xFFFFE000  }
0x221: {  	_ =	swait.ge [sflag:s7], $0x2000  }
0x222: {  	[sflag:s7] =	ssyncset.done $0x0  }
0x223: {  	s11 =	simm.s32 $0xD00;
	[sflag:s7] =	ssyncadd.s32 $0xFFFFE000  }
0x224: {  	[tilespmem:s10], [sflag:$0x1] =	stream.indirect.gather [hbm4b:s3+s8], $0x20, s11, s8, $0xb8;
	[tilespmem:$0xB800] =	vst v63  }
0x225: {  	s31 =	simm.s32 $0x2000  }
0x226: {  	[spmem:s2] =	stream.indirect.scatter.add.f32 [tilespmem:s9], [sflag:$0x2], $0x20, s31, s8, $0xb8;
	[tilespmem:$0xB800] =	vst v63  }
0x227: {  	_ =	swait.ge [sflag:s5], $0x2000  }
0x228: {  	[sflag:s5] =	ssyncset.done $0x0  }
0x229: {  	[sflag:s5] =	ssyncadd.s32 $0xFFFFE000  }
0x22a: {  	_ =	swait.ge [sflag:s7], $0x2000  }
0x22b: {  	[sflag:s7] =	ssyncset.done $0x0  }
0x22c: {  	s6 =	simm.s32 $0xE00;
	[sflag:s7] =	ssyncadd.s32 $0xFFFFE000  }
0x22d: {  	[tilespmem:s9], [sflag:$0x1] =	stream.indirect.gather [hbm4b:s3+s8], $0x20, s6, s8, $0xb8;
	[tilespmem:$0xB800] =	vst v63  }
0x22e: {  	s11 =	simm.s32 $0x2100  }
0x22f: {  	[spmem:s2] =	stream.indirect.scatter.add.f32 [tilespmem:s10], [sflag:$0x2], $0x20, s11, s8, $0xb8;
	[tilespmem:$0xB800] =	vst v63  }
0x230: {  	_ =	swait.ge [sflag:s5], $0x2000  }
0x231: {  	[sflag:s5] =	ssyncset.done $0x0  }
0x232: {  	[sflag:s5] =	ssyncadd.s32 $0xFFFFE000  }
0x233: {  	_ =	swait.ge [sflag:s7], $0x2000  }
0x234: {  	[sflag:s7] =	ssyncset.done $0x0  }
0x235: {  	s11 =	simm.s32 $0xF00;
	[sflag:s7] =	ssyncadd.s32 $0xFFFFE000  }
0x236: {  	[tilespmem:s10], [sflag:$0x1] =	stream.indirect.gather [hbm4b:s3+s8], $0x20, s11, s8, $0xb8;
	[tilespmem:$0xB800] =	vst v63  }
0x237: {  	s31 =	simm.s32 $0x2200  }
0x238: {  	[spmem:s2] =	stream.indirect.scatter.add.f32 [tilespmem:s9], [sflag:$0x2], $0x20, s31, s8, $0xb8;
	[tilespmem:$0xB800] =	vst v63  }
0x239: {  	_ =	swait.ge [sflag:s5], $0x2000  }
0x23a: {  	[sflag:s5] =	ssyncset.done $0x0  }
0x23b: {  	[sflag:s5] =	ssyncadd.s32 $0xFFFFE000  }
0x23c: {  	_ =	swait.ge [sflag:s7], $0x2000  }
0x23d: {  	[sflag:s7] =	ssyncset.done $0x0  }
0x23e: {  	s31 =	simm.s32 $0x1000;
	[sflag:s7] =	ssyncadd.s32 $0xFFFFE000  }
0x23f: {  	[tilespmem:s9], [sflag:$0x1] =	stream.indirect.gather [hbm4b:s3+s8], $0x20, s31, s8, $0xb8;
	[tilespmem:$0xB800] =	vst v63  }
0x240: {  	s31 =	simm.s32 $0x2300  }
0x241: {  	[spmem:s2] =	stream.indirect.scatter.add.f32 [tilespmem:s10], [sflag:$0x2], $0x20, s31, s8, $0xb8;
	[tilespmem:$0xB800] =	vst v63  }
0x242: {  	_ =	swait.ge [sflag:s5], $0x2000  }
0x243: {  	[sflag:s5] =	ssyncset.done $0x0  }
0x244: {  	[sflag:s5] =	ssyncadd.s32 $0xFFFFE000  }
0x245: {  	_ =	swait.ge [sflag:s7], $0x2000  }
0x246: {  	[sflag:s7] =	ssyncset.done $0x0  }
0x247: {  	s6 =	simm.s32 $0x1100;
	[sflag:s7] =	ssyncadd.s32 $0xFFFFE000  }
0x248: {  	[tilespmem:s10], [sflag:$0x1] =	stream.indirect.gather [hbm4b:s3+s8], $0x20, s6, s8, $0xb8;
	[tilespmem:$0xB800] =	vst v63  }
0x249: {  	s6 =	simm.s32 $0x2400  }
0x24a: {  	[spmem:s2] =	stream.indirect.scatter.add.f32 [tilespmem:s9], [sflag:$0x2], $0x20, s6, s8, $0xb8;
	[tilespmem:$0xB800] =	vst v63  }
0x24b: {  	_ =	swait.ge [sflag:s5], $0x2000  }
0x24c: {  	[sflag:s5] =	ssyncset.done $0x0  }
0x24d: {  	[sflag:s5] =	ssyncadd.s32 $0xFFFFE000  }
0x24e: {  	_ =	swait.ge [sflag:s7], $0x2000  }
0x24f: {  	[sflag:s7] =	ssyncset.done $0x0  }
0x250: {  	s31 =	simm.s32 $0x1200;
	[sflag:s7] =	ssyncadd.s32 $0xFFFFE000  }
0x251: {  	[tilespmem:s9], [sflag:$0x1] =	stream.indirect.gather [hbm4b:s3+s8], $0x20, s31, s8, $0xb8;
	[tilespmem:$0xB800] =	vst v63  }
0x252: {  	s6 =	simm.s32 $0x2500  }
0x253: {  	[spmem:s2] =	stream.indirect.scatter.add.f32 [tilespmem:s10], [sflag:$0x2], $0x20, s6, s8, $0xb8;
	[tilespmem:$0xB800] =	vst v63  }
0x254: {  	_ =	swait.ge [sflag:s5], $0x2000  }
0x255: {  	[sflag:s5] =	ssyncset.done $0x0  }
0x256: {  	[sflag:s5] =	ssyncadd.s32 $0xFFFFE000  }
0x257: {  	_ =	swait.ge [sflag:s7], $0x2000  }
0x258: {  	[sflag:s7] =	ssyncset.done $0x0  }
0x259: {  	s0 =	simm.s32 $0x1300;
	[sflag:s7] =	ssyncadd.s32 $0xFFFFE000  }
0x25a: {  	[tilespmem:s10], [sflag:$0x1] =	stream.indirect.gather [hbm4b:s3+s8], $0x20, s0, s8, $0xb8;
	[tilespmem:$0xB800] =	vst v63  }
0x25b: {  	s6 =	simm.s32 $0x2600  }
0x25c: {  	[spmem:s2] =	stream.indirect.scatter.add.f32 [tilespmem:s9], [sflag:$0x2], $0x20, s6, s8, $0xb8;
	[tilespmem:$0xB800] =	vst v63  }
0x25d: {  	_ =	swait.ge [sflag:s5], $0x2000  }
0x25e: {  	[sflag:s5] =	ssyncset.done $0x0  }
0x25f: {  	[sflag:s5] =	ssyncadd.s32 $0xFFFFE000  }
0x260: {  	_ =	swait.ge [sflag:s7], $0x2000  }
0x261: {  	[sflag:s7] =	ssyncset.done $0x0  }
0x262: {  	[sflag:s7] =	ssyncadd.s32 $0xFFFFE000  }
0x263: {  	[tilespmem:s9], [sflag:$0x1] =	stream.indirect.gather [hbm4b:s3+s8], $0x20, s0, s8, $0xb8;
	[tilespmem:$0xB800] =	vst v63  }
0x264: {  	s6 =	simm.s32 $0x2700  }
0x265: {  	[spmem:s2] =	stream.indirect.scatter.add.f32 [tilespmem:s10], [sflag:$0x2], $0x20, s6, s8, $0xb8;
	[tilespmem:$0xB800] =	vst v63  }
0x266: {  	_ =	swait.ge [sflag:s5], $0x2000  }
0x267: {  	[sflag:s5] =	ssyncset.done $0x0  }
0x268: {  	[sflag:s5] =	ssyncadd.s32 $0xFFFFE000  }
0x269: {  	_ =	swait.ge [sflag:s7], $0x2000  }
0x26a: {  	[sflag:s7] =	ssyncset.done $0x0  }
0x26b: {  	s6 =	rddreg [dreg:$0x6];
	[sflag:s7] =	ssyncadd.s32 $0xFFFFE000  }
0x26c: {  	[tilespmem:s1], [sflag:$0x2] =	stream.linear.gather [hbm4b:s6+s1], $0x1400, $0x38;
	[tilespmem:$0xB800] =	vst v63  }
0x26d: {  	_ =	swait.ge [sflag:s5], $0x1400  }
0x26e: {  	[sflag:s5] =	ssyncset.done $0x0  }
0x26f: {  	s6 =	rddreg [dreg:$0x7];
	[sflag:s5] =	ssyncadd.s32 $0xFFFFEC00  }
0x270: {  	[tilespmem:s4], [sflag:$0x2] =	stream.linear.gather [hbm4b:s6+s1], $0x1400, $0x38;
	[tilespmem:$0xB800] =	vst v63  }
0x271: {  	_ =	swait.ge [sflag:s5], $0x1400  }
0x272: {  	[sflag:s5] =	ssyncset.done $0x0  }
0x273: {  	[sflag:s5] =	ssyncadd.s32 $0xFFFFEC00  }
0x274: {  	[tilespmem:s9], [sflag:$0x1] =	stream.indirect.gather [hbm4b:s3+s8], $0x20, s1, s8, $0xb8;
	[tilespmem:$0xB800] =	vst v63  }
0x275: {  	_ =	swait.ge [sflag:s7], $0x2000  }
0x276: {  	[sflag:s7] =	ssyncset.done $0x0  }
0x277: {  	[sflag:s7] =	ssyncadd.s32 $0xFFFFE000  }
0x278: {  	[tilespmem:s10], [sflag:$0x1] =	stream.indirect.gather [hbm4b:s3+s8], $0x20, s8, s8, $0xb8;
	[tilespmem:$0xB800] =	vst v63  }
0x279: {  	_ = 	snop  }
0x27a: {  	[spmem:s2] =	stream.indirect.scatter.add.f32 [tilespmem:s9], [sflag:$0x2], $0x20, s4, s8, $0xb8;
	[tilespmem:$0xB800] =	vst v63  }
0x27b: {  	_ =	swait.ge [sflag:s5], $0x2000  }
0x27c: {  	[sflag:s5] =	ssyncset.done $0x0  }
0x27d: {  	[sflag:s5] =	ssyncadd.s32 $0xFFFFE000  }
0x27e: {  	_ =	swait.ge [sflag:s7], $0x2000  }
0x27f: {  	[sflag:s7] =	ssyncset.done $0x0  }
0x280: {  	[sflag:s7] =	ssyncadd.s32 $0xFFFFE000  }
0x281: {  	[tilespmem:s9], [sflag:$0x1] =	stream.indirect.gather [hbm4b:s3+s8], $0x20, s14, s8, $0xb8;
	[tilespmem:$0xB800] =	vst v63  }
0x282: {  	_ = 	snop  }
0x283: {  	[spmem:s2] =	stream.indirect.scatter.add.f32 [tilespmem:s10], [sflag:$0x2], $0x20, s20, s8, $0xb8;
	[tilespmem:$0xB800] =	vst v63  }
0x284: {  	_ =	swait.ge [sflag:s5], $0x2000  }
0x285: {  	[sflag:s5] =	ssyncset.done $0x0  }
0x286: {  	[sflag:s5] =	ssyncadd.s32 $0xFFFFE000  }
0x287: {  	_ =	swait.ge [sflag:s7], $0x2000  }
0x288: {  	[sflag:s7] =	ssyncset.done $0x0  }
0x289: {  	[sflag:s7] =	ssyncadd.s32 $0xFFFFE000  }
0x28a: {  	[tilespmem:s10], [sflag:$0x1] =	stream.indirect.gather [hbm4b:s3+s8], $0x20, s12, s8, $0xb8;
	[tilespmem:$0xB800] =	vst v63  }
0x28b: {  	_ = 	snop  }
0x28c: {  	[spmem:s2] =	stream.indirect.scatter.add.f32 [tilespmem:s9], [sflag:$0x2], $0x20, s19, s8, $0xb8;
	[tilespmem:$0xB800] =	vst v63  }
0x28d: {  	_ =	swait.ge [sflag:s5], $0x2000  }
0x28e: {  	[sflag:s5] =	ssyncset.done $0x0  }
0x28f: {  	[sflag:s5] =	ssyncadd.s32 $0xFFFFE000  }
0x290: {  	_ =	swait.ge [sflag:s7], $0x2000  }
0x291: {  	[sflag:s7] =	ssyncset.done $0x0  }
0x292: {  	[sflag:s7] =	ssyncadd.s32 $0xFFFFE000  }
0x293: {  	[tilespmem:s9], [sflag:$0x1] =	stream.indirect.gather [hbm4b:s3+s8], $0x20, s28, s8, $0xb8;
	[tilespmem:$0xB800] =	vst v63  }
0x294: {  	_ = 	snop  }
0x295: {  	[spmem:s2] =	stream.indirect.scatter.add.f32 [tilespmem:s10], [sflag:$0x2], $0x20, s18, s8, $0xb8;
	[tilespmem:$0xB800] =	vst v63  }
0x296: {  	_ =	swait.ge [sflag:s5], $0x2000  }
0x297: {  	[sflag:s5] =	ssyncset.done $0x0  }
0x298: {  	[sflag:s5] =	ssyncadd.s32 $0xFFFFE000  }
0x299: {  	_ =	swait.ge [sflag:s7], $0x2000  }
0x29a: {  	[sflag:s7] =	ssyncset.done $0x0  }
0x29b: {  	[sflag:s7] =	ssyncadd.s32 $0xFFFFE000  }
0x29c: {  	[tilespmem:s10], [sflag:$0x1] =	stream.indirect.gather [hbm4b:s3+s8], $0x20, s25, s8, $0xb8;
	[tilespmem:$0xB800] =	vst v63  }
0x29d: {  	_ = 	snop  }
0x29e: {  	[spmem:s2] =	stream.indirect.scatter.add.f32 [tilespmem:s9], [sflag:$0x2], $0x20, s17, s8, $0xb8;
	[tilespmem:$0xB800] =	vst v63  }
0x29f: {  	_ =	swait.ge [sflag:s5], $0x2000  }
0x2a0: {  	[sflag:s5] =	ssyncset.done $0x0  }
0x2a1: {  	[sflag:s5] =	ssyncadd.s32 $0xFFFFE000  }
0x2a2: {  	_ =	swait.ge [sflag:s7], $0x2000  }
0x2a3: {  	[sflag:s7] =	ssyncset.done $0x0  }
0x2a4: {  	[sflag:s7] =	ssyncadd.s32 $0xFFFFE000  }
0x2a5: {  	[tilespmem:s9], [sflag:$0x1] =	stream.indirect.gather [hbm4b:s3+s8], $0x20, s23, s8, $0xb8;
	[tilespmem:$0xB800] =	vst v63  }
0x2a6: {  	_ = 	snop  }
0x2a7: {  	[spmem:s2] =	stream.indirect.scatter.add.f32 [tilespmem:s10], [sflag:$0x2], $0x20, s16, s8, $0xb8;
	[tilespmem:$0xB800] =	vst v63  }
0x2a8: {  	_ =	swait.ge [sflag:s5], $0x2000  }
0x2a9: {  	[sflag:s5] =	ssyncset.done $0x0  }
0x2aa: {  	[sflag:s5] =	ssyncadd.s32 $0xFFFFE000  }
0x2ab: {  	_ =	swait.ge [sflag:s7], $0x2000  }
0x2ac: {  	[sflag:s7] =	ssyncset.done $0x0  }
0x2ad: {  	[sflag:s7] =	ssyncadd.s32 $0xFFFFE000  }
0x2ae: {  	[tilespmem:s10], [sflag:$0x1] =	stream.indirect.gather [hbm4b:s3+s8], $0x20, s21, s8, $0xb8;
	[tilespmem:$0xB800] =	vst v63  }
0x2af: {  	_ = 	snop  }
0x2b0: {  	[spmem:s2] =	stream.indirect.scatter.add.f32 [tilespmem:s9], [sflag:$0x2], $0x20, s15, s8, $0xb8;
	[tilespmem:$0xB800] =	vst v63  }
0x2b1: {  	_ =	swait.ge [sflag:s5], $0x2000  }
0x2b2: {  	[sflag:s5] =	ssyncset.done $0x0  }
0x2b3: {  	[sflag:s5] =	ssyncadd.s32 $0xFFFFE000  }
0x2b4: {  	_ =	swait.ge [sflag:s7], $0x2000  }
0x2b5: {  	[sflag:s7] =	ssyncset.done $0x0  }
0x2b6: {  	[sflag:s7] =	ssyncadd.s32 $0xFFFFE000  }
0x2b7: {  	[tilespmem:s9], [sflag:$0x1] =	stream.indirect.gather [hbm4b:s3+s8], $0x20, s26, s8, $0xb8;
	[tilespmem:$0xB800] =	vst v63  }
0x2b8: {  	s6 =	simm.s32 $0x1B00  }
0x2b9: {  	[spmem:s2] =	stream.indirect.scatter.add.f32 [tilespmem:s10], [sflag:$0x2], $0x20, s6, s8, $0xb8;
	[tilespmem:$0xB800] =	vst v63  }
0x2ba: {  	_ =	swait.ge [sflag:s5], $0x2000  }
0x2bb: {  	[sflag:s5] =	ssyncset.done $0x0  }
0x2bc: {  	[sflag:s5] =	ssyncadd.s32 $0xFFFFE000  }
0x2bd: {  	_ =	swait.ge [sflag:s7], $0x2000  }
0x2be: {  	[sflag:s7] =	ssyncset.done $0x0  }
0x2bf: {  	[sflag:s7] =	ssyncadd.s32 $0xFFFFE000  }
0x2c0: {  	[tilespmem:s10], [sflag:$0x1] =	stream.indirect.gather [hbm4b:s3+s8], $0x20, s24, s8, $0xb8;
	[tilespmem:$0xB800] =	vst v63  }
0x2c1: {  	_ = 	snop  }
0x2c2: {  	[spmem:s2] =	stream.indirect.scatter.add.f32 [tilespmem:s9], [sflag:$0x2], $0x20, s29, s8, $0xb8;
	[tilespmem:$0xB800] =	vst v63  }
0x2c3: {  	_ =	swait.ge [sflag:s5], $0x2000  }
0x2c4: {  	[sflag:s5] =	ssyncset.done $0x0  }
0x2c5: {  	[sflag:s5] =	ssyncadd.s32 $0xFFFFE000  }
0x2c6: {  	_ =	swait.ge [sflag:s7], $0x2000  }
0x2c7: {  	[sflag:s7] =	ssyncset.done $0x0  }
0x2c8: {  	[sflag:s7] =	ssyncadd.s32 $0xFFFFE000  }
0x2c9: {  	[tilespmem:s9], [sflag:$0x1] =	stream.indirect.gather [hbm4b:s3+s8], $0x20, s22, s8, $0xb8;
	[tilespmem:$0xB800] =	vst v63  }
0x2ca: {  	_ = 	snop  }
0x2cb: {  	[spmem:s2] =	stream.indirect.scatter.add.f32 [tilespmem:s10], [sflag:$0x2], $0x20, s13, s8, $0xb8;
	[tilespmem:$0xB800] =	vst v63  }
0x2cc: {  	_ =	swait.ge [sflag:s5], $0x2000  }
0x2cd: {  	[sflag:s5] =	ssyncset.done $0x0  }
0x2ce: {  	[sflag:s5] =	ssyncadd.s32 $0xFFFFE000  }
0x2cf: {  	_ =	swait.ge [sflag:s7], $0x2000  }
0x2d0: {  	[sflag:s7] =	ssyncset.done $0x0  }
0x2d1: {  	s4 =	simm.s32 $0xB00;
	[sflag:s7] =	ssyncadd.s32 $0xFFFFE000  }
0x2d2: {  	[tilespmem:s10], [sflag:$0x1] =	stream.indirect.gather [hbm4b:s3+s8], $0x20, s4, s8, $0xb8;
	[tilespmem:$0xB800] =	vst v63  }
0x2d3: {  	s6 =	simm.s32 $0x1E00  }
0x2d4: {  	[spmem:s2] =	stream.indirect.scatter.add.f32 [tilespmem:s9], [sflag:$0x2], $0x20, s6, s8, $0xb8;
	[tilespmem:$0xB800] =	vst v63  }
0x2d5: {  	_ =	swait.ge [sflag:s5], $0x2000  }
0x2d6: {  	[sflag:s5] =	ssyncset.done $0x0  }
0x2d7: {  	[sflag:s5] =	ssyncadd.s32 $0xFFFFE000  }
0x2d8: {  	_ =	swait.ge [sflag:s7], $0x2000  }
0x2d9: {  	[sflag:s7] =	ssyncset.done $0x0  }
0x2da: {  	s4 =	simm.s32 $0xC00;
	[sflag:s7] =	ssyncadd.s32 $0xFFFFE000  }
0x2db: {  	[tilespmem:s9], [sflag:$0x1] =	stream.indirect.gather [hbm4b:s3+s8], $0x20, s4, s8, $0xb8;
	[tilespmem:$0xB800] =	vst v63  }
0x2dc: {  	s6 =	simm.s32 $0x1F00  }
0x2dd: {  	[spmem:s2] =	stream.indirect.scatter.add.f32 [tilespmem:s10], [sflag:$0x2], $0x20, s6, s8, $0xb8;
	[tilespmem:$0xB800] =	vst v63  }
0x2de: {  	_ =	swait.ge [sflag:s5], $0x2000  }
0x2df: {  	[sflag:s5] =	ssyncset.done $0x0  }
0x2e0: {  	[sflag:s5] =	ssyncadd.s32 $0xFFFFE000  }
0x2e1: {  	_ =	swait.ge [sflag:s7], $0x2000  }
0x2e2: {  	[sflag:s7] =	ssyncset.done $0x0  }
0x2e3: {  	s4 =	simm.s32 $0xD00;
	[sflag:s7] =	ssyncadd.s32 $0xFFFFE000  }
0x2e4: {  	[tilespmem:s10], [sflag:$0x1] =	stream.indirect.gather [hbm4b:s3+s8], $0x20, s4, s8, $0xb8;
	[tilespmem:$0xB800] =	vst v63  }
0x2e5: {  	s6 =	simm.s32 $0x2000  }
0x2e6: {  	[spmem:s2] =	stream.indirect.scatter.add.f32 [tilespmem:s9], [sflag:$0x2], $0x20, s6, s8, $0xb8;
	[tilespmem:$0xB800] =	vst v63  }
0x2e7: {  	_ =	swait.ge [sflag:s5], $0x2000  }
0x2e8: {  	[sflag:s5] =	ssyncset.done $0x0  }
0x2e9: {  	[sflag:s5] =	ssyncadd.s32 $0xFFFFE000  }
0x2ea: {  	_ =	swait.ge [sflag:s7], $0x2000  }
0x2eb: {  	[sflag:s7] =	ssyncset.done $0x0  }
0x2ec: {  	s4 =	simm.s32 $0xE00;
	[sflag:s7] =	ssyncadd.s32 $0xFFFFE000  }
0x2ed: {  	[tilespmem:s9], [sflag:$0x1] =	stream.indirect.gather [hbm4b:s3+s8], $0x20, s4, s8, $0xb8;
	[tilespmem:$0xB800] =	vst v63  }
0x2ee: {  	s6 =	simm.s32 $0x2100  }
0x2ef: {  	[spmem:s2] =	stream.indirect.scatter.add.f32 [tilespmem:s10], [sflag:$0x2], $0x20, s6, s8, $0xb8;
	[tilespmem:$0xB800] =	vst v63  }
0x2f0: {  	_ =	swait.ge [sflag:s5], $0x2000  }
0x2f1: {  	[sflag:s5] =	ssyncset.done $0x0  }
0x2f2: {  	[sflag:s5] =	ssyncadd.s32 $0xFFFFE000  }
0x2f3: {  	_ =	swait.ge [sflag:s7], $0x2000  }
0x2f4: {  	[sflag:s7] =	ssyncset.done $0x0  }
0x2f5: {  	[sflag:s7] =	ssyncadd.s32 $0xFFFFE000  }
0x2f6: {  	[tilespmem:s10], [sflag:$0x1] =	stream.indirect.gather [hbm4b:s3+s8], $0x20, s11, s8, $0xb8;
	[tilespmem:$0xB800] =	vst v63  }
0x2f7: {  	s4 =	simm.s32 $0x2200  }
0x2f8: {  	[spmem:s2] =	stream.indirect.scatter.add.f32 [tilespmem:s9], [sflag:$0x2], $0x20, s4, s8, $0xb8;
	[tilespmem:$0xB800] =	vst v63  }
0x2f9: {  	_ =	swait.ge [sflag:s5], $0x2000  }
0x2fa: {  	[sflag:s5] =	ssyncset.done $0x0  }
0x2fb: {  	[sflag:s5] =	ssyncadd.s32 $0xFFFFE000  }
0x2fc: {  	_ =	swait.ge [sflag:s7], $0x2000  }
0x2fd: {  	[sflag:s7] =	ssyncset.done $0x0  }
0x2fe: {  	s6 =	simm.s32 $0x1000;
	[sflag:s7] =	ssyncadd.s32 $0xFFFFE000  }
0x2ff: {  	[tilespmem:s9], [sflag:$0x1] =	stream.indirect.gather [hbm4b:s3+s8], $0x20, s6, s8, $0xb8;
	[tilespmem:$0xB800] =	vst v63  }
0x300: {  	s4 =	simm.s32 $0x2300  }
0x301: {  	[spmem:s2] =	stream.indirect.scatter.add.f32 [tilespmem:s10], [sflag:$0x2], $0x20, s4, s8, $0xb8;
	[tilespmem:$0xB800] =	vst v63  }
0x302: {  	s6 =	rddreg [dreg:$0xa];
	_ =	swait.ge [sflag:s5], $0x2000  }
0x303: {  	[sflag:s5] =	ssyncset.done $0x0  }
0x304: {  	[sflag:s5] =	ssyncadd.s32 $0xFFFFE000  }
0x305: {  	_ =	swait.ge [sflag:s7], $0x2000  }
0x306: {  	[sflag:s7] =	ssyncset.done $0x0  }
0x307: {  	s4 =	simm.s32 $0x1100;
	[sflag:s7] =	ssyncadd.s32 $0xFFFFE000  }
0x308: {  	[tilespmem:s10], [sflag:$0x1] =	stream.indirect.gather [hbm4b:s3+s8], $0x20, s4, s8, $0xb8;
	[tilespmem:$0xB800] =	vst v63  }
0x309: {  	s0 =	simm.s32 $0x2400  }
0x30a: {  	[spmem:s2] =	stream.indirect.scatter.add.f32 [tilespmem:s9], [sflag:$0x2], $0x20, s0, s8, $0xb8;
	[tilespmem:$0xB800] =	vst v63  }
0x30b: {  	s4 =	rddreg [dreg:$0x9];
	_ =	swait.ge [sflag:s5], $0x2000  }
0x30c: {  	[sflag:s5] =	ssyncset.done $0x0  }
0x30d: {  	[sflag:s5] =	ssyncadd.s32 $0xFFFFE000  }
0x30e: {  	_ =	swait.ge [sflag:s7], $0x2000  }
0x30f: {  	[sflag:s7] =	ssyncset.done $0x0  }
0x310: {  	[sflag:s7] =	ssyncadd.s32 $0xFFFFE000  }
0x311: {  	[tilespmem:s9], [sflag:$0x1] =	stream.indirect.gather [hbm4b:s3+s8], $0x20, s31, s8, $0xb8;
	[tilespmem:$0xB800] =	vst v63  }
0x312: {  	s31 =	simm.s32 $0x2500  }
0x313: {  	[spmem:s2] =	stream.indirect.scatter.add.f32 [tilespmem:s10], [sflag:$0x2], $0x20, s31, s8, $0xb8;
	[tilespmem:$0xB800] =	vst v63  }
0x314: {  	_ =	swait.ge [sflag:s5], $0x2000  }
0x315: {  	[sflag:s5] =	ssyncset.done $0x0  }
0x316: {  	[sflag:s5] =	ssyncadd.s32 $0xFFFFE000  }
0x317: {  	_ =	swait.ge [sflag:s7], $0x2000  }
0x318: {  	[sflag:s7] =	ssyncset.done $0x0  }
0x319: {  	s11 =	simm.s32 $0x1300;
	[sflag:s7] =	ssyncadd.s32 $0xFFFFE000  }
0x31a: {  	[tilespmem:s10], [sflag:$0x1] =	stream.indirect.gather [hbm4b:s3+s8], $0x20, s11, s8, $0xb8;
	[tilespmem:$0xB800] =	vst v63  }
0x31b: {  	s31 =	simm.s32 $0x2600  }
0x31c: {  	[spmem:s2] =	stream.indirect.scatter.add.f32 [tilespmem:s9], [sflag:$0x2], $0x20, s31, s8, $0xb8;
	[tilespmem:$0xB800] =	vst v63  }
0x31d: {  	_ =	swait.ge [sflag:s5], $0x2000  }
0x31e: {  	[sflag:s5] =	ssyncset.done $0x0  }
0x31f: {  	[sflag:s5] =	ssyncadd.s32 $0xFFFFE000  }
0x320: {  	_ =	swait.ge [sflag:s7], $0x2000  }
0x321: {  	[sflag:s7] =	ssyncset.done $0x0  }
0x322: {  	[sflag:s7] =	ssyncadd.s32 $0xFFFFE000  }
0x323: {  	[tilespmem:s9], [sflag:$0x1] =	stream.indirect.gather [hbm4b:s3+s8], $0x20, s11, s8, $0xb8;
	[tilespmem:$0xB800] =	vst v63  }
0x324: {  	s31 =	simm.s32 $0x2700  }
0x325: {  	[spmem:s2] =	stream.indirect.scatter.add.f32 [tilespmem:s10], [sflag:$0x2], $0x20, s31, s8, $0xb8;
	[tilespmem:$0xB800] =	vst v63  }
0x326: {  	_ =	swait.ge [sflag:s5], $0x2000  }
0x327: {  	[sflag:s5] =	ssyncset.done $0x0  }
0x328: {  	[sflag:s5] =	ssyncadd.s32 $0xFFFFE000  }
0x329: {  	_ =	swait.ge [sflag:s7], $0x2000  }
0x32a: {  	[sflag:s7] =	ssyncset.done $0x0  }
0x32b: {  	p1 =	sne.s32 s30, $0x1;
	[sflag:s7] =	ssyncadd.s32 $0xFFFFE000  }
.Ltmp2:
0x32c: {  	[bflag:$0x0] =	sbarrier.arrive $0xFFFF;
	(pc) =	sbr.rel @p1 .LBB2_3-.Ltmp2, $4  }
0x32d: {  	s31 =	rddreg [dreg:$0x8]  }
0x32e: {  	[hbm:s31], [sflag:s4] =	dma.local [spmem:s6], $0xA00  }
0x32f: {  	_ =	swait.ge [sflag:s5], $0xA00  }
0x330: {  	s30 =	sadd.s32 $0xFFFFFFFF, s30;
	s0 =	rddreg [dreg:$0x3];
	[sflag:s5] =	ssyncset.done $0x0  }
0x331: {  	s29 =	simm.s32 $0x1400;
	s13 =	simm.s32 $0x0  }
.LBB2_5:
0x332: {  	[sflag:s5] =	ssyncadd.s32 @p0 $0xFFFFF600  }
0x333: {  	[spmem:s6], [sflag:s4] =	dma.local [hbm:s0], $0xA00  }
0x334: {  	_ =	swait.ge [sflag:s5], $0xA00  }
0x335: {  	[sflag:s5] =	ssyncset.done $0x0  }
0x336: {  	[sflag:s5] =	ssyncadd.s32 $0xFFFFF600  }
0x337: {  	[bflag:$0x0] =	sbarrier.arrive $0xFFFF  }
0x338: {  	s1 =	rddreg [dreg:$0x4]  }
0x339: {  	[tilespmem:s13], [sflag:$0x2] =	stream.linear.gather [hbm4b:s1+s13], $0x1400, $0x38;
	[tilespmem:$0xB800] =	vst v63  }
0x33a: {  	_ =	swait.ge [sflag:s5], $0x1400  }
0x33b: {  	[sflag:s5] =	ssyncset.done $0x0  }
0x33c: {  	s12 =	rddreg [dreg:$0x5];
	[sflag:s5] =	ssyncadd.s32 $0xFFFFEC00  }
0x33d: {  	[tilespmem:s29], [sflag:$0x2] =	stream.linear.gather [hbm4b:s12+s13], $0x1400, $0x38;
	[tilespmem:$0xB800] =	vst v63  }
0x33e: {  	_ =	swait.ge [sflag:s5], $0x1400  }
0x33f: {  	[sflag:s5] =	ssyncset.done $0x0  }
0x340: {  	[sflag:s5] =	ssyncadd.s32 $0xFFFFEC00  }
0x341: {  	[tilespmem:s9], [sflag:$0x1] =	stream.indirect.gather [hbm4b:s3+s8], $0x20, s13, s8, $0xb8;
	[tilespmem:$0xB800] =	vst v63  }
0x342: {  	_ =	swait.ge [sflag:s7], $0x2000  }
0x343: {  	[sflag:s7] =	ssyncset.done $0x0  }
0x344: {  	[sflag:s7] =	ssyncadd.s32 $0xFFFFE000  }
0x345: {  	[tilespmem:s10], [sflag:$0x1] =	stream.indirect.gather [hbm4b:s3+s8], $0x20, s8, s8, $0xb8;
	[tilespmem:$0xB800] =	vst v63  }
0x346: {  	_ = 	snop  }
0x347: {  	[spmem:s2] =	stream.indirect.scatter.add.f32 [tilespmem:s9], [sflag:$0x2], $0x20, s29, s8, $0xb8;
	[tilespmem:$0xB800] =	vst v63  }
0x348: {  	_ =	swait.ge [sflag:s5], $0x2000  }
0x349: {  	[sflag:s5] =	ssyncset.done $0x0  }
0x34a: {  	[sflag:s5] =	ssyncadd.s32 $0xFFFFE000  }
0x34b: {  	_ =	swait.ge [sflag:s7], $0x2000  }
0x34c: {  	[sflag:s7] =	ssyncset.done $0x0  }
0x34d: {  	s1 =	simm.s32 $0x200;
	[sflag:s7] =	ssyncadd.s32 $0xFFFFE000  }
0x34e: {  	[tilespmem:s9], [sflag:$0x1] =	stream.indirect.gather [hbm4b:s3+s8], $0x20, s1, s8, $0xb8;
	[tilespmem:$0xB800] =	vst v63  }
0x34f: {  	s12 =	simm.s32 $0x1500  }
0x350: {  	[spmem:s2] =	stream.indirect.scatter.add.f32 [tilespmem:s10], [sflag:$0x2], $0x20, s12, s8, $0xb8;
	[tilespmem:$0xB800] =	vst v63  }
0x351: {  	_ =	swait.ge [sflag:s5], $0x2000  }
0x352: {  	[sflag:s5] =	ssyncset.done $0x0  }
0x353: {  	[sflag:s5] =	ssyncadd.s32 $0xFFFFE000  }
0x354: {  	_ =	swait.ge [sflag:s7], $0x2000  }
0x355: {  	[sflag:s7] =	ssyncset.done $0x0  }
0x356: {  	s14 =	simm.s32 $0x300;
	[sflag:s7] =	ssyncadd.s32 $0xFFFFE000  }
0x357: {  	[tilespmem:s10], [sflag:$0x1] =	stream.indirect.gather [hbm4b:s3+s8], $0x20, s14, s8, $0xb8;
	[tilespmem:$0xB800] =	vst v63  }
0x358: {  	s15 =	simm.s32 $0x1600  }
0x359: {  	[spmem:s2] =	stream.indirect.scatter.add.f32 [tilespmem:s9], [sflag:$0x2], $0x20, s15, s8, $0xb8;
	[tilespmem:$0xB800] =	vst v63  }
0x35a: {  	_ =	swait.ge [sflag:s5], $0x2000  }
0x35b: {  	[sflag:s5] =	ssyncset.done $0x0  }
0x35c: {  	[sflag:s5] =	ssyncadd.s32 $0xFFFFE000  }
0x35d: {  	_ =	swait.ge [sflag:s7], $0x2000  }
0x35e: {  	[sflag:s7] =	ssyncset.done $0x0  }
0x35f: {  	s16 =	simm.s32 $0x400;
	[sflag:s7] =	ssyncadd.s32 $0xFFFFE000  }
0x360: {  	[tilespmem:s9], [sflag:$0x1] =	stream.indirect.gather [hbm4b:s3+s8], $0x20, s16, s8, $0xb8;
	[tilespmem:$0xB800] =	vst v63  }
0x361: {  	s17 =	simm.s32 $0x1700  }
0x362: {  	[spmem:s2] =	stream.indirect.scatter.add.f32 [tilespmem:s10], [sflag:$0x2], $0x20, s17, s8, $0xb8;
	[tilespmem:$0xB800] =	vst v63  }
0x363: {  	_ =	swait.ge [sflag:s5], $0x2000  }
0x364: {  	[sflag:s5] =	ssyncset.done $0x0  }
0x365: {  	[sflag:s5] =	ssyncadd.s32 $0xFFFFE000  }
0x366: {  	_ =	swait.ge [sflag:s7], $0x2000  }
0x367: {  	[sflag:s7] =	ssyncset.done $0x0  }
0x368: {  	s18 =	simm.s32 $0x500;
	[sflag:s7] =	ssyncadd.s32 $0xFFFFE000  }
0x369: {  	[tilespmem:s10], [sflag:$0x1] =	stream.indirect.gather [hbm4b:s3+s8], $0x20, s18, s8, $0xb8;
	[tilespmem:$0xB800] =	vst v63  }
0x36a: {  	s19 =	simm.s32 $0x1800  }
0x36b: {  	[spmem:s2] =	stream.indirect.scatter.add.f32 [tilespmem:s9], [sflag:$0x2], $0x20, s19, s8, $0xb8;
	[tilespmem:$0xB800] =	vst v63  }
0x36c: {  	_ =	swait.ge [sflag:s5], $0x2000  }
0x36d: {  	[sflag:s5] =	ssyncset.done $0x0  }
0x36e: {  	[sflag:s5] =	ssyncadd.s32 $0xFFFFE000  }
0x36f: {  	_ =	swait.ge [sflag:s7], $0x2000  }
0x370: {  	[sflag:s7] =	ssyncset.done $0x0  }
0x371: {  	s20 =	simm.s32 $0x600;
	[sflag:s7] =	ssyncadd.s32 $0xFFFFE000  }
0x372: {  	[tilespmem:s9], [sflag:$0x1] =	stream.indirect.gather [hbm4b:s3+s8], $0x20, s20, s8, $0xb8;
	[tilespmem:$0xB800] =	vst v63  }
0x373: {  	s21 =	simm.s32 $0x1900  }
0x374: {  	[spmem:s2] =	stream.indirect.scatter.add.f32 [tilespmem:s10], [sflag:$0x2], $0x20, s21, s8, $0xb8;
	[tilespmem:$0xB800] =	vst v63  }
0x375: {  	_ =	swait.ge [sflag:s5], $0x2000  }
0x376: {  	[sflag:s5] =	ssyncset.done $0x0  }
0x377: {  	[sflag:s5] =	ssyncadd.s32 $0xFFFFE000  }
0x378: {  	_ =	swait.ge [sflag:s7], $0x2000  }
0x379: {  	[sflag:s7] =	ssyncset.done $0x0  }
0x37a: {  	s22 =	simm.s32 $0x700;
	[sflag:s7] =	ssyncadd.s32 $0xFFFFE000  }
0x37b: {  	[tilespmem:s10], [sflag:$0x1] =	stream.indirect.gather [hbm4b:s3+s8], $0x20, s22, s8, $0xb8;
	[tilespmem:$0xB800] =	vst v63  }
0x37c: {  	s23 =	simm.s32 $0x1A00  }
0x37d: {  	[spmem:s2] =	stream.indirect.scatter.add.f32 [tilespmem:s9], [sflag:$0x2], $0x20, s23, s8, $0xb8;
	[tilespmem:$0xB800] =	vst v63  }
0x37e: {  	_ =	swait.ge [sflag:s5], $0x2000  }
0x37f: {  	[sflag:s5] =	ssyncset.done $0x0  }
0x380: {  	[sflag:s5] =	ssyncadd.s32 $0xFFFFE000  }
0x381: {  	_ =	swait.ge [sflag:s7], $0x2000  }
0x382: {  	[sflag:s7] =	ssyncset.done $0x0  }
0x383: {  	s24 =	simm.s32 $0x800;
	[sflag:s7] =	ssyncadd.s32 $0xFFFFE000  }
0x384: {  	[tilespmem:s9], [sflag:$0x1] =	stream.indirect.gather [hbm4b:s3+s8], $0x20, s24, s8, $0xb8;
	[tilespmem:$0xB800] =	vst v63  }
0x385: {  	s25 =	simm.s32 $0x1B00  }
0x386: {  	[spmem:s2] =	stream.indirect.scatter.add.f32 [tilespmem:s10], [sflag:$0x2], $0x20, s25, s8, $0xb8;
	[tilespmem:$0xB800] =	vst v63  }
0x387: {  	_ =	swait.ge [sflag:s5], $0x2000  }
0x388: {  	[sflag:s5] =	ssyncset.done $0x0  }
0x389: {  	[sflag:s5] =	ssyncadd.s32 $0xFFFFE000  }
0x38a: {  	_ =	swait.ge [sflag:s7], $0x2000  }
0x38b: {  	[sflag:s7] =	ssyncset.done $0x0  }
0x38c: {  	s26 =	simm.s32 $0x900;
	[sflag:s7] =	ssyncadd.s32 $0xFFFFE000  }
0x38d: {  	[tilespmem:s10], [sflag:$0x1] =	stream.indirect.gather [hbm4b:s3+s8], $0x20, s26, s8, $0xb8;
	[tilespmem:$0xB800] =	vst v63  }
0x38e: {  	s28 =	simm.s32 $0x1C00  }
0x38f: {  	[spmem:s2] =	stream.indirect.scatter.add.f32 [tilespmem:s9], [sflag:$0x2], $0x20, s28, s8, $0xb8;
	[tilespmem:$0xB800] =	vst v63  }
0x390: {  	_ =	swait.ge [sflag:s5], $0x2000  }
0x391: {  	[sflag:s5] =	ssyncset.done $0x0  }
0x392: {  	[sflag:s5] =	ssyncadd.s32 $0xFFFFE000  }
0x393: {  	_ =	swait.ge [sflag:s7], $0x2000  }
0x394: {  	[sflag:s7] =	ssyncset.done $0x0  }
0x395: {  	s30 =	simm.s32 $0xA00;
	[sflag:s7] =	ssyncadd.s32 $0xFFFFE000  }
0x396: {  	[tilespmem:s9], [sflag:$0x1] =	stream.indirect.gather [hbm4b:s3+s8], $0x20, s30, s8, $0xb8;
	[tilespmem:$0xB800] =	vst v63  }
0x397: {  	s31 =	simm.s32 $0x1D00  }
0x398: {  	[spmem:s2] =	stream.indirect.scatter.add.f32 [tilespmem:s10], [sflag:$0x2], $0x20, s31, s8, $0xb8;
	[tilespmem:$0xB800] =	vst v63  }
0x399: {  	_ =	swait.ge [sflag:s5], $0x2000  }
0x39a: {  	[sflag:s5] =	ssyncset.done $0x0  }
0x39b: {  	[sflag:s5] =	ssyncadd.s32 $0xFFFFE000  }
0x39c: {  	_ =	swait.ge [sflag:s7], $0x2000  }
0x39d: {  	[sflag:s7] =	ssyncset.done $0x0  }
0x39e: {  	s28 =	simm.s32 $0xB00;
	[sflag:s7] =	ssyncadd.s32 $0xFFFFE000  }
0x39f: {  	[tilespmem:s10], [sflag:$0x1] =	stream.indirect.gather [hbm4b:s3+s8], $0x20, s28, s8, $0xb8;
	[tilespmem:$0xB800] =	vst v63  }
0x3a0: {  	s31 =	simm.s32 $0x1E00  }
0x3a1: {  	[spmem:s2] =	stream.indirect.scatter.add.f32 [tilespmem:s9], [sflag:$0x2], $0x20, s31, s8, $0xb8;
	[tilespmem:$0xB800] =	vst v63  }
0x3a2: {  	_ =	swait.ge [sflag:s5], $0x2000  }
0x3a3: {  	[sflag:s5] =	ssyncset.done $0x0  }
0x3a4: {  	[sflag:s5] =	ssyncadd.s32 $0xFFFFE000  }
0x3a5: {  	_ =	swait.ge [sflag:s7], $0x2000  }
0x3a6: {  	[sflag:s7] =	ssyncset.done $0x0  }
0x3a7: {  	s25 =	simm.s32 $0xC00;
	[sflag:s7] =	ssyncadd.s32 $0xFFFFE000  }
0x3a8: {  	[tilespmem:s9], [sflag:$0x1] =	stream.indirect.gather [hbm4b:s3+s8], $0x20, s25, s8, $0xb8;
	[tilespmem:$0xB800] =	vst v63  }
0x3a9: {  	s26 =	simm.s32 $0x1F00  }
0x3aa: {  	[spmem:s2] =	stream.indirect.scatter.add.f32 [tilespmem:s10], [sflag:$0x2], $0x20, s26, s8, $0xb8;
	[tilespmem:$0xB800] =	vst v63  }
0x3ab: {  	_ =	swait.ge [sflag:s5], $0x2000  }
0x3ac: {  	[sflag:s5] =	ssyncset.done $0x0  }
0x3ad: {  	[sflag:s5] =	ssyncadd.s32 $0xFFFFE000  }
0x3ae: {  	_ =	swait.ge [sflag:s7], $0x2000  }
0x3af: {  	[sflag:s7] =	ssyncset.done $0x0  }
0x3b0: {  	s23 =	simm.s32 $0xD00;
	[sflag:s7] =	ssyncadd.s32 $0xFFFFE000  }
0x3b1: {  	[tilespmem:s10], [sflag:$0x1] =	stream.indirect.gather [hbm4b:s3+s8], $0x20, s23, s8, $0xb8;
	[tilespmem:$0xB800] =	vst v63  }
0x3b2: {  	s24 =	simm.s32 $0x2000  }
0x3b3: {  	[spmem:s2] =	stream.indirect.scatter.add.f32 [tilespmem:s9], [sflag:$0x2], $0x20, s24, s8, $0xb8;
	[tilespmem:$0xB800] =	vst v63  }
0x3b4: {  	_ =	swait.ge [sflag:s5], $0x2000  }
0x3b5: {  	[sflag:s5] =	ssyncset.done $0x0  }
0x3b6: {  	[sflag:s5] =	ssyncadd.s32 $0xFFFFE000  }
0x3b7: {  	_ =	swait.ge [sflag:s7], $0x2000  }
0x3b8: {  	[sflag:s7] =	ssyncset.done $0x0  }
0x3b9: {  	s21 =	simm.s32 $0xE00;
	[sflag:s7] =	ssyncadd.s32 $0xFFFFE000  }
0x3ba: {  	[tilespmem:s9], [sflag:$0x1] =	stream.indirect.gather [hbm4b:s3+s8], $0x20, s21, s8, $0xb8;
	[tilespmem:$0xB800] =	vst v63  }
0x3bb: {  	s22 =	simm.s32 $0x2100  }
0x3bc: {  	[spmem:s2] =	stream.indirect.scatter.add.f32 [tilespmem:s10], [sflag:$0x2], $0x20, s22, s8, $0xb8;
	[tilespmem:$0xB800] =	vst v63  }
0x3bd: {  	_ =	swait.ge [sflag:s5], $0x2000  }
0x3be: {  	[sflag:s5] =	ssyncset.done $0x0  }
0x3bf: {  	[sflag:s5] =	ssyncadd.s32 $0xFFFFE000  }
0x3c0: {  	_ =	swait.ge [sflag:s7], $0x2000  }
0x3c1: {  	[sflag:s7] =	ssyncset.done $0x0  }
0x3c2: {  	s19 =	simm.s32 $0xF00;
	[sflag:s7] =	ssyncadd.s32 $0xFFFFE000  }
0x3c3: {  	[tilespmem:s10], [sflag:$0x1] =	stream.indirect.gather [hbm4b:s3+s8], $0x20, s19, s8, $0xb8;
	[tilespmem:$0xB800] =	vst v63  }
0x3c4: {  	s20 =	simm.s32 $0x2200  }
0x3c5: {  	[spmem:s2] =	stream.indirect.scatter.add.f32 [tilespmem:s9], [sflag:$0x2], $0x20, s20, s8, $0xb8;
	[tilespmem:$0xB800] =	vst v63  }
0x3c6: {  	_ =	swait.ge [sflag:s5], $0x2000  }
0x3c7: {  	[sflag:s5] =	ssyncset.done $0x0  }
0x3c8: {  	[sflag:s5] =	ssyncadd.s32 $0xFFFFE000  }
0x3c9: {  	_ =	swait.ge [sflag:s7], $0x2000  }
0x3ca: {  	[sflag:s7] =	ssyncset.done $0x0  }
0x3cb: {  	s17 =	simm.s32 $0x1000;
	[sflag:s7] =	ssyncadd.s32 $0xFFFFE000  }
0x3cc: {  	[tilespmem:s9], [sflag:$0x1] =	stream.indirect.gather [hbm4b:s3+s8], $0x20, s17, s8, $0xb8;
	[tilespmem:$0xB800] =	vst v63  }
0x3cd: {  	s18 =	simm.s32 $0x2300  }
0x3ce: {  	[spmem:s2] =	stream.indirect.scatter.add.f32 [tilespmem:s10], [sflag:$0x2], $0x20, s18, s8, $0xb8;
	[tilespmem:$0xB800] =	vst v63  }
0x3cf: {  	_ =	swait.ge [sflag:s5], $0x2000  }
0x3d0: {  	[sflag:s5] =	ssyncset.done $0x0  }
0x3d1: {  	[sflag:s5] =	ssyncadd.s32 $0xFFFFE000  }
0x3d2: {  	_ =	swait.ge [sflag:s7], $0x2000  }
0x3d3: {  	[sflag:s7] =	ssyncset.done $0x0  }
0x3d4: {  	s15 =	simm.s32 $0x1100;
	[sflag:s7] =	ssyncadd.s32 $0xFFFFE000  }
0x3d5: {  	[tilespmem:s10], [sflag:$0x1] =	stream.indirect.gather [hbm4b:s3+s8], $0x20, s15, s8, $0xb8;
	[tilespmem:$0xB800] =	vst v63  }
0x3d6: {  	s16 =	simm.s32 $0x2400  }
0x3d7: {  	[spmem:s2] =	stream.indirect.scatter.add.f32 [tilespmem:s9], [sflag:$0x2], $0x20, s16, s8, $0xb8;
	[tilespmem:$0xB800] =	vst v63  }
0x3d8: {  	_ =	swait.ge [sflag:s5], $0x2000  }
0x3d9: {  	[sflag:s5] =	ssyncset.done $0x0  }
0x3da: {  	[sflag:s5] =	ssyncadd.s32 $0xFFFFE000  }
0x3db: {  	_ =	swait.ge [sflag:s7], $0x2000  }
0x3dc: {  	[sflag:s7] =	ssyncset.done $0x0  }
0x3dd: {  	s14 =	simm.s32 $0x1200;
	[sflag:s7] =	ssyncadd.s32 $0xFFFFE000  }
0x3de: {  	[tilespmem:s9], [sflag:$0x1] =	stream.indirect.gather [hbm4b:s3+s8], $0x20, s14, s8, $0xb8;
	[tilespmem:$0xB800] =	vst v63  }
0x3df: {  	s14 =	simm.s32 $0x2500  }
0x3e0: {  	[spmem:s2] =	stream.indirect.scatter.add.f32 [tilespmem:s10], [sflag:$0x2], $0x20, s14, s8, $0xb8;
	[tilespmem:$0xB800] =	vst v63  }
0x3e1: {  	_ =	swait.ge [sflag:s5], $0x2000  }
0x3e2: {  	[sflag:s5] =	ssyncset.done $0x0  }
0x3e3: {  	[sflag:s5] =	ssyncadd.s32 $0xFFFFE000  }
0x3e4: {  	_ =	swait.ge [sflag:s7], $0x2000  }
0x3e5: {  	[sflag:s7] =	ssyncset.done $0x0  }
0x3e6: {  	[sflag:s7] =	ssyncadd.s32 $0xFFFFE000  }
0x3e7: {  	[tilespmem:s10], [sflag:$0x1] =	stream.indirect.gather [hbm4b:s3+s8], $0x20, s11, s8, $0xb8;
	[tilespmem:$0xB800] =	vst v63  }
0x3e8: {  	s30 =	simm.s32 $0x2600  }
0x3e9: {  	[spmem:s2] =	stream.indirect.scatter.add.f32 [tilespmem:s9], [sflag:$0x2], $0x20, s30, s8, $0xb8;
	[tilespmem:$0xB800] =	vst v63  }
0x3ea: {  	_ =	swait.ge [sflag:s5], $0x2000  }
0x3eb: {  	[sflag:s5] =	ssyncset.done $0x0  }
0x3ec: {  	[sflag:s5] =	ssyncadd.s32 $0xFFFFE000  }
0x3ed: {  	_ =	swait.ge [sflag:s7], $0x2000  }
0x3ee: {  	[sflag:s7] =	ssyncset.done $0x0  }
0x3ef: {  	[sflag:s7] =	ssyncadd.s32 $0xFFFFE000  }
0x3f0: {  	[tilespmem:s9], [sflag:$0x1] =	stream.indirect.gather [hbm4b:s3+s8], $0x20, s11, s8, $0xb8;
	[tilespmem:$0xB800] =	vst v63  }
0x3f1: {  	s30 =	simm.s32 $0x2700  }
0x3f2: {  	[spmem:s2] =	stream.indirect.scatter.add.f32 [tilespmem:s10], [sflag:$0x2], $0x20, s30, s8, $0xb8;
	[tilespmem:$0xB800] =	vst v63  }
0x3f3: {  	_ =	swait.ge [sflag:s5], $0x2000  }
0x3f4: {  	[sflag:s5] =	ssyncset.done $0x0  }
0x3f5: {  	[sflag:s5] =	ssyncadd.s32 $0xFFFFE000  }
0x3f6: {  	_ =	swait.ge [sflag:s7], $0x2000  }
0x3f7: {  	[sflag:s7] =	ssyncset.done $0x0  }
0x3f8: {  	s0 =	rddreg [dreg:$0x6];
	[sflag:s7] =	ssyncadd.s32 $0xFFFFE000  }
0x3f9: {  	[tilespmem:s13], [sflag:$0x2] =	stream.linear.gather [hbm4b:s0+s13], $0x1400, $0x38;
	[tilespmem:$0xB800] =	vst v63  }
0x3fa: {  	_ =	swait.ge [sflag:s5], $0x1400  }
0x3fb: {  	[sflag:s5] =	ssyncset.done $0x0  }
0x3fc: {  	s0 =	rddreg [dreg:$0x7];
	[sflag:s5] =	ssyncadd.s32 $0xFFFFEC00  }
0x3fd: {  	[tilespmem:s29], [sflag:$0x2] =	stream.linear.gather [hbm4b:s0+s13], $0x1400, $0x38;
	[tilespmem:$0xB800] =	vst v63  }
0x3fe: {  	_ =	swait.ge [sflag:s5], $0x1400  }
0x3ff: {  	[sflag:s5] =	ssyncset.done $0x0  }
0x400: {  	[sflag:s5] =	ssyncadd.s32 $0xFFFFEC00  }
0x401: {  	[tilespmem:s9], [sflag:$0x1] =	stream.indirect.gather [hbm4b:s3+s8], $0x20, s13, s8, $0xb8;
	[tilespmem:$0xB800] =	vst v63  }
0x402: {  	_ =	swait.ge [sflag:s7], $0x2000  }
0x403: {  	[sflag:s7] =	ssyncset.done $0x0  }
0x404: {  	[sflag:s7] =	ssyncadd.s32 $0xFFFFE000  }
0x405: {  	[tilespmem:s10], [sflag:$0x1] =	stream.indirect.gather [hbm4b:s3+s8], $0x20, s8, s8, $0xb8;
	[tilespmem:$0xB800] =	vst v63  }
0x406: {  	_ = 	snop  }
0x407: {  	[spmem:s2] =	stream.indirect.scatter.add.f32 [tilespmem:s9], [sflag:$0x2], $0x20, s29, s8, $0xb8;
	[tilespmem:$0xB800] =	vst v63  }
0x408: {  	_ =	swait.ge [sflag:s5], $0x2000  }
0x409: {  	[sflag:s5] =	ssyncset.done $0x0  }
0x40a: {  	[sflag:s5] =	ssyncadd.s32 $0xFFFFE000  }
0x40b: {  	_ =	swait.ge [sflag:s7], $0x2000  }
0x40c: {  	[sflag:s7] =	ssyncset.done $0x0  }
0x40d: {  	[sflag:s7] =	ssyncadd.s32 $0xFFFFE000  }
0x40e: {  	[tilespmem:s9], [sflag:$0x1] =	stream.indirect.gather [hbm4b:s3+s8], $0x20, s1, s8, $0xb8;
	[tilespmem:$0xB800] =	vst v63  }
0x40f: {  	_ = 	snop  }
0x410: {  	[spmem:s2] =	stream.indirect.scatter.add.f32 [tilespmem:s10], [sflag:$0x2], $0x20, s12, s8, $0xb8;
	[tilespmem:$0xB800] =	vst v63  }
0x411: {  	_ =	swait.ge [sflag:s5], $0x2000  }
0x412: {  	[sflag:s5] =	ssyncset.done $0x0  }
0x413: {  	[sflag:s5] =	ssyncadd.s32 $0xFFFFE000  }
0x414: {  	_ =	swait.ge [sflag:s7], $0x2000  }
0x415: {  	[sflag:s7] =	ssyncset.done $0x0  }
0x416: {  	s29 =	simm.s32 $0x300;
	[sflag:s7] =	ssyncadd.s32 $0xFFFFE000  }
0x417: {  	[tilespmem:s10], [sflag:$0x1] =	stream.indirect.gather [hbm4b:s3+s8], $0x20, s29, s8, $0xb8;
	[tilespmem:$0xB800] =	vst v63  }
0x418: {  	s1 =	simm.s32 $0x1600  }
0x419: {  	[spmem:s2] =	stream.indirect.scatter.add.f32 [tilespmem:s9], [sflag:$0x2], $0x20, s1, s8, $0xb8;
	[tilespmem:$0xB800] =	vst v63  }
0x41a: {  	_ =	swait.ge [sflag:s5], $0x2000  }
0x41b: {  	[sflag:s5] =	ssyncset.done $0x0  }
0x41c: {  	[sflag:s5] =	ssyncadd.s32 $0xFFFFE000  }
0x41d: {  	_ =	swait.ge [sflag:s7], $0x2000  }
0x41e: {  	[sflag:s7] =	ssyncset.done $0x0  }
0x41f: {  	s12 =	simm.s32 $0x400;
	[sflag:s7] =	ssyncadd.s32 $0xFFFFE000  }
0x420: {  	[tilespmem:s9], [sflag:$0x1] =	stream.indirect.gather [hbm4b:s3+s8], $0x20, s12, s8, $0xb8;
	[tilespmem:$0xB800] =	vst v63  }
0x421: {  	s13 =	simm.s32 $0x1700  }
0x422: {  	[spmem:s2] =	stream.indirect.scatter.add.f32 [tilespmem:s10], [sflag:$0x2], $0x20, s13, s8, $0xb8;
	[tilespmem:$0xB800] =	vst v63  }
0x423: {  	_ =	swait.ge [sflag:s5], $0x2000  }
0x424: {  	[sflag:s5] =	ssyncset.done $0x0  }
0x425: {  	[sflag:s5] =	ssyncadd.s32 $0xFFFFE000  }
0x426: {  	_ =	swait.ge [sflag:s7], $0x2000  }
0x427: {  	[sflag:s7] =	ssyncset.done $0x0  }
0x428: {  	s29 =	simm.s32 $0x500;
	[sflag:s7] =	ssyncadd.s32 $0xFFFFE000  }
0x429: {  	[tilespmem:s10], [sflag:$0x1] =	stream.indirect.gather [hbm4b:s3+s8], $0x20, s29, s8, $0xb8;
	[tilespmem:$0xB800] =	vst v63  }
0x42a: {  	s1 =	simm.s32 $0x1800  }
0x42b: {  	[spmem:s2] =	stream.indirect.scatter.add.f32 [tilespmem:s9], [sflag:$0x2], $0x20, s1, s8, $0xb8;
	[tilespmem:$0xB800] =	vst v63  }
0x42c: {  	_ =	swait.ge [sflag:s5], $0x2000  }
0x42d: {  	[sflag:s5] =	ssyncset.done $0x0  }
0x42e: {  	[sflag:s5] =	ssyncadd.s32 $0xFFFFE000  }
0x42f: {  	_ =	swait.ge [sflag:s7], $0x2000  }
0x430: {  	[sflag:s7] =	ssyncset.done $0x0  }
0x431: {  	s12 =	simm.s32 $0x600;
	[sflag:s7] =	ssyncadd.s32 $0xFFFFE000  }
0x432: {  	[tilespmem:s9], [sflag:$0x1] =	stream.indirect.gather [hbm4b:s3+s8], $0x20, s12, s8, $0xb8;
	[tilespmem:$0xB800] =	vst v63  }
0x433: {  	s13 =	simm.s32 $0x1900  }
0x434: {  	[spmem:s2] =	stream.indirect.scatter.add.f32 [tilespmem:s10], [sflag:$0x2], $0x20, s13, s8, $0xb8;
	[tilespmem:$0xB800] =	vst v63  }
0x435: {  	_ =	swait.ge [sflag:s5], $0x2000  }
0x436: {  	[sflag:s5] =	ssyncset.done $0x0  }
0x437: {  	[sflag:s5] =	ssyncadd.s32 $0xFFFFE000  }
0x438: {  	_ =	swait.ge [sflag:s7], $0x2000  }
0x439: {  	[sflag:s7] =	ssyncset.done $0x0  }
0x43a: {  	s29 =	simm.s32 $0x700;
	[sflag:s7] =	ssyncadd.s32 $0xFFFFE000  }
0x43b: {  	[tilespmem:s10], [sflag:$0x1] =	stream.indirect.gather [hbm4b:s3+s8], $0x20, s29, s8, $0xb8;
	[tilespmem:$0xB800] =	vst v63  }
0x43c: {  	s1 =	simm.s32 $0x1A00  }
0x43d: {  	[spmem:s2] =	stream.indirect.scatter.add.f32 [tilespmem:s9], [sflag:$0x2], $0x20, s1, s8, $0xb8;
	[tilespmem:$0xB800] =	vst v63  }
0x43e: {  	_ =	swait.ge [sflag:s5], $0x2000  }
0x43f: {  	[sflag:s5] =	ssyncset.done $0x0  }
0x440: {  	[sflag:s5] =	ssyncadd.s32 $0xFFFFE000  }
0x441: {  	_ =	swait.ge [sflag:s7], $0x2000  }
0x442: {  	[sflag:s7] =	ssyncset.done $0x0  }
0x443: {  	s12 =	simm.s32 $0x800;
	[sflag:s7] =	ssyncadd.s32 $0xFFFFE000  }
0x444: {  	[tilespmem:s9], [sflag:$0x1] =	stream.indirect.gather [hbm4b:s3+s8], $0x20, s12, s8, $0xb8;
	[tilespmem:$0xB800] =	vst v63  }
0x445: {  	s13 =	simm.s32 $0x1B00  }
0x446: {  	[spmem:s2] =	stream.indirect.scatter.add.f32 [tilespmem:s10], [sflag:$0x2], $0x20, s13, s8, $0xb8;
	[tilespmem:$0xB800] =	vst v63  }
0x447: {  	_ =	swait.ge [sflag:s5], $0x2000  }
0x448: {  	[sflag:s5] =	ssyncset.done $0x0  }
0x449: {  	[sflag:s5] =	ssyncadd.s32 $0xFFFFE000  }
0x44a: {  	_ =	swait.ge [sflag:s7], $0x2000  }
0x44b: {  	[sflag:s7] =	ssyncset.done $0x0  }
0x44c: {  	s29 =	simm.s32 $0x900;
	[sflag:s7] =	ssyncadd.s32 $0xFFFFE000  }
0x44d: {  	[tilespmem:s10], [sflag:$0x1] =	stream.indirect.gather [hbm4b:s3+s8], $0x20, s29, s8, $0xb8;
	[tilespmem:$0xB800] =	vst v63  }
0x44e: {  	s1 =	simm.s32 $0x1C00  }
0x44f: {  	[spmem:s2] =	stream.indirect.scatter.add.f32 [tilespmem:s9], [sflag:$0x2], $0x20, s1, s8, $0xb8;
	[tilespmem:$0xB800] =	vst v63  }
0x450: {  	_ =	swait.ge [sflag:s5], $0x2000  }
0x451: {  	[sflag:s5] =	ssyncset.done $0x0  }
0x452: {  	[sflag:s5] =	ssyncadd.s32 $0xFFFFE000  }
0x453: {  	_ =	swait.ge [sflag:s7], $0x2000  }
0x454: {  	[sflag:s7] =	ssyncset.done $0x0  }
0x455: {  	s12 =	simm.s32 $0xA00;
	[sflag:s7] =	ssyncadd.s32 $0xFFFFE000  }
0x456: {  	[tilespmem:s9], [sflag:$0x1] =	stream.indirect.gather [hbm4b:s3+s8], $0x20, s12, s8, $0xb8;
	[tilespmem:$0xB800] =	vst v63  }
0x457: {  	s13 =	simm.s32 $0x1D00  }
0x458: {  	[spmem:s2] =	stream.indirect.scatter.add.f32 [tilespmem:s10], [sflag:$0x2], $0x20, s13, s8, $0xb8;
	[tilespmem:$0xB800] =	vst v63  }
0x459: {  	_ =	swait.ge [sflag:s5], $0x2000  }
0x45a: {  	[sflag:s5] =	ssyncset.done $0x0  }
0x45b: {  	[sflag:s5] =	ssyncadd.s32 $0xFFFFE000  }
0x45c: {  	_ =	swait.ge [sflag:s7], $0x2000  }
0x45d: {  	[sflag:s7] =	ssyncset.done $0x0  }
0x45e: {  	[sflag:s7] =	ssyncadd.s32 $0xFFFFE000  }
0x45f: {  	[tilespmem:s10], [sflag:$0x1] =	stream.indirect.gather [hbm4b:s3+s8], $0x20, s28, s8, $0xb8;
	[tilespmem:$0xB800] =	vst v63  }
0x460: {  	_ = 	snop  }
0x461: {  	[spmem:s2] =	stream.indirect.scatter.add.f32 [tilespmem:s9], [sflag:$0x2], $0x20, s31, s8, $0xb8;
	[tilespmem:$0xB800] =	vst v63  }
0x462: {  	_ =	swait.ge [sflag:s5], $0x2000  }
0x463: {  	[sflag:s5] =	ssyncset.done $0x0  }
0x464: {  	[sflag:s5] =	ssyncadd.s32 $0xFFFFE000  }
0x465: {  	_ =	swait.ge [sflag:s7], $0x2000  }
0x466: {  	[sflag:s7] =	ssyncset.done $0x0  }
0x467: {  	[sflag:s7] =	ssyncadd.s32 $0xFFFFE000  }
0x468: {  	[tilespmem:s9], [sflag:$0x1] =	stream.indirect.gather [hbm4b:s3+s8], $0x20, s25, s8, $0xb8;
	[tilespmem:$0xB800] =	vst v63  }
0x469: {  	_ = 	snop  }
0x46a: {  	[spmem:s2] =	stream.indirect.scatter.add.f32 [tilespmem:s10], [sflag:$0x2], $0x20, s26, s8, $0xb8;
	[tilespmem:$0xB800] =	vst v63  }
0x46b: {  	_ =	swait.ge [sflag:s5], $0x2000  }
0x46c: {  	[sflag:s5] =	ssyncset.done $0x0  }
0x46d: {  	[sflag:s5] =	ssyncadd.s32 $0xFFFFE000  }
0x46e: {  	_ =	swait.ge [sflag:s7], $0x2000  }
0x46f: {  	[sflag:s7] =	ssyncset.done $0x0  }
0x470: {  	[sflag:s7] =	ssyncadd.s32 $0xFFFFE000  }
0x471: {  	[tilespmem:s10], [sflag:$0x1] =	stream.indirect.gather [hbm4b:s3+s8], $0x20, s23, s8, $0xb8;
	[tilespmem:$0xB800] =	vst v63  }
0x472: {  	_ = 	snop  }
0x473: {  	[spmem:s2] =	stream.indirect.scatter.add.f32 [tilespmem:s9], [sflag:$0x2], $0x20, s24, s8, $0xb8;
	[tilespmem:$0xB800] =	vst v63  }
0x474: {  	_ =	swait.ge [sflag:s5], $0x2000  }
0x475: {  	[sflag:s5] =	ssyncset.done $0x0  }
0x476: {  	[sflag:s5] =	ssyncadd.s32 $0xFFFFE000  }
0x477: {  	_ =	swait.ge [sflag:s7], $0x2000  }
0x478: {  	[sflag:s7] =	ssyncset.done $0x0  }
0x479: {  	[sflag:s7] =	ssyncadd.s32 $0xFFFFE000  }
0x47a: {  	[tilespmem:s9], [sflag:$0x1] =	stream.indirect.gather [hbm4b:s3+s8], $0x20, s21, s8, $0xb8;
	[tilespmem:$0xB800] =	vst v63  }
0x47b: {  	_ = 	snop  }
0x47c: {  	[spmem:s2] =	stream.indirect.scatter.add.f32 [tilespmem:s10], [sflag:$0x2], $0x20, s22, s8, $0xb8;
	[tilespmem:$0xB800] =	vst v63  }
0x47d: {  	_ =	swait.ge [sflag:s5], $0x2000  }
0x47e: {  	[sflag:s5] =	ssyncset.done $0x0  }
0x47f: {  	[sflag:s5] =	ssyncadd.s32 $0xFFFFE000  }
0x480: {  	_ =	swait.ge [sflag:s7], $0x2000  }
0x481: {  	[sflag:s7] =	ssyncset.done $0x0  }
0x482: {  	[sflag:s7] =	ssyncadd.s32 $0xFFFFE000  }
0x483: {  	[tilespmem:s10], [sflag:$0x1] =	stream.indirect.gather [hbm4b:s3+s8], $0x20, s19, s8, $0xb8;
	[tilespmem:$0xB800] =	vst v63  }
0x484: {  	_ = 	snop  }
0x485: {  	[spmem:s2] =	stream.indirect.scatter.add.f32 [tilespmem:s9], [sflag:$0x2], $0x20, s20, s8, $0xb8;
	[tilespmem:$0xB800] =	vst v63  }
0x486: {  	_ =	swait.ge [sflag:s5], $0x2000  }
0x487: {  	[sflag:s5] =	ssyncset.done $0x0  }
0x488: {  	[sflag:s5] =	ssyncadd.s32 $0xFFFFE000  }
0x489: {  	_ =	swait.ge [sflag:s7], $0x2000  }
0x48a: {  	[sflag:s7] =	ssyncset.done $0x0  }
0x48b: {  	[sflag:s7] =	ssyncadd.s32 $0xFFFFE000  }
0x48c: {  	[tilespmem:s9], [sflag:$0x1] =	stream.indirect.gather [hbm4b:s3+s8], $0x20, s17, s8, $0xb8;
	[tilespmem:$0xB800] =	vst v63  }
0x48d: {  	_ = 	snop  }
0x48e: {  	[spmem:s2] =	stream.indirect.scatter.add.f32 [tilespmem:s10], [sflag:$0x2], $0x20, s18, s8, $0xb8;
	[tilespmem:$0xB800] =	vst v63  }
0x48f: {  	_ =	swait.ge [sflag:s5], $0x2000  }
0x490: {  	[sflag:s5] =	ssyncset.done $0x0  }
0x491: {  	[sflag:s5] =	ssyncadd.s32 $0xFFFFE000  }
0x492: {  	_ =	swait.ge [sflag:s7], $0x2000  }
0x493: {  	[sflag:s7] =	ssyncset.done $0x0  }
0x494: {  	[sflag:s7] =	ssyncadd.s32 $0xFFFFE000  }
0x495: {  	[tilespmem:s10], [sflag:$0x1] =	stream.indirect.gather [hbm4b:s3+s8], $0x20, s15, s8, $0xb8;
	[tilespmem:$0xB800] =	vst v63  }
0x496: {  	_ = 	snop  }
0x497: {  	[spmem:s2] =	stream.indirect.scatter.add.f32 [tilespmem:s9], [sflag:$0x2], $0x20, s16, s8, $0xb8;
	[tilespmem:$0xB800] =	vst v63  }
0x498: {  	_ =	swait.ge [sflag:s5], $0x2000  }
0x499: {  	[sflag:s5] =	ssyncset.done $0x0  }
0x49a: {  	[sflag:s5] =	ssyncadd.s32 $0xFFFFE000  }
0x49b: {  	_ =	swait.ge [sflag:s7], $0x2000  }
0x49c: {  	[sflag:s7] =	ssyncset.done $0x0  }
0x49d: {  	s28 =	simm.s32 $0x1200;
	[sflag:s7] =	ssyncadd.s32 $0xFFFFE000  }
0x49e: {  	[tilespmem:s9], [sflag:$0x1] =	stream.indirect.gather [hbm4b:s3+s8], $0x20, s28, s8, $0xb8;
	[tilespmem:$0xB800] =	vst v63  }
0x49f: {  	_ = 	snop  }
0x4a0: {  	[spmem:s2] =	stream.indirect.scatter.add.f32 [tilespmem:s10], [sflag:$0x2], $0x20, s14, s8, $0xb8;
	[tilespmem:$0xB800] =	vst v63  }
0x4a1: {  	_ =	swait.ge [sflag:s5], $0x2000  }
0x4a2: {  	[sflag:s5] =	ssyncset.done $0x0  }
0x4a3: {  	[sflag:s5] =	ssyncadd.s32 $0xFFFFE000  }
0x4a4: {  	_ =	swait.ge [sflag:s7], $0x2000  }
0x4a5: {  	[sflag:s7] =	ssyncset.done $0x0  }
0x4a6: {  	[sflag:s7] =	ssyncadd.s32 $0xFFFFE000  }
0x4a7: {  	[tilespmem:s10], [sflag:$0x1] =	stream.indirect.gather [hbm4b:s3+s8], $0x20, s11, s8, $0xb8;
	[tilespmem:$0xB800] =	vst v63  }
0x4a8: {  	s29 =	simm.s32 $0x2600  }
0x4a9: {  	[spmem:s2] =	stream.indirect.scatter.add.f32 [tilespmem:s9], [sflag:$0x2], $0x20, s29, s8, $0xb8;
	[tilespmem:$0xB800] =	vst v63  }
0x4aa: {  	_ =	swait.ge [sflag:s5], $0x2000  }
0x4ab: {  	[sflag:s5] =	ssyncset.done $0x0  }
0x4ac: {  	[sflag:s5] =	ssyncadd.s32 $0xFFFFE000  }
0x4ad: {  	_ =	swait.ge [sflag:s7], $0x2000  }
0x4ae: {  	[sflag:s7] =	ssyncset.done $0x0  }
0x4af: {  	[sflag:s7] =	ssyncadd.s32 $0xFFFFE000  }
0x4b0: {  	[tilespmem:s9], [sflag:$0x1] =	stream.indirect.gather [hbm4b:s3+s8], $0x20, s11, s8, $0xb8;
	[tilespmem:$0xB800] =	vst v63  }
0x4b1: {  	_ = 	snop  }
0x4b2: {  	[spmem:s2] =	stream.indirect.scatter.add.f32 [tilespmem:s10], [sflag:$0x2], $0x20, s30, s8, $0xb8;
	[tilespmem:$0xB800] =	vst v63  }
0x4b3: {  	_ =	swait.ge [sflag:s5], $0x2000  }
0x4b4: {  	[sflag:s5] =	ssyncset.done $0x0  }
0x4b5: {  	[sflag:s5] =	ssyncadd.s32 $0xFFFFE000  }
0x4b6: {  	_ =	swait.ge [sflag:s7], $0x2000  }
0x4b7: {  	[sflag:s7] =	ssyncset.done $0x0  }
0x4b8: {  	[sflag:s7] =	ssyncadd.s32 $0xFFFFE000  }
0x4b9: {  	[bflag:$0x0] =	sbarrier.arrive $0xFFFF  }
0x4ba: {  	s30 =	rddreg [dreg:$0x8]  }
0x4bb: {  	[hbm:s30], [sflag:s4] =	dma.local [spmem:s6], $0xA00  }
0x4bc: {  	_ =	swait.ge [sflag:s5], $0xA00  }
0x4bd: {  	[sflag:s5] =	ssyncset.done $0x0  }
0x4be: {  	[sflag:s5] =	ssyncadd.s32 $0xFFFFF600  }
0x4bf: {  	_ =	sfence.sel $0x180000  }
0x4c0: {  	[bflag:$0x0] =	sbarrier.arrive $0xFFFF  }
0x4c1: {  	_ =	strace $0x90000050  }
0x4c2: {  	s31 =	stileid.u32;
	[bflag:$0x2] =	sbarrier.arrive $0xFFFF  }
0x4c3: {  	p0 =	sne.s32 s31, $0x0;
	s0 =	rddreg [dreg:$0x2]  }
0x4c4: {  	s0 =	sadd.s32 @!p0 $0x100000, s0  }
0x4c5: {  	[sflag:s0] =	ssyncadd.tile.s32 @!p0 $0x1;
	_ =	shalt  }
.LBB2_6:
.Ltmp3:
0x4c6: {  	(pc) =	sbr.rel .LBB2_5-.Ltmp3, $2  }
0x4c7: {  	_ =	sdelay $0x2  }
0x4c8: {  	s29 =	simm.s32 $0x1400;
	s13 =	simm.s32 $0x0  }
.Lfunc_end2:
_tile_overlayer_lowered:
.L_overlay_start_2:
0x4c9: {  	(tag) =	ssettag $0x2  }
0x4ca: {  	s0 =	rddreg [dreg:$0x0];
	s2 =	stileid.u32  }
0x4cb: {  	s1 =	rddreg [dreg:$0x1];
	p0 =	sne.s32 s2, $0x0  }
0x4cc: {  	s3 =	rddreg [dreg:$0x2];
	[bflag:$0x3] =	sbarrier.arrive $0xFFFF;
	s2 =	simm.s32 @!p0 $0x1C02  }
0x4cd: {  	[timem:s3], [sflag:s2] =	dma.local @!p0 [hbm:s0], s1  }
0x4ce: {  	s0 =	simm.s32 @!p0 $0x2  }
0x4cf: {  	_ =	swait.ge @!p0 [sflag:s0], s1  }
0x4d0: {  	s1 =	ssub.s32 @!p0 $0x0, s1;
	[sflag:s0] =	ssyncset.done @!p0 $0x0  }
0x4d1: {  	[sflag:s0] =	ssyncadd.s32 @!p0 s1  }
0x4d2: {  	[bflag:$0x3] =	sbarrier.arrive $0xFFFF  }
0x4d3: {  	_ =	shalt  }

</sc_bundles>
